<compile_context>
chip_gen: v7x
topology: tpu7x:2x2x1
jax: 0.10.2.dev20260603
libtpu: 0.0.44.dev20260713+nightly
codegen_flags: <defaults>
</compile_context>

<pallas_src>
import functools

import jax
import jax.numpy as jnp
from jax import lax
from jax.experimental import pallas as pl
from jax.experimental.pallas import tpu as pltpu
from jax.experimental.pallas import tpu_sc as plsc

VOCAB = 49408
MAX_LEN = 77
DIM = 768
BATCH = 1024
SEQ = 77
N = BATCH * SEQ
NW = 32
PER_W = N // NW
CHUNK = 16
NCH = PER_W // CHUNK
NBUF = 3
LANES = 16
UNROLL = 1
SEG = DIM // LANES
KTOT = (NCH + 1 + NBUF - 1) // NBUF


_mesh = plsc.VectorSubcoreMesh(core_axis_name="c", subcore_axis_name="s")


@functools.partial(
    pl.kernel,
    mesh=_mesh,
    out_type=jax.ShapeDtypeStruct((N, DIM), jnp.float32),
    compiler_params=pltpu.CompilerParams(needs_layout_passes=False),
    scratch_types=[
        pltpu.VMEM((PER_W,), jnp.int32),
        pltpu.VMEM((PER_W,), jnp.int32),
        pltpu.VMEM((MAX_LEN * DIM,), jnp.float32),
        pltpu.VMEM((NBUF, CHUNK, DIM), jnp.float32),
        pltpu.SemaphoreType.DMA,
        pltpu.SemaphoreType.DMA,
        pltpu.SemaphoreType.DMA,
        pltpu.SemaphoreType.DMA,
        pltpu.SemaphoreType.DMA,
        pltpu.SemaphoreType.DMA,
    ],
)
def _emb(tok_idx, pos_idx, tok_tab, pos_tab, out, idx_t, idx_p, pos_v,
         tok_buf, sg0, sg1, sg2, sw0, sw1, sw2):
    wid = lax.axis_index("s") * 2 + lax.axis_index("c")
    sem_g = (sg0, sg1, sg2)
    sem_w = (sw0, sw1, sw2)

    pltpu.sync_copy(tok_idx.at[pl.ds(wid * PER_W, PER_W)], idx_t)
    pltpu.sync_copy(pos_idx.at[pl.ds(wid * PER_W, PER_W)], idx_p)
    pltpu.sync_copy(pos_tab, pos_v)

    def start_gather(i, b):
        pltpu.async_copy(tok_tab.at[idx_t.at[pl.ds(i * CHUNK, CHUNK)]],
                         tok_buf.at[b], sem_g[b])

    def wait_gather(i, b):
        pltpu.make_async_copy(tok_tab.at[idx_t.at[pl.ds(i * CHUNK, CHUNK)]],
                              tok_buf.at[b], sem_g[b]).wait()

    def out_rows(i):
        return out.at[pl.ds((wid * NCH + i) * CHUNK, CHUNK)]

    def start_wb(i, b):
        pltpu.async_copy(tok_buf.at[b], out_rows(i), sem_w[b])

    def wait_wb(i, b):
        pltpu.make_async_copy(tok_buf.at[b], out_rows(i), sem_w[b]).wait()

    lane = lax.iota(jnp.int32, LANES)

    def compute(i, b):
        for g in range(CHUNK // LANES):
            p_vec = idx_p[pl.ds(i * CHUNK + g * LANES, LANES)]

            @plsc.parallel_loop(0, LANES, step=1, unroll=UNROLL)
            def _(r, _pv=p_vec, _g=g):
                pr = lax.gather(
                    _pv, jnp.full((LANES, 1), r, dtype=jnp.int32),
                    lax.GatherDimensionNumbers(offset_dims=(),
                                               collapsed_slice_dims=(0,),
                                               start_index_map=(0,)),
                    slice_sizes=(1,),
                    mode=lax.GatherScatterMode.PROMISE_IN_BOUNDS)
                base = pr * DIM + lane
                row = _g * LANES + r
                for s in range(SEG):
                    pv = plsc.load_gather(
                        pos_v.at[pl.ds(s * LANES, MAX_LEN * DIM - s * LANES)],
                        [base])
                    plsc.addupdate(
                        tok_buf.at[b].at[row, pl.ds(s * LANES, LANES)], pv)

    for _b in range(NBUF - 1):
        start_gather(_b, _b)

    def outer(k, carry):
        for j in range(NBUF):
            i = NBUF * k + j
            bg = (j + NBUF - 1) % NBUF

            @pl.when(jnp.logical_and(i >= 1, i - 1 < NCH))
            def _():
                wait_wb(i - 1, bg)

            @pl.when(i + NBUF - 1 < NCH)
            def _():
                start_gather(i + NBUF - 1, bg)

            @pl.when(i < NCH)
            def _():
                wait_gather(i, j)
                compute(i, j)
                start_wb(i, j)
        return carry

    lax.fori_loop(0, KTOT, outer, 0)


def kernel(tokens, positions, token_table, pos_table):
    tok = tokens.reshape(N).astype(jnp.int32)
    pos = positions.reshape(N).astype(jnp.int32)
    out = _emb(tok, pos, token_table, pos_table.reshape(MAX_LEN * DIM))
    return out.reshape(BATCH, SEQ, DIM)

# --- scband reference (transcript-rebuilt; emitter-appended) ---
"""Pipeline reference for scband-clipembedding-5420248728160 (READ-ONLY COPY).

The authoritative reference and input builder live on the scoring server;
editing this copy changes nothing except your own understanding.
"""

import jax, jax.numpy as jnp
import numpy as np

VOCAB = 49408
MAX_LEN = 77
DIM = 768
BATCH = 1024
SEQ = 77

def setup_inputs(seed: int = 0) -> dict:
    key = jax.random.key(seed)
    k1, k2, k3, k4 = jax.random.split(key, 4)
    tokens = jax.random.randint(k1, (BATCH, SEQ), 0, VOCAB, dtype=jnp.int64 if jax.config.jax_enable_x64 else jnp.int32)
    positions = jax.random.randint(k2, (BATCH, SEQ), 0, MAX_LEN, dtype=jnp.int64 if jax.config.jax_enable_x64 else jnp.int32)
    token_table = jax.random.normal(k3, (VOCAB, DIM), dtype=jnp.float32) * 0.02
    pos_table = jax.random.normal(k4, (MAX_LEN, DIM), dtype=jnp.float32) * 0.02
    return {"tokens": tokens, "positions": positions, "token_table": token_table, "pos_table": pos_table}

def reference(tokens, positions, token_table, pos_table):
    tok_emb = jnp.take(token_table, tokens, axis=0)
    pos_emb = jnp.take(pos_table, positions, axis=0)
    return tok_emb + pos_emb

if __name__ == "__main__":
    import jax
    _d = setup_inputs()
    print(jax.jit(kernel)(*tuple(_d.values())))

</pallas_src>

<mosaic_0001>
#map = affine_map<(d0, d1) -> (0)>
#map1 = affine_map<(d0, d1) -> (0, 0)>
module attributes {stable_mosaic.version = 14 : i64} {
  func.func @_emb(%arg0: i32, %arg1: i32, %arg2: memref<78848xi32, #tpu.memory_space<hbm>>, %arg3: memref<78848xi32, #tpu.memory_space<hbm>>, %arg4: memref<49408x768xf32, #tpu.memory_space<hbm>>, %arg5: memref<59136xf32, #tpu.memory_space<hbm>>, %arg6: memref<78848x768xf32, #tpu.memory_space<hbm>>, %arg7: memref<2464xi32, #tpu.memory_space<vmem>>, %arg8: memref<2464xi32, #tpu.memory_space<vmem>>, %arg9: memref<59136xf32, #tpu.memory_space<vmem>>, %arg10: memref<3x16x768xf32, #tpu.memory_space<vmem>>, %arg11: memref<!tpu.dma_semaphore, #tpu.memory_space<semaphore_mem>>, %arg12: memref<!tpu.dma_semaphore, #tpu.memory_space<semaphore_mem>>, %arg13: memref<!tpu.dma_semaphore, #tpu.memory_space<semaphore_mem>>, %arg14: memref<!tpu.dma_semaphore, #tpu.memory_space<semaphore_mem>>, %arg15: memref<!tpu.dma_semaphore, #tpu.memory_space<semaphore_mem>>, %arg16: memref<!tpu.dma_semaphore, #tpu.memory_space<semaphore_mem>>) attributes {dimension_semantics = [#tpu.dimension_semantics<core_parallel>, #tpu.dimension_semantics<subcore_parallel>], iteration_bounds = array<i64: 2, 16>, scalar_prefetch = 0 : i64, scratch_operands = 10 : i64, tpu.core_type = #tpu.core_type<sc_vector_subcore>, window_params = [{transform_indices = #map}, {transform_indices = #map}, {transform_indices = #map1}, {transform_indices = #map}, {transform_indices = #map1}]} {
    %mul3A = arith.constant 2 : i32
    %mul3A_0 = arith.muli %arg1, %mul3A : i32
    %add3A = arith.addi %mul3A_0, %arg0 : i32
    %mul3A_1 = arith.constant 2464 : i32
    %mul3A_2 = arith.muli %add3A, %mul3A_1 : i32
    "tpu.region"() ({
      %run_scoped3A = tpu.sem_alloc : memref<!tpu.dma_semaphore, #tpu.memory_space<semaphore_mem>>
      %dma_start3A_29 = tpu.memref_slice %arg2[%mul3A_2] : memref<78848xi32, #tpu.memory_space<hbm>> -> memref<2464xi32, #tpu.memory_space<hbm>>
      %dma_start3A_30 = tpu.memref_slice %arg2[%mul3A_2] : memref<78848xi32, #tpu.memory_space<hbm>> -> memref<2464xi32, #tpu.memory_space<hbm>>
      tpu.enqueue_dma source(%dma_start3A_30 : memref<2464xi32, #tpu.memory_space<hbm>>) target(%arg7 : memref<2464xi32, #tpu.memory_space<vmem>>) target_semaphore(%run_scoped3A : memref<!tpu.dma_semaphore, #tpu.memory_space<semaphore_mem>>)
      %dma_wait3A = tpu.memref_slice %arg2[%mul3A_2] : memref<78848xi32, #tpu.memory_space<hbm>> -> memref<2464xi32, #tpu.memory_space<hbm>>
      %dma_wait3A_31 = tpu.memref_slice %arg2[%mul3A_2] : memref<78848xi32, #tpu.memory_space<hbm>> -> memref<2464xi32, #tpu.memory_space<hbm>>
      tpu.wait_dma2 semaphore(%run_scoped3A : memref<!tpu.dma_semaphore, #tpu.memory_space<semaphore_mem>>) src(%dma_wait3A_31 : memref<2464xi32, #tpu.memory_space<hbm>>) dst(%arg7 : memref<2464xi32, #tpu.memory_space<vmem>>)
      tpu.yield
    }) : () -> ()
    %mul3A_3 = arith.constant 2464 : i32
    %mul3A_4 = arith.muli %add3A, %mul3A_3 : i32
    "tpu.region"() ({
      %run_scoped3A = tpu.sem_alloc : memref<!tpu.dma_semaphore, #tpu.memory_space<semaphore_mem>>
      %dma_start3A_29 = tpu.memref_slice %arg3[%mul3A_4] : memref<78848xi32, #tpu.memory_space<hbm>> -> memref<2464xi32, #tpu.memory_space<hbm>>
      %dma_start3A_30 = tpu.memref_slice %arg3[%mul3A_4] : memref<78848xi32, #tpu.memory_space<hbm>> -> memref<2464xi32, #tpu.memory_space<hbm>>
      tpu.enqueue_dma source(%dma_start3A_30 : memref<2464xi32, #tpu.memory_space<hbm>>) target(%arg8 : memref<2464xi32, #tpu.memory_space<vmem>>) target_semaphore(%run_scoped3A : memref<!tpu.dma_semaphore, #tpu.memory_space<semaphore_mem>>)
      %dma_wait3A = tpu.memref_slice %arg3[%mul3A_4] : memref<78848xi32, #tpu.memory_space<hbm>> -> memref<2464xi32, #tpu.memory_space<hbm>>
      %dma_wait3A_31 = tpu.memref_slice %arg3[%mul3A_4] : memref<78848xi32, #tpu.memory_space<hbm>> -> memref<2464xi32, #tpu.memory_space<hbm>>
      tpu.wait_dma2 semaphore(%run_scoped3A : memref<!tpu.dma_semaphore, #tpu.memory_space<semaphore_mem>>) src(%dma_wait3A_31 : memref<2464xi32, #tpu.memory_space<hbm>>) dst(%arg8 : memref<2464xi32, #tpu.memory_space<vmem>>)
      tpu.yield
    }) : () -> ()
    "tpu.region"() ({
      %run_scoped3A = tpu.sem_alloc : memref<!tpu.dma_semaphore, #tpu.memory_space<semaphore_mem>>
      tpu.enqueue_dma source(%arg5 : memref<59136xf32, #tpu.memory_space<hbm>>) target(%arg9 : memref<59136xf32, #tpu.memory_space<vmem>>) target_semaphore(%run_scoped3A : memref<!tpu.dma_semaphore, #tpu.memory_space<semaphore_mem>>)
      tpu.wait_dma2 semaphore(%run_scoped3A : memref<!tpu.dma_semaphore, #tpu.memory_space<semaphore_mem>>) src(%arg5 : memref<59136xf32, #tpu.memory_space<hbm>>) dst(%arg9 : memref<59136xf32, #tpu.memory_space<vmem>>)
      tpu.yield
    }) : () -> ()
    %iota3A = tpu.iota {dimensions = array<i32: 0>} : vector<16xi32>
    %dma_start3A = arith.constant 0 : i32
    %dma_start3A_5 = arith.constant 0 : i32
    %dma_start3A_6 = arith.constant 0 : i32
    %dma_start3A_7 = tpu.memref_slice %arg10[%dma_start3A, %dma_start3A_5, %dma_start3A_6] : memref<3x16x768xf32, #tpu.memory_space<vmem>> -> memref<1x16x768xf32, #tpu.memory_space<vmem>>
    %dma_start3A_8 = tpu.memref_squeeze %dma_start3A_7 : memref<1x16x768xf32, #tpu.memory_space<vmem>> -> memref<16x768xf32, #tpu.memory_space<vmem>>
    %dma_start3A_9 = arith.constant 0 : i32
    %dma_start3A_10 = tpu.memref_slice %arg7[%dma_start3A_9] : memref<2464xi32, #tpu.memory_space<vmem>> -> memref<16xi32, #tpu.memory_space<vmem>>
    %dma_start3A_11 = arith.constant 0 : i32
    %dma_start3A_12 = arith.constant 0 : i32
    %dma_start3A_13 = tpu.memref_slice %arg4[%dma_start3A_11, %dma_start3A_12] : memref<49408x768xf32, #tpu.memory_space<hbm>> -> memref<49408x768xf32, #tpu.memory_space<hbm>>
    tpu.enqueue_indirect_dma source(%dma_start3A_13 : memref<49408x768xf32, #tpu.memory_space<hbm>>) target(%dma_start3A_8 : memref<16x768xf32, #tpu.memory_space<vmem>>) offsets(%dma_start3A_10 : memref<16xi32, #tpu.memory_space<vmem>>) semaphore(%arg11 : memref<!tpu.dma_semaphore, #tpu.memory_space<semaphore_mem>>)
    %dma_start3A_14 = arith.constant 1 : i32
    %dma_start3A_15 = arith.constant 0 : i32
    %dma_start3A_16 = arith.constant 0 : i32
    %dma_start3A_17 = tpu.memref_slice %arg10[%dma_start3A_14, %dma_start3A_15, %dma_start3A_16] : memref<3x16x768xf32, #tpu.memory_space<vmem>> -> memref<1x16x768xf32, #tpu.memory_space<vmem>>
    %dma_start3A_18 = tpu.memref_squeeze %dma_start3A_17 : memref<1x16x768xf32, #tpu.memory_space<vmem>> -> memref<16x768xf32, #tpu.memory_space<vmem>>
    %dma_start3A_19 = arith.constant 16 : i32
    %dma_start3A_20 = tpu.memref_slice %arg7[%dma_start3A_19] : memref<2464xi32, #tpu.memory_space<vmem>> -> memref<16xi32, #tpu.memory_space<vmem>>
    %dma_start3A_21 = arith.constant 0 : i32
    %dma_start3A_22 = arith.constant 0 : i32
    %dma_start3A_23 = tpu.memref_slice %arg4[%dma_start3A_21, %dma_start3A_22] : memref<49408x768xf32, #tpu.memory_space<hbm>> -> memref<49408x768xf32, #tpu.memory_space<hbm>>
    tpu.enqueue_indirect_dma source(%dma_start3A_23 : memref<49408x768xf32, #tpu.memory_space<hbm>>) target(%dma_start3A_18 : memref<16x768xf32, #tpu.memory_space<vmem>>) offsets(%dma_start3A_20 : memref<16xi32, #tpu.memory_space<vmem>>) semaphore(%arg12 : memref<!tpu.dma_semaphore, #tpu.memory_space<semaphore_mem>>)
    %scan3A = arith.constant 0 : i32
    %scan3A_24 = arith.constant 0 : i32
    %scan3A_25 = arith.constant 52 : i32
    %scan3A_26 = arith.addi %scan3A_24, %scan3A_25 : i32
    %scan3A_27 = arith.constant 1 : i32
    scf.for %scan3A_29 = %scan3A_24 to %scan3A_26 step %scan3A_27  : i32 {
      %mul3A_30 = arith.constant 3 : i32
      %mul3A_31 = arith.muli %mul3A_30, %scan3A_29 : i32
      %add3A_32 = arith.constant 0 : i32
      %add3A_33 = arith.addi %mul3A_31, %add3A_32 : i32
      %ge3A = arith.constant 1 : i32
      %ge3A_34 = arith.cmpi sge, %add3A_33, %ge3A : i32
      %sub3A = arith.constant 1 : i32
      %sub3A_35 = arith.subi %add3A_33, %sub3A : i32
      %lt3A = arith.constant 154 : i32
      %lt3A_36 = arith.cmpi slt, %sub3A_35, %lt3A : i32
      %and3A = arith.andi %ge3A_34, %lt3A_36 : i1
      %convert_element_type3A = arith.extui %and3A : i1 to i32
      %cond3A = arith.constant 0 : i32
      %cond3A_37 = arith.cmpi ne, %convert_element_type3A, %cond3A : i32
      scf.if %cond3A_37 {
        %sub3A_108 = arith.constant 1 : i32
        %sub3A_109 = arith.subi %add3A_33, %sub3A_108 : i32
        %mul3A_110 = arith.constant 154 : i32
        %mul3A_111 = arith.muli %add3A, %mul3A_110 : i32
        %add3A_112 = arith.addi %mul3A_111, %sub3A_109 : i32
        %mul3A_113 = arith.constant 16 : i32
        %mul3A_114 = arith.muli %add3A_112, %mul3A_113 : i32
        %dma_wait3A = arith.constant 2 : i32
        %dma_wait3A_115 = arith.constant 0 : i32
        %dma_wait3A_116 = arith.constant 0 : i32
        %dma_wait3A_117 = tpu.memref_slice %arg10[%dma_wait3A, %dma_wait3A_115, %dma_wait3A_116] : memref<3x16x768xf32, #tpu.memory_space<vmem>> -> memref<1x16x768xf32, #tpu.memory_space<vmem>>
        %dma_wait3A_118 = tpu.memref_squeeze %dma_wait3A_117 : memref<1x16x768xf32, #tpu.memory_space<vmem>> -> memref<16x768xf32, #tpu.memory_space<vmem>>
        %dma_wait3A_119 = arith.constant 0 : i32
        %dma_wait3A_120 = tpu.memref_slice %arg6[%mul3A_114, %dma_wait3A_119] : memref<78848x768xf32, #tpu.memory_space<hbm>> -> memref<16x768xf32, #tpu.memory_space<hbm>>
        %dma_wait3A_121 = arith.constant 0 : i32
        %dma_wait3A_122 = tpu.memref_slice %arg6[%mul3A_114, %dma_wait3A_121] : memref<78848x768xf32, #tpu.memory_space<hbm>> -> memref<16x768xf32, #tpu.memory_space<hbm>>
        %dma_wait3A_123 = arith.constant 0 : i32
        %dma_wait3A_124 = arith.constant 0 : i32
        %dma_wait3A_125 = tpu.memref_slice %arg10[%dma_wait3A, %dma_wait3A_123, %dma_wait3A_124] : memref<3x16x768xf32, #tpu.memory_space<vmem>> -> memref<1x16x768xf32, #tpu.memory_space<vmem>>
        %dma_wait3A_126 = tpu.memref_squeeze %dma_wait3A_125 : memref<1x16x768xf32, #tpu.memory_space<vmem>> -> memref<16x768xf32, #tpu.memory_space<vmem>>
        tpu.wait_dma2 semaphore(%arg16 : memref<!tpu.dma_semaphore, #tpu.memory_space<semaphore_mem>>) src(%dma_wait3A_126 : memref<16x768xf32, #tpu.memory_space<vmem>>) dst(%dma_wait3A_122 : memref<16x768xf32, #tpu.memory_space<hbm>>)
      } else {
      }
      %add3A_38 = arith.constant 3 : i32
      %add3A_39 = arith.addi %add3A_33, %add3A_38 : i32
      %sub3A_40 = arith.constant 1 : i32
      %sub3A_41 = arith.subi %add3A_39, %sub3A_40 : i32
      %lt3A_42 = arith.constant 154 : i32
      %lt3A_43 = arith.cmpi slt, %sub3A_41, %lt3A_42 : i32
      %convert_element_type3A_44 = arith.extui %lt3A_43 : i1 to i32
      %cond3A_45 = arith.constant 0 : i32
      %cond3A_46 = arith.cmpi ne, %convert_element_type3A_44, %cond3A_45 : i32
      scf.if %cond3A_46 {
        %add3A_108 = arith.constant 3 : i32
        %add3A_109 = arith.addi %add3A_33, %add3A_108 : i32
        %sub3A_110 = arith.constant 1 : i32
        %sub3A_111 = arith.subi %add3A_109, %sub3A_110 : i32
        %mul3A_112 = arith.constant 16 : i32
        %mul3A_113 = arith.muli %sub3A_111, %mul3A_112 : i32
        %dma_start3A_114 = arith.constant 2 : i32
        %dma_start3A_115 = arith.constant 0 : i32
        %dma_start3A_116 = arith.constant 0 : i32
        %dma_start3A_117 = tpu.memref_slice %arg10[%dma_start3A_114, %dma_start3A_115, %dma_start3A_116] : memref<3x16x768xf32, #tpu.memory_space<vmem>> -> memref<1x16x768xf32, #tpu.memory_space<vmem>>
        %dma_start3A_118 = tpu.memref_squeeze %dma_start3A_117 : memref<1x16x768xf32, #tpu.memory_space<vmem>> -> memref<16x768xf32, #tpu.memory_space<vmem>>
        %dma_start3A_119 = tpu.memref_slice %arg7[%mul3A_113] : memref<2464xi32, #tpu.memory_space<vmem>> -> memref<16xi32, #tpu.memory_space<vmem>>
        %dma_start3A_120 = arith.constant 0 : i32
        %dma_start3A_121 = arith.constant 0 : i32
        %dma_start3A_122 = tpu.memref_slice %arg4[%dma_start3A_120, %dma_start3A_121] : memref<49408x768xf32, #tpu.memory_space<hbm>> -> memref<49408x768xf32, #tpu.memory_space<hbm>>
        tpu.enqueue_indirect_dma source(%dma_start3A_122 : memref<49408x768xf32, #tpu.memory_space<hbm>>) target(%dma_start3A_118 : memref<16x768xf32, #tpu.memory_space<vmem>>) offsets(%dma_start3A_119 : memref<16xi32, #tpu.memory_space<vmem>>) semaphore(%arg13 : memref<!tpu.dma_semaphore, #tpu.memory_space<semaphore_mem>>)
      } else {
      }
      %lt3A_47 = arith.constant 154 : i32
      %lt3A_48 = arith.cmpi slt, %add3A_33, %lt3A_47 : i32
      %convert_element_type3A_49 = arith.extui %lt3A_48 : i1 to i32
      %cond3A_50 = arith.constant 0 : i32
      %cond3A_51 = arith.cmpi ne, %convert_element_type3A_49, %cond3A_50 : i32
      scf.if %cond3A_51 {
        %mul3A_108 = arith.constant 16 : i32
        %mul3A_109 = arith.muli %add3A_33, %mul3A_108 : i32
        %dma_wait3A = arith.constant 0 : i32
        %dma_wait3A_110 = arith.constant 0 : i32
        %dma_wait3A_111 = arith.constant 0 : i32
        %dma_wait3A_112 = tpu.memref_slice %arg10[%dma_wait3A, %dma_wait3A_110, %dma_wait3A_111] : memref<3x16x768xf32, #tpu.memory_space<vmem>> -> memref<1x16x768xf32, #tpu.memory_space<vmem>>
        %dma_wait3A_113 = tpu.memref_squeeze %dma_wait3A_112 : memref<1x16x768xf32, #tpu.memory_space<vmem>> -> memref<16x768xf32, #tpu.memory_space<vmem>>
        %dma_wait3A_114 = tpu.memref_slice %arg7[%mul3A_109] : memref<2464xi32, #tpu.memory_space<vmem>> -> memref<16xi32, #tpu.memory_space<vmem>>
        %dma_wait3A_115 = arith.constant 0 : i32
        %dma_wait3A_116 = arith.constant 0 : i32
        %dma_wait3A_117 = tpu.memref_slice %arg4[%dma_wait3A_115, %dma_wait3A_116] : memref<49408x768xf32, #tpu.memory_space<hbm>> -> memref<49408x768xf32, #tpu.memory_space<hbm>>
        tpu.wait_indirect_dma semaphore(%arg11 : memref<!tpu.dma_semaphore, #tpu.memory_space<semaphore_mem>>) src(%dma_wait3A_117 : memref<49408x768xf32, #tpu.memory_space<hbm>>) dst(%dma_wait3A_113 : memref<16x768xf32, #tpu.memory_space<vmem>>)
        %mul3A_118 = arith.constant 16 : i32
        %mul3A_119 = arith.muli %add3A_33, %mul3A_118 : i32
        %add3A_120 = arith.constant 0 : i32
        %add3A_121 = arith.addi %mul3A_119, %add3A_120 : i32
        %get3A = arith.index_cast %add3A_121 : i32 to index
        %get3A_122 = tpu.vector_load %arg8[%get3A] {strides = array<i32>} : memref<2464xi32, #tpu.memory_space<vmem>>, vector<16xi32>,
        %parallel_loop3A = arith.constant 0 : i32
        %parallel_loop3A_123 = arith.constant 16 : i32
        %parallel_loop3A_124 = arith.constant 1 : i32
        scf.for %parallel_loop3A_143 = %parallel_loop3A to %parallel_loop3A_123 step %parallel_loop3A_124  : i32 {
          %parallel_loop3A_144 = vector.broadcast %parallel_loop3A_143 : i32 to vector<16x1xi32>
          %parallel_loop3A_145 = vector.shape_cast %parallel_loop3A_144 : vector<16x1xi32> to vector<16xi32>
          %parallel_loop3A_146 = tpu.dynamic_gather %get3A_122[%parallel_loop3A_145] in [0] : vector<16xi32>, vector<16xi32> -> vector<16xi32>
          %parallel_loop3A_147 = arith.constant 768 : i32
          %parallel_loop3A_148 = vector.broadcast %parallel_loop3A_147 : i32 to vector<16xi32>
          %parallel_loop3A_149 = arith.muli %parallel_loop3A_146, %parallel_loop3A_148 : vector<16xi32>
          %parallel_loop3A_150 = arith.addi %parallel_loop3A_149, %iota3A : vector<16xi32>
          %parallel_loop3A_151 = arith.constant 0 : i32
          %parallel_loop3A_152 = arith.addi %parallel_loop3A_151, %parallel_loop3A_143 : i32
          %parallel_loop3A_153 = arith.constant 0 : i32
          %parallel_loop3A_154 = tpu.memref_slice %arg9[%parallel_loop3A_153] : memref<59136xf32, #tpu.memory_space<vmem>> -> memref<59136xf32, #tpu.memory_space<vmem>>
          %parallel_loop3A_155 = tpu.vector_load_idx %parallel_loop3A_154[%parallel_loop3A_150] : memref<59136xf32, #tpu.memory_space<vmem>>[vector<16xi32>], vector<16xf32>,
          %parallel_loop3A_156 = arith.constant 0 : i32
          %parallel_loop3A_157 = arith.constant 0 : i32
          %parallel_loop3A_158 = arith.constant 0 : i32
          %parallel_loop3A_159 = tpu.memref_slice %arg10[%parallel_loop3A_156, %parallel_loop3A_157, %parallel_loop3A_158] : memref<3x16x768xf32, #tpu.memory_space<vmem>> -> memref<1x16x768xf32, #tpu.memory_space<vmem>>
          %parallel_loop3A_160 = tpu.memref_squeeze %parallel_loop3A_159 : memref<1x16x768xf32, #tpu.memory_space<vmem>> -> memref<16x768xf32, #tpu.memory_space<vmem>>
          %parallel_loop3A_161 = arith.index_cast %parallel_loop3A_152 : i32 to index
          %parallel_loop3A_162 = arith.constant 0 : index
          %parallel_loop3A_163 = tpu.vector_load %parallel_loop3A_160[%parallel_loop3A_161, %parallel_loop3A_162] {strides = array<i32>} : memref<16x768xf32, #tpu.memory_space<vmem>>, vector<16xf32>,
          tpu.vector_store %parallel_loop3A_160[%parallel_loop3A_161, %parallel_loop3A_162], %parallel_loop3A_155 {add = true, strides = array<i32>} : memref<16x768xf32, #tpu.memory_space<vmem>>, vector<16xf32>,
          %parallel_loop3A_164 = arith.constant 16 : i32
          %parallel_loop3A_165 = tpu.memref_slice %arg9[%parallel_loop3A_164] : memref<59136xf32, #tpu.memory_space<vmem>> -> memref<59120xf32, #tpu.memory_space<vmem>>
          %parallel_loop3A_166 = tpu.vector_load_idx %parallel_loop3A_165[%parallel_loop3A_150] : memref<59120xf32, #tpu.memory_space<vmem>>[vector<16xi32>], vector<16xf32>,
          %parallel_loop3A_167 = arith.constant 0 : i32
          %parallel_loop3A_168 = arith.constant 0 : i32
          %parallel_loop3A_169 = arith.constant 0 : i32
          %parallel_loop3A_170 = tpu.memref_slice %arg10[%parallel_loop3A_167, %parallel_loop3A_168, %parallel_loop3A_169] : memref<3x16x768xf32, #tpu.memory_space<vmem>> -> memref<1x16x768xf32, #tpu.memory_space<vmem>>
          %parallel_loop3A_171 = tpu.memref_squeeze %parallel_loop3A_170 : memref<1x16x768xf32, #tpu.memory_space<vmem>> -> memref<16x768xf32, #tpu.memory_space<vmem>>
          %parallel_loop3A_172 = arith.index_cast %parallel_loop3A_152 : i32 to index
          %parallel_loop3A_173 = arith.constant 16 : index
          %parallel_loop3A_174 = tpu.vector_load %parallel_loop3A_171[%parallel_loop3A_172, %parallel_loop3A_173] {strides = array<i32>} : memref<16x768xf32, #tpu.memory_space<vmem>>, vector<16xf32>,
          tpu.vector_store %parallel_loop3A_171[%parallel_loop3A_172, %parallel_loop3A_173], %parallel_loop3A_166 {add = true, strides = array<i32>} : memref<16x768xf32, #tpu.memory_space<vmem>>, vector<16xf32>,
          %parallel_loop3A_175 = arith.constant 32 : i32
          %parallel_loop3A_176 = tpu.memref_slice %arg9[%parallel_loop3A_175] : memref<59136xf32, #tpu.memory_space<vmem>> -> memref<59104xf32, #tpu.memory_space<vmem>>
          %parallel_loop3A_177 = tpu.vector_load_idx %parallel_loop3A_176[%parallel_loop3A_150] : memref<59104xf32, #tpu.memory_space<vmem>>[vector<16xi32>], vector<16xf32>,
          %parallel_loop3A_178 = arith.constant 0 : i32
          %parallel_loop3A_179 = arith.constant 0 : i32
          %parallel_loop3A_180 = arith.constant 0 : i32
          %parallel_loop3A_181 = tpu.memref_slice %arg10[%parallel_loop3A_178, %parallel_loop3A_179, %parallel_loop3A_180] : memref<3x16x768xf32, #tpu.memory_space<vmem>> -> memref<1x16x768xf32, #tpu.memory_space<vmem>>
          %parallel_loop3A_182 = tpu.memref_squeeze %parallel_loop3A_181 : memref<1x16x768xf32, #tpu.memory_space<vmem>> -> memref<16x768xf32, #tpu.memory_space<vmem>>
          %parallel_loop3A_183 = arith.index_cast %parallel_loop3A_152 : i32 to index
          %parallel_loop3A_184 = arith.constant 32 : index
          %parallel_loop3A_185 = tpu.vector_load %parallel_loop3A_182[%parallel_loop3A_183, %parallel_loop3A_184] {strides = array<i32>} : memref<16x768xf32, #tpu.memory_space<vmem>>, vector<16xf32>,
          tpu.vector_store %parallel_loop3A_182[%parallel_loop3A_183, %parallel_loop3A_184], %parallel_loop3A_177 {add = true, strides = array<i32>} : memref<16x768xf32, #tpu.memory_space<vmem>>, vector<16xf32>,
          %parallel_loop3A_186 = arith.constant 48 : i32
          %parallel_loop3A_187 = tpu.memref_slice %arg9[%parallel_loop3A_186] : memref<59136xf32, #tpu.memory_space<vmem>> -> memref<59088xf32, #tpu.memory_space<vmem>>
          %parallel_loop3A_188 = tpu.vector_load_idx %parallel_loop3A_187[%parallel_loop3A_150] : memref<59088xf32, #tpu.memory_space<vmem>>[vector<16xi32>], vector<16xf32>,
          %parallel_loop3A_189 = arith.constant 0 : i32
          %parallel_loop3A_190 = arith.constant 0 : i32
          %parallel_loop3A_191 = arith.constant 0 : i32
          %parallel_loop3A_192 = tpu.memref_slice %arg10[%parallel_loop3A_189, %parallel_loop3A_190, %parallel_loop3A_191] : memref<3x16x768xf32, #tpu.memory_space<vmem>> -> memref<1x16x768xf32, #tpu.memory_space<vmem>>
          %parallel_loop3A_193 = tpu.memref_squeeze %parallel_loop3A_192 : memref<1x16x768xf32, #tpu.memory_space<vmem>> -> memref<16x768xf32, #tpu.memory_space<vmem>>
          %parallel_loop3A_194 = arith.index_cast %parallel_loop3A_152 : i32 to index
          %parallel_loop3A_195 = arith.constant 48 : index
          %parallel_loop3A_196 = tpu.vector_load %parallel_loop3A_193[%parallel_loop3A_194, %parallel_loop3A_195] {strides = array<i32>} : memref<16x768xf32, #tpu.memory_space<vmem>>, vector<16xf32>,
          tpu.vector_store %parallel_loop3A_193[%parallel_loop3A_194, %parallel_loop3A_195], %parallel_loop3A_188 {add = true, strides = array<i32>} : memref<16x768xf32, #tpu.memory_space<vmem>>, vector<16xf32>,
          %parallel_loop3A_197 = arith.constant 64 : i32
          %parallel_loop3A_198 = tpu.memref_slice %arg9[%parallel_loop3A_197] : memref<59136xf32, #tpu.memory_space<vmem>> -> memref<59072xf32, #tpu.memory_space<vmem>>
          %parallel_loop3A_199 = tpu.vector_load_idx %parallel_loop3A_198[%parallel_loop3A_150] : memref<59072xf32, #tpu.memory_space<vmem>>[vector<16xi32>], vector<16xf32>,
          %parallel_loop3A_200 = arith.constant 0 : i32
          %parallel_loop3A_201 = arith.constant 0 : i32
          %parallel_loop3A_202 = arith.constant 0 : i32
          %parallel_loop3A_203 = tpu.memref_slice %arg10[%parallel_loop3A_200, %parallel_loop3A_201, %parallel_loop3A_202] : memref<3x16x768xf32, #tpu.memory_space<vmem>> -> memref<1x16x768xf32, #tpu.memory_space<vmem>>
          %parallel_loop3A_204 = tpu.memref_squeeze %parallel_loop3A_203 : memref<1x16x768xf32, #tpu.memory_space<vmem>> -> memref<16x768xf32, #tpu.memory_space<vmem>>
          %parallel_loop3A_205 = arith.index_cast %parallel_loop3A_152 : i32 to index
          %parallel_loop3A_206 = arith.constant 64 : index
          %parallel_loop3A_207 = tpu.vector_load %parallel_loop3A_204[%parallel_loop3A_205, %parallel_loop3A_206] {strides = array<i32>} : memref<16x768xf32, #tpu.memory_space<vmem>>, vector<16xf32>,
          tpu.vector_store %parallel_loop3A_204[%parallel_loop3A_205, %parallel_loop3A_206], %parallel_loop3A_199 {add = true, strides = array<i32>} : memref<16x768xf32, #tpu.memory_space<vmem>>, vector<16xf32>,
          %parallel_loop3A_208 = arith.constant 80 : i32
          %parallel_loop3A_209 = tpu.memref_slice %arg9[%parallel_loop3A_208] : memref<59136xf32, #tpu.memory_space<vmem>> -> memref<59056xf32, #tpu.memory_space<vmem>>
          %parallel_loop3A_210 = tpu.vector_load_idx %parallel_loop3A_209[%parallel_loop3A_150] : memref<59056xf32, #tpu.memory_space<vmem>>[vector<16xi32>], vector<16xf32>,
          %parallel_loop3A_211 = arith.constant 0 : i32
          %parallel_loop3A_212 = arith.constant 0 : i32
          %parallel_loop3A_213 = arith.constant 0 : i32
          %parallel_loop3A_214 = tpu.memref_slice %arg10[%parallel_loop3A_211, %parallel_loop3A_212, %parallel_loop3A_213] : memref<3x16x768xf32, #tpu.memory_space<vmem>> -> memref<1x16x768xf32, #tpu.memory_space<vmem>>
          %parallel_loop3A_215 = tpu.memref_squeeze %parallel_loop3A_214 : memref<1x16x768xf32, #tpu.memory_space<vmem>> -> memref<16x768xf32, #tpu.memory_space<vmem>>
          %parallel_loop3A_216 = arith.index_cast %parallel_loop3A_152 : i32 to index
          %parallel_loop3A_217 = arith.constant 80 : index
          %parallel_loop3A_218 = tpu.vector_load %parallel_loop3A_215[%parallel_loop3A_216, %parallel_loop3A_217] {strides = array<i32>} : memref<16x768xf32, #tpu.memory_space<vmem>>, vector<16xf32>,
          tpu.vector_store %parallel_loop3A_215[%parallel_loop3A_216, %parallel_loop3A_217], %parallel_loop3A_210 {add = true, strides = array<i32>} : memref<16x768xf32, #tpu.memory_space<vmem>>, vector<16xf32>,
          %parallel_loop3A_219 = arith.constant 96 : i32
          %parallel_loop3A_220 = tpu.memref_slice %arg9[%parallel_loop3A_219] : memref<59136xf32, #tpu.memory_space<vmem>> -> memref<59040xf32, #tpu.memory_space<vmem>>
          %parallel_loop3A_221 = tpu.vector_load_idx %parallel_loop3A_220[%parallel_loop3A_150] : memref<59040xf32, #tpu.memory_space<vmem>>[vector<16xi32>], vector<16xf32>,
          %parallel_loop3A_222 = arith.constant 0 : i32
          %parallel_loop3A_223 = arith.constant 0 : i32
          %parallel_loop3A_224 = arith.constant 0 : i32
          %parallel_loop3A_225 = tpu.memref_slice %arg10[%parallel_loop3A_222, %parallel_loop3A_223, %parallel_loop3A_224] : memref<3x16x768xf32, #tpu.memory_space<vmem>> -> memref<1x16x768xf32, #tpu.memory_space<vmem>>
          %parallel_loop3A_226 = tpu.memref_squeeze %parallel_loop3A_225 : memref<1x16x768xf32, #tpu.memory_space<vmem>> -> memref<16x768xf32, #tpu.memory_space<vmem>>
          %parallel_loop3A_227 = arith.index_cast %parallel_loop3A_152 : i32 to index
          %parallel_loop3A_228 = arith.constant 96 : index
          %parallel_loop3A_229 = tpu.vector_load %parallel_loop3A_226[%parallel_loop3A_227, %parallel_loop3A_228] {strides = array<i32>} : memref<16x768xf32, #tpu.memory_space<vmem>>, vector<16xf32>,
          tpu.vector_store %parallel_loop3A_226[%parallel_loop3A_227, %parallel_loop3A_228], %parallel_loop3A_221 {add = true, strides = array<i32>} : memref<16x768xf32, #tpu.memory_space<vmem>>, vector<16xf32>,
          %parallel_loop3A_230 = arith.constant 112 : i32
          %parallel_loop3A_231 = tpu.memref_slice %arg9[%parallel_loop3A_230] : memref<59136xf32, #tpu.memory_space<vmem>> -> memref<59024xf32, #tpu.memory_space<vmem>>
          %parallel_loop3A_232 = tpu.vector_load_idx %parallel_loop3A_231[%parallel_loop3A_150] : memref<59024xf32, #tpu.memory_space<vmem>>[vector<16xi32>], vector<16xf32>,
          %parallel_loop3A_233 = arith.constant 0 : i32
          %parallel_loop3A_234 = arith.constant 0 : i32
          %parallel_loop3A_235 = arith.constant 0 : i32
          %parallel_loop3A_236 = tpu.memref_slice %arg10[%parallel_loop3A_233, %parallel_loop3A_234, %parallel_loop3A_235] : memref<3x16x768xf32, #tpu.memory_space<vmem>> -> memref<1x16x768xf32, #tpu.memory_space<vmem>>
          %parallel_loop3A_237 = tpu.memref_squeeze %parallel_loop3A_236 : memref<1x16x768xf32, #tpu.memory_space<vmem>> -> memref<16x768xf32, #tpu.memory_space<vmem>>
          %parallel_loop3A_238 = arith.index_cast %parallel_loop3A_152 : i32 to index
          %parallel_loop3A_239 = arith.constant 112 : index
          %parallel_loop3A_240 = tpu.vector_load %parallel_loop3A_237[%parallel_loop3A_238, %parallel_loop3A_239] {strides = array<i32>} : memref<16x768xf32, #tpu.memory_space<vmem>>, vector<16xf32>,
          tpu.vector_store %parallel_loop3A_237[%parallel_loop3A_238, %parallel_loop3A_239], %parallel_loop3A_232 {add = true, strides = array<i32>} : memref<16x768xf32, #tpu.memory_space<vmem>>, vector<16xf32>,
          %parallel_loop3A_241 = arith.constant 128 : i32
          %parallel_loop3A_242 = tpu.memref_slice %arg9[%parallel_loop3A_241] : memref<59136xf32, #tpu.memory_space<vmem>> -> memref<59008xf32, #tpu.memory_space<vmem>>
          %parallel_loop3A_243 = tpu.vector_load_idx %parallel_loop3A_242[%parallel_loop3A_150] : memref<59008xf32, #tpu.memory_space<vmem>>[vector<16xi32>], vector<16xf32>,
          %parallel_loop3A_244 = arith.constant 0 : i32
          %parallel_loop3A_245 = arith.constant 0 : i32
          %parallel_loop3A_246 = arith.constant 0 : i32
          %parallel_loop3A_247 = tpu.memref_slice %arg10[%parallel_loop3A_244, %parallel_loop3A_245, %parallel_loop3A_246] : memref<3x16x768xf32, #tpu.memory_space<vmem>> -> memref<1x16x768xf32, #tpu.memory_space<vmem>>
          %parallel_loop3A_248 = tpu.memref_squeeze %parallel_loop3A_247 : memref<1x16x768xf32, #tpu.memory_space<vmem>> -> memref<16x768xf32, #tpu.memory_space<vmem>>
          %parallel_loop3A_249 = arith.index_cast %parallel_loop3A_152 : i32 to index
          %parallel_loop3A_250 = arith.constant 128 : index
          %parallel_loop3A_251 = tpu.vector_load %parallel_loop3A_248[%parallel_loop3A_249, %parallel_loop3A_250] {strides = array<i32>} : memref<16x768xf32, #tpu.memory_space<vmem>>, vector<16xf32>,
          tpu.vector_store %parallel_loop3A_248[%parallel_loop3A_249, %parallel_loop3A_250], %parallel_loop3A_243 {add = true, strides = array<i32>} : memref<16x768xf32, #tpu.memory_space<vmem>>, vector<16xf32>,
          %parallel_loop3A_252 = arith.constant 144 : i32
          %parallel_loop3A_253 = tpu.memref_slice %arg9[%parallel_loop3A_252] : memref<59136xf32, #tpu.memory_space<vmem>> -> memref<58992xf32, #tpu.memory_space<vmem>>
          %parallel_loop3A_254 = tpu.vector_load_idx %parallel_loop3A_253[%parallel_loop3A_150] : memref<58992xf32, #tpu.memory_space<vmem>>[vector<16xi32>], vector<16xf32>,
          %parallel_loop3A_255 = arith.constant 0 : i32
          %parallel_loop3A_256 = arith.constant 0 : i32
          %parallel_loop3A_257 = arith.constant 0 : i32
          %parallel_loop3A_258 = tpu.memref_slice %arg10[%parallel_loop3A_255, %parallel_loop3A_256, %parallel_loop3A_257] : memref<3x16x768xf32, #tpu.memory_space<vmem>> -> memref<1x16x768xf32, #tpu.memory_space<vmem>>
          %parallel_loop3A_259 = tpu.memref_squeeze %parallel_loop3A_258 : memref<1x16x768xf32, #tpu.memory_space<vmem>> -> memref<16x768xf32, #tpu.memory_space<vmem>>
          %parallel_loop3A_260 = arith.index_cast %parallel_loop3A_152 : i32 to index
          %parallel_loop3A_261 = arith.constant 144 : index
          %parallel_loop3A_262 = tpu.vector_load %parallel_loop3A_259[%parallel_loop3A_260, %parallel_loop3A_261] {strides = array<i32>} : memref<16x768xf32, #tpu.memory_space<vmem>>, vector<16xf32>,
          tpu.vector_store %parallel_loop3A_259[%parallel_loop3A_260, %parallel_loop3A_261], %parallel_loop3A_254 {add = true, strides = array<i32>} : memref<16x768xf32, #tpu.memory_space<vmem>>, vector<16xf32>,
          %parallel_loop3A_263 = arith.constant 160 : i32
          %parallel_loop3A_264 = tpu.memref_slice %arg9[%parallel_loop3A_263] : memref<59136xf32, #tpu.memory_space<vmem>> -> memref<58976xf32, #tpu.memory_space<vmem>>
          %parallel_loop3A_265 = tpu.vector_load_idx %parallel_loop3A_264[%parallel_loop3A_150] : memref<58976xf32, #tpu.memory_space<vmem>>[vector<16xi32>], vector<16xf32>,
          %parallel_loop3A_266 = arith.constant 0 : i32
          %parallel_loop3A_267 = arith.constant 0 : i32
          %parallel_loop3A_268 = arith.constant 0 : i32
          %parallel_loop3A_269 = tpu.memref_slice %arg10[%parallel_loop3A_266, %parallel_loop3A_267, %parallel_loop3A_268] : memref<3x16x768xf32, #tpu.memory_space<vmem>> -> memref<1x16x768xf32, #tpu.memory_space<vmem>>
          %parallel_loop3A_270 = tpu.memref_squeeze %parallel_loop3A_269 : memref<1x16x768xf32, #tpu.memory_space<vmem>> -> memref<16x768xf32, #tpu.memory_space<vmem>>
          %parallel_loop3A_271 = arith.index_cast %parallel_loop3A_152 : i32 to index
          %parallel_loop3A_272 = arith.constant 160 : index
          %parallel_loop3A_273 = tpu.vector_load %parallel_loop3A_270[%parallel_loop3A_271, %parallel_loop3A_272] {strides = array<i32>} : memref<16x768xf32, #tpu.memory_space<vmem>>, vector<16xf32>,
          tpu.vector_store %parallel_loop3A_270[%parallel_loop3A_271, %parallel_loop3A_272], %parallel_loop3A_265 {add = true, strides = array<i32>} : memref<16x768xf32, #tpu.memory_space<vmem>>, vector<16xf32>,
          %parallel_loop3A_274 = arith.constant 176 : i32
          %parallel_loop3A_275 = tpu.memref_slice %arg9[%parallel_loop3A_274] : memref<59136xf32, #tpu.memory_space<vmem>> -> memref<58960xf32, #tpu.memory_space<vmem>>
          %parallel_loop3A_276 = tpu.vector_load_idx %parallel_loop3A_275[%parallel_loop3A_150] : memref<58960xf32, #tpu.memory_space<vmem>>[vector<16xi32>], vector<16xf32>,
          %parallel_loop3A_277 = arith.constant 0 : i32
          %parallel_loop3A_278 = arith.constant 0 : i32
          %parallel_loop3A_279 = arith.constant 0 : i32
          %parallel_loop3A_280 = tpu.memref_slice %arg10[%parallel_loop3A_277, %parallel_loop3A_278, %parallel_loop3A_279] : memref<3x16x768xf32, #tpu.memory_space<vmem>> -> memref<1x16x768xf32, #tpu.memory_space<vmem>>
          %parallel_loop3A_281 = tpu.memref_squeeze %parallel_loop3A_280 : memref<1x16x768xf32, #tpu.memory_space<vmem>> -> memref<16x768xf32, #tpu.memory_space<vmem>>
          %parallel_loop3A_282 = arith.index_cast %parallel_loop3A_152 : i32 to index
          %parallel_loop3A_283 = arith.constant 176 : index
          %parallel_loop3A_284 = tpu.vector_load %parallel_loop3A_281[%parallel_loop3A_282, %parallel_loop3A_283] {strides = array<i32>} : memref<16x768xf32, #tpu.memory_space<vmem>>, vector<16xf32>,
          tpu.vector_store %parallel_loop3A_281[%parallel_loop3A_282, %parallel_loop3A_283], %parallel_loop3A_276 {add = true, strides = array<i32>} : memref<16x768xf32, #tpu.memory_space<vmem>>, vector<16xf32>,
          %parallel_loop3A_285 = arith.constant 192 : i32
          %parallel_loop3A_286 = tpu.memref_slice %arg9[%parallel_loop3A_285] : memref<59136xf32, #tpu.memory_space<vmem>> -> memref<58944xf32, #tpu.memory_space<vmem>>
          %parallel_loop3A_287 = tpu.vector_load_idx %parallel_loop3A_286[%parallel_loop3A_150] : memref<58944xf32, #tpu.memory_space<vmem>>[vector<16xi32>], vector<16xf32>,
          %parallel_loop3A_288 = arith.constant 0 : i32
          %parallel_loop3A_289 = arith.constant 0 : i32
          %parallel_loop3A_290 = arith.constant 0 : i32
          %parallel_loop3A_291 = tpu.memref_slice %arg10[%parallel_loop3A_288, %parallel_loop3A_289, %parallel_loop3A_290] : memref<3x16x768xf32, #tpu.memory_space<vmem>> -> memref<1x16x768xf32, #tpu.memory_space<vmem>>
          %parallel_loop3A_292 = tpu.memref_squeeze %parallel_loop3A_291 : memref<1x16x768xf32, #tpu.memory_space<vmem>> -> memref<16x768xf32, #tpu.memory_space<vmem>>
          %parallel_loop3A_293 = arith.index_cast %parallel_loop3A_152 : i32 to index
          %parallel_loop3A_294 = arith.constant 192 : index
          %parallel_loop3A_295 = tpu.vector_load %parallel_loop3A_292[%parallel_loop3A_293, %parallel_loop3A_294] {strides = array<i32>} : memref<16x768xf32, #tpu.memory_space<vmem>>, vector<16xf32>,
          tpu.vector_store %parallel_loop3A_292[%parallel_loop3A_293, %parallel_loop3A_294], %parallel_loop3A_287 {add = true, strides = array<i32>} : memref<16x768xf32, #tpu.memory_space<vmem>>, vector<16xf32>,
          %parallel_loop3A_296 = arith.constant 208 : i32
          %parallel_loop3A_297 = tpu.memref_slice %arg9[%parallel_loop3A_296] : memref<59136xf32, #tpu.memory_space<vmem>> -> memref<58928xf32, #tpu.memory_space<vmem>>
          %parallel_loop3A_298 = tpu.vector_load_idx %parallel_loop3A_297[%parallel_loop3A_150] : memref<58928xf32, #tpu.memory_space<vmem>>[vector<16xi32>], vector<16xf32>,
          %parallel_loop3A_299 = arith.constant 0 : i32
          %parallel_loop3A_300 = arith.constant 0 : i32
          %parallel_loop3A_301 = arith.constant 0 : i32
          %parallel_loop3A_302 = tpu.memref_slice %arg10[%parallel_loop3A_299, %parallel_loop3A_300, %parallel_loop3A_301] : memref<3x16x768xf32, #tpu.memory_space<vmem>> -> memref<1x16x768xf32, #tpu.memory_space<vmem>>
          %parallel_loop3A_303 = tpu.memref_squeeze %parallel_loop3A_302 : memref<1x16x768xf32, #tpu.memory_space<vmem>> -> memref<16x768xf32, #tpu.memory_space<vmem>>
          %parallel_loop3A_304 = arith.index_cast %parallel_loop3A_152 : i32 to index
          %parallel_loop3A_305 = arith.constant 208 : index
          %parallel_loop3A_306 = tpu.vector_load %parallel_loop3A_303[%parallel_loop3A_304, %parallel_loop3A_305] {strides = array<i32>} : memref<16x768xf32, #tpu.memory_space<vmem>>, vector<16xf32>,
          tpu.vector_store %parallel_loop3A_303[%parallel_loop3A_304, %parallel_loop3A_305], %parallel_loop3A_298 {add = true, strides = array<i32>} : memref<16x768xf32, #tpu.memory_space<vmem>>, vector<16xf32>,
          %parallel_loop3A_307 = arith.constant 224 : i32
          %parallel_loop3A_308 = tpu.memref_slice %arg9[%parallel_loop3A_307] : memref<59136xf32, #tpu.memory_space<vmem>> -> memref<58912xf32, #tpu.memory_space<vmem>>
          %parallel_loop3A_309 = tpu.vector_load_idx %parallel_loop3A_308[%parallel_loop3A_150] : memref<58912xf32, #tpu.memory_space<vmem>>[vector<16xi32>], vector<16xf32>,
          %parallel_loop3A_310 = arith.constant 0 : i32
          %parallel_loop3A_311 = arith.constant 0 : i32
          %parallel_loop3A_312 = arith.constant 0 : i32
          %parallel_loop3A_313 = tpu.memref_slice %arg10[%parallel_loop3A_310, %parallel_loop3A_311, %parallel_loop3A_312] : memref<3x16x768xf32, #tpu.memory_space<vmem>> -> memref<1x16x768xf32, #tpu.memory_space<vmem>>
          %parallel_loop3A_314 = tpu.memref_squeeze %parallel_loop3A_313 : memref<1x16x768xf32, #tpu.memory_space<vmem>> -> memref<16x768xf32, #tpu.memory_space<vmem>>
          %parallel_loop3A_315 = arith.index_cast %parallel_loop3A_152 : i32 to index
          %parallel_loop3A_316 = arith.constant 224 : index
          %parallel_loop3A_317 = tpu.vector_load %parallel_loop3A_314[%parallel_loop3A_315, %parallel_loop3A_316] {strides = array<i32>} : memref<16x768xf32, #tpu.memory_space<vmem>>, vector<16xf32>,
          tpu.vector_store %parallel_loop3A_314[%parallel_loop3A_315, %parallel_loop3A_316], %parallel_loop3A_309 {add = true, strides = array<i32>} : memref<16x768xf32, #tpu.memory_space<vmem>>, vector<16xf32>,
          %parallel_loop3A_318 = arith.constant 240 : i32
          %parallel_loop3A_319 = tpu.memref_slice %arg9[%parallel_loop3A_318] : memref<59136xf32, #tpu.memory_space<vmem>> -> memref<58896xf32, #tpu.memory_space<vmem>>
          %parallel_loop3A_320 = tpu.vector_load_idx %parallel_loop3A_319[%parallel_loop3A_150] : memref<58896xf32, #tpu.memory_space<vmem>>[vector<16xi32>], vector<16xf32>,
          %parallel_loop3A_321 = arith.constant 0 : i32
          %parallel_loop3A_322 = arith.constant 0 : i32
          %parallel_loop3A_323 = arith.constant 0 : i32
          %parallel_loop3A_324 = tpu.memref_slice %arg10[%parallel_loop3A_321, %parallel_loop3A_322, %parallel_loop3A_323] : memref<3x16x768xf32, #tpu.memory_space<vmem>> -> memref<1x16x768xf32, #tpu.memory_space<vmem>>
          %parallel_loop3A_325 = tpu.memref_squeeze %parallel_loop3A_324 : memref<1x16x768xf32, #tpu.memory_space<vmem>> -> memref<16x768xf32, #tpu.memory_space<vmem>>
          %parallel_loop3A_326 = arith.index_cast %parallel_loop3A_152 : i32 to index
          %parallel_loop3A_327 = arith.constant 240 : index
          %parallel_loop3A_328 = tpu.vector_load %parallel_loop3A_325[%parallel_loop3A_326, %parallel_loop3A_327] {strides = array<i32>} : memref<16x768xf32, #tpu.memory_space<vmem>>, vector<16xf32>,
          tpu.vector_store %parallel_loop3A_325[%parallel_loop3A_326, %parallel_loop3A_327], %parallel_loop3A_320 {add = true, strides = array<i32>} : memref<16x768xf32, #tpu.memory_space<vmem>>, vector<16xf32>,
          %parallel_loop3A_329 = arith.constant 256 : i32
          %parallel_loop3A_330 = tpu.memref_slice %arg9[%parallel_loop3A_329] : memref<59136xf32, #tpu.memory_space<vmem>> -> memref<58880xf32, #tpu.memory_space<vmem>>
          %parallel_loop3A_331 = tpu.vector_load_idx %parallel_loop3A_330[%parallel_loop3A_150] : memref<58880xf32, #tpu.memory_space<vmem>>[vector<16xi32>], vector<16xf32>,
          %parallel_loop3A_332 = arith.constant 0 : i32
          %parallel_loop3A_333 = arith.constant 0 : i32
          %parallel_loop3A_334 = arith.constant 0 : i32
          %parallel_loop3A_335 = tpu.memref_slice %arg10[%parallel_loop3A_332, %parallel_loop3A_333, %parallel_loop3A_334] : memref<3x16x768xf32, #tpu.memory_space<vmem>> -> memref<1x16x768xf32, #tpu.memory_space<vmem>>
          %parallel_loop3A_336 = tpu.memref_squeeze %parallel_loop3A_335 : memref<1x16x768xf32, #tpu.memory_space<vmem>> -> memref<16x768xf32, #tpu.memory_space<vmem>>
          %parallel_loop3A_337 = arith.index_cast %parallel_loop3A_152 : i32 to index
          %parallel_loop3A_338 = arith.constant 256 : index
          %parallel_loop3A_339 = tpu.vector_load %parallel_loop3A_336[%parallel_loop3A_337, %parallel_loop3A_338] {strides = array<i32>} : memref<16x768xf32, #tpu.memory_space<vmem>>, vector<16xf32>,
          tpu.vector_store %parallel_loop3A_336[%parallel_loop3A_337, %parallel_loop3A_338], %parallel_loop3A_331 {add = true, strides = array<i32>} : memref<16x768xf32, #tpu.memory_space<vmem>>, vector<16xf32>,
          %parallel_loop3A_340 = arith.constant 272 : i32
          %parallel_loop3A_341 = tpu.memref_slice %arg9[%parallel_loop3A_340] : memref<59136xf32, #tpu.memory_space<vmem>> -> memref<58864xf32, #tpu.memory_space<vmem>>
          %parallel_loop3A_342 = tpu.vector_load_idx %parallel_loop3A_341[%parallel_loop3A_150] : memref<58864xf32, #tpu.memory_space<vmem>>[vector<16xi32>], vector<16xf32>,
          %parallel_loop3A_343 = arith.constant 0 : i32
          %parallel_loop3A_344 = arith.constant 0 : i32
          %parallel_loop3A_345 = arith.constant 0 : i32
          %parallel_loop3A_346 = tpu.memref_slice %arg10[%parallel_loop3A_343, %parallel_loop3A_344, %parallel_loop3A_345] : memref<3x16x768xf32, #tpu.memory_space<vmem>> -> memref<1x16x768xf32, #tpu.memory_space<vmem>>
          %parallel_loop3A_347 = tpu.memref_squeeze %parallel_loop3A_346 : memref<1x16x768xf32, #tpu.memory_space<vmem>> -> memref<16x768xf32, #tpu.memory_space<vmem>>
          %parallel_loop3A_348 = arith.index_cast %parallel_loop3A_152 : i32 to index
          %parallel_loop3A_349 = arith.constant 272 : index
          %parallel_loop3A_350 = tpu.vector_load %parallel_loop3A_347[%parallel_loop3A_348, %parallel_loop3A_349] {strides = array<i32>} : memref<16x768xf32, #tpu.memory_space<vmem>>, vector<16xf32>,
          tpu.vector_store %parallel_loop3A_347[%parallel_loop3A_348, %parallel_loop3A_349], %parallel_loop3A_342 {add = true, strides = array<i32>} : memref<16x768xf32, #tpu.memory_space<vmem>>, vector<16xf32>,
          %parallel_loop3A_351 = arith.constant 288 : i32
          %parallel_loop3A_352 = tpu.memref_slice %arg9[%parallel_loop3A_351] : memref<59136xf32, #tpu.memory_space<vmem>> -> memref<58848xf32, #tpu.memory_space<vmem>>
          %parallel_loop3A_353 = tpu.vector_load_idx %parallel_loop3A_352[%parallel_loop3A_150] : memref<58848xf32, #tpu.memory_space<vmem>>[vector<16xi32>], vector<16xf32>,
          %parallel_loop3A_354 = arith.constant 0 : i32
          %parallel_loop3A_355 = arith.constant 0 : i32
          %parallel_loop3A_356 = arith.constant 0 : i32
          %parallel_loop3A_357 = tpu.memref_slice %arg10[%parallel_loop3A_354, %parallel_loop3A_355, %parallel_loop3A_356] : memref<3x16x768xf32, #tpu.memory_space<vmem>> -> memref<1x16x768xf32, #tpu.memory_space<vmem>>
          %parallel_loop3A_358 = tpu.memref_squeeze %parallel_loop3A_357 : memref<1x16x768xf32, #tpu.memory_space<vmem>> -> memref<16x768xf32, #tpu.memory_space<vmem>>
          %parallel_loop3A_359 = arith.index_cast %parallel_loop3A_152 : i32 to index
          %parallel_loop3A_360 = arith.constant 288 : index
          %parallel_loop3A_361 = tpu.vector_load %parallel_loop3A_358[%parallel_loop3A_359, %parallel_loop3A_360] {strides = array<i32>} : memref<16x768xf32, #tpu.memory_space<vmem>>, vector<16xf32>,
          tpu.vector_store %parallel_loop3A_358[%parallel_loop3A_359, %parallel_loop3A_360], %parallel_loop3A_353 {add = true, strides = array<i32>} : memref<16x768xf32, #tpu.memory_space<vmem>>, vector<16xf32>,
          %parallel_loop3A_362 = arith.constant 304 : i32
          %parallel_loop3A_363 = tpu.memref_slice %arg9[%parallel_loop3A_362] : memref<59136xf32, #tpu.memory_space<vmem>> -> memref<58832xf32, #tpu.memory_space<vmem>>
          %parallel_loop3A_364 = tpu.vector_load_idx %parallel_loop3A_363[%parallel_loop3A_150] : memref<58832xf32, #tpu.memory_space<vmem>>[vector<16xi32>], vector<16xf32>,
          %parallel_loop3A_365 = arith.constant 0 : i32
          %parallel_loop3A_366 = arith.constant 0 : i32
          %parallel_loop3A_367 = arith.constant 0 : i32
          %parallel_loop3A_368 = tpu.memref_slice %arg10[%parallel_loop3A_365, %parallel_loop3A_366, %parallel_loop3A_367] : memref<3x16x768xf32, #tpu.memory_space<vmem>> -> memref<1x16x768xf32, #tpu.memory_space<vmem>>
          %parallel_loop3A_369 = tpu.memref_squeeze %parallel_loop3A_368 : memref<1x16x768xf32, #tpu.memory_space<vmem>> -> memref<16x768xf32, #tpu.memory_space<vmem>>
          %parallel_loop3A_370 = arith.index_cast %parallel_loop3A_152 : i32 to index
          %parallel_loop3A_371 = arith.constant 304 : index
          %parallel_loop3A_372 = tpu.vector_load %parallel_loop3A_369[%parallel_loop3A_370, %parallel_loop3A_371] {strides = array<i32>} : memref<16x768xf32, #tpu.memory_space<vmem>>, vector<16xf32>,
          tpu.vector_store %parallel_loop3A_369[%parallel_loop3A_370, %parallel_loop3A_371], %parallel_loop3A_364 {add = true, strides = array<i32>} : memref<16x768xf32, #tpu.memory_space<vmem>>, vector<16xf32>,
          %parallel_loop3A_373 = arith.constant 320 : i32
          %parallel_loop3A_374 = tpu.memref_slice %arg9[%parallel_loop3A_373] : memref<59136xf32, #tpu.memory_space<vmem>> -> memref<58816xf32, #tpu.memory_space<vmem>>
          %parallel_loop3A_375 = tpu.vector_load_idx %parallel_loop3A_374[%parallel_loop3A_150] : memref<58816xf32, #tpu.memory_space<vmem>>[vector<16xi32>], vector<16xf32>,
          %parallel_loop3A_376 = arith.constant 0 : i32
          %parallel_loop3A_377 = arith.constant 0 : i32
          %parallel_loop3A_378 = arith.constant 0 : i32
          %parallel_loop3A_379 = tpu.memref_slice %arg10[%parallel_loop3A_376, %parallel_loop3A_377, %parallel_loop3A_378] : memref<3x16x768xf32, #tpu.memory_space<vmem>> -> memref<1x16x768xf32, #tpu.memory_space<vmem>>
          %parallel_loop3A_380 = tpu.memref_squeeze %parallel_loop3A_379 : memref<1x16x768xf32, #tpu.memory_space<vmem>> -> memref<16x768xf32, #tpu.memory_space<vmem>>
          %parallel_loop3A_381 = arith.index_cast %parallel_loop3A_152 : i32 to index
          %parallel_loop3A_382 = arith.constant 320 : index
          %parallel_loop3A_383 = tpu.vector_load %parallel_loop3A_380[%parallel_loop3A_381, %parallel_loop3A_382] {strides = array<i32>} : memref<16x768xf32, #tpu.memory_space<vmem>>, vector<16xf32>,
          tpu.vector_store %parallel_loop3A_380[%parallel_loop3A_381, %parallel_loop3A_382], %parallel_loop3A_375 {add = true, strides = array<i32>} : memref<16x768xf32, #tpu.memory_space<vmem>>, vector<16xf32>,
          %parallel_loop3A_384 = arith.constant 336 : i32
          %parallel_loop3A_385 = tpu.memref_slice %arg9[%parallel_loop3A_384] : memref<59136xf32, #tpu.memory_space<vmem>> -> memref<58800xf32, #tpu.memory_space<vmem>>
          %parallel_loop3A_386 = tpu.vector_load_idx %parallel_loop3A_385[%parallel_loop3A_150] : memref<58800xf32, #tpu.memory_space<vmem>>[vector<16xi32>], vector<16xf32>,
          %parallel_loop3A_387 = arith.constant 0 : i32
          %parallel_loop3A_388 = arith.constant 0 : i32
          %parallel_loop3A_389 = arith.constant 0 : i32
          %parallel_loop3A_390 = tpu.memref_slice %arg10[%parallel_loop3A_387, %parallel_loop3A_388, %parallel_loop3A_389] : memref<3x16x768xf32, #tpu.memory_space<vmem>> -> memref<1x16x768xf32, #tpu.memory_space<vmem>>
          %parallel_loop3A_391 = tpu.memref_squeeze %parallel_loop3A_390 : memref<1x16x768xf32, #tpu.memory_space<vmem>> -> memref<16x768xf32, #tpu.memory_space<vmem>>
          %parallel_loop3A_392 = arith.index_cast %parallel_loop3A_152 : i32 to index
          %parallel_loop3A_393 = arith.constant 336 : index
          %parallel_loop3A_394 = tpu.vector_load %parallel_loop3A_391[%parallel_loop3A_392, %parallel_loop3A_393] {strides = array<i32>} : memref<16x768xf32, #tpu.memory_space<vmem>>, vector<16xf32>,
          tpu.vector_store %parallel_loop3A_391[%parallel_loop3A_392, %parallel_loop3A_393], %parallel_loop3A_386 {add = true, strides = array<i32>} : memref<16x768xf32, #tpu.memory_space<vmem>>, vector<16xf32>,
          %parallel_loop3A_395 = arith.constant 352 : i32
          %parallel_loop3A_396 = tpu.memref_slice %arg9[%parallel_loop3A_395] : memref<59136xf32, #tpu.memory_space<vmem>> -> memref<58784xf32, #tpu.memory_space<vmem>>
          %parallel_loop3A_397 = tpu.vector_load_idx %parallel_loop3A_396[%parallel_loop3A_150] : memref<58784xf32, #tpu.memory_space<vmem>>[vector<16xi32>], vector<16xf32>,
          %parallel_loop3A_398 = arith.constant 0 : i32
          %parallel_loop3A_399 = arith.constant 0 : i32
          %parallel_loop3A_400 = arith.constant 0 : i32
          %parallel_loop3A_401 = tpu.memref_slice %arg10[%parallel_loop3A_398, %parallel_loop3A_399, %parallel_loop3A_400] : memref<3x16x768xf32, #tpu.memory_space<vmem>> -> memref<1x16x768xf32, #tpu.memory_space<vmem>>
          %parallel_loop3A_402 = tpu.memref_squeeze %parallel_loop3A_401 : memref<1x16x768xf32, #tpu.memory_space<vmem>> -> memref<16x768xf32, #tpu.memory_space<vmem>>
          %parallel_loop3A_403 = arith.index_cast %parallel_loop3A_152 : i32 to index
          %parallel_loop3A_404 = arith.constant 352 : index
          %parallel_loop3A_405 = tpu.vector_load %parallel_loop3A_402[%parallel_loop3A_403, %parallel_loop3A_404] {strides = array<i32>} : memref<16x768xf32, #tpu.memory_space<vmem>>, vector<16xf32>,
          tpu.vector_store %parallel_loop3A_402[%parallel_loop3A_403, %parallel_loop3A_404], %parallel_loop3A_397 {add = true, strides = array<i32>} : memref<16x768xf32, #tpu.memory_space<vmem>>, vector<16xf32>,
          %parallel_loop3A_406 = arith.constant 368 : i32
          %parallel_loop3A_407 = tpu.memref_slice %arg9[%parallel_loop3A_406] : memref<59136xf32, #tpu.memory_space<vmem>> -> memref<58768xf32, #tpu.memory_space<vmem>>
          %parallel_loop3A_408 = tpu.vector_load_idx %parallel_loop3A_407[%parallel_loop3A_150] : memref<58768xf32, #tpu.memory_space<vmem>>[vector<16xi32>], vector<16xf32>,
          %parallel_loop3A_409 = arith.constant 0 : i32
          %parallel_loop3A_410 = arith.constant 0 : i32
          %parallel_loop3A_411 = arith.constant 0 : i32
          %parallel_loop3A_412 = tpu.memref_slice %arg10[%parallel_loop3A_409, %parallel_loop3A_410, %parallel_loop3A_411] : memref<3x16x768xf32, #tpu.memory_space<vmem>> -> memref<1x16x768xf32, #tpu.memory_space<vmem>>
          %parallel_loop3A_413 = tpu.memref_squeeze %parallel_loop3A_412 : memref<1x16x768xf32, #tpu.memory_space<vmem>> -> memref<16x768xf32, #tpu.memory_space<vmem>>
          %parallel_loop3A_414 = arith.index_cast %parallel_loop3A_152 : i32 to index
          %parallel_loop3A_415 = arith.constant 368 : index
          %parallel_loop3A_416 = tpu.vector_load %parallel_loop3A_413[%parallel_loop3A_414, %parallel_loop3A_415] {strides = array<i32>} : memref<16x768xf32, #tpu.memory_space<vmem>>, vector<16xf32>,
          tpu.vector_store %parallel_loop3A_413[%parallel_loop3A_414, %parallel_loop3A_415], %parallel_loop3A_408 {add = true, strides = array<i32>} : memref<16x768xf32, #tpu.memory_space<vmem>>, vector<16xf32>,
          %parallel_loop3A_417 = arith.constant 384 : i32
          %parallel_loop3A_418 = tpu.memref_slice %arg9[%parallel_loop3A_417] : memref<59136xf32, #tpu.memory_space<vmem>> -> memref<58752xf32, #tpu.memory_space<vmem>>
          %parallel_loop3A_419 = tpu.vector_load_idx %parallel_loop3A_418[%parallel_loop3A_150] : memref<58752xf32, #tpu.memory_space<vmem>>[vector<16xi32>], vector<16xf32>,
          %parallel_loop3A_420 = arith.constant 0 : i32
          %parallel_loop3A_421 = arith.constant 0 : i32
          %parallel_loop3A_422 = arith.constant 0 : i32
          %parallel_loop3A_423 = tpu.memref_slice %arg10[%parallel_loop3A_420, %parallel_loop3A_421, %parallel_loop3A_422] : memref<3x16x768xf32, #tpu.memory_space<vmem>> -> memref<1x16x768xf32, #tpu.memory_space<vmem>>
          %parallel_loop3A_424 = tpu.memref_squeeze %parallel_loop3A_423 : memref<1x16x768xf32, #tpu.memory_space<vmem>> -> memref<16x768xf32, #tpu.memory_space<vmem>>
          %parallel_loop3A_425 = arith.index_cast %parallel_loop3A_152 : i32 to index
          %parallel_loop3A_426 = arith.constant 384 : index
          %parallel_loop3A_427 = tpu.vector_load %parallel_loop3A_424[%parallel_loop3A_425, %parallel_loop3A_426] {strides = array<i32>} : memref<16x768xf32, #tpu.memory_space<vmem>>, vector<16xf32>,
          tpu.vector_store %parallel_loop3A_424[%parallel_loop3A_425, %parallel_loop3A_426], %parallel_loop3A_419 {add = true, strides = array<i32>} : memref<16x768xf32, #tpu.memory_space<vmem>>, vector<16xf32>,
          %parallel_loop3A_428 = arith.constant 400 : i32
          %parallel_loop3A_429 = tpu.memref_slice %arg9[%parallel_loop3A_428] : memref<59136xf32, #tpu.memory_space<vmem>> -> memref<58736xf32, #tpu.memory_space<vmem>>
          %parallel_loop3A_430 = tpu.vector_load_idx %parallel_loop3A_429[%parallel_loop3A_150] : memref<58736xf32, #tpu.memory_space<vmem>>[vector<16xi32>], vector<16xf32>,
          %parallel_loop3A_431 = arith.constant 0 : i32
          %parallel_loop3A_432 = arith.constant 0 : i32
          %parallel_loop3A_433 = arith.constant 0 : i32
          %parallel_loop3A_434 = tpu.memref_slice %arg10[%parallel_loop3A_431, %parallel_loop3A_432, %parallel_loop3A_433] : memref<3x16x768xf32, #tpu.memory_space<vmem>> -> memref<1x16x768xf32, #tpu.memory_space<vmem>>
          %parallel_loop3A_435 = tpu.memref_squeeze %parallel_loop3A_434 : memref<1x16x768xf32, #tpu.memory_space<vmem>> -> memref<16x768xf32, #tpu.memory_space<vmem>>
          %parallel_loop3A_436 = arith.index_cast %parallel_loop3A_152 : i32 to index
          %parallel_loop3A_437 = arith.constant 400 : index
          %parallel_loop3A_438 = tpu.vector_load %parallel_loop3A_435[%parallel_loop3A_436, %parallel_loop3A_437] {strides = array<i32>} : memref<16x768xf32, #tpu.memory_space<vmem>>, vector<16xf32>,
          tpu.vector_store %parallel_loop3A_435[%parallel_loop3A_436, %parallel_loop3A_437], %parallel_loop3A_430 {add = true, strides = array<i32>} : memref<16x768xf32, #tpu.memory_space<vmem>>, vector<16xf32>,
          %parallel_loop3A_439 = arith.constant 416 : i32
          %parallel_loop3A_440 = tpu.memref_slice %arg9[%parallel_loop3A_439] : memref<59136xf32, #tpu.memory_space<vmem>> -> memref<58720xf32, #tpu.memory_space<vmem>>
          %parallel_loop3A_441 = tpu.vector_load_idx %parallel_loop3A_440[%parallel_loop3A_150] : memref<58720xf32, #tpu.memory_space<vmem>>[vector<16xi32>], vector<16xf32>,
          %parallel_loop3A_442 = arith.constant 0 : i32
          %parallel_loop3A_443 = arith.constant 0 : i32
          %parallel_loop3A_444 = arith.constant 0 : i32
          %parallel_loop3A_445 = tpu.memref_slice %arg10[%parallel_loop3A_442, %parallel_loop3A_443, %parallel_loop3A_444] : memref<3x16x768xf32, #tpu.memory_space<vmem>> -> memref<1x16x768xf32, #tpu.memory_space<vmem>>
          %parallel_loop3A_446 = tpu.memref_squeeze %parallel_loop3A_445 : memref<1x16x768xf32, #tpu.memory_space<vmem>> -> memref<16x768xf32, #tpu.memory_space<vmem>>
          %parallel_loop3A_447 = arith.index_cast %parallel_loop3A_152 : i32 to index
          %parallel_loop3A_448 = arith.constant 416 : index
          %parallel_loop3A_449 = tpu.vector_load %parallel_loop3A_446[%parallel_loop3A_447, %parallel_loop3A_448] {strides = array<i32>} : memref<16x768xf32, #tpu.memory_space<vmem>>, vector<16xf32>,
          tpu.vector_store %parallel_loop3A_446[%parallel_loop3A_447, %parallel_loop3A_448], %parallel_loop3A_441 {add = true, strides = array<i32>} : memref<16x768xf32, #tpu.memory_space<vmem>>, vector<16xf32>,
          %parallel_loop3A_450 = arith.constant 432 : i32
          %parallel_loop3A_451 = tpu.memref_slice %arg9[%parallel_loop3A_450] : memref<59136xf32, #tpu.memory_space<vmem>> -> memref<58704xf32, #tpu.memory_space<vmem>>
          %parallel_loop3A_452 = tpu.vector_load_idx %parallel_loop3A_451[%parallel_loop3A_150] : memref<58704xf32, #tpu.memory_space<vmem>>[vector<16xi32>], vector<16xf32>,
          %parallel_loop3A_453 = arith.constant 0 : i32
          %parallel_loop3A_454 = arith.constant 0 : i32
          %parallel_loop3A_455 = arith.constant 0 : i32
          %parallel_loop3A_456 = tpu.memref_slice %arg10[%parallel_loop3A_453, %parallel_loop3A_454, %parallel_loop3A_455] : memref<3x16x768xf32, #tpu.memory_space<vmem>> -> memref<1x16x768xf32, #tpu.memory_space<vmem>>
          %parallel_loop3A_457 = tpu.memref_squeeze %parallel_loop3A_456 : memref<1x16x768xf32, #tpu.memory_space<vmem>> -> memref<16x768xf32, #tpu.memory_space<vmem>>
          %parallel_loop3A_458 = arith.index_cast %parallel_loop3A_152 : i32 to index
          %parallel_loop3A_459 = arith.constant 432 : index
          %parallel_loop3A_460 = tpu.vector_load %parallel_loop3A_457[%parallel_loop3A_458, %parallel_loop3A_459] {strides = array<i32>} : memref<16x768xf32, #tpu.memory_space<vmem>>, vector<16xf32>,
          tpu.vector_store %parallel_loop3A_457[%parallel_loop3A_458, %parallel_loop3A_459], %parallel_loop3A_452 {add = true, strides = array<i32>} : memref<16x768xf32, #tpu.memory_space<vmem>>, vector<16xf32>,
          %parallel_loop3A_461 = arith.constant 448 : i32
          %parallel_loop3A_462 = tpu.memref_slice %arg9[%parallel_loop3A_461] : memref<59136xf32, #tpu.memory_space<vmem>> -> memref<58688xf32, #tpu.memory_space<vmem>>
          %parallel_loop3A_463 = tpu.vector_load_idx %parallel_loop3A_462[%parallel_loop3A_150] : memref<58688xf32, #tpu.memory_space<vmem>>[vector<16xi32>], vector<16xf32>,
          %parallel_loop3A_464 = arith.constant 0 : i32
          %parallel_loop3A_465 = arith.constant 0 : i32
          %parallel_loop3A_466 = arith.constant 0 : i32
          %parallel_loop3A_467 = tpu.memref_slice %arg10[%parallel_loop3A_464, %parallel_loop3A_465, %parallel_loop3A_466] : memref<3x16x768xf32, #tpu.memory_space<vmem>> -> memref<1x16x768xf32, #tpu.memory_space<vmem>>
          %parallel_loop3A_468 = tpu.memref_squeeze %parallel_loop3A_467 : memref<1x16x768xf32, #tpu.memory_space<vmem>> -> memref<16x768xf32, #tpu.memory_space<vmem>>
          %parallel_loop3A_469 = arith.index_cast %parallel_loop3A_152 : i32 to index
          %parallel_loop3A_470 = arith.constant 448 : index
          %parallel_loop3A_471 = tpu.vector_load %parallel_loop3A_468[%parallel_loop3A_469, %parallel_loop3A_470] {strides = array<i32>} : memref<16x768xf32, #tpu.memory_space<vmem>>, vector<16xf32>,
          tpu.vector_store %parallel_loop3A_468[%parallel_loop3A_469, %parallel_loop3A_470], %parallel_loop3A_463 {add = true, strides = array<i32>} : memref<16x768xf32, #tpu.memory_space<vmem>>, vector<16xf32>,
          %parallel_loop3A_472 = arith.constant 464 : i32
          %parallel_loop3A_473 = tpu.memref_slice %arg9[%parallel_loop3A_472] : memref<59136xf32, #tpu.memory_space<vmem>> -> memref<58672xf32, #tpu.memory_space<vmem>>
          %parallel_loop3A_474 = tpu.vector_load_idx %parallel_loop3A_473[%parallel_loop3A_150] : memref<58672xf32, #tpu.memory_space<vmem>>[vector<16xi32>], vector<16xf32>,
          %parallel_loop3A_475 = arith.constant 0 : i32
          %parallel_loop3A_476 = arith.constant 0 : i32
          %parallel_loop3A_477 = arith.constant 0 : i32
          %parallel_loop3A_478 = tpu.memref_slice %arg10[%parallel_loop3A_475, %parallel_loop3A_476, %parallel_loop3A_477] : memref<3x16x768xf32, #tpu.memory_space<vmem>> -> memref<1x16x768xf32, #tpu.memory_space<vmem>>
          %parallel_loop3A_479 = tpu.memref_squeeze %parallel_loop3A_478 : memref<1x16x768xf32, #tpu.memory_space<vmem>> -> memref<16x768xf32, #tpu.memory_space<vmem>>
          %parallel_loop3A_480 = arith.index_cast %parallel_loop3A_152 : i32 to index
          %parallel_loop3A_481 = arith.constant 464 : index
          %parallel_loop3A_482 = tpu.vector_load %parallel_loop3A_479[%parallel_loop3A_480, %parallel_loop3A_481] {strides = array<i32>} : memref<16x768xf32, #tpu.memory_space<vmem>>, vector<16xf32>,
          tpu.vector_store %parallel_loop3A_479[%parallel_loop3A_480, %parallel_loop3A_481], %parallel_loop3A_474 {add = true, strides = array<i32>} : memref<16x768xf32, #tpu.memory_space<vmem>>, vector<16xf32>,
          %parallel_loop3A_483 = arith.constant 480 : i32
          %parallel_loop3A_484 = tpu.memref_slice %arg9[%parallel_loop3A_483] : memref<59136xf32, #tpu.memory_space<vmem>> -> memref<58656xf32, #tpu.memory_space<vmem>>
          %parallel_loop3A_485 = tpu.vector_load_idx %parallel_loop3A_484[%parallel_loop3A_150] : memref<58656xf32, #tpu.memory_space<vmem>>[vector<16xi32>], vector<16xf32>,
          %parallel_loop3A_486 = arith.constant 0 : i32
          %parallel_loop3A_487 = arith.constant 0 : i32
          %parallel_loop3A_488 = arith.constant 0 : i32
          %parallel_loop3A_489 = tpu.memref_slice %arg10[%parallel_loop3A_486, %parallel_loop3A_487, %parallel_loop3A_488] : memref<3x16x768xf32, #tpu.memory_space<vmem>> -> memref<1x16x768xf32, #tpu.memory_space<vmem>>
          %parallel_loop3A_490 = tpu.memref_squeeze %parallel_loop3A_489 : memref<1x16x768xf32, #tpu.memory_space<vmem>> -> memref<16x768xf32, #tpu.memory_space<vmem>>
          %parallel_loop3A_491 = arith.index_cast %parallel_loop3A_152 : i32 to index
          %parallel_loop3A_492 = arith.constant 480 : index
          %parallel_loop3A_493 = tpu.vector_load %parallel_loop3A_490[%parallel_loop3A_491, %parallel_loop3A_492] {strides = array<i32>} : memref<16x768xf32, #tpu.memory_space<vmem>>, vector<16xf32>,
          tpu.vector_store %parallel_loop3A_490[%parallel_loop3A_491, %parallel_loop3A_492], %parallel_loop3A_485 {add = true, strides = array<i32>} : memref<16x768xf32, #tpu.memory_space<vmem>>, vector<16xf32>,
          %parallel_loop3A_494 = arith.constant 496 : i32
          %parallel_loop3A_495 = tpu.memref_slice %arg9[%parallel_loop3A_494] : memref<59136xf32, #tpu.memory_space<vmem>> -> memref<58640xf32, #tpu.memory_space<vmem>>
          %parallel_loop3A_496 = tpu.vector_load_idx %parallel_loop3A_495[%parallel_loop3A_150] : memref<58640xf32, #tpu.memory_space<vmem>>[vector<16xi32>], vector<16xf32>,
          %parallel_loop3A_497 = arith.constant 0 : i32
          %parallel_loop3A_498 = arith.constant 0 : i32
          %parallel_loop3A_499 = arith.constant 0 : i32
          %parallel_loop3A_500 = tpu.memref_slice %arg10[%parallel_loop3A_497, %parallel_loop3A_498, %parallel_loop3A_499] : memref<3x16x768xf32, #tpu.memory_space<vmem>> -> memref<1x16x768xf32, #tpu.memory_space<vmem>>
          %parallel_loop3A_501 = tpu.memref_squeeze %parallel_loop3A_500 : memref<1x16x768xf32, #tpu.memory_space<vmem>> -> memref<16x768xf32, #tpu.memory_space<vmem>>
          %parallel_loop3A_502 = arith.index_cast %parallel_loop3A_152 : i32 to index
          %parallel_loop3A_503 = arith.constant 496 : index
          %parallel_loop3A_504 = tpu.vector_load %parallel_loop3A_501[%parallel_loop3A_502, %parallel_loop3A_503] {strides = array<i32>} : memref<16x768xf32, #tpu.memory_space<vmem>>, vector<16xf32>,
          tpu.vector_store %parallel_loop3A_501[%parallel_loop3A_502, %parallel_loop3A_503], %parallel_loop3A_496 {add = true, strides = array<i32>} : memref<16x768xf32, #tpu.memory_space<vmem>>, vector<16xf32>,
          %parallel_loop3A_505 = arith.constant 512 : i32
          %parallel_loop3A_506 = tpu.memref_slice %arg9[%parallel_loop3A_505] : memref<59136xf32, #tpu.memory_space<vmem>> -> memref<58624xf32, #tpu.memory_space<vmem>>
          %parallel_loop3A_507 = tpu.vector_load_idx %parallel_loop3A_506[%parallel_loop3A_150] : memref<58624xf32, #tpu.memory_space<vmem>>[vector<16xi32>], vector<16xf32>,
          %parallel_loop3A_508 = arith.constant 0 : i32
          %parallel_loop3A_509 = arith.constant 0 : i32
          %parallel_loop3A_510 = arith.constant 0 : i32
          %parallel_loop3A_511 = tpu.memref_slice %arg10[%parallel_loop3A_508, %parallel_loop3A_509, %parallel_loop3A_510] : memref<3x16x768xf32, #tpu.memory_space<vmem>> -> memref<1x16x768xf32, #tpu.memory_space<vmem>>
          %parallel_loop3A_512 = tpu.memref_squeeze %parallel_loop3A_511 : memref<1x16x768xf32, #tpu.memory_space<vmem>> -> memref<16x768xf32, #tpu.memory_space<vmem>>
          %parallel_loop3A_513 = arith.index_cast %parallel_loop3A_152 : i32 to index
          %parallel_loop3A_514 = arith.constant 512 : index
          %parallel_loop3A_515 = tpu.vector_load %parallel_loop3A_512[%parallel_loop3A_513, %parallel_loop3A_514] {strides = array<i32>} : memref<16x768xf32, #tpu.memory_space<vmem>>, vector<16xf32>,
          tpu.vector_store %parallel_loop3A_512[%parallel_loop3A_513, %parallel_loop3A_514], %parallel_loop3A_507 {add = true, strides = array<i32>} : memref<16x768xf32, #tpu.memory_space<vmem>>, vector<16xf32>,
          %parallel_loop3A_516 = arith.constant 528 : i32
          %parallel_loop3A_517 = tpu.memref_slice %arg9[%parallel_loop3A_516] : memref<59136xf32, #tpu.memory_space<vmem>> -> memref<58608xf32, #tpu.memory_space<vmem>>
          %parallel_loop3A_518 = tpu.vector_load_idx %parallel_loop3A_517[%parallel_loop3A_150] : memref<58608xf32, #tpu.memory_space<vmem>>[vector<16xi32>], vector<16xf32>,
          %parallel_loop3A_519 = arith.constant 0 : i32
          %parallel_loop3A_520 = arith.constant 0 : i32
          %parallel_loop3A_521 = arith.constant 0 : i32
          %parallel_loop3A_522 = tpu.memref_slice %arg10[%parallel_loop3A_519, %parallel_loop3A_520, %parallel_loop3A_521] : memref<3x16x768xf32, #tpu.memory_space<vmem>> -> memref<1x16x768xf32, #tpu.memory_space<vmem>>
          %parallel_loop3A_523 = tpu.memref_squeeze %parallel_loop3A_522 : memref<1x16x768xf32, #tpu.memory_space<vmem>> -> memref<16x768xf32, #tpu.memory_space<vmem>>
          %parallel_loop3A_524 = arith.index_cast %parallel_loop3A_152 : i32 to index
          %parallel_loop3A_525 = arith.constant 528 : index
          %parallel_loop3A_526 = tpu.vector_load %parallel_loop3A_523[%parallel_loop3A_524, %parallel_loop3A_525] {strides = array<i32>} : memref<16x768xf32, #tpu.memory_space<vmem>>, vector<16xf32>,
          tpu.vector_store %parallel_loop3A_523[%parallel_loop3A_524, %parallel_loop3A_525], %parallel_loop3A_518 {add = true, strides = array<i32>} : memref<16x768xf32, #tpu.memory_space<vmem>>, vector<16xf32>,
          %parallel_loop3A_527 = arith.constant 544 : i32
          %parallel_loop3A_528 = tpu.memref_slice %arg9[%parallel_loop3A_527] : memref<59136xf32, #tpu.memory_space<vmem>> -> memref<58592xf32, #tpu.memory_space<vmem>>
          %parallel_loop3A_529 = tpu.vector_load_idx %parallel_loop3A_528[%parallel_loop3A_150] : memref<58592xf32, #tpu.memory_space<vmem>>[vector<16xi32>], vector<16xf32>,
          %parallel_loop3A_530 = arith.constant 0 : i32
          %parallel_loop3A_531 = arith.constant 0 : i32
          %parallel_loop3A_532 = arith.constant 0 : i32
          %parallel_loop3A_533 = tpu.memref_slice %arg10[%parallel_loop3A_530, %parallel_loop3A_531, %parallel_loop3A_532] : memref<3x16x768xf32, #tpu.memory_space<vmem>> -> memref<1x16x768xf32, #tpu.memory_space<vmem>>
          %parallel_loop3A_534 = tpu.memref_squeeze %parallel_loop3A_533 : memref<1x16x768xf32, #tpu.memory_space<vmem>> -> memref<16x768xf32, #tpu.memory_space<vmem>>
          %parallel_loop3A_535 = arith.index_cast %parallel_loop3A_152 : i32 to index
          %parallel_loop3A_536 = arith.constant 544 : index
          %parallel_loop3A_537 = tpu.vector_load %parallel_loop3A_534[%parallel_loop3A_535, %parallel_loop3A_536] {strides = array<i32>} : memref<16x768xf32, #tpu.memory_space<vmem>>, vector<16xf32>,
          tpu.vector_store %parallel_loop3A_534[%parallel_loop3A_535, %parallel_loop3A_536], %parallel_loop3A_529 {add = true, strides = array<i32>} : memref<16x768xf32, #tpu.memory_space<vmem>>, vector<16xf32>,
          %parallel_loop3A_538 = arith.constant 560 : i32
          %parallel_loop3A_539 = tpu.memref_slice %arg9[%parallel_loop3A_538] : memref<59136xf32, #tpu.memory_space<vmem>> -> memref<58576xf32, #tpu.memory_space<vmem>>
          %parallel_loop3A_540 = tpu.vector_load_idx %parallel_loop3A_539[%parallel_loop3A_150] : memref<58576xf32, #tpu.memory_space<vmem>>[vector<16xi32>], vector<16xf32>,
          %parallel_loop3A_541 = arith.constant 0 : i32
          %parallel_loop3A_542 = arith.constant 0 : i32
          %parallel_loop3A_543 = arith.constant 0 : i32
          %parallel_loop3A_544 = tpu.memref_slice %arg10[%parallel_loop3A_541, %parallel_loop3A_542, %parallel_loop3A_543] : memref<3x16x768xf32, #tpu.memory_space<vmem>> -> memref<1x16x768xf32, #tpu.memory_space<vmem>>
          %parallel_loop3A_545 = tpu.memref_squeeze %parallel_loop3A_544 : memref<1x16x768xf32, #tpu.memory_space<vmem>> -> memref<16x768xf32, #tpu.memory_space<vmem>>
          %parallel_loop3A_546 = arith.index_cast %parallel_loop3A_152 : i32 to index
          %parallel_loop3A_547 = arith.constant 560 : index
          %parallel_loop3A_548 = tpu.vector_load %parallel_loop3A_545[%parallel_loop3A_546, %parallel_loop3A_547] {strides = array<i32>} : memref<16x768xf32, #tpu.memory_space<vmem>>, vector<16xf32>,
          tpu.vector_store %parallel_loop3A_545[%parallel_loop3A_546, %parallel_loop3A_547], %parallel_loop3A_540 {add = true, strides = array<i32>} : memref<16x768xf32, #tpu.memory_space<vmem>>, vector<16xf32>,
          %parallel_loop3A_549 = arith.constant 576 : i32
          %parallel_loop3A_550 = tpu.memref_slice %arg9[%parallel_loop3A_549] : memref<59136xf32, #tpu.memory_space<vmem>> -> memref<58560xf32, #tpu.memory_space<vmem>>
          %parallel_loop3A_551 = tpu.vector_load_idx %parallel_loop3A_550[%parallel_loop3A_150] : memref<58560xf32, #tpu.memory_space<vmem>>[vector<16xi32>], vector<16xf32>,
          %parallel_loop3A_552 = arith.constant 0 : i32
          %parallel_loop3A_553 = arith.constant 0 : i32
          %parallel_loop3A_554 = arith.constant 0 : i32
          %parallel_loop3A_555 = tpu.memref_slice %arg10[%parallel_loop3A_552, %parallel_loop3A_553, %parallel_loop3A_554] : memref<3x16x768xf32, #tpu.memory_space<vmem>> -> memref<1x16x768xf32, #tpu.memory_space<vmem>>
          %parallel_loop3A_556 = tpu.memref_squeeze %parallel_loop3A_555 : memref<1x16x768xf32, #tpu.memory_space<vmem>> -> memref<16x768xf32, #tpu.memory_space<vmem>>
          %parallel_loop3A_557 = arith.index_cast %parallel_loop3A_152 : i32 to index
          %parallel_loop3A_558 = arith.constant 576 : index
          %parallel_loop3A_559 = tpu.vector_load %parallel_loop3A_556[%parallel_loop3A_557, %parallel_loop3A_558] {strides = array<i32>} : memref<16x768xf32, #tpu.memory_space<vmem>>, vector<16xf32>,
          tpu.vector_store %parallel_loop3A_556[%parallel_loop3A_557, %parallel_loop3A_558], %parallel_loop3A_551 {add = true, strides = array<i32>} : memref<16x768xf32, #tpu.memory_space<vmem>>, vector<16xf32>,
          %parallel_loop3A_560 = arith.constant 592 : i32
          %parallel_loop3A_561 = tpu.memref_slice %arg9[%parallel_loop3A_560] : memref<59136xf32, #tpu.memory_space<vmem>> -> memref<58544xf32, #tpu.memory_space<vmem>>
          %parallel_loop3A_562 = tpu.vector_load_idx %parallel_loop3A_561[%parallel_loop3A_150] : memref<58544xf32, #tpu.memory_space<vmem>>[vector<16xi32>], vector<16xf32>,
          %parallel_loop3A_563 = arith.constant 0 : i32
          %parallel_loop3A_564 = arith.constant 0 : i32
          %parallel_loop3A_565 = arith.constant 0 : i32
          %parallel_loop3A_566 = tpu.memref_slice %arg10[%parallel_loop3A_563, %parallel_loop3A_564, %parallel_loop3A_565] : memref<3x16x768xf32, #tpu.memory_space<vmem>> -> memref<1x16x768xf32, #tpu.memory_space<vmem>>
          %parallel_loop3A_567 = tpu.memref_squeeze %parallel_loop3A_566 : memref<1x16x768xf32, #tpu.memory_space<vmem>> -> memref<16x768xf32, #tpu.memory_space<vmem>>
          %parallel_loop3A_568 = arith.index_cast %parallel_loop3A_152 : i32 to index
          %parallel_loop3A_569 = arith.constant 592 : index
          %parallel_loop3A_570 = tpu.vector_load %parallel_loop3A_567[%parallel_loop3A_568, %parallel_loop3A_569] {strides = array<i32>} : memref<16x768xf32, #tpu.memory_space<vmem>>, vector<16xf32>,
          tpu.vector_store %parallel_loop3A_567[%parallel_loop3A_568, %parallel_loop3A_569], %parallel_loop3A_562 {add = true, strides = array<i32>} : memref<16x768xf32, #tpu.memory_space<vmem>>, vector<16xf32>,
          %parallel_loop3A_571 = arith.constant 608 : i32
          %parallel_loop3A_572 = tpu.memref_slice %arg9[%parallel_loop3A_571] : memref<59136xf32, #tpu.memory_space<vmem>> -> memref<58528xf32, #tpu.memory_space<vmem>>
          %parallel_loop3A_573 = tpu.vector_load_idx %parallel_loop3A_572[%parallel_loop3A_150] : memref<58528xf32, #tpu.memory_space<vmem>>[vector<16xi32>], vector<16xf32>,
          %parallel_loop3A_574 = arith.constant 0 : i32
          %parallel_loop3A_575 = arith.constant 0 : i32
          %parallel_loop3A_576 = arith.constant 0 : i32
          %parallel_loop3A_577 = tpu.memref_slice %arg10[%parallel_loop3A_574, %parallel_loop3A_575, %parallel_loop3A_576] : memref<3x16x768xf32, #tpu.memory_space<vmem>> -> memref<1x16x768xf32, #tpu.memory_space<vmem>>
          %parallel_loop3A_578 = tpu.memref_squeeze %parallel_loop3A_577 : memref<1x16x768xf32, #tpu.memory_space<vmem>> -> memref<16x768xf32, #tpu.memory_space<vmem>>
          %parallel_loop3A_579 = arith.index_cast %parallel_loop3A_152 : i32 to index
          %parallel_loop3A_580 = arith.constant 608 : index
          %parallel_loop3A_581 = tpu.vector_load %parallel_loop3A_578[%parallel_loop3A_579, %parallel_loop3A_580] {strides = array<i32>} : memref<16x768xf32, #tpu.memory_space<vmem>>, vector<16xf32>,
          tpu.vector_store %parallel_loop3A_578[%parallel_loop3A_579, %parallel_loop3A_580], %parallel_loop3A_573 {add = true, strides = array<i32>} : memref<16x768xf32, #tpu.memory_space<vmem>>, vector<16xf32>,
          %parallel_loop3A_582 = arith.constant 624 : i32
          %parallel_loop3A_583 = tpu.memref_slice %arg9[%parallel_loop3A_582] : memref<59136xf32, #tpu.memory_space<vmem>> -> memref<58512xf32, #tpu.memory_space<vmem>>
          %parallel_loop3A_584 = tpu.vector_load_idx %parallel_loop3A_583[%parallel_loop3A_150] : memref<58512xf32, #tpu.memory_space<vmem>>[vector<16xi32>], vector<16xf32>,
          %parallel_loop3A_585 = arith.constant 0 : i32
          %parallel_loop3A_586 = arith.constant 0 : i32
          %parallel_loop3A_587 = arith.constant 0 : i32
          %parallel_loop3A_588 = tpu.memref_slice %arg10[%parallel_loop3A_585, %parallel_loop3A_586, %parallel_loop3A_587] : memref<3x16x768xf32, #tpu.memory_space<vmem>> -> memref<1x16x768xf32, #tpu.memory_space<vmem>>
          %parallel_loop3A_589 = tpu.memref_squeeze %parallel_loop3A_588 : memref<1x16x768xf32, #tpu.memory_space<vmem>> -> memref<16x768xf32, #tpu.memory_space<vmem>>
          %parallel_loop3A_590 = arith.index_cast %parallel_loop3A_152 : i32 to index
          %parallel_loop3A_591 = arith.constant 624 : index
          %parallel_loop3A_592 = tpu.vector_load %parallel_loop3A_589[%parallel_loop3A_590, %parallel_loop3A_591] {strides = array<i32>} : memref<16x768xf32, #tpu.memory_space<vmem>>, vector<16xf32>,
          tpu.vector_store %parallel_loop3A_589[%parallel_loop3A_590, %parallel_loop3A_591], %parallel_loop3A_584 {add = true, strides = array<i32>} : memref<16x768xf32, #tpu.memory_space<vmem>>, vector<16xf32>,
          %parallel_loop3A_593 = arith.constant 640 : i32
          %parallel_loop3A_594 = tpu.memref_slice %arg9[%parallel_loop3A_593] : memref<59136xf32, #tpu.memory_space<vmem>> -> memref<58496xf32, #tpu.memory_space<vmem>>
          %parallel_loop3A_595 = tpu.vector_load_idx %parallel_loop3A_594[%parallel_loop3A_150] : memref<58496xf32, #tpu.memory_space<vmem>>[vector<16xi32>], vector<16xf32>,
          %parallel_loop3A_596 = arith.constant 0 : i32
          %parallel_loop3A_597 = arith.constant 0 : i32
          %parallel_loop3A_598 = arith.constant 0 : i32
          %parallel_loop3A_599 = tpu.memref_slice %arg10[%parallel_loop3A_596, %parallel_loop3A_597, %parallel_loop3A_598] : memref<3x16x768xf32, #tpu.memory_space<vmem>> -> memref<1x16x768xf32, #tpu.memory_space<vmem>>
          %parallel_loop3A_600 = tpu.memref_squeeze %parallel_loop3A_599 : memref<1x16x768xf32, #tpu.memory_space<vmem>> -> memref<16x768xf32, #tpu.memory_space<vmem>>
          %parallel_loop3A_601 = arith.index_cast %parallel_loop3A_152 : i32 to index
          %parallel_loop3A_602 = arith.constant 640 : index
          %parallel_loop3A_603 = tpu.vector_load %parallel_loop3A_600[%parallel_loop3A_601, %parallel_loop3A_602] {strides = array<i32>} : memref<16x768xf32, #tpu.memory_space<vmem>>, vector<16xf32>,
          tpu.vector_store %parallel_loop3A_600[%parallel_loop3A_601, %parallel_loop3A_602], %parallel_loop3A_595 {add = true, strides = array<i32>} : memref<16x768xf32, #tpu.memory_space<vmem>>, vector<16xf32>,
          %parallel_loop3A_604 = arith.constant 656 : i32
          %parallel_loop3A_605 = tpu.memref_slice %arg9[%parallel_loop3A_604] : memref<59136xf32, #tpu.memory_space<vmem>> -> memref<58480xf32, #tpu.memory_space<vmem>>
          %parallel_loop3A_606 = tpu.vector_load_idx %parallel_loop3A_605[%parallel_loop3A_150] : memref<58480xf32, #tpu.memory_space<vmem>>[vector<16xi32>], vector<16xf32>,
          %parallel_loop3A_607 = arith.constant 0 : i32
          %parallel_loop3A_608 = arith.constant 0 : i32
          %parallel_loop3A_609 = arith.constant 0 : i32
          %parallel_loop3A_610 = tpu.memref_slice %arg10[%parallel_loop3A_607, %parallel_loop3A_608, %parallel_loop3A_609] : memref<3x16x768xf32, #tpu.memory_space<vmem>> -> memref<1x16x768xf32, #tpu.memory_space<vmem>>
          %parallel_loop3A_611 = tpu.memref_squeeze %parallel_loop3A_610 : memref<1x16x768xf32, #tpu.memory_space<vmem>> -> memref<16x768xf32, #tpu.memory_space<vmem>>
          %parallel_loop3A_612 = arith.index_cast %parallel_loop3A_152 : i32 to index
          %parallel_loop3A_613 = arith.constant 656 : index
          %parallel_loop3A_614 = tpu.vector_load %parallel_loop3A_611[%parallel_loop3A_612, %parallel_loop3A_613] {strides = array<i32>} : memref<16x768xf32, #tpu.memory_space<vmem>>, vector<16xf32>,
          tpu.vector_store %parallel_loop3A_611[%parallel_loop3A_612, %parallel_loop3A_613], %parallel_loop3A_606 {add = true, strides = array<i32>} : memref<16x768xf32, #tpu.memory_space<vmem>>, vector<16xf32>,
          %parallel_loop3A_615 = arith.constant 672 : i32
          %parallel_loop3A_616 = tpu.memref_slice %arg9[%parallel_loop3A_615] : memref<59136xf32, #tpu.memory_space<vmem>> -> memref<58464xf32, #tpu.memory_space<vmem>>
          %parallel_loop3A_617 = tpu.vector_load_idx %parallel_loop3A_616[%parallel_loop3A_150] : memref<58464xf32, #tpu.memory_space<vmem>>[vector<16xi32>], vector<16xf32>,
          %parallel_loop3A_618 = arith.constant 0 : i32
          %parallel_loop3A_619 = arith.constant 0 : i32
          %parallel_loop3A_620 = arith.constant 0 : i32
          %parallel_loop3A_621 = tpu.memref_slice %arg10[%parallel_loop3A_618, %parallel_loop3A_619, %parallel_loop3A_620] : memref<3x16x768xf32, #tpu.memory_space<vmem>> -> memref<1x16x768xf32, #tpu.memory_space<vmem>>
          %parallel_loop3A_622 = tpu.memref_squeeze %parallel_loop3A_621 : memref<1x16x768xf32, #tpu.memory_space<vmem>> -> memref<16x768xf32, #tpu.memory_space<vmem>>
          %parallel_loop3A_623 = arith.index_cast %parallel_loop3A_152 : i32 to index
          %parallel_loop3A_624 = arith.constant 672 : index
          %parallel_loop3A_625 = tpu.vector_load %parallel_loop3A_622[%parallel_loop3A_623, %parallel_loop3A_624] {strides = array<i32>} : memref<16x768xf32, #tpu.memory_space<vmem>>, vector<16xf32>,
          tpu.vector_store %parallel_loop3A_622[%parallel_loop3A_623, %parallel_loop3A_624], %parallel_loop3A_617 {add = true, strides = array<i32>} : memref<16x768xf32, #tpu.memory_space<vmem>>, vector<16xf32>,
          %parallel_loop3A_626 = arith.constant 688 : i32
          %parallel_loop3A_627 = tpu.memref_slice %arg9[%parallel_loop3A_626] : memref<59136xf32, #tpu.memory_space<vmem>> -> memref<58448xf32, #tpu.memory_space<vmem>>
          %parallel_loop3A_628 = tpu.vector_load_idx %parallel_loop3A_627[%parallel_loop3A_150] : memref<58448xf32, #tpu.memory_space<vmem>>[vector<16xi32>], vector<16xf32>,
          %parallel_loop3A_629 = arith.constant 0 : i32
          %parallel_loop3A_630 = arith.constant 0 : i32
          %parallel_loop3A_631 = arith.constant 0 : i32
          %parallel_loop3A_632 = tpu.memref_slice %arg10[%parallel_loop3A_629, %parallel_loop3A_630, %parallel_loop3A_631] : memref<3x16x768xf32, #tpu.memory_space<vmem>> -> memref<1x16x768xf32, #tpu.memory_space<vmem>>
          %parallel_loop3A_633 = tpu.memref_squeeze %parallel_loop3A_632 : memref<1x16x768xf32, #tpu.memory_space<vmem>> -> memref<16x768xf32, #tpu.memory_space<vmem>>
          %parallel_loop3A_634 = arith.index_cast %parallel_loop3A_152 : i32 to index
          %parallel_loop3A_635 = arith.constant 688 : index
          %parallel_loop3A_636 = tpu.vector_load %parallel_loop3A_633[%parallel_loop3A_634, %parallel_loop3A_635] {strides = array<i32>} : memref<16x768xf32, #tpu.memory_space<vmem>>, vector<16xf32>,
          tpu.vector_store %parallel_loop3A_633[%parallel_loop3A_634, %parallel_loop3A_635], %parallel_loop3A_628 {add = true, strides = array<i32>} : memref<16x768xf32, #tpu.memory_space<vmem>>, vector<16xf32>,
          %parallel_loop3A_637 = arith.constant 704 : i32
          %parallel_loop3A_638 = tpu.memref_slice %arg9[%parallel_loop3A_637] : memref<59136xf32, #tpu.memory_space<vmem>> -> memref<58432xf32, #tpu.memory_space<vmem>>
          %parallel_loop3A_639 = tpu.vector_load_idx %parallel_loop3A_638[%parallel_loop3A_150] : memref<58432xf32, #tpu.memory_space<vmem>>[vector<16xi32>], vector<16xf32>,
          %parallel_loop3A_640 = arith.constant 0 : i32
          %parallel_loop3A_641 = arith.constant 0 : i32
          %parallel_loop3A_642 = arith.constant 0 : i32
          %parallel_loop3A_643 = tpu.memref_slice %arg10[%parallel_loop3A_640, %parallel_loop3A_641, %parallel_loop3A_642] : memref<3x16x768xf32, #tpu.memory_space<vmem>> -> memref<1x16x768xf32, #tpu.memory_space<vmem>>
          %parallel_loop3A_644 = tpu.memref_squeeze %parallel_loop3A_643 : memref<1x16x768xf32, #tpu.memory_space<vmem>> -> memref<16x768xf32, #tpu.memory_space<vmem>>
          %parallel_loop3A_645 = arith.index_cast %parallel_loop3A_152 : i32 to index
          %parallel_loop3A_646 = arith.constant 704 : index
          %parallel_loop3A_647 = tpu.vector_load %parallel_loop3A_644[%parallel_loop3A_645, %parallel_loop3A_646] {strides = array<i32>} : memref<16x768xf32, #tpu.memory_space<vmem>>, vector<16xf32>,
          tpu.vector_store %parallel_loop3A_644[%parallel_loop3A_645, %parallel_loop3A_646], %parallel_loop3A_639 {add = true, strides = array<i32>} : memref<16x768xf32, #tpu.memory_space<vmem>>, vector<16xf32>,
          %parallel_loop3A_648 = arith.constant 720 : i32
          %parallel_loop3A_649 = tpu.memref_slice %arg9[%parallel_loop3A_648] : memref<59136xf32, #tpu.memory_space<vmem>> -> memref<58416xf32, #tpu.memory_space<vmem>>
          %parallel_loop3A_650 = tpu.vector_load_idx %parallel_loop3A_649[%parallel_loop3A_150] : memref<58416xf32, #tpu.memory_space<vmem>>[vector<16xi32>], vector<16xf32>,
          %parallel_loop3A_651 = arith.constant 0 : i32
          %parallel_loop3A_652 = arith.constant 0 : i32
          %parallel_loop3A_653 = arith.constant 0 : i32
          %parallel_loop3A_654 = tpu.memref_slice %arg10[%parallel_loop3A_651, %parallel_loop3A_652, %parallel_loop3A_653] : memref<3x16x768xf32, #tpu.memory_space<vmem>> -> memref<1x16x768xf32, #tpu.memory_space<vmem>>
          %parallel_loop3A_655 = tpu.memref_squeeze %parallel_loop3A_654 : memref<1x16x768xf32, #tpu.memory_space<vmem>> -> memref<16x768xf32, #tpu.memory_space<vmem>>
          %parallel_loop3A_656 = arith.index_cast %parallel_loop3A_152 : i32 to index
          %parallel_loop3A_657 = arith.constant 720 : index
          %parallel_loop3A_658 = tpu.vector_load %parallel_loop3A_655[%parallel_loop3A_656, %parallel_loop3A_657] {strides = array<i32>} : memref<16x768xf32, #tpu.memory_space<vmem>>, vector<16xf32>,
          tpu.vector_store %parallel_loop3A_655[%parallel_loop3A_656, %parallel_loop3A_657], %parallel_loop3A_650 {add = true, strides = array<i32>} : memref<16x768xf32, #tpu.memory_space<vmem>>, vector<16xf32>,
          %parallel_loop3A_659 = arith.constant 736 : i32
          %parallel_loop3A_660 = tpu.memref_slice %arg9[%parallel_loop3A_659] : memref<59136xf32, #tpu.memory_space<vmem>> -> memref<58400xf32, #tpu.memory_space<vmem>>
          %parallel_loop3A_661 = tpu.vector_load_idx %parallel_loop3A_660[%parallel_loop3A_150] : memref<58400xf32, #tpu.memory_space<vmem>>[vector<16xi32>], vector<16xf32>,
          %parallel_loop3A_662 = arith.constant 0 : i32
          %parallel_loop3A_663 = arith.constant 0 : i32
          %parallel_loop3A_664 = arith.constant 0 : i32
          %parallel_loop3A_665 = tpu.memref_slice %arg10[%parallel_loop3A_662, %parallel_loop3A_663, %parallel_loop3A_664] : memref<3x16x768xf32, #tpu.memory_space<vmem>> -> memref<1x16x768xf32, #tpu.memory_space<vmem>>
          %parallel_loop3A_666 = tpu.memref_squeeze %parallel_loop3A_665 : memref<1x16x768xf32, #tpu.memory_space<vmem>> -> memref<16x768xf32, #tpu.memory_space<vmem>>
          %parallel_loop3A_667 = arith.index_cast %parallel_loop3A_152 : i32 to index
          %parallel_loop3A_668 = arith.constant 736 : index
          %parallel_loop3A_669 = tpu.vector_load %parallel_loop3A_666[%parallel_loop3A_667, %parallel_loop3A_668] {strides = array<i32>} : memref<16x768xf32, #tpu.memory_space<vmem>>, vector<16xf32>,
          tpu.vector_store %parallel_loop3A_666[%parallel_loop3A_667, %parallel_loop3A_668], %parallel_loop3A_661 {add = true, strides = array<i32>} : memref<16x768xf32, #tpu.memory_space<vmem>>, vector<16xf32>,
          %parallel_loop3A_670 = arith.constant 752 : i32
          %parallel_loop3A_671 = tpu.memref_slice %arg9[%parallel_loop3A_670] : memref<59136xf32, #tpu.memory_space<vmem>> -> memref<58384xf32, #tpu.memory_space<vmem>>
          %parallel_loop3A_672 = tpu.vector_load_idx %parallel_loop3A_671[%parallel_loop3A_150] : memref<58384xf32, #tpu.memory_space<vmem>>[vector<16xi32>], vector<16xf32>,
          %parallel_loop3A_673 = arith.constant 0 : i32
          %parallel_loop3A_674 = arith.constant 0 : i32
          %parallel_loop3A_675 = arith.constant 0 : i32
          %parallel_loop3A_676 = tpu.memref_slice %arg10[%parallel_loop3A_673, %parallel_loop3A_674, %parallel_loop3A_675] : memref<3x16x768xf32, #tpu.memory_space<vmem>> -> memref<1x16x768xf32, #tpu.memory_space<vmem>>
          %parallel_loop3A_677 = tpu.memref_squeeze %parallel_loop3A_676 : memref<1x16x768xf32, #tpu.memory_space<vmem>> -> memref<16x768xf32, #tpu.memory_space<vmem>>
          %parallel_loop3A_678 = arith.index_cast %parallel_loop3A_152 : i32 to index
          %parallel_loop3A_679 = arith.constant 752 : index
          %parallel_loop3A_680 = tpu.vector_load %parallel_loop3A_677[%parallel_loop3A_678, %parallel_loop3A_679] {strides = array<i32>} : memref<16x768xf32, #tpu.memory_space<vmem>>, vector<16xf32>,
          tpu.vector_store %parallel_loop3A_677[%parallel_loop3A_678, %parallel_loop3A_679], %parallel_loop3A_672 {add = true, strides = array<i32>} : memref<16x768xf32, #tpu.memory_space<vmem>>, vector<16xf32>,
        } {sc.loop_unroll_factor = 1 : i64, sc.parallel_access}
        %mul3A_125 = arith.constant 154 : i32
        %mul3A_126 = arith.muli %add3A, %mul3A_125 : i32
        %add3A_127 = arith.addi %mul3A_126, %add3A_33 : i32
        %mul3A_128 = arith.constant 16 : i32
        %mul3A_129 = arith.muli %add3A_127, %mul3A_128 : i32
        %dma_start3A_130 = arith.constant 0 : i32
        %dma_start3A_131 = arith.constant 0 : i32
        %dma_start3A_132 = arith.constant 0 : i32
        %dma_start3A_133 = tpu.memref_slice %arg10[%dma_start3A_130, %dma_start3A_131, %dma_start3A_132] : memref<3x16x768xf32, #tpu.memory_space<vmem>> -> memref<1x16x768xf32, #tpu.memory_space<vmem>>
        %dma_start3A_134 = tpu.memref_squeeze %dma_start3A_133 : memref<1x16x768xf32, #tpu.memory_space<vmem>> -> memref<16x768xf32, #tpu.memory_space<vmem>>
        %dma_start3A_135 = arith.constant 0 : i32
        %dma_start3A_136 = tpu.memref_slice %arg6[%mul3A_129, %dma_start3A_135] : memref<78848x768xf32, #tpu.memory_space<hbm>> -> memref<16x768xf32, #tpu.memory_space<hbm>>
        %dma_start3A_137 = arith.constant 0 : i32
        %dma_start3A_138 = tpu.memref_slice %arg6[%mul3A_129, %dma_start3A_137] : memref<78848x768xf32, #tpu.memory_space<hbm>> -> memref<16x768xf32, #tpu.memory_space<hbm>>
        %dma_start3A_139 = arith.constant 0 : i32
        %dma_start3A_140 = arith.constant 0 : i32
        %dma_start3A_141 = tpu.memref_slice %arg10[%dma_start3A_130, %dma_start3A_139, %dma_start3A_140] : memref<3x16x768xf32, #tpu.memory_space<vmem>> -> memref<1x16x768xf32, #tpu.memory_space<vmem>>
        %dma_start3A_142 = tpu.memref_squeeze %dma_start3A_141 : memref<1x16x768xf32, #tpu.memory_space<vmem>> -> memref<16x768xf32, #tpu.memory_space<vmem>>
        tpu.enqueue_dma source(%dma_start3A_142 : memref<16x768xf32, #tpu.memory_space<vmem>>) target(%dma_start3A_138 : memref<16x768xf32, #tpu.memory_space<hbm>>) target_semaphore(%arg14 : memref<!tpu.dma_semaphore, #tpu.memory_space<semaphore_mem>>)
      } else {
      }
      %mul3A_52 = arith.constant 3 : i32
      %mul3A_53 = arith.muli %mul3A_52, %scan3A_29 : i32
      %add3A_54 = arith.constant 1 : i32
      %add3A_55 = arith.addi %mul3A_53, %add3A_54 : i32
      %ge3A_56 = arith.constant 1 : i32
      %ge3A_57 = arith.cmpi sge, %add3A_55, %ge3A_56 : i32
      %sub3A_58 = arith.constant 1 : i32
      %sub3A_59 = arith.subi %add3A_55, %sub3A_58 : i32
      %lt3A_60 = arith.constant 154 : i32
      %lt3A_61 = arith.cmpi slt, %sub3A_59, %lt3A_60 : i32
      %and3A_62 = arith.andi %ge3A_57, %lt3A_61 : i1
      %convert_element_type3A_63 = arith.extui %and3A_62 : i1 to i32
      %cond3A_64 = arith.constant 0 : i32
      %cond3A_65 = arith.cmpi ne, %convert_element_type3A_63, %cond3A_64 : i32
      scf.if %cond3A_65 {
        %sub3A_108 = arith.constant 1 : i32
        %sub3A_109 = arith.subi %add3A_55, %sub3A_108 : i32
        %mul3A_110 = arith.constant 154 : i32
        %mul3A_111 = arith.muli %add3A, %mul3A_110 : i32
        %add3A_112 = arith.addi %mul3A_111, %sub3A_109 : i32
        %mul3A_113 = arith.constant 16 : i32
        %mul3A_114 = arith.muli %add3A_112, %mul3A_113 : i32
        %dma_wait3A = arith.constant 0 : i32
        %dma_wait3A_115 = arith.constant 0 : i32
        %dma_wait3A_116 = arith.constant 0 : i32
        %dma_wait3A_117 = tpu.memref_slice %arg10[%dma_wait3A, %dma_wait3A_115, %dma_wait3A_116] : memref<3x16x768xf32, #tpu.memory_space<vmem>> -> memref<1x16x768xf32, #tpu.memory_space<vmem>>
        %dma_wait3A_118 = tpu.memref_squeeze %dma_wait3A_117 : memref<1x16x768xf32, #tpu.memory_space<vmem>> -> memref<16x768xf32, #tpu.memory_space<vmem>>
        %dma_wait3A_119 = arith.constant 0 : i32
        %dma_wait3A_120 = tpu.memref_slice %arg6[%mul3A_114, %dma_wait3A_119] : memref<78848x768xf32, #tpu.memory_space<hbm>> -> memref<16x768xf32, #tpu.memory_space<hbm>>
        %dma_wait3A_121 = arith.constant 0 : i32
        %dma_wait3A_122 = tpu.memref_slice %arg6[%mul3A_114, %dma_wait3A_121] : memref<78848x768xf32, #tpu.memory_space<hbm>> -> memref<16x768xf32, #tpu.memory_space<hbm>>
        %dma_wait3A_123 = arith.constant 0 : i32
        %dma_wait3A_124 = arith.constant 0 : i32
        %dma_wait3A_125 = tpu.memref_slice %arg10[%dma_wait3A, %dma_wait3A_123, %dma_wait3A_124] : memref<3x16x768xf32, #tpu.memory_space<vmem>> -> memref<1x16x768xf32, #tpu.memory_space<vmem>>
        %dma_wait3A_126 = tpu.memref_squeeze %dma_wait3A_125 : memref<1x16x768xf32, #tpu.memory_space<vmem>> -> memref<16x768xf32, #tpu.memory_space<vmem>>
        tpu.wait_dma2 semaphore(%arg14 : memref<!tpu.dma_semaphore, #tpu.memory_space<semaphore_mem>>) src(%dma_wait3A_126 : memref<16x768xf32, #tpu.memory_space<vmem>>) dst(%dma_wait3A_122 : memref<16x768xf32, #tpu.memory_space<hbm>>)
      } else {
      }
      %add3A_66 = arith.constant 3 : i32
      %add3A_67 = arith.addi %add3A_55, %add3A_66 : i32
      %sub3A_68 = arith.constant 1 : i32
      %sub3A_69 = arith.subi %add3A_67, %sub3A_68 : i32
      %lt3A_70 = arith.constant 154 : i32
      %lt3A_71 = arith.cmpi slt, %sub3A_69, %lt3A_70 : i32
      %convert_element_type3A_72 = arith.extui %lt3A_71 : i1 to i32
      %cond3A_73 = arith.constant 0 : i32
      %cond3A_74 = arith.cmpi ne, %convert_element_type3A_72, %cond3A_73 : i32
      scf.if %cond3A_74 {
        %add3A_108 = arith.constant 3 : i32
        %add3A_109 = arith.addi %add3A_55, %add3A_108 : i32
        %sub3A_110 = arith.constant 1 : i32
        %sub3A_111 = arith.subi %add3A_109, %sub3A_110 : i32
        %mul3A_112 = arith.constant 16 : i32
        %mul3A_113 = arith.muli %sub3A_111, %mul3A_112 : i32
        %dma_start3A_114 = arith.constant 0 : i32
        %dma_start3A_115 = arith.constant 0 : i32
        %dma_start3A_116 = arith.constant 0 : i32
        %dma_start3A_117 = tpu.memref_slice %arg10[%dma_start3A_114, %dma_start3A_115, %dma_start3A_116] : memref<3x16x768xf32, #tpu.memory_space<vmem>> -> memref<1x16x768xf32, #tpu.memory_space<vmem>>
        %dma_start3A_118 = tpu.memref_squeeze %dma_start3A_117 : memref<1x16x768xf32, #tpu.memory_space<vmem>> -> memref<16x768xf32, #tpu.memory_space<vmem>>
        %dma_start3A_119 = tpu.memref_slice %arg7[%mul3A_113] : memref<2464xi32, #tpu.memory_space<vmem>> -> memref<16xi32, #tpu.memory_space<vmem>>
        %dma_start3A_120 = arith.constant 0 : i32
        %dma_start3A_121 = arith.constant 0 : i32
        %dma_start3A_122 = tpu.memref_slice %arg4[%dma_start3A_120, %dma_start3A_121] : memref<49408x768xf32, #tpu.memory_space<hbm>> -> memref<49408x768xf32, #tpu.memory_space<hbm>>
        tpu.enqueue_indirect_dma source(%dma_start3A_122 : memref<49408x768xf32, #tpu.memory_space<hbm>>) target(%dma_start3A_118 : memref<16x768xf32, #tpu.memory_space<vmem>>) offsets(%dma_start3A_119 : memref<16xi32, #tpu.memory_space<vmem>>) semaphore(%arg11 : memref<!tpu.dma_semaphore, #tpu.memory_space<semaphore_mem>>)
      } else {
      }
      %lt3A_75 = arith.constant 154 : i32
      %lt3A_76 = arith.cmpi slt, %add3A_55, %lt3A_75 : i32
      %convert_element_type3A_77 = arith.extui %lt3A_76 : i1 to i32
      %cond3A_78 = arith.constant 0 : i32
      %cond3A_79 = arith.cmpi ne, %convert_element_type3A_77, %cond3A_78 : i32
      scf.if %cond3A_79 {
        %mul3A_108 = arith.constant 16 : i32
        %mul3A_109 = arith.muli %add3A_55, %mul3A_108 : i32
        %dma_wait3A = arith.constant 1 : i32
        %dma_wait3A_110 = arith.constant 0 : i32
        %dma_wait3A_111 = arith.constant 0 : i32
        %dma_wait3A_112 = tpu.memref_slice %arg10[%dma_wait3A, %dma_wait3A_110, %dma_wait3A_111] : memref<3x16x768xf32, #tpu.memory_space<vmem>> -> memref<1x16x768xf32, #tpu.memory_space<vmem>>
        %dma_wait3A_113 = tpu.memref_squeeze %dma_wait3A_112 : memref<1x16x768xf32, #tpu.memory_space<vmem>> -> memref<16x768xf32, #tpu.memory_space<vmem>>
        %dma_wait3A_114 = tpu.memref_slice %arg7[%mul3A_109] : memref<2464xi32, #tpu.memory_space<vmem>> -> memref<16xi32, #tpu.memory_space<vmem>>
        %dma_wait3A_115 = arith.constant 0 : i32
        %dma_wait3A_116 = arith.constant 0 : i32
        %dma_wait3A_117 = tpu.memref_slice %arg4[%dma_wait3A_115, %dma_wait3A_116] : memref<49408x768xf32, #tpu.memory_space<hbm>> -> memref<49408x768xf32, #tpu.memory_space<hbm>>
        tpu.wait_indirect_dma semaphore(%arg12 : memref<!tpu.dma_semaphore, #tpu.memory_space<semaphore_mem>>) src(%dma_wait3A_117 : memref<49408x768xf32, #tpu.memory_space<hbm>>) dst(%dma_wait3A_113 : memref<16x768xf32, #tpu.memory_space<vmem>>)
        %mul3A_118 = arith.constant 16 : i32
        %mul3A_119 = arith.muli %add3A_55, %mul3A_118 : i32
        %add3A_120 = arith.constant 0 : i32
        %add3A_121 = arith.addi %mul3A_119, %add3A_120 : i32
        %get3A = arith.index_cast %add3A_121 : i32 to index
        %get3A_122 = tpu.vector_load %arg8[%get3A] {strides = array<i32>} : memref<2464xi32, #tpu.memory_space<vmem>>, vector<16xi32>,
        %parallel_loop3A = arith.constant 0 : i32
        %parallel_loop3A_123 = arith.constant 16 : i32
        %parallel_loop3A_124 = arith.constant 1 : i32
        scf.for %parallel_loop3A_143 = %parallel_loop3A to %parallel_loop3A_123 step %parallel_loop3A_124  : i32 {
          %parallel_loop3A_144 = vector.broadcast %parallel_loop3A_143 : i32 to vector<16x1xi32>
          %parallel_loop3A_145 = vector.shape_cast %parallel_loop3A_144 : vector<16x1xi32> to vector<16xi32>
          %parallel_loop3A_146 = tpu.dynamic_gather %get3A_122[%parallel_loop3A_145] in [0] : vector<16xi32>, vector<16xi32> -> vector<16xi32>
          %parallel_loop3A_147 = arith.constant 768 : i32
          %parallel_loop3A_148 = vector.broadcast %parallel_loop3A_147 : i32 to vector<16xi32>
          %parallel_loop3A_149 = arith.muli %parallel_loop3A_146, %parallel_loop3A_148 : vector<16xi32>
          %parallel_loop3A_150 = arith.addi %parallel_loop3A_149, %iota3A : vector<16xi32>
          %parallel_loop3A_151 = arith.constant 0 : i32
          %parallel_loop3A_152 = arith.addi %parallel_loop3A_151, %parallel_loop3A_143 : i32
          %parallel_loop3A_153 = arith.constant 0 : i32
          %parallel_loop3A_154 = tpu.memref_slice %arg9[%parallel_loop3A_153] : memref<59136xf32, #tpu.memory_space<vmem>> -> memref<59136xf32, #tpu.memory_space<vmem>>
          %parallel_loop3A_155 = tpu.vector_load_idx %parallel_loop3A_154[%parallel_loop3A_150] : memref<59136xf32, #tpu.memory_space<vmem>>[vector<16xi32>], vector<16xf32>,
          %parallel_loop3A_156 = arith.constant 1 : i32
          %parallel_loop3A_157 = arith.constant 0 : i32
          %parallel_loop3A_158 = arith.constant 0 : i32
          %parallel_loop3A_159 = tpu.memref_slice %arg10[%parallel_loop3A_156, %parallel_loop3A_157, %parallel_loop3A_158] : memref<3x16x768xf32, #tpu.memory_space<vmem>> -> memref<1x16x768xf32, #tpu.memory_space<vmem>>
          %parallel_loop3A_160 = tpu.memref_squeeze %parallel_loop3A_159 : memref<1x16x768xf32, #tpu.memory_space<vmem>> -> memref<16x768xf32, #tpu.memory_space<vmem>>
          %parallel_loop3A_161 = arith.index_cast %parallel_loop3A_152 : i32 to index
          %parallel_loop3A_162 = arith.constant 0 : index
          %parallel_loop3A_163 = tpu.vector_load %parallel_loop3A_160[%parallel_loop3A_161, %parallel_loop3A_162] {strides = array<i32>} : memref<16x768xf32, #tpu.memory_space<vmem>>, vector<16xf32>,
          tpu.vector_store %parallel_loop3A_160[%parallel_loop3A_161, %parallel_loop3A_162], %parallel_loop3A_155 {add = true, strides = array<i32>} : memref<16x768xf32, #tpu.memory_space<vmem>>, vector<16xf32>,
          %parallel_loop3A_164 = arith.constant 16 : i32
          %parallel_loop3A_165 = tpu.memref_slice %arg9[%parallel_loop3A_164] : memref<59136xf32, #tpu.memory_space<vmem>> -> memref<59120xf32, #tpu.memory_space<vmem>>
          %parallel_loop3A_166 = tpu.vector_load_idx %parallel_loop3A_165[%parallel_loop3A_150] : memref<59120xf32, #tpu.memory_space<vmem>>[vector<16xi32>], vector<16xf32>,
          %parallel_loop3A_167 = arith.constant 1 : i32
          %parallel_loop3A_168 = arith.constant 0 : i32
          %parallel_loop3A_169 = arith.constant 0 : i32
          %parallel_loop3A_170 = tpu.memref_slice %arg10[%parallel_loop3A_167, %parallel_loop3A_168, %parallel_loop3A_169] : memref<3x16x768xf32, #tpu.memory_space<vmem>> -> memref<1x16x768xf32, #tpu.memory_space<vmem>>
          %parallel_loop3A_171 = tpu.memref_squeeze %parallel_loop3A_170 : memref<1x16x768xf32, #tpu.memory_space<vmem>> -> memref<16x768xf32, #tpu.memory_space<vmem>>
          %parallel_loop3A_172 = arith.index_cast %parallel_loop3A_152 : i32 to index
          %parallel_loop3A_173 = arith.constant 16 : index
          %parallel_loop3A_174 = tpu.vector_load %parallel_loop3A_171[%parallel_loop3A_172, %parallel_loop3A_173] {strides = array<i32>} : memref<16x768xf32, #tpu.memory_space<vmem>>, vector<16xf32>,
          tpu.vector_store %parallel_loop3A_171[%parallel_loop3A_172, %parallel_loop3A_173], %parallel_loop3A_166 {add = true, strides = array<i32>} : memref<16x768xf32, #tpu.memory_space<vmem>>, vector<16xf32>,
          %parallel_loop3A_175 = arith.constant 32 : i32
          %parallel_loop3A_176 = tpu.memref_slice %arg9[%parallel_loop3A_175] : memref<59136xf32, #tpu.memory_space<vmem>> -> memref<59104xf32, #tpu.memory_space<vmem>>
          %parallel_loop3A_177 = tpu.vector_load_idx %parallel_loop3A_176[%parallel_loop3A_150] : memref<59104xf32, #tpu.memory_space<vmem>>[vector<16xi32>], vector<16xf32>,
          %parallel_loop3A_178 = arith.constant 1 : i32
          %parallel_loop3A_179 = arith.constant 0 : i32
          %parallel_loop3A_180 = arith.constant 0 : i32
          %parallel_loop3A_181 = tpu.memref_slice %arg10[%parallel_loop3A_178, %parallel_loop3A_179, %parallel_loop3A_180] : memref<3x16x768xf32, #tpu.memory_space<vmem>> -> memref<1x16x768xf32, #tpu.memory_space<vmem>>
          %parallel_loop3A_182 = tpu.memref_squeeze %parallel_loop3A_181 : memref<1x16x768xf32, #tpu.memory_space<vmem>> -> memref<16x768xf32, #tpu.memory_space<vmem>>
          %parallel_loop3A_183 = arith.index_cast %parallel_loop3A_152 : i32 to index
          %parallel_loop3A_184 = arith.constant 32 : index
          %parallel_loop3A_185 = tpu.vector_load %parallel_loop3A_182[%parallel_loop3A_183, %parallel_loop3A_184] {strides = array<i32>} : memref<16x768xf32, #tpu.memory_space<vmem>>, vector<16xf32>,
          tpu.vector_store %parallel_loop3A_182[%parallel_loop3A_183, %parallel_loop3A_184], %parallel_loop3A_177 {add = true, strides = array<i32>} : memref<16x768xf32, #tpu.memory_space<vmem>>, vector<16xf32>,
          %parallel_loop3A_186 = arith.constant 48 : i32
          %parallel_loop3A_187 = tpu.memref_slice %arg9[%parallel_loop3A_186] : memref<59136xf32, #tpu.memory_space<vmem>> -> memref<59088xf32, #tpu.memory_space<vmem>>
          %parallel_loop3A_188 = tpu.vector_load_idx %parallel_loop3A_187[%parallel_loop3A_150] : memref<59088xf32, #tpu.memory_space<vmem>>[vector<16xi32>], vector<16xf32>,
          %parallel_loop3A_189 = arith.constant 1 : i32
          %parallel_loop3A_190 = arith.constant 0 : i32
          %parallel_loop3A_191 = arith.constant 0 : i32
          %parallel_loop3A_192 = tpu.memref_slice %arg10[%parallel_loop3A_189, %parallel_loop3A_190, %parallel_loop3A_191] : memref<3x16x768xf32, #tpu.memory_space<vmem>> -> memref<1x16x768xf32, #tpu.memory_space<vmem>>
          %parallel_loop3A_193 = tpu.memref_squeeze %parallel_loop3A_192 : memref<1x16x768xf32, #tpu.memory_space<vmem>> -> memref<16x768xf32, #tpu.memory_space<vmem>>
          %parallel_loop3A_194 = arith.index_cast %parallel_loop3A_152 : i32 to index
          %parallel_loop3A_195 = arith.constant 48 : index
          %parallel_loop3A_196 = tpu.vector_load %parallel_loop3A_193[%parallel_loop3A_194, %parallel_loop3A_195] {strides = array<i32>} : memref<16x768xf32, #tpu.memory_space<vmem>>, vector<16xf32>,
          tpu.vector_store %parallel_loop3A_193[%parallel_loop3A_194, %parallel_loop3A_195], %parallel_loop3A_188 {add = true, strides = array<i32>} : memref<16x768xf32, #tpu.memory_space<vmem>>, vector<16xf32>,
          %parallel_loop3A_197 = arith.constant 64 : i32
          %parallel_loop3A_198 = tpu.memref_slice %arg9[%parallel_loop3A_197] : memref<59136xf32, #tpu.memory_space<vmem>> -> memref<59072xf32, #tpu.memory_space<vmem>>
          %parallel_loop3A_199 = tpu.vector_load_idx %parallel_loop3A_198[%parallel_loop3A_150] : memref<59072xf32, #tpu.memory_space<vmem>>[vector<16xi32>], vector<16xf32>,
          %parallel_loop3A_200 = arith.constant 1 : i32
          %parallel_loop3A_201 = arith.constant 0 : i32
          %parallel_loop3A_202 = arith.constant 0 : i32
          %parallel_loop3A_203 = tpu.memref_slice %arg10[%parallel_loop3A_200, %parallel_loop3A_201, %parallel_loop3A_202] : memref<3x16x768xf32, #tpu.memory_space<vmem>> -> memref<1x16x768xf32, #tpu.memory_space<vmem>>
          %parallel_loop3A_204 = tpu.memref_squeeze %parallel_loop3A_203 : memref<1x16x768xf32, #tpu.memory_space<vmem>> -> memref<16x768xf32, #tpu.memory_space<vmem>>
          %parallel_loop3A_205 = arith.index_cast %parallel_loop3A_152 : i32 to index
          %parallel_loop3A_206 = arith.constant 64 : index
          %parallel_loop3A_207 = tpu.vector_load %parallel_loop3A_204[%parallel_loop3A_205, %parallel_loop3A_206] {strides = array<i32>} : memref<16x768xf32, #tpu.memory_space<vmem>>, vector<16xf32>,
          tpu.vector_store %parallel_loop3A_204[%parallel_loop3A_205, %parallel_loop3A_206], %parallel_loop3A_199 {add = true, strides = array<i32>} : memref<16x768xf32, #tpu.memory_space<vmem>>, vector<16xf32>,
          %parallel_loop3A_208 = arith.constant 80 : i32
          %parallel_loop3A_209 = tpu.memref_slice %arg9[%parallel_loop3A_208] : memref<59136xf32, #tpu.memory_space<vmem>> -> memref<59056xf32, #tpu.memory_space<vmem>>
          %parallel_loop3A_210 = tpu.vector_load_idx %parallel_loop3A_209[%parallel_loop3A_150] : memref<59056xf32, #tpu.memory_space<vmem>>[vector<16xi32>], vector<16xf32>,
          %parallel_loop3A_211 = arith.constant 1 : i32
          %parallel_loop3A_212 = arith.constant 0 : i32
          %parallel_loop3A_213 = arith.constant 0 : i32
          %parallel_loop3A_214 = tpu.memref_slice %arg10[%parallel_loop3A_211, %parallel_loop3A_212, %parallel_loop3A_213] : memref<3x16x768xf32, #tpu.memory_space<vmem>> -> memref<1x16x768xf32, #tpu.memory_space<vmem>>
          %parallel_loop3A_215 = tpu.memref_squeeze %parallel_loop3A_214 : memref<1x16x768xf32, #tpu.memory_space<vmem>> -> memref<16x768xf32, #tpu.memory_space<vmem>>
          %parallel_loop3A_216 = arith.index_cast %parallel_loop3A_152 : i32 to index
          %parallel_loop3A_217 = arith.constant 80 : index
          %parallel_loop3A_218 = tpu.vector_load %parallel_loop3A_215[%parallel_loop3A_216, %parallel_loop3A_217] {strides = array<i32>} : memref<16x768xf32, #tpu.memory_space<vmem>>, vector<16xf32>,
          tpu.vector_store %parallel_loop3A_215[%parallel_loop3A_216, %parallel_loop3A_217], %parallel_loop3A_210 {add = true, strides = array<i32>} : memref<16x768xf32, #tpu.memory_space<vmem>>, vector<16xf32>,
          %parallel_loop3A_219 = arith.constant 96 : i32
          %parallel_loop3A_220 = tpu.memref_slice %arg9[%parallel_loop3A_219] : memref<59136xf32, #tpu.memory_space<vmem>> -> memref<59040xf32, #tpu.memory_space<vmem>>
          %parallel_loop3A_221 = tpu.vector_load_idx %parallel_loop3A_220[%parallel_loop3A_150] : memref<59040xf32, #tpu.memory_space<vmem>>[vector<16xi32>], vector<16xf32>,
          %parallel_loop3A_222 = arith.constant 1 : i32
          %parallel_loop3A_223 = arith.constant 0 : i32
          %parallel_loop3A_224 = arith.constant 0 : i32
          %parallel_loop3A_225 = tpu.memref_slice %arg10[%parallel_loop3A_222, %parallel_loop3A_223, %parallel_loop3A_224] : memref<3x16x768xf32, #tpu.memory_space<vmem>> -> memref<1x16x768xf32, #tpu.memory_space<vmem>>
          %parallel_loop3A_226 = tpu.memref_squeeze %parallel_loop3A_225 : memref<1x16x768xf32, #tpu.memory_space<vmem>> -> memref<16x768xf32, #tpu.memory_space<vmem>>
          %parallel_loop3A_227 = arith.index_cast %parallel_loop3A_152 : i32 to index
          %parallel_loop3A_228 = arith.constant 96 : index
          %parallel_loop3A_229 = tpu.vector_load %parallel_loop3A_226[%parallel_loop3A_227, %parallel_loop3A_228] {strides = array<i32>} : memref<16x768xf32, #tpu.memory_space<vmem>>, vector<16xf32>,
          tpu.vector_store %parallel_loop3A_226[%parallel_loop3A_227, %parallel_loop3A_228], %parallel_loop3A_221 {add = true, strides = array<i32>} : memref<16x768xf32, #tpu.memory_space<vmem>>, vector<16xf32>,
          %parallel_loop3A_230 = arith.constant 112 : i32
          %parallel_loop3A_231 = tpu.memref_slice %arg9[%parallel_loop3A_230] : memref<59136xf32, #tpu.memory_space<vmem>> -> memref<59024xf32, #tpu.memory_space<vmem>>
          %parallel_loop3A_232 = tpu.vector_load_idx %parallel_loop3A_231[%parallel_loop3A_150] : memref<59024xf32, #tpu.memory_space<vmem>>[vector<16xi32>], vector<16xf32>,
          %parallel_loop3A_233 = arith.constant 1 : i32
          %parallel_loop3A_234 = arith.constant 0 : i32
          %parallel_loop3A_235 = arith.constant 0 : i32
          %parallel_loop3A_236 = tpu.memref_slice %arg10[%parallel_loop3A_233, %parallel_loop3A_234, %parallel_loop3A_235] : memref<3x16x768xf32, #tpu.memory_space<vmem>> -> memref<1x16x768xf32, #tpu.memory_space<vmem>>
          %parallel_loop3A_237 = tpu.memref_squeeze %parallel_loop3A_236 : memref<1x16x768xf32, #tpu.memory_space<vmem>> -> memref<16x768xf32, #tpu.memory_space<vmem>>
          %parallel_loop3A_238 = arith.index_cast %parallel_loop3A_152 : i32 to index
          %parallel_loop3A_239 = arith.constant 112 : index
          %parallel_loop3A_240 = tpu.vector_load %parallel_loop3A_237[%parallel_loop3A_238, %parallel_loop3A_239] {strides = array<i32>} : memref<16x768xf32, #tpu.memory_space<vmem>>, vector<16xf32>,
          tpu.vector_store %parallel_loop3A_237[%parallel_loop3A_238, %parallel_loop3A_239], %parallel_loop3A_232 {add = true, strides = array<i32>} : memref<16x768xf32, #tpu.memory_space<vmem>>, vector<16xf32>,
          %parallel_loop3A_241 = arith.constant 128 : i32
          %parallel_loop3A_242 = tpu.memref_slice %arg9[%parallel_loop3A_241] : memref<59136xf32, #tpu.memory_space<vmem>> -> memref<59008xf32, #tpu.memory_space<vmem>>
          %parallel_loop3A_243 = tpu.vector_load_idx %parallel_loop3A_242[%parallel_loop3A_150] : memref<59008xf32, #tpu.memory_space<vmem>>[vector<16xi32>], vector<16xf32>,
          %parallel_loop3A_244 = arith.constant 1 : i32
          %parallel_loop3A_245 = arith.constant 0 : i32
          %parallel_loop3A_246 = arith.constant 0 : i32
          %parallel_loop3A_247 = tpu.memref_slice %arg10[%parallel_loop3A_244, %parallel_loop3A_245, %parallel_loop3A_246] : memref<3x16x768xf32, #tpu.memory_space<vmem>> -> memref<1x16x768xf32, #tpu.memory_space<vmem>>
          %parallel_loop3A_248 = tpu.memref_squeeze %parallel_loop3A_247 : memref<1x16x768xf32, #tpu.memory_space<vmem>> -> memref<16x768xf32, #tpu.memory_space<vmem>>
          %parallel_loop3A_249 = arith.index_cast %parallel_loop3A_152 : i32 to index
          %parallel_loop3A_250 = arith.constant 128 : index
          %parallel_loop3A_251 = tpu.vector_load %parallel_loop3A_248[%parallel_loop3A_249, %parallel_loop3A_250] {strides = array<i32>} : memref<16x768xf32, #tpu.memory_space<vmem>>, vector<16xf32>,
          tpu.vector_store %parallel_loop3A_248[%parallel_loop3A_249, %parallel_loop3A_250], %parallel_loop3A_243 {add = true, strides = array<i32>} : memref<16x768xf32, #tpu.memory_space<vmem>>, vector<16xf32>,
          %parallel_loop3A_252 = arith.constant 144 : i32
          %parallel_loop3A_253 = tpu.memref_slice %arg9[%parallel_loop3A_252] : memref<59136xf32, #tpu.memory_space<vmem>> -> memref<58992xf32, #tpu.memory_space<vmem>>
          %parallel_loop3A_254 = tpu.vector_load_idx %parallel_loop3A_253[%parallel_loop3A_150] : memref<58992xf32, #tpu.memory_space<vmem>>[vector<16xi32>], vector<16xf32>,
          %parallel_loop3A_255 = arith.constant 1 : i32
          %parallel_loop3A_256 = arith.constant 0 : i32
          %parallel_loop3A_257 = arith.constant 0 : i32
          %parallel_loop3A_258 = tpu.memref_slice %arg10[%parallel_loop3A_255, %parallel_loop3A_256, %parallel_loop3A_257] : memref<3x16x768xf32, #tpu.memory_space<vmem>> -> memref<1x16x768xf32, #tpu.memory_space<vmem>>
          %parallel_loop3A_259 = tpu.memref_squeeze %parallel_loop3A_258 : memref<1x16x768xf32, #tpu.memory_space<vmem>> -> memref<16x768xf32, #tpu.memory_space<vmem>>
          %parallel_loop3A_260 = arith.index_cast %parallel_loop3A_152 : i32 to index
          %parallel_loop3A_261 = arith.constant 144 : index
          %parallel_loop3A_262 = tpu.vector_load %parallel_loop3A_259[%parallel_loop3A_260, %parallel_loop3A_261] {strides = array<i32>} : memref<16x768xf32, #tpu.memory_space<vmem>>, vector<16xf32>,
          tpu.vector_store %parallel_loop3A_259[%parallel_loop3A_260, %parallel_loop3A_261], %parallel_loop3A_254 {add = true, strides = array<i32>} : memref<16x768xf32, #tpu.memory_space<vmem>>, vector<16xf32>,
          %parallel_loop3A_263 = arith.constant 160 : i32
          %parallel_loop3A_264 = tpu.memref_slice %arg9[%parallel_loop3A_263] : memref<59136xf32, #tpu.memory_space<vmem>> -> memref<58976xf32, #tpu.memory_space<vmem>>
          %parallel_loop3A_265 = tpu.vector_load_idx %parallel_loop3A_264[%parallel_loop3A_150] : memref<58976xf32, #tpu.memory_space<vmem>>[vector<16xi32>], vector<16xf32>,
          %parallel_loop3A_266 = arith.constant 1 : i32
          %parallel_loop3A_267 = arith.constant 0 : i32
          %parallel_loop3A_268 = arith.constant 0 : i32
          %parallel_loop3A_269 = tpu.memref_slice %arg10[%parallel_loop3A_266, %parallel_loop3A_267, %parallel_loop3A_268] : memref<3x16x768xf32, #tpu.memory_space<vmem>> -> memref<1x16x768xf32, #tpu.memory_space<vmem>>
          %parallel_loop3A_270 = tpu.memref_squeeze %parallel_loop3A_269 : memref<1x16x768xf32, #tpu.memory_space<vmem>> -> memref<16x768xf32, #tpu.memory_space<vmem>>
          %parallel_loop3A_271 = arith.index_cast %parallel_loop3A_152 : i32 to index
          %parallel_loop3A_272 = arith.constant 160 : index
          %parallel_loop3A_273 = tpu.vector_load %parallel_loop3A_270[%parallel_loop3A_271, %parallel_loop3A_272] {strides = array<i32>} : memref<16x768xf32, #tpu.memory_space<vmem>>, vector<16xf32>,
          tpu.vector_store %parallel_loop3A_270[%parallel_loop3A_271, %parallel_loop3A_272], %parallel_loop3A_265 {add = true, strides = array<i32>} : memref<16x768xf32, #tpu.memory_space<vmem>>, vector<16xf32>,
          %parallel_loop3A_274 = arith.constant 176 : i32
          %parallel_loop3A_275 = tpu.memref_slice %arg9[%parallel_loop3A_274] : memref<59136xf32, #tpu.memory_space<vmem>> -> memref<58960xf32, #tpu.memory_space<vmem>>
          %parallel_loop3A_276 = tpu.vector_load_idx %parallel_loop3A_275[%parallel_loop3A_150] : memref<58960xf32, #tpu.memory_space<vmem>>[vector<16xi32>], vector<16xf32>,
          %parallel_loop3A_277 = arith.constant 1 : i32
          %parallel_loop3A_278 = arith.constant 0 : i32
          %parallel_loop3A_279 = arith.constant 0 : i32
          %parallel_loop3A_280 = tpu.memref_slice %arg10[%parallel_loop3A_277, %parallel_loop3A_278, %parallel_loop3A_279] : memref<3x16x768xf32, #tpu.memory_space<vmem>> -> memref<1x16x768xf32, #tpu.memory_space<vmem>>
          %parallel_loop3A_281 = tpu.memref_squeeze %parallel_loop3A_280 : memref<1x16x768xf32, #tpu.memory_space<vmem>> -> memref<16x768xf32, #tpu.memory_space<vmem>>
          %parallel_loop3A_282 = arith.index_cast %parallel_loop3A_152 : i32 to index
          %parallel_loop3A_283 = arith.constant 176 : index
          %parallel_loop3A_284 = tpu.vector_load %parallel_loop3A_281[%parallel_loop3A_282, %parallel_loop3A_283] {strides = array<i32>} : memref<16x768xf32, #tpu.memory_space<vmem>>, vector<16xf32>,
          tpu.vector_store %parallel_loop3A_281[%parallel_loop3A_282, %parallel_loop3A_283], %parallel_loop3A_276 {add = true, strides = array<i32>} : memref<16x768xf32, #tpu.memory_space<vmem>>, vector<16xf32>,
          %parallel_loop3A_285 = arith.constant 192 : i32
          %parallel_loop3A_286 = tpu.memref_slice %arg9[%parallel_loop3A_285] : memref<59136xf32, #tpu.memory_space<vmem>> -> memref<58944xf32, #tpu.memory_space<vmem>>
          %parallel_loop3A_287 = tpu.vector_load_idx %parallel_loop3A_286[%parallel_loop3A_150] : memref<58944xf32, #tpu.memory_space<vmem>>[vector<16xi32>], vector<16xf32>,
          %parallel_loop3A_288 = arith.constant 1 : i32
          %parallel_loop3A_289 = arith.constant 0 : i32
          %parallel_loop3A_290 = arith.constant 0 : i32
          %parallel_loop3A_291 = tpu.memref_slice %arg10[%parallel_loop3A_288, %parallel_loop3A_289, %parallel_loop3A_290] : memref<3x16x768xf32, #tpu.memory_space<vmem>> -> memref<1x16x768xf32, #tpu.memory_space<vmem>>
          %parallel_loop3A_292 = tpu.memref_squeeze %parallel_loop3A_291 : memref<1x16x768xf32, #tpu.memory_space<vmem>> -> memref<16x768xf32, #tpu.memory_space<vmem>>
          %parallel_loop3A_293 = arith.index_cast %parallel_loop3A_152 : i32 to index
          %parallel_loop3A_294 = arith.constant 192 : index
          %parallel_loop3A_295 = tpu.vector_load %parallel_loop3A_292[%parallel_loop3A_293, %parallel_loop3A_294] {strides = array<i32>} : memref<16x768xf32, #tpu.memory_space<vmem>>, vector<16xf32>,
          tpu.vector_store %parallel_loop3A_292[%parallel_loop3A_293, %parallel_loop3A_294], %parallel_loop3A_287 {add = true, strides = array<i32>} : memref<16x768xf32, #tpu.memory_space<vmem>>, vector<16xf32>,
          %parallel_loop3A_296 = arith.constant 208 : i32
          %parallel_loop3A_297 = tpu.memref_slice %arg9[%parallel_loop3A_296] : memref<59136xf32, #tpu.memory_space<vmem>> -> memref<58928xf32, #tpu.memory_space<vmem>>
          %parallel_loop3A_298 = tpu.vector_load_idx %parallel_loop3A_297[%parallel_loop3A_150] : memref<58928xf32, #tpu.memory_space<vmem>>[vector<16xi32>], vector<16xf32>,
          %parallel_loop3A_299 = arith.constant 1 : i32
          %parallel_loop3A_300 = arith.constant 0 : i32
          %parallel_loop3A_301 = arith.constant 0 : i32
          %parallel_loop3A_302 = tpu.memref_slice %arg10[%parallel_loop3A_299, %parallel_loop3A_300, %parallel_loop3A_301] : memref<3x16x768xf32, #tpu.memory_space<vmem>> -> memref<1x16x768xf32, #tpu.memory_space<vmem>>
          %parallel_loop3A_303 = tpu.memref_squeeze %parallel_loop3A_302 : memref<1x16x768xf32, #tpu.memory_space<vmem>> -> memref<16x768xf32, #tpu.memory_space<vmem>>
          %parallel_loop3A_304 = arith.index_cast %parallel_loop3A_152 : i32 to index
          %parallel_loop3A_305 = arith.constant 208 : index
          %parallel_loop3A_306 = tpu.vector_load %parallel_loop3A_303[%parallel_loop3A_304, %parallel_loop3A_305] {strides = array<i32>} : memref<16x768xf32, #tpu.memory_space<vmem>>, vector<16xf32>,
          tpu.vector_store %parallel_loop3A_303[%parallel_loop3A_304, %parallel_loop3A_305], %parallel_loop3A_298 {add = true, strides = array<i32>} : memref<16x768xf32, #tpu.memory_space<vmem>>, vector<16xf32>,
          %parallel_loop3A_307 = arith.constant 224 : i32
          %parallel_loop3A_308 = tpu.memref_slice %arg9[%parallel_loop3A_307] : memref<59136xf32, #tpu.memory_space<vmem>> -> memref<58912xf32, #tpu.memory_space<vmem>>
          %parallel_loop3A_309 = tpu.vector_load_idx %parallel_loop3A_308[%parallel_loop3A_150] : memref<58912xf32, #tpu.memory_space<vmem>>[vector<16xi32>], vector<16xf32>,
          %parallel_loop3A_310 = arith.constant 1 : i32
          %parallel_loop3A_311 = arith.constant 0 : i32
          %parallel_loop3A_312 = arith.constant 0 : i32
          %parallel_loop3A_313 = tpu.memref_slice %arg10[%parallel_loop3A_310, %parallel_loop3A_311, %parallel_loop3A_312] : memref<3x16x768xf32, #tpu.memory_space<vmem>> -> memref<1x16x768xf32, #tpu.memory_space<vmem>>
          %parallel_loop3A_314 = tpu.memref_squeeze %parallel_loop3A_313 : memref<1x16x768xf32, #tpu.memory_space<vmem>> -> memref<16x768xf32, #tpu.memory_space<vmem>>
          %parallel_loop3A_315 = arith.index_cast %parallel_loop3A_152 : i32 to index
          %parallel_loop3A_316 = arith.constant 224 : index
          %parallel_loop3A_317 = tpu.vector_load %parallel_loop3A_314[%parallel_loop3A_315, %parallel_loop3A_316] {strides = array<i32>} : memref<16x768xf32, #tpu.memory_space<vmem>>, vector<16xf32>,
          tpu.vector_store %parallel_loop3A_314[%parallel_loop3A_315, %parallel_loop3A_316], %parallel_loop3A_309 {add = true, strides = array<i32>} : memref<16x768xf32, #tpu.memory_space<vmem>>, vector<16xf32>,
          %parallel_loop3A_318 = arith.constant 240 : i32
          %parallel_loop3A_319 = tpu.memref_slice %arg9[%parallel_loop3A_318] : memref<59136xf32, #tpu.memory_space<vmem>> -> memref<58896xf32, #tpu.memory_space<vmem>>
          %parallel_loop3A_320 = tpu.vector_load_idx %parallel_loop3A_319[%parallel_loop3A_150] : memref<58896xf32, #tpu.memory_space<vmem>>[vector<16xi32>], vector<16xf32>,
          %parallel_loop3A_321 = arith.constant 1 : i32
          %parallel_loop3A_322 = arith.constant 0 : i32
          %parallel_loop3A_323 = arith.constant 0 : i32
          %parallel_loop3A_324 = tpu.memref_slice %arg10[%parallel_loop3A_321, %parallel_loop3A_322, %parallel_loop3A_323] : memref<3x16x768xf32, #tpu.memory_space<vmem>> -> memref<1x16x768xf32, #tpu.memory_space<vmem>>
          %parallel_loop3A_325 = tpu.memref_squeeze %parallel_loop3A_324 : memref<1x16x768xf32, #tpu.memory_space<vmem>> -> memref<16x768xf32, #tpu.memory_space<vmem>>
          %parallel_loop3A_326 = arith.index_cast %parallel_loop3A_152 : i32 to index
          %parallel_loop3A_327 = arith.constant 240 : index
          %parallel_loop3A_328 = tpu.vector_load %parallel_loop3A_325[%parallel_loop3A_326, %parallel_loop3A_327] {strides = array<i32>} : memref<16x768xf32, #tpu.memory_space<vmem>>, vector<16xf32>,
          tpu.vector_store %parallel_loop3A_325[%parallel_loop3A_326, %parallel_loop3A_327], %parallel_loop3A_320 {add = true, strides = array<i32>} : memref<16x768xf32, #tpu.memory_space<vmem>>, vector<16xf32>,
          %parallel_loop3A_329 = arith.constant 256 : i32
          %parallel_loop3A_330 = tpu.memref_slice %arg9[%parallel_loop3A_329] : memref<59136xf32, #tpu.memory_space<vmem>> -> memref<58880xf32, #tpu.memory_space<vmem>>
          %parallel_loop3A_331 = tpu.vector_load_idx %parallel_loop3A_330[%parallel_loop3A_150] : memref<58880xf32, #tpu.memory_space<vmem>>[vector<16xi32>], vector<16xf32>,
          %parallel_loop3A_332 = arith.constant 1 : i32
          %parallel_loop3A_333 = arith.constant 0 : i32
          %parallel_loop3A_334 = arith.constant 0 : i32
          %parallel_loop3A_335 = tpu.memref_slice %arg10[%parallel_loop3A_332, %parallel_loop3A_333, %parallel_loop3A_334] : memref<3x16x768xf32, #tpu.memory_space<vmem>> -> memref<1x16x768xf32, #tpu.memory_space<vmem>>
          %parallel_loop3A_336 = tpu.memref_squeeze %parallel_loop3A_335 : memref<1x16x768xf32, #tpu.memory_space<vmem>> -> memref<16x768xf32, #tpu.memory_space<vmem>>
          %parallel_loop3A_337 = arith.index_cast %parallel_loop3A_152 : i32 to index
          %parallel_loop3A_338 = arith.constant 256 : index
          %parallel_loop3A_339 = tpu.vector_load %parallel_loop3A_336[%parallel_loop3A_337, %parallel_loop3A_338] {strides = array<i32>} : memref<16x768xf32, #tpu.memory_space<vmem>>, vector<16xf32>,
          tpu.vector_store %parallel_loop3A_336[%parallel_loop3A_337, %parallel_loop3A_338], %parallel_loop3A_331 {add = true, strides = array<i32>} : memref<16x768xf32, #tpu.memory_space<vmem>>, vector<16xf32>,
          %parallel_loop3A_340 = arith.constant 272 : i32
          %parallel_loop3A_341 = tpu.memref_slice %arg9[%parallel_loop3A_340] : memref<59136xf32, #tpu.memory_space<vmem>> -> memref<58864xf32, #tpu.memory_space<vmem>>
          %parallel_loop3A_342 = tpu.vector_load_idx %parallel_loop3A_341[%parallel_loop3A_150] : memref<58864xf32, #tpu.memory_space<vmem>>[vector<16xi32>], vector<16xf32>,
          %parallel_loop3A_343 = arith.constant 1 : i32
          %parallel_loop3A_344 = arith.constant 0 : i32
          %parallel_loop3A_345 = arith.constant 0 : i32
          %parallel_loop3A_346 = tpu.memref_slice %arg10[%parallel_loop3A_343, %parallel_loop3A_344, %parallel_loop3A_345] : memref<3x16x768xf32, #tpu.memory_space<vmem>> -> memref<1x16x768xf32, #tpu.memory_space<vmem>>
          %parallel_loop3A_347 = tpu.memref_squeeze %parallel_loop3A_346 : memref<1x16x768xf32, #tpu.memory_space<vmem>> -> memref<16x768xf32, #tpu.memory_space<vmem>>
          %parallel_loop3A_348 = arith.index_cast %parallel_loop3A_152 : i32 to index
          %parallel_loop3A_349 = arith.constant 272 : index
          %parallel_loop3A_350 = tpu.vector_load %parallel_loop3A_347[%parallel_loop3A_348, %parallel_loop3A_349] {strides = array<i32>} : memref<16x768xf32, #tpu.memory_space<vmem>>, vector<16xf32>,
          tpu.vector_store %parallel_loop3A_347[%parallel_loop3A_348, %parallel_loop3A_349], %parallel_loop3A_342 {add = true, strides = array<i32>} : memref<16x768xf32, #tpu.memory_space<vmem>>, vector<16xf32>,
          %parallel_loop3A_351 = arith.constant 288 : i32
          %parallel_loop3A_352 = tpu.memref_slice %arg9[%parallel_loop3A_351] : memref<59136xf32, #tpu.memory_space<vmem>> -> memref<58848xf32, #tpu.memory_space<vmem>>
          %parallel_loop3A_353 = tpu.vector_load_idx %parallel_loop3A_352[%parallel_loop3A_150] : memref<58848xf32, #tpu.memory_space<vmem>>[vector<16xi32>], vector<16xf32>,
          %parallel_loop3A_354 = arith.constant 1 : i32
          %parallel_loop3A_355 = arith.constant 0 : i32
          %parallel_loop3A_356 = arith.constant 0 : i32
          %parallel_loop3A_357 = tpu.memref_slice %arg10[%parallel_loop3A_354, %parallel_loop3A_355, %parallel_loop3A_356] : memref<3x16x768xf32, #tpu.memory_space<vmem>> -> memref<1x16x768xf32, #tpu.memory_space<vmem>>
          %parallel_loop3A_358 = tpu.memref_squeeze %parallel_loop3A_357 : memref<1x16x768xf32, #tpu.memory_space<vmem>> -> memref<16x768xf32, #tpu.memory_space<vmem>>
          %parallel_loop3A_359 = arith.index_cast %parallel_loop3A_152 : i32 to index
          %parallel_loop3A_360 = arith.constant 288 : index
          %parallel_loop3A_361 = tpu.vector_load %parallel_loop3A_358[%parallel_loop3A_359, %parallel_loop3A_360] {strides = array<i32>} : memref<16x768xf32, #tpu.memory_space<vmem>>, vector<16xf32>,
          tpu.vector_store %parallel_loop3A_358[%parallel_loop3A_359, %parallel_loop3A_360], %parallel_loop3A_353 {add = true, strides = array<i32>} : memref<16x768xf32, #tpu.memory_space<vmem>>, vector<16xf32>,
          %parallel_loop3A_362 = arith.constant 304 : i32
          %parallel_loop3A_363 = tpu.memref_slice %arg9[%parallel_loop3A_362] : memref<59136xf32, #tpu.memory_space<vmem>> -> memref<58832xf32, #tpu.memory_space<vmem>>
          %parallel_loop3A_364 = tpu.vector_load_idx %parallel_loop3A_363[%parallel_loop3A_150] : memref<58832xf32, #tpu.memory_space<vmem>>[vector<16xi32>], vector<16xf32>,
          %parallel_loop3A_365 = arith.constant 1 : i32
          %parallel_loop3A_366 = arith.constant 0 : i32
          %parallel_loop3A_367 = arith.constant 0 : i32
          %parallel_loop3A_368 = tpu.memref_slice %arg10[%parallel_loop3A_365, %parallel_loop3A_366, %parallel_loop3A_367] : memref<3x16x768xf32, #tpu.memory_space<vmem>> -> memref<1x16x768xf32, #tpu.memory_space<vmem>>
          %parallel_loop3A_369 = tpu.memref_squeeze %parallel_loop3A_368 : memref<1x16x768xf32, #tpu.memory_space<vmem>> -> memref<16x768xf32, #tpu.memory_space<vmem>>
          %parallel_loop3A_370 = arith.index_cast %parallel_loop3A_152 : i32 to index
          %parallel_loop3A_371 = arith.constant 304 : index
          %parallel_loop3A_372 = tpu.vector_load %parallel_loop3A_369[%parallel_loop3A_370, %parallel_loop3A_371] {strides = array<i32>} : memref<16x768xf32, #tpu.memory_space<vmem>>, vector<16xf32>,
          tpu.vector_store %parallel_loop3A_369[%parallel_loop3A_370, %parallel_loop3A_371], %parallel_loop3A_364 {add = true, strides = array<i32>} : memref<16x768xf32, #tpu.memory_space<vmem>>, vector<16xf32>,
          %parallel_loop3A_373 = arith.constant 320 : i32
          %parallel_loop3A_374 = tpu.memref_slice %arg9[%parallel_loop3A_373] : memref<59136xf32, #tpu.memory_space<vmem>> -> memref<58816xf32, #tpu.memory_space<vmem>>
          %parallel_loop3A_375 = tpu.vector_load_idx %parallel_loop3A_374[%parallel_loop3A_150] : memref<58816xf32, #tpu.memory_space<vmem>>[vector<16xi32>], vector<16xf32>,
          %parallel_loop3A_376 = arith.constant 1 : i32
          %parallel_loop3A_377 = arith.constant 0 : i32
          %parallel_loop3A_378 = arith.constant 0 : i32
          %parallel_loop3A_379 = tpu.memref_slice %arg10[%parallel_loop3A_376, %parallel_loop3A_377, %parallel_loop3A_378] : memref<3x16x768xf32, #tpu.memory_space<vmem>> -> memref<1x16x768xf32, #tpu.memory_space<vmem>>
          %parallel_loop3A_380 = tpu.memref_squeeze %parallel_loop3A_379 : memref<1x16x768xf32, #tpu.memory_space<vmem>> -> memref<16x768xf32, #tpu.memory_space<vmem>>
          %parallel_loop3A_381 = arith.index_cast %parallel_loop3A_152 : i32 to index
          %parallel_loop3A_382 = arith.constant 320 : index
          %parallel_loop3A_383 = tpu.vector_load %parallel_loop3A_380[%parallel_loop3A_381, %parallel_loop3A_382] {strides = array<i32>} : memref<16x768xf32, #tpu.memory_space<vmem>>, vector<16xf32>,
          tpu.vector_store %parallel_loop3A_380[%parallel_loop3A_381, %parallel_loop3A_382], %parallel_loop3A_375 {add = true, strides = array<i32>} : memref<16x768xf32, #tpu.memory_space<vmem>>, vector<16xf32>,
          %parallel_loop3A_384 = arith.constant 336 : i32
          %parallel_loop3A_385 = tpu.memref_slice %arg9[%parallel_loop3A_384] : memref<59136xf32, #tpu.memory_space<vmem>> -> memref<58800xf32, #tpu.memory_space<vmem>>
          %parallel_loop3A_386 = tpu.vector_load_idx %parallel_loop3A_385[%parallel_loop3A_150] : memref<58800xf32, #tpu.memory_space<vmem>>[vector<16xi32>], vector<16xf32>,
          %parallel_loop3A_387 = arith.constant 1 : i32
          %parallel_loop3A_388 = arith.constant 0 : i32
          %parallel_loop3A_389 = arith.constant 0 : i32
          %parallel_loop3A_390 = tpu.memref_slice %arg10[%parallel_loop3A_387, %parallel_loop3A_388, %parallel_loop3A_389] : memref<3x16x768xf32, #tpu.memory_space<vmem>> -> memref<1x16x768xf32, #tpu.memory_space<vmem>>
          %parallel_loop3A_391 = tpu.memref_squeeze %parallel_loop3A_390 : memref<1x16x768xf32, #tpu.memory_space<vmem>> -> memref<16x768xf32, #tpu.memory_space<vmem>>
          %parallel_loop3A_392 = arith.index_cast %parallel_loop3A_152 : i32 to index
          %parallel_loop3A_393 = arith.constant 336 : index
          %parallel_loop3A_394 = tpu.vector_load %parallel_loop3A_391[%parallel_loop3A_392, %parallel_loop3A_393] {strides = array<i32>} : memref<16x768xf32, #tpu.memory_space<vmem>>, vector<16xf32>,
          tpu.vector_store %parallel_loop3A_391[%parallel_loop3A_392, %parallel_loop3A_393], %parallel_loop3A_386 {add = true, strides = array<i32>} : memref<16x768xf32, #tpu.memory_space<vmem>>, vector<16xf32>,
          %parallel_loop3A_395 = arith.constant 352 : i32
          %parallel_loop3A_396 = tpu.memref_slice %arg9[%parallel_loop3A_395] : memref<59136xf32, #tpu.memory_space<vmem>> -> memref<58784xf32, #tpu.memory_space<vmem>>
          %parallel_loop3A_397 = tpu.vector_load_idx %parallel_loop3A_396[%parallel_loop3A_150] : memref<58784xf32, #tpu.memory_space<vmem>>[vector<16xi32>], vector<16xf32>,
          %parallel_loop3A_398 = arith.constant 1 : i32
          %parallel_loop3A_399 = arith.constant 0 : i32
          %parallel_loop3A_400 = arith.constant 0 : i32
          %parallel_loop3A_401 = tpu.memref_slice %arg10[%parallel_loop3A_398, %parallel_loop3A_399, %parallel_loop3A_400] : memref<3x16x768xf32, #tpu.memory_space<vmem>> -> memref<1x16x768xf32, #tpu.memory_space<vmem>>
          %parallel_loop3A_402 = tpu.memref_squeeze %parallel_loop3A_401 : memref<1x16x768xf32, #tpu.memory_space<vmem>> -> memref<16x768xf32, #tpu.memory_space<vmem>>
          %parallel_loop3A_403 = arith.index_cast %parallel_loop3A_152 : i32 to index
          %parallel_loop3A_404 = arith.constant 352 : index
          %parallel_loop3A_405 = tpu.vector_load %parallel_loop3A_402[%parallel_loop3A_403, %parallel_loop3A_404] {strides = array<i32>} : memref<16x768xf32, #tpu.memory_space<vmem>>, vector<16xf32>,
          tpu.vector_store %parallel_loop3A_402[%parallel_loop3A_403, %parallel_loop3A_404], %parallel_loop3A_397 {add = true, strides = array<i32>} : memref<16x768xf32, #tpu.memory_space<vmem>>, vector<16xf32>,
          %parallel_loop3A_406 = arith.constant 368 : i32
          %parallel_loop3A_407 = tpu.memref_slice %arg9[%parallel_loop3A_406] : memref<59136xf32, #tpu.memory_space<vmem>> -> memref<58768xf32, #tpu.memory_space<vmem>>
          %parallel_loop3A_408 = tpu.vector_load_idx %parallel_loop3A_407[%parallel_loop3A_150] : memref<58768xf32, #tpu.memory_space<vmem>>[vector<16xi32>], vector<16xf32>,
          %parallel_loop3A_409 = arith.constant 1 : i32
          %parallel_loop3A_410 = arith.constant 0 : i32
          %parallel_loop3A_411 = arith.constant 0 : i32
          %parallel_loop3A_412 = tpu.memref_slice %arg10[%parallel_loop3A_409, %parallel_loop3A_410, %parallel_loop3A_411] : memref<3x16x768xf32, #tpu.memory_space<vmem>> -> memref<1x16x768xf32, #tpu.memory_space<vmem>>
          %parallel_loop3A_413 = tpu.memref_squeeze %parallel_loop3A_412 : memref<1x16x768xf32, #tpu.memory_space<vmem>> -> memref<16x768xf32, #tpu.memory_space<vmem>>
          %parallel_loop3A_414 = arith.index_cast %parallel_loop3A_152 : i32 to index
          %parallel_loop3A_415 = arith.constant 368 : index
          %parallel_loop3A_416 = tpu.vector_load %parallel_loop3A_413[%parallel_loop3A_414, %parallel_loop3A_415] {strides = array<i32>} : memref<16x768xf32, #tpu.memory_space<vmem>>, vector<16xf32>,
          tpu.vector_store %parallel_loop3A_413[%parallel_loop3A_414, %parallel_loop3A_415], %parallel_loop3A_408 {add = true, strides = array<i32>} : memref<16x768xf32, #tpu.memory_space<vmem>>, vector<16xf32>,
          %parallel_loop3A_417 = arith.constant 384 : i32
          %parallel_loop3A_418 = tpu.memref_slice %arg9[%parallel_loop3A_417] : memref<59136xf32, #tpu.memory_space<vmem>> -> memref<58752xf32, #tpu.memory_space<vmem>>
          %parallel_loop3A_419 = tpu.vector_load_idx %parallel_loop3A_418[%parallel_loop3A_150] : memref<58752xf32, #tpu.memory_space<vmem>>[vector<16xi32>], vector<16xf32>,
          %parallel_loop3A_420 = arith.constant 1 : i32
          %parallel_loop3A_421 = arith.constant 0 : i32
          %parallel_loop3A_422 = arith.constant 0 : i32
          %parallel_loop3A_423 = tpu.memref_slice %arg10[%parallel_loop3A_420, %parallel_loop3A_421, %parallel_loop3A_422] : memref<3x16x768xf32, #tpu.memory_space<vmem>> -> memref<1x16x768xf32, #tpu.memory_space<vmem>>
          %parallel_loop3A_424 = tpu.memref_squeeze %parallel_loop3A_423 : memref<1x16x768xf32, #tpu.memory_space<vmem>> -> memref<16x768xf32, #tpu.memory_space<vmem>>
          %parallel_loop3A_425 = arith.index_cast %parallel_loop3A_152 : i32 to index
          %parallel_loop3A_426 = arith.constant 384 : index
          %parallel_loop3A_427 = tpu.vector_load %parallel_loop3A_424[%parallel_loop3A_425, %parallel_loop3A_426] {strides = array<i32>} : memref<16x768xf32, #tpu.memory_space<vmem>>, vector<16xf32>,
          tpu.vector_store %parallel_loop3A_424[%parallel_loop3A_425, %parallel_loop3A_426], %parallel_loop3A_419 {add = true, strides = array<i32>} : memref<16x768xf32, #tpu.memory_space<vmem>>, vector<16xf32>,
          %parallel_loop3A_428 = arith.constant 400 : i32
          %parallel_loop3A_429 = tpu.memref_slice %arg9[%parallel_loop3A_428] : memref<59136xf32, #tpu.memory_space<vmem>> -> memref<58736xf32, #tpu.memory_space<vmem>>
          %parallel_loop3A_430 = tpu.vector_load_idx %parallel_loop3A_429[%parallel_loop3A_150] : memref<58736xf32, #tpu.memory_space<vmem>>[vector<16xi32>], vector<16xf32>,
          %parallel_loop3A_431 = arith.constant 1 : i32
          %parallel_loop3A_432 = arith.constant 0 : i32
          %parallel_loop3A_433 = arith.constant 0 : i32
          %parallel_loop3A_434 = tpu.memref_slice %arg10[%parallel_loop3A_431, %parallel_loop3A_432, %parallel_loop3A_433] : memref<3x16x768xf32, #tpu.memory_space<vmem>> -> memref<1x16x768xf32, #tpu.memory_space<vmem>>
          %parallel_loop3A_435 = tpu.memref_squeeze %parallel_loop3A_434 : memref<1x16x768xf32, #tpu.memory_space<vmem>> -> memref<16x768xf32, #tpu.memory_space<vmem>>
          %parallel_loop3A_436 = arith.index_cast %parallel_loop3A_152 : i32 to index
          %parallel_loop3A_437 = arith.constant 400 : index
          %parallel_loop3A_438 = tpu.vector_load %parallel_loop3A_435[%parallel_loop3A_436, %parallel_loop3A_437] {strides = array<i32>} : memref<16x768xf32, #tpu.memory_space<vmem>>, vector<16xf32>,
          tpu.vector_store %parallel_loop3A_435[%parallel_loop3A_436, %parallel_loop3A_437], %parallel_loop3A_430 {add = true, strides = array<i32>} : memref<16x768xf32, #tpu.memory_space<vmem>>, vector<16xf32>,
          %parallel_loop3A_439 = arith.constant 416 : i32
          %parallel_loop3A_440 = tpu.memref_slice %arg9[%parallel_loop3A_439] : memref<59136xf32, #tpu.memory_space<vmem>> -> memref<58720xf32, #tpu.memory_space<vmem>>
          %parallel_loop3A_441 = tpu.vector_load_idx %parallel_loop3A_440[%parallel_loop3A_150] : memref<58720xf32, #tpu.memory_space<vmem>>[vector<16xi32>], vector<16xf32>,
          %parallel_loop3A_442 = arith.constant 1 : i32
          %parallel_loop3A_443 = arith.constant 0 : i32
          %parallel_loop3A_444 = arith.constant 0 : i32
          %parallel_loop3A_445 = tpu.memref_slice %arg10[%parallel_loop3A_442, %parallel_loop3A_443, %parallel_loop3A_444] : memref<3x16x768xf32, #tpu.memory_space<vmem>> -> memref<1x16x768xf32, #tpu.memory_space<vmem>>
          %parallel_loop3A_446 = tpu.memref_squeeze %parallel_loop3A_445 : memref<1x16x768xf32, #tpu.memory_space<vmem>> -> memref<16x768xf32, #tpu.memory_space<vmem>>
          %parallel_loop3A_447 = arith.index_cast %parallel_loop3A_152 : i32 to index
          %parallel_loop3A_448 = arith.constant 416 : index
          %parallel_loop3A_449 = tpu.vector_load %parallel_loop3A_446[%parallel_loop3A_447, %parallel_loop3A_448] {strides = array<i32>} : memref<16x768xf32, #tpu.memory_space<vmem>>, vector<16xf32>,
          tpu.vector_store %parallel_loop3A_446[%parallel_loop3A_447, %parallel_loop3A_448], %parallel_loop3A_441 {add = true, strides = array<i32>} : memref<16x768xf32, #tpu.memory_space<vmem>>, vector<16xf32>,
          %parallel_loop3A_450 = arith.constant 432 : i32
          %parallel_loop3A_451 = tpu.memref_slice %arg9[%parallel_loop3A_450] : memref<59136xf32, #tpu.memory_space<vmem>> -> memref<58704xf32, #tpu.memory_space<vmem>>
          %parallel_loop3A_452 = tpu.vector_load_idx %parallel_loop3A_451[%parallel_loop3A_150] : memref<58704xf32, #tpu.memory_space<vmem>>[vector<16xi32>], vector<16xf32>,
          %parallel_loop3A_453 = arith.constant 1 : i32
          %parallel_loop3A_454 = arith.constant 0 : i32
          %parallel_loop3A_455 = arith.constant 0 : i32
          %parallel_loop3A_456 = tpu.memref_slice %arg10[%parallel_loop3A_453, %parallel_loop3A_454, %parallel_loop3A_455] : memref<3x16x768xf32, #tpu.memory_space<vmem>> -> memref<1x16x768xf32, #tpu.memory_space<vmem>>
          %parallel_loop3A_457 = tpu.memref_squeeze %parallel_loop3A_456 : memref<1x16x768xf32, #tpu.memory_space<vmem>> -> memref<16x768xf32, #tpu.memory_space<vmem>>
          %parallel_loop3A_458 = arith.index_cast %parallel_loop3A_152 : i32 to index
          %parallel_loop3A_459 = arith.constant 432 : index
          %parallel_loop3A_460 = tpu.vector_load %parallel_loop3A_457[%parallel_loop3A_458, %parallel_loop3A_459] {strides = array<i32>} : memref<16x768xf32, #tpu.memory_space<vmem>>, vector<16xf32>,
          tpu.vector_store %parallel_loop3A_457[%parallel_loop3A_458, %parallel_loop3A_459], %parallel_loop3A_452 {add = true, strides = array<i32>} : memref<16x768xf32, #tpu.memory_space<vmem>>, vector<16xf32>,
          %parallel_loop3A_461 = arith.constant 448 : i32
          %parallel_loop3A_462 = tpu.memref_slice %arg9[%parallel_loop3A_461] : memref<59136xf32, #tpu.memory_space<vmem>> -> memref<58688xf32, #tpu.memory_space<vmem>>
          %parallel_loop3A_463 = tpu.vector_load_idx %parallel_loop3A_462[%parallel_loop3A_150] : memref<58688xf32, #tpu.memory_space<vmem>>[vector<16xi32>], vector<16xf32>,
          %parallel_loop3A_464 = arith.constant 1 : i32
          %parallel_loop3A_465 = arith.constant 0 : i32
          %parallel_loop3A_466 = arith.constant 0 : i32
          %parallel_loop3A_467 = tpu.memref_slice %arg10[%parallel_loop3A_464, %parallel_loop3A_465, %parallel_loop3A_466] : memref<3x16x768xf32, #tpu.memory_space<vmem>> -> memref<1x16x768xf32, #tpu.memory_space<vmem>>
          %parallel_loop3A_468 = tpu.memref_squeeze %parallel_loop3A_467 : memref<1x16x768xf32, #tpu.memory_space<vmem>> -> memref<16x768xf32, #tpu.memory_space<vmem>>
          %parallel_loop3A_469 = arith.index_cast %parallel_loop3A_152 : i32 to index
          %parallel_loop3A_470 = arith.constant 448 : index
          %parallel_loop3A_471 = tpu.vector_load %parallel_loop3A_468[%parallel_loop3A_469, %parallel_loop3A_470] {strides = array<i32>} : memref<16x768xf32, #tpu.memory_space<vmem>>, vector<16xf32>,
          tpu.vector_store %parallel_loop3A_468[%parallel_loop3A_469, %parallel_loop3A_470], %parallel_loop3A_463 {add = true, strides = array<i32>} : memref<16x768xf32, #tpu.memory_space<vmem>>, vector<16xf32>,
          %parallel_loop3A_472 = arith.constant 464 : i32
          %parallel_loop3A_473 = tpu.memref_slice %arg9[%parallel_loop3A_472] : memref<59136xf32, #tpu.memory_space<vmem>> -> memref<58672xf32, #tpu.memory_space<vmem>>
          %parallel_loop3A_474 = tpu.vector_load_idx %parallel_loop3A_473[%parallel_loop3A_150] : memref<58672xf32, #tpu.memory_space<vmem>>[vector<16xi32>], vector<16xf32>,
          %parallel_loop3A_475 = arith.constant 1 : i32
          %parallel_loop3A_476 = arith.constant 0 : i32
          %parallel_loop3A_477 = arith.constant 0 : i32
          %parallel_loop3A_478 = tpu.memref_slice %arg10[%parallel_loop3A_475, %parallel_loop3A_476, %parallel_loop3A_477] : memref<3x16x768xf32, #tpu.memory_space<vmem>> -> memref<1x16x768xf32, #tpu.memory_space<vmem>>
          %parallel_loop3A_479 = tpu.memref_squeeze %parallel_loop3A_478 : memref<1x16x768xf32, #tpu.memory_space<vmem>> -> memref<16x768xf32, #tpu.memory_space<vmem>>
          %parallel_loop3A_480 = arith.index_cast %parallel_loop3A_152 : i32 to index
          %parallel_loop3A_481 = arith.constant 464 : index
          %parallel_loop3A_482 = tpu.vector_load %parallel_loop3A_479[%parallel_loop3A_480, %parallel_loop3A_481] {strides = array<i32>} : memref<16x768xf32, #tpu.memory_space<vmem>>, vector<16xf32>,
          tpu.vector_store %parallel_loop3A_479[%parallel_loop3A_480, %parallel_loop3A_481], %parallel_loop3A_474 {add = true, strides = array<i32>} : memref<16x768xf32, #tpu.memory_space<vmem>>, vector<16xf32>,
          %parallel_loop3A_483 = arith.constant 480 : i32
          %parallel_loop3A_484 = tpu.memref_slice %arg9[%parallel_loop3A_483] : memref<59136xf32, #tpu.memory_space<vmem>> -> memref<58656xf32, #tpu.memory_space<vmem>>
          %parallel_loop3A_485 = tpu.vector_load_idx %parallel_loop3A_484[%parallel_loop3A_150] : memref<58656xf32, #tpu.memory_space<vmem>>[vector<16xi32>], vector<16xf32>,
          %parallel_loop3A_486 = arith.constant 1 : i32
          %parallel_loop3A_487 = arith.constant 0 : i32
          %parallel_loop3A_488 = arith.constant 0 : i32
          %parallel_loop3A_489 = tpu.memref_slice %arg10[%parallel_loop3A_486, %parallel_loop3A_487, %parallel_loop3A_488] : memref<3x16x768xf32, #tpu.memory_space<vmem>> -> memref<1x16x768xf32, #tpu.memory_space<vmem>>
          %parallel_loop3A_490 = tpu.memref_squeeze %parallel_loop3A_489 : memref<1x16x768xf32, #tpu.memory_space<vmem>> -> memref<16x768xf32, #tpu.memory_space<vmem>>
          %parallel_loop3A_491 = arith.index_cast %parallel_loop3A_152 : i32 to index
          %parallel_loop3A_492 = arith.constant 480 : index
          %parallel_loop3A_493 = tpu.vector_load %parallel_loop3A_490[%parallel_loop3A_491, %parallel_loop3A_492] {strides = array<i32>} : memref<16x768xf32, #tpu.memory_space<vmem>>, vector<16xf32>,
          tpu.vector_store %parallel_loop3A_490[%parallel_loop3A_491, %parallel_loop3A_492], %parallel_loop3A_485 {add = true, strides = array<i32>} : memref<16x768xf32, #tpu.memory_space<vmem>>, vector<16xf32>,
          %parallel_loop3A_494 = arith.constant 496 : i32
          %parallel_loop3A_495 = tpu.memref_slice %arg9[%parallel_loop3A_494] : memref<59136xf32, #tpu.memory_space<vmem>> -> memref<58640xf32, #tpu.memory_space<vmem>>
          %parallel_loop3A_496 = tpu.vector_load_idx %parallel_loop3A_495[%parallel_loop3A_150] : memref<58640xf32, #tpu.memory_space<vmem>>[vector<16xi32>], vector<16xf32>,
          %parallel_loop3A_497 = arith.constant 1 : i32
          %parallel_loop3A_498 = arith.constant 0 : i32
          %parallel_loop3A_499 = arith.constant 0 : i32
          %parallel_loop3A_500 = tpu.memref_slice %arg10[%parallel_loop3A_497, %parallel_loop3A_498, %parallel_loop3A_499] : memref<3x16x768xf32, #tpu.memory_space<vmem>> -> memref<1x16x768xf32, #tpu.memory_space<vmem>>
          %parallel_loop3A_501 = tpu.memref_squeeze %parallel_loop3A_500 : memref<1x16x768xf32, #tpu.memory_space<vmem>> -> memref<16x768xf32, #tpu.memory_space<vmem>>
          %parallel_loop3A_502 = arith.index_cast %parallel_loop3A_152 : i32 to index
          %parallel_loop3A_503 = arith.constant 496 : index
          %parallel_loop3A_504 = tpu.vector_load %parallel_loop3A_501[%parallel_loop3A_502, %parallel_loop3A_503] {strides = array<i32>} : memref<16x768xf32, #tpu.memory_space<vmem>>, vector<16xf32>,
          tpu.vector_store %parallel_loop3A_501[%parallel_loop3A_502, %parallel_loop3A_503], %parallel_loop3A_496 {add = true, strides = array<i32>} : memref<16x768xf32, #tpu.memory_space<vmem>>, vector<16xf32>,
          %parallel_loop3A_505 = arith.constant 512 : i32
          %parallel_loop3A_506 = tpu.memref_slice %arg9[%parallel_loop3A_505] : memref<59136xf32, #tpu.memory_space<vmem>> -> memref<58624xf32, #tpu.memory_space<vmem>>
          %parallel_loop3A_507 = tpu.vector_load_idx %parallel_loop3A_506[%parallel_loop3A_150] : memref<58624xf32, #tpu.memory_space<vmem>>[vector<16xi32>], vector<16xf32>,
          %parallel_loop3A_508 = arith.constant 1 : i32
          %parallel_loop3A_509 = arith.constant 0 : i32
          %parallel_loop3A_510 = arith.constant 0 : i32
          %parallel_loop3A_511 = tpu.memref_slice %arg10[%parallel_loop3A_508, %parallel_loop3A_509, %parallel_loop3A_510] : memref<3x16x768xf32, #tpu.memory_space<vmem>> -> memref<1x16x768xf32, #tpu.memory_space<vmem>>
          %parallel_loop3A_512 = tpu.memref_squeeze %parallel_loop3A_511 : memref<1x16x768xf32, #tpu.memory_space<vmem>> -> memref<16x768xf32, #tpu.memory_space<vmem>>
          %parallel_loop3A_513 = arith.index_cast %parallel_loop3A_152 : i32 to index
          %parallel_loop3A_514 = arith.constant 512 : index
          %parallel_loop3A_515 = tpu.vector_load %parallel_loop3A_512[%parallel_loop3A_513, %parallel_loop3A_514] {strides = array<i32>} : memref<16x768xf32, #tpu.memory_space<vmem>>, vector<16xf32>,
          tpu.vector_store %parallel_loop3A_512[%parallel_loop3A_513, %parallel_loop3A_514], %parallel_loop3A_507 {add = true, strides = array<i32>} : memref<16x768xf32, #tpu.memory_space<vmem>>, vector<16xf32>,
          %parallel_loop3A_516 = arith.constant 528 : i32
          %parallel_loop3A_517 = tpu.memref_slice %arg9[%parallel_loop3A_516] : memref<59136xf32, #tpu.memory_space<vmem>> -> memref<58608xf32, #tpu.memory_space<vmem>>
          %parallel_loop3A_518 = tpu.vector_load_idx %parallel_loop3A_517[%parallel_loop3A_150] : memref<58608xf32, #tpu.memory_space<vmem>>[vector<16xi32>], vector<16xf32>,
          %parallel_loop3A_519 = arith.constant 1 : i32
          %parallel_loop3A_520 = arith.constant 0 : i32
          %parallel_loop3A_521 = arith.constant 0 : i32
          %parallel_loop3A_522 = tpu.memref_slice %arg10[%parallel_loop3A_519, %parallel_loop3A_520, %parallel_loop3A_521] : memref<3x16x768xf32, #tpu.memory_space<vmem>> -> memref<1x16x768xf32, #tpu.memory_space<vmem>>
          %parallel_loop3A_523 = tpu.memref_squeeze %parallel_loop3A_522 : memref<1x16x768xf32, #tpu.memory_space<vmem>> -> memref<16x768xf32, #tpu.memory_space<vmem>>
          %parallel_loop3A_524 = arith.index_cast %parallel_loop3A_152 : i32 to index
          %parallel_loop3A_525 = arith.constant 528 : index
          %parallel_loop3A_526 = tpu.vector_load %parallel_loop3A_523[%parallel_loop3A_524, %parallel_loop3A_525] {strides = array<i32>} : memref<16x768xf32, #tpu.memory_space<vmem>>, vector<16xf32>,
          tpu.vector_store %parallel_loop3A_523[%parallel_loop3A_524, %parallel_loop3A_525], %parallel_loop3A_518 {add = true, strides = array<i32>} : memref<16x768xf32, #tpu.memory_space<vmem>>, vector<16xf32>,
          %parallel_loop3A_527 = arith.constant 544 : i32
          %parallel_loop3A_528 = tpu.memref_slice %arg9[%parallel_loop3A_527] : memref<59136xf32, #tpu.memory_space<vmem>> -> memref<58592xf32, #tpu.memory_space<vmem>>
          %parallel_loop3A_529 = tpu.vector_load_idx %parallel_loop3A_528[%parallel_loop3A_150] : memref<58592xf32, #tpu.memory_space<vmem>>[vector<16xi32>], vector<16xf32>,
          %parallel_loop3A_530 = arith.constant 1 : i32
          %parallel_loop3A_531 = arith.constant 0 : i32
          %parallel_loop3A_532 = arith.constant 0 : i32
          %parallel_loop3A_533 = tpu.memref_slice %arg10[%parallel_loop3A_530, %parallel_loop3A_531, %parallel_loop3A_532] : memref<3x16x768xf32, #tpu.memory_space<vmem>> -> memref<1x16x768xf32, #tpu.memory_space<vmem>>
          %parallel_loop3A_534 = tpu.memref_squeeze %parallel_loop3A_533 : memref<1x16x768xf32, #tpu.memory_space<vmem>> -> memref<16x768xf32, #tpu.memory_space<vmem>>
          %parallel_loop3A_535 = arith.index_cast %parallel_loop3A_152 : i32 to index
          %parallel_loop3A_536 = arith.constant 544 : index
          %parallel_loop3A_537 = tpu.vector_load %parallel_loop3A_534[%parallel_loop3A_535, %parallel_loop3A_536] {strides = array<i32>} : memref<16x768xf32, #tpu.memory_space<vmem>>, vector<16xf32>,
          tpu.vector_store %parallel_loop3A_534[%parallel_loop3A_535, %parallel_loop3A_536], %parallel_loop3A_529 {add = true, strides = array<i32>} : memref<16x768xf32, #tpu.memory_space<vmem>>, vector<16xf32>,
          %parallel_loop3A_538 = arith.constant 560 : i32
          %parallel_loop3A_539 = tpu.memref_slice %arg9[%parallel_loop3A_538] : memref<59136xf32, #tpu.memory_space<vmem>> -> memref<58576xf32, #tpu.memory_space<vmem>>
          %parallel_loop3A_540 = tpu.vector_load_idx %parallel_loop3A_539[%parallel_loop3A_150] : memref<58576xf32, #tpu.memory_space<vmem>>[vector<16xi32>], vector<16xf32>,
          %parallel_loop3A_541 = arith.constant 1 : i32
          %parallel_loop3A_542 = arith.constant 0 : i32
          %parallel_loop3A_543 = arith.constant 0 : i32
          %parallel_loop3A_544 = tpu.memref_slice %arg10[%parallel_loop3A_541, %parallel_loop3A_542, %parallel_loop3A_543] : memref<3x16x768xf32, #tpu.memory_space<vmem>> -> memref<1x16x768xf32, #tpu.memory_space<vmem>>
          %parallel_loop3A_545 = tpu.memref_squeeze %parallel_loop3A_544 : memref<1x16x768xf32, #tpu.memory_space<vmem>> -> memref<16x768xf32, #tpu.memory_space<vmem>>
          %parallel_loop3A_546 = arith.index_cast %parallel_loop3A_152 : i32 to index
          %parallel_loop3A_547 = arith.constant 560 : index
          %parallel_loop3A_548 = tpu.vector_load %parallel_loop3A_545[%parallel_loop3A_546, %parallel_loop3A_547] {strides = array<i32>} : memref<16x768xf32, #tpu.memory_space<vmem>>, vector<16xf32>,
          tpu.vector_store %parallel_loop3A_545[%parallel_loop3A_546, %parallel_loop3A_547], %parallel_loop3A_540 {add = true, strides = array<i32>} : memref<16x768xf32, #tpu.memory_space<vmem>>, vector<16xf32>,
          %parallel_loop3A_549 = arith.constant 576 : i32
          %parallel_loop3A_550 = tpu.memref_slice %arg9[%parallel_loop3A_549] : memref<59136xf32, #tpu.memory_space<vmem>> -> memref<58560xf32, #tpu.memory_space<vmem>>
          %parallel_loop3A_551 = tpu.vector_load_idx %parallel_loop3A_550[%parallel_loop3A_150] : memref<58560xf32, #tpu.memory_space<vmem>>[vector<16xi32>], vector<16xf32>,
          %parallel_loop3A_552 = arith.constant 1 : i32
          %parallel_loop3A_553 = arith.constant 0 : i32
          %parallel_loop3A_554 = arith.constant 0 : i32
          %parallel_loop3A_555 = tpu.memref_slice %arg10[%parallel_loop3A_552, %parallel_loop3A_553, %parallel_loop3A_554] : memref<3x16x768xf32, #tpu.memory_space<vmem>> -> memref<1x16x768xf32, #tpu.memory_space<vmem>>
          %parallel_loop3A_556 = tpu.memref_squeeze %parallel_loop3A_555 : memref<1x16x768xf32, #tpu.memory_space<vmem>> -> memref<16x768xf32, #tpu.memory_space<vmem>>
          %parallel_loop3A_557 = arith.index_cast %parallel_loop3A_152 : i32 to index
          %parallel_loop3A_558 = arith.constant 576 : index
          %parallel_loop3A_559 = tpu.vector_load %parallel_loop3A_556[%parallel_loop3A_557, %parallel_loop3A_558] {strides = array<i32>} : memref<16x768xf32, #tpu.memory_space<vmem>>, vector<16xf32>,
          tpu.vector_store %parallel_loop3A_556[%parallel_loop3A_557, %parallel_loop3A_558], %parallel_loop3A_551 {add = true, strides = array<i32>} : memref<16x768xf32, #tpu.memory_space<vmem>>, vector<16xf32>,
          %parallel_loop3A_560 = arith.constant 592 : i32
          %parallel_loop3A_561 = tpu.memref_slice %arg9[%parallel_loop3A_560] : memref<59136xf32, #tpu.memory_space<vmem>> -> memref<58544xf32, #tpu.memory_space<vmem>>
          %parallel_loop3A_562 = tpu.vector_load_idx %parallel_loop3A_561[%parallel_loop3A_150] : memref<58544xf32, #tpu.memory_space<vmem>>[vector<16xi32>], vector<16xf32>,
          %parallel_loop3A_563 = arith.constant 1 : i32
          %parallel_loop3A_564 = arith.constant 0 : i32
          %parallel_loop3A_565 = arith.constant 0 : i32
          %parallel_loop3A_566 = tpu.memref_slice %arg10[%parallel_loop3A_563, %parallel_loop3A_564, %parallel_loop3A_565] : memref<3x16x768xf32, #tpu.memory_space<vmem>> -> memref<1x16x768xf32, #tpu.memory_space<vmem>>
          %parallel_loop3A_567 = tpu.memref_squeeze %parallel_loop3A_566 : memref<1x16x768xf32, #tpu.memory_space<vmem>> -> memref<16x768xf32, #tpu.memory_space<vmem>>
          %parallel_loop3A_568 = arith.index_cast %parallel_loop3A_152 : i32 to index
          %parallel_loop3A_569 = arith.constant 592 : index
          %parallel_loop3A_570 = tpu.vector_load %parallel_loop3A_567[%parallel_loop3A_568, %parallel_loop3A_569] {strides = array<i32>} : memref<16x768xf32, #tpu.memory_space<vmem>>, vector<16xf32>,
          tpu.vector_store %parallel_loop3A_567[%parallel_loop3A_568, %parallel_loop3A_569], %parallel_loop3A_562 {add = true, strides = array<i32>} : memref<16x768xf32, #tpu.memory_space<vmem>>, vector<16xf32>,
          %parallel_loop3A_571 = arith.constant 608 : i32
          %parallel_loop3A_572 = tpu.memref_slice %arg9[%parallel_loop3A_571] : memref<59136xf32, #tpu.memory_space<vmem>> -> memref<58528xf32, #tpu.memory_space<vmem>>
          %parallel_loop3A_573 = tpu.vector_load_idx %parallel_loop3A_572[%parallel_loop3A_150] : memref<58528xf32, #tpu.memory_space<vmem>>[vector<16xi32>], vector<16xf32>,
          %parallel_loop3A_574 = arith.constant 1 : i32
          %parallel_loop3A_575 = arith.constant 0 : i32
          %parallel_loop3A_576 = arith.constant 0 : i32
          %parallel_loop3A_577 = tpu.memref_slice %arg10[%parallel_loop3A_574, %parallel_loop3A_575, %parallel_loop3A_576] : memref<3x16x768xf32, #tpu.memory_space<vmem>> -> memref<1x16x768xf32, #tpu.memory_space<vmem>>
          %parallel_loop3A_578 = tpu.memref_squeeze %parallel_loop3A_577 : memref<1x16x768xf32, #tpu.memory_space<vmem>> -> memref<16x768xf32, #tpu.memory_space<vmem>>
          %parallel_loop3A_579 = arith.index_cast %parallel_loop3A_152 : i32 to index
          %parallel_loop3A_580 = arith.constant 608 : index
          %parallel_loop3A_581 = tpu.vector_load %parallel_loop3A_578[%parallel_loop3A_579, %parallel_loop3A_580] {strides = array<i32>} : memref<16x768xf32, #tpu.memory_space<vmem>>, vector<16xf32>,
          tpu.vector_store %parallel_loop3A_578[%parallel_loop3A_579, %parallel_loop3A_580], %parallel_loop3A_573 {add = true, strides = array<i32>} : memref<16x768xf32, #tpu.memory_space<vmem>>, vector<16xf32>,
          %parallel_loop3A_582 = arith.constant 624 : i32
          %parallel_loop3A_583 = tpu.memref_slice %arg9[%parallel_loop3A_582] : memref<59136xf32, #tpu.memory_space<vmem>> -> memref<58512xf32, #tpu.memory_space<vmem>>
          %parallel_loop3A_584 = tpu.vector_load_idx %parallel_loop3A_583[%parallel_loop3A_150] : memref<58512xf32, #tpu.memory_space<vmem>>[vector<16xi32>], vector<16xf32>,
          %parallel_loop3A_585 = arith.constant 1 : i32
          %parallel_loop3A_586 = arith.constant 0 : i32
          %parallel_loop3A_587 = arith.constant 0 : i32
          %parallel_loop3A_588 = tpu.memref_slice %arg10[%parallel_loop3A_585, %parallel_loop3A_586, %parallel_loop3A_587] : memref<3x16x768xf32, #tpu.memory_space<vmem>> -> memref<1x16x768xf32, #tpu.memory_space<vmem>>
          %parallel_loop3A_589 = tpu.memref_squeeze %parallel_loop3A_588 : memref<1x16x768xf32, #tpu.memory_space<vmem>> -> memref<16x768xf32, #tpu.memory_space<vmem>>
          %parallel_loop3A_590 = arith.index_cast %parallel_loop3A_152 : i32 to index
          %parallel_loop3A_591 = arith.constant 624 : index
          %parallel_loop3A_592 = tpu.vector_load %parallel_loop3A_589[%parallel_loop3A_590, %parallel_loop3A_591] {strides = array<i32>} : memref<16x768xf32, #tpu.memory_space<vmem>>, vector<16xf32>,
          tpu.vector_store %parallel_loop3A_589[%parallel_loop3A_590, %parallel_loop3A_591], %parallel_loop3A_584 {add = true, strides = array<i32>} : memref<16x768xf32, #tpu.memory_space<vmem>>, vector<16xf32>,
          %parallel_loop3A_593 = arith.constant 640 : i32
          %parallel_loop3A_594 = tpu.memref_slice %arg9[%parallel_loop3A_593] : memref<59136xf32, #tpu.memory_space<vmem>> -> memref<58496xf32, #tpu.memory_space<vmem>>
          %parallel_loop3A_595 = tpu.vector_load_idx %parallel_loop3A_594[%parallel_loop3A_150] : memref<58496xf32, #tpu.memory_space<vmem>>[vector<16xi32>], vector<16xf32>,
          %parallel_loop3A_596 = arith.constant 1 : i32
          %parallel_loop3A_597 = arith.constant 0 : i32
          %parallel_loop3A_598 = arith.constant 0 : i32
          %parallel_loop3A_599 = tpu.memref_slice %arg10[%parallel_loop3A_596, %parallel_loop3A_597, %parallel_loop3A_598] : memref<3x16x768xf32, #tpu.memory_space<vmem>> -> memref<1x16x768xf32, #tpu.memory_space<vmem>>
          %parallel_loop3A_600 = tpu.memref_squeeze %parallel_loop3A_599 : memref<1x16x768xf32, #tpu.memory_space<vmem>> -> memref<16x768xf32, #tpu.memory_space<vmem>>
          %parallel_loop3A_601 = arith.index_cast %parallel_loop3A_152 : i32 to index
          %parallel_loop3A_602 = arith.constant 640 : index
          %parallel_loop3A_603 = tpu.vector_load %parallel_loop3A_600[%parallel_loop3A_601, %parallel_loop3A_602] {strides = array<i32>} : memref<16x768xf32, #tpu.memory_space<vmem>>, vector<16xf32>,
          tpu.vector_store %parallel_loop3A_600[%parallel_loop3A_601, %parallel_loop3A_602], %parallel_loop3A_595 {add = true, strides = array<i32>} : memref<16x768xf32, #tpu.memory_space<vmem>>, vector<16xf32>,
          %parallel_loop3A_604 = arith.constant 656 : i32
          %parallel_loop3A_605 = tpu.memref_slice %arg9[%parallel_loop3A_604] : memref<59136xf32, #tpu.memory_space<vmem>> -> memref<58480xf32, #tpu.memory_space<vmem>>
          %parallel_loop3A_606 = tpu.vector_load_idx %parallel_loop3A_605[%parallel_loop3A_150] : memref<58480xf32, #tpu.memory_space<vmem>>[vector<16xi32>], vector<16xf32>,
          %parallel_loop3A_607 = arith.constant 1 : i32
          %parallel_loop3A_608 = arith.constant 0 : i32
          %parallel_loop3A_609 = arith.constant 0 : i32
          %parallel_loop3A_610 = tpu.memref_slice %arg10[%parallel_loop3A_607, %parallel_loop3A_608, %parallel_loop3A_609] : memref<3x16x768xf32, #tpu.memory_space<vmem>> -> memref<1x16x768xf32, #tpu.memory_space<vmem>>
          %parallel_loop3A_611 = tpu.memref_squeeze %parallel_loop3A_610 : memref<1x16x768xf32, #tpu.memory_space<vmem>> -> memref<16x768xf32, #tpu.memory_space<vmem>>
          %parallel_loop3A_612 = arith.index_cast %parallel_loop3A_152 : i32 to index
          %parallel_loop3A_613 = arith.constant 656 : index
          %parallel_loop3A_614 = tpu.vector_load %parallel_loop3A_611[%parallel_loop3A_612, %parallel_loop3A_613] {strides = array<i32>} : memref<16x768xf32, #tpu.memory_space<vmem>>, vector<16xf32>,
          tpu.vector_store %parallel_loop3A_611[%parallel_loop3A_612, %parallel_loop3A_613], %parallel_loop3A_606 {add = true, strides = array<i32>} : memref<16x768xf32, #tpu.memory_space<vmem>>, vector<16xf32>,
          %parallel_loop3A_615 = arith.constant 672 : i32
          %parallel_loop3A_616 = tpu.memref_slice %arg9[%parallel_loop3A_615] : memref<59136xf32, #tpu.memory_space<vmem>> -> memref<58464xf32, #tpu.memory_space<vmem>>
          %parallel_loop3A_617 = tpu.vector_load_idx %parallel_loop3A_616[%parallel_loop3A_150] : memref<58464xf32, #tpu.memory_space<vmem>>[vector<16xi32>], vector<16xf32>,
          %parallel_loop3A_618 = arith.constant 1 : i32
          %parallel_loop3A_619 = arith.constant 0 : i32
          %parallel_loop3A_620 = arith.constant 0 : i32
          %parallel_loop3A_621 = tpu.memref_slice %arg10[%parallel_loop3A_618, %parallel_loop3A_619, %parallel_loop3A_620] : memref<3x16x768xf32, #tpu.memory_space<vmem>> -> memref<1x16x768xf32, #tpu.memory_space<vmem>>
          %parallel_loop3A_622 = tpu.memref_squeeze %parallel_loop3A_621 : memref<1x16x768xf32, #tpu.memory_space<vmem>> -> memref<16x768xf32, #tpu.memory_space<vmem>>
          %parallel_loop3A_623 = arith.index_cast %parallel_loop3A_152 : i32 to index
          %parallel_loop3A_624 = arith.constant 672 : index
          %parallel_loop3A_625 = tpu.vector_load %parallel_loop3A_622[%parallel_loop3A_623, %parallel_loop3A_624] {strides = array<i32>} : memref<16x768xf32, #tpu.memory_space<vmem>>, vector<16xf32>,
          tpu.vector_store %parallel_loop3A_622[%parallel_loop3A_623, %parallel_loop3A_624], %parallel_loop3A_617 {add = true, strides = array<i32>} : memref<16x768xf32, #tpu.memory_space<vmem>>, vector<16xf32>,
          %parallel_loop3A_626 = arith.constant 688 : i32
          %parallel_loop3A_627 = tpu.memref_slice %arg9[%parallel_loop3A_626] : memref<59136xf32, #tpu.memory_space<vmem>> -> memref<58448xf32, #tpu.memory_space<vmem>>
          %parallel_loop3A_628 = tpu.vector_load_idx %parallel_loop3A_627[%parallel_loop3A_150] : memref<58448xf32, #tpu.memory_space<vmem>>[vector<16xi32>], vector<16xf32>,
          %parallel_loop3A_629 = arith.constant 1 : i32
          %parallel_loop3A_630 = arith.constant 0 : i32
          %parallel_loop3A_631 = arith.constant 0 : i32
          %parallel_loop3A_632 = tpu.memref_slice %arg10[%parallel_loop3A_629, %parallel_loop3A_630, %parallel_loop3A_631] : memref<3x16x768xf32, #tpu.memory_space<vmem>> -> memref<1x16x768xf32, #tpu.memory_space<vmem>>
          %parallel_loop3A_633 = tpu.memref_squeeze %parallel_loop3A_632 : memref<1x16x768xf32, #tpu.memory_space<vmem>> -> memref<16x768xf32, #tpu.memory_space<vmem>>
          %parallel_loop3A_634 = arith.index_cast %parallel_loop3A_152 : i32 to index
          %parallel_loop3A_635 = arith.constant 688 : index
          %parallel_loop3A_636 = tpu.vector_load %parallel_loop3A_633[%parallel_loop3A_634, %parallel_loop3A_635] {strides = array<i32>} : memref<16x768xf32, #tpu.memory_space<vmem>>, vector<16xf32>,
          tpu.vector_store %parallel_loop3A_633[%parallel_loop3A_634, %parallel_loop3A_635], %parallel_loop3A_628 {add = true, strides = array<i32>} : memref<16x768xf32, #tpu.memory_space<vmem>>, vector<16xf32>,
          %parallel_loop3A_637 = arith.constant 704 : i32
          %parallel_loop3A_638 = tpu.memref_slice %arg9[%parallel_loop3A_637] : memref<59136xf32, #tpu.memory_space<vmem>> -> memref<58432xf32, #tpu.memory_space<vmem>>
          %parallel_loop3A_639 = tpu.vector_load_idx %parallel_loop3A_638[%parallel_loop3A_150] : memref<58432xf32, #tpu.memory_space<vmem>>[vector<16xi32>], vector<16xf32>,
          %parallel_loop3A_640 = arith.constant 1 : i32
          %parallel_loop3A_641 = arith.constant 0 : i32
          %parallel_loop3A_642 = arith.constant 0 : i32
          %parallel_loop3A_643 = tpu.memref_slice %arg10[%parallel_loop3A_640, %parallel_loop3A_641, %parallel_loop3A_642] : memref<3x16x768xf32, #tpu.memory_space<vmem>> -> memref<1x16x768xf32, #tpu.memory_space<vmem>>
          %parallel_loop3A_644 = tpu.memref_squeeze %parallel_loop3A_643 : memref<1x16x768xf32, #tpu.memory_space<vmem>> -> memref<16x768xf32, #tpu.memory_space<vmem>>
          %parallel_loop3A_645 = arith.index_cast %parallel_loop3A_152 : i32 to index
          %parallel_loop3A_646 = arith.constant 704 : index
          %parallel_loop3A_647 = tpu.vector_load %parallel_loop3A_644[%parallel_loop3A_645, %parallel_loop3A_646] {strides = array<i32>} : memref<16x768xf32, #tpu.memory_space<vmem>>, vector<16xf32>,
          tpu.vector_store %parallel_loop3A_644[%parallel_loop3A_645, %parallel_loop3A_646], %parallel_loop3A_639 {add = true, strides = array<i32>} : memref<16x768xf32, #tpu.memory_space<vmem>>, vector<16xf32>,
          %parallel_loop3A_648 = arith.constant 720 : i32
          %parallel_loop3A_649 = tpu.memref_slice %arg9[%parallel_loop3A_648] : memref<59136xf32, #tpu.memory_space<vmem>> -> memref<58416xf32, #tpu.memory_space<vmem>>
          %parallel_loop3A_650 = tpu.vector_load_idx %parallel_loop3A_649[%parallel_loop3A_150] : memref<58416xf32, #tpu.memory_space<vmem>>[vector<16xi32>], vector<16xf32>,
          %parallel_loop3A_651 = arith.constant 1 : i32
          %parallel_loop3A_652 = arith.constant 0 : i32
          %parallel_loop3A_653 = arith.constant 0 : i32
          %parallel_loop3A_654 = tpu.memref_slice %arg10[%parallel_loop3A_651, %parallel_loop3A_652, %parallel_loop3A_653] : memref<3x16x768xf32, #tpu.memory_space<vmem>> -> memref<1x16x768xf32, #tpu.memory_space<vmem>>
          %parallel_loop3A_655 = tpu.memref_squeeze %parallel_loop3A_654 : memref<1x16x768xf32, #tpu.memory_space<vmem>> -> memref<16x768xf32, #tpu.memory_space<vmem>>
          %parallel_loop3A_656 = arith.index_cast %parallel_loop3A_152 : i32 to index
          %parallel_loop3A_657 = arith.constant 720 : index
          %parallel_loop3A_658 = tpu.vector_load %parallel_loop3A_655[%parallel_loop3A_656, %parallel_loop3A_657] {strides = array<i32>} : memref<16x768xf32, #tpu.memory_space<vmem>>, vector<16xf32>,
          tpu.vector_store %parallel_loop3A_655[%parallel_loop3A_656, %parallel_loop3A_657], %parallel_loop3A_650 {add = true, strides = array<i32>} : memref<16x768xf32, #tpu.memory_space<vmem>>, vector<16xf32>,
          %parallel_loop3A_659 = arith.constant 736 : i32
          %parallel_loop3A_660 = tpu.memref_slice %arg9[%parallel_loop3A_659] : memref<59136xf32, #tpu.memory_space<vmem>> -> memref<58400xf32, #tpu.memory_space<vmem>>
          %parallel_loop3A_661 = tpu.vector_load_idx %parallel_loop3A_660[%parallel_loop3A_150] : memref<58400xf32, #tpu.memory_space<vmem>>[vector<16xi32>], vector<16xf32>,
          %parallel_loop3A_662 = arith.constant 1 : i32
          %parallel_loop3A_663 = arith.constant 0 : i32
          %parallel_loop3A_664 = arith.constant 0 : i32
          %parallel_loop3A_665 = tpu.memref_slice %arg10[%parallel_loop3A_662, %parallel_loop3A_663, %parallel_loop3A_664] : memref<3x16x768xf32, #tpu.memory_space<vmem>> -> memref<1x16x768xf32, #tpu.memory_space<vmem>>
          %parallel_loop3A_666 = tpu.memref_squeeze %parallel_loop3A_665 : memref<1x16x768xf32, #tpu.memory_space<vmem>> -> memref<16x768xf32, #tpu.memory_space<vmem>>
          %parallel_loop3A_667 = arith.index_cast %parallel_loop3A_152 : i32 to index
          %parallel_loop3A_668 = arith.constant 736 : index
          %parallel_loop3A_669 = tpu.vector_load %parallel_loop3A_666[%parallel_loop3A_667, %parallel_loop3A_668] {strides = array<i32>} : memref<16x768xf32, #tpu.memory_space<vmem>>, vector<16xf32>,
          tpu.vector_store %parallel_loop3A_666[%parallel_loop3A_667, %parallel_loop3A_668], %parallel_loop3A_661 {add = true, strides = array<i32>} : memref<16x768xf32, #tpu.memory_space<vmem>>, vector<16xf32>,
          %parallel_loop3A_670 = arith.constant 752 : i32
          %parallel_loop3A_671 = tpu.memref_slice %arg9[%parallel_loop3A_670] : memref<59136xf32, #tpu.memory_space<vmem>> -> memref<58384xf32, #tpu.memory_space<vmem>>
          %parallel_loop3A_672 = tpu.vector_load_idx %parallel_loop3A_671[%parallel_loop3A_150] : memref<58384xf32, #tpu.memory_space<vmem>>[vector<16xi32>], vector<16xf32>,
          %parallel_loop3A_673 = arith.constant 1 : i32
          %parallel_loop3A_674 = arith.constant 0 : i32
          %parallel_loop3A_675 = arith.constant 0 : i32
          %parallel_loop3A_676 = tpu.memref_slice %arg10[%parallel_loop3A_673, %parallel_loop3A_674, %parallel_loop3A_675] : memref<3x16x768xf32, #tpu.memory_space<vmem>> -> memref<1x16x768xf32, #tpu.memory_space<vmem>>
          %parallel_loop3A_677 = tpu.memref_squeeze %parallel_loop3A_676 : memref<1x16x768xf32, #tpu.memory_space<vmem>> -> memref<16x768xf32, #tpu.memory_space<vmem>>
          %parallel_loop3A_678 = arith.index_cast %parallel_loop3A_152 : i32 to index
          %parallel_loop3A_679 = arith.constant 752 : index
          %parallel_loop3A_680 = tpu.vector_load %parallel_loop3A_677[%parallel_loop3A_678, %parallel_loop3A_679] {strides = array<i32>} : memref<16x768xf32, #tpu.memory_space<vmem>>, vector<16xf32>,
          tpu.vector_store %parallel_loop3A_677[%parallel_loop3A_678, %parallel_loop3A_679], %parallel_loop3A_672 {add = true, strides = array<i32>} : memref<16x768xf32, #tpu.memory_space<vmem>>, vector<16xf32>,
        } {sc.loop_unroll_factor = 1 : i64, sc.parallel_access}
        %mul3A_125 = arith.constant 154 : i32
        %mul3A_126 = arith.muli %add3A, %mul3A_125 : i32
        %add3A_127 = arith.addi %mul3A_126, %add3A_55 : i32
        %mul3A_128 = arith.constant 16 : i32
        %mul3A_129 = arith.muli %add3A_127, %mul3A_128 : i32
        %dma_start3A_130 = arith.constant 1 : i32
        %dma_start3A_131 = arith.constant 0 : i32
        %dma_start3A_132 = arith.constant 0 : i32
        %dma_start3A_133 = tpu.memref_slice %arg10[%dma_start3A_130, %dma_start3A_131, %dma_start3A_132] : memref<3x16x768xf32, #tpu.memory_space<vmem>> -> memref<1x16x768xf32, #tpu.memory_space<vmem>>
        %dma_start3A_134 = tpu.memref_squeeze %dma_start3A_133 : memref<1x16x768xf32, #tpu.memory_space<vmem>> -> memref<16x768xf32, #tpu.memory_space<vmem>>
        %dma_start3A_135 = arith.constant 0 : i32
        %dma_start3A_136 = tpu.memref_slice %arg6[%mul3A_129, %dma_start3A_135] : memref<78848x768xf32, #tpu.memory_space<hbm>> -> memref<16x768xf32, #tpu.memory_space<hbm>>
        %dma_start3A_137 = arith.constant 0 : i32
        %dma_start3A_138 = tpu.memref_slice %arg6[%mul3A_129, %dma_start3A_137] : memref<78848x768xf32, #tpu.memory_space<hbm>> -> memref<16x768xf32, #tpu.memory_space<hbm>>
        %dma_start3A_139 = arith.constant 0 : i32
        %dma_start3A_140 = arith.constant 0 : i32
        %dma_start3A_141 = tpu.memref_slice %arg10[%dma_start3A_130, %dma_start3A_139, %dma_start3A_140] : memref<3x16x768xf32, #tpu.memory_space<vmem>> -> memref<1x16x768xf32, #tpu.memory_space<vmem>>
        %dma_start3A_142 = tpu.memref_squeeze %dma_start3A_141 : memref<1x16x768xf32, #tpu.memory_space<vmem>> -> memref<16x768xf32, #tpu.memory_space<vmem>>
        tpu.enqueue_dma source(%dma_start3A_142 : memref<16x768xf32, #tpu.memory_space<vmem>>) target(%dma_start3A_138 : memref<16x768xf32, #tpu.memory_space<hbm>>) target_semaphore(%arg15 : memref<!tpu.dma_semaphore, #tpu.memory_space<semaphore_mem>>)
      } else {
      }
      %mul3A_80 = arith.constant 3 : i32
      %mul3A_81 = arith.muli %mul3A_80, %scan3A_29 : i32
      %add3A_82 = arith.constant 2 : i32
      %add3A_83 = arith.addi %mul3A_81, %add3A_82 : i32
      %ge3A_84 = arith.constant 1 : i32
      %ge3A_85 = arith.cmpi sge, %add3A_83, %ge3A_84 : i32
      %sub3A_86 = arith.constant 1 : i32
      %sub3A_87 = arith.subi %add3A_83, %sub3A_86 : i32
      %lt3A_88 = arith.constant 154 : i32
      %lt3A_89 = arith.cmpi slt, %sub3A_87, %lt3A_88 : i32
      %and3A_90 = arith.andi %ge3A_85, %lt3A_89 : i1
      %convert_element_type3A_91 = arith.extui %and3A_90 : i1 to i32
      %cond3A_92 = arith.constant 0 : i32
      %cond3A_93 = arith.cmpi ne, %convert_element_type3A_91, %cond3A_92 : i32
      scf.if %cond3A_93 {
        %sub3A_108 = arith.constant 1 : i32
        %sub3A_109 = arith.subi %add3A_83, %sub3A_108 : i32
        %mul3A_110 = arith.constant 154 : i32
        %mul3A_111 = arith.muli %add3A, %mul3A_110 : i32
        %add3A_112 = arith.addi %mul3A_111, %sub3A_109 : i32
        %mul3A_113 = arith.constant 16 : i32
        %mul3A_114 = arith.muli %add3A_112, %mul3A_113 : i32
        %dma_wait3A = arith.constant 1 : i32
        %dma_wait3A_115 = arith.constant 0 : i32
        %dma_wait3A_116 = arith.constant 0 : i32
        %dma_wait3A_117 = tpu.memref_slice %arg10[%dma_wait3A, %dma_wait3A_115, %dma_wait3A_116] : memref<3x16x768xf32, #tpu.memory_space<vmem>> -> memref<1x16x768xf32, #tpu.memory_space<vmem>>
        %dma_wait3A_118 = tpu.memref_squeeze %dma_wait3A_117 : memref<1x16x768xf32, #tpu.memory_space<vmem>> -> memref<16x768xf32, #tpu.memory_space<vmem>>
        %dma_wait3A_119 = arith.constant 0 : i32
        %dma_wait3A_120 = tpu.memref_slice %arg6[%mul3A_114, %dma_wait3A_119] : memref<78848x768xf32, #tpu.memory_space<hbm>> -> memref<16x768xf32, #tpu.memory_space<hbm>>
        %dma_wait3A_121 = arith.constant 0 : i32
        %dma_wait3A_122 = tpu.memref_slice %arg6[%mul3A_114, %dma_wait3A_121] : memref<78848x768xf32, #tpu.memory_space<hbm>> -> memref<16x768xf32, #tpu.memory_space<hbm>>
        %dma_wait3A_123 = arith.constant 0 : i32
        %dma_wait3A_124 = arith.constant 0 : i32
        %dma_wait3A_125 = tpu.memref_slice %arg10[%dma_wait3A, %dma_wait3A_123, %dma_wait3A_124] : memref<3x16x768xf32, #tpu.memory_space<vmem>> -> memref<1x16x768xf32, #tpu.memory_space<vmem>>
        %dma_wait3A_126 = tpu.memref_squeeze %dma_wait3A_125 : memref<1x16x768xf32, #tpu.memory_space<vmem>> -> memref<16x768xf32, #tpu.memory_space<vmem>>
        tpu.wait_dma2 semaphore(%arg15 : memref<!tpu.dma_semaphore, #tpu.memory_space<semaphore_mem>>) src(%dma_wait3A_126 : memref<16x768xf32, #tpu.memory_space<vmem>>) dst(%dma_wait3A_122 : memref<16x768xf32, #tpu.memory_space<hbm>>)
      } else {
      }
      %add3A_94 = arith.constant 3 : i32
      %add3A_95 = arith.addi %add3A_83, %add3A_94 : i32
      %sub3A_96 = arith.constant 1 : i32
      %sub3A_97 = arith.subi %add3A_95, %sub3A_96 : i32
      %lt3A_98 = arith.constant 154 : i32
      %lt3A_99 = arith.cmpi slt, %sub3A_97, %lt3A_98 : i32
      %convert_element_type3A_100 = arith.extui %lt3A_99 : i1 to i32
      %cond3A_101 = arith.constant 0 : i32
      %cond3A_102 = arith.cmpi ne, %convert_element_type3A_100, %cond3A_101 : i32
      scf.if %cond3A_102 {
        %add3A_108 = arith.constant 3 : i32
        %add3A_109 = arith.addi %add3A_83, %add3A_108 : i32
        %sub3A_110 = arith.constant 1 : i32
        %sub3A_111 = arith.subi %add3A_109, %sub3A_110 : i32
        %mul3A_112 = arith.constant 16 : i32
        %mul3A_113 = arith.muli %sub3A_111, %mul3A_112 : i32
        %dma_start3A_114 = arith.constant 1 : i32
        %dma_start3A_115 = arith.constant 0 : i32
        %dma_start3A_116 = arith.constant 0 : i32
        %dma_start3A_117 = tpu.memref_slice %arg10[%dma_start3A_114, %dma_start3A_115, %dma_start3A_116] : memref<3x16x768xf32, #tpu.memory_space<vmem>> -> memref<1x16x768xf32, #tpu.memory_space<vmem>>
        %dma_start3A_118 = tpu.memref_squeeze %dma_start3A_117 : memref<1x16x768xf32, #tpu.memory_space<vmem>> -> memref<16x768xf32, #tpu.memory_space<vmem>>
        %dma_start3A_119 = tpu.memref_slice %arg7[%mul3A_113] : memref<2464xi32, #tpu.memory_space<vmem>> -> memref<16xi32, #tpu.memory_space<vmem>>
        %dma_start3A_120 = arith.constant 0 : i32
        %dma_start3A_121 = arith.constant 0 : i32
        %dma_start3A_122 = tpu.memref_slice %arg4[%dma_start3A_120, %dma_start3A_121] : memref<49408x768xf32, #tpu.memory_space<hbm>> -> memref<49408x768xf32, #tpu.memory_space<hbm>>
        tpu.enqueue_indirect_dma source(%dma_start3A_122 : memref<49408x768xf32, #tpu.memory_space<hbm>>) target(%dma_start3A_118 : memref<16x768xf32, #tpu.memory_space<vmem>>) offsets(%dma_start3A_119 : memref<16xi32, #tpu.memory_space<vmem>>) semaphore(%arg12 : memref<!tpu.dma_semaphore, #tpu.memory_space<semaphore_mem>>)
      } else {
      }
      %lt3A_103 = arith.constant 154 : i32
      %lt3A_104 = arith.cmpi slt, %add3A_83, %lt3A_103 : i32
      %convert_element_type3A_105 = arith.extui %lt3A_104 : i1 to i32
      %cond3A_106 = arith.constant 0 : i32
      %cond3A_107 = arith.cmpi ne, %convert_element_type3A_105, %cond3A_106 : i32
      scf.if %cond3A_107 {
        %mul3A_108 = arith.constant 16 : i32
        %mul3A_109 = arith.muli %add3A_83, %mul3A_108 : i32
        %dma_wait3A = arith.constant 2 : i32
        %dma_wait3A_110 = arith.constant 0 : i32
        %dma_wait3A_111 = arith.constant 0 : i32
        %dma_wait3A_112 = tpu.memref_slice %arg10[%dma_wait3A, %dma_wait3A_110, %dma_wait3A_111] : memref<3x16x768xf32, #tpu.memory_space<vmem>> -> memref<1x16x768xf32, #tpu.memory_space<vmem>>
        %dma_wait3A_113 = tpu.memref_squeeze %dma_wait3A_112 : memref<1x16x768xf32, #tpu.memory_space<vmem>> -> memref<16x768xf32, #tpu.memory_space<vmem>>
        %dma_wait3A_114 = tpu.memref_slice %arg7[%mul3A_109] : memref<2464xi32, #tpu.memory_space<vmem>> -> memref<16xi32, #tpu.memory_space<vmem>>
        %dma_wait3A_115 = arith.constant 0 : i32
        %dma_wait3A_116 = arith.constant 0 : i32
        %dma_wait3A_117 = tpu.memref_slice %arg4[%dma_wait3A_115, %dma_wait3A_116] : memref<49408x768xf32, #tpu.memory_space<hbm>> -> memref<49408x768xf32, #tpu.memory_space<hbm>>
        tpu.wait_indirect_dma semaphore(%arg13 : memref<!tpu.dma_semaphore, #tpu.memory_space<semaphore_mem>>) src(%dma_wait3A_117 : memref<49408x768xf32, #tpu.memory_space<hbm>>) dst(%dma_wait3A_113 : memref<16x768xf32, #tpu.memory_space<vmem>>)
        %mul3A_118 = arith.constant 16 : i32
        %mul3A_119 = arith.muli %add3A_83, %mul3A_118 : i32
        %add3A_120 = arith.constant 0 : i32
        %add3A_121 = arith.addi %mul3A_119, %add3A_120 : i32
        %get3A = arith.index_cast %add3A_121 : i32 to index
        %get3A_122 = tpu.vector_load %arg8[%get3A] {strides = array<i32>} : memref<2464xi32, #tpu.memory_space<vmem>>, vector<16xi32>,
        %parallel_loop3A = arith.constant 0 : i32
        %parallel_loop3A_123 = arith.constant 16 : i32
        %parallel_loop3A_124 = arith.constant 1 : i32
        scf.for %parallel_loop3A_143 = %parallel_loop3A to %parallel_loop3A_123 step %parallel_loop3A_124  : i32 {
          %parallel_loop3A_144 = vector.broadcast %parallel_loop3A_143 : i32 to vector<16x1xi32>
          %parallel_loop3A_145 = vector.shape_cast %parallel_loop3A_144 : vector<16x1xi32> to vector<16xi32>
          %parallel_loop3A_146 = tpu.dynamic_gather %get3A_122[%parallel_loop3A_145] in [0] : vector<16xi32>, vector<16xi32> -> vector<16xi32>
          %parallel_loop3A_147 = arith.constant 768 : i32
          %parallel_loop3A_148 = vector.broadcast %parallel_loop3A_147 : i32 to vector<16xi32>
          %parallel_loop3A_149 = arith.muli %parallel_loop3A_146, %parallel_loop3A_148 : vector<16xi32>
          %parallel_loop3A_150 = arith.addi %parallel_loop3A_149, %iota3A : vector<16xi32>
          %parallel_loop3A_151 = arith.constant 0 : i32
          %parallel_loop3A_152 = arith.addi %parallel_loop3A_151, %parallel_loop3A_143 : i32
          %parallel_loop3A_153 = arith.constant 0 : i32
          %parallel_loop3A_154 = tpu.memref_slice %arg9[%parallel_loop3A_153] : memref<59136xf32, #tpu.memory_space<vmem>> -> memref<59136xf32, #tpu.memory_space<vmem>>
          %parallel_loop3A_155 = tpu.vector_load_idx %parallel_loop3A_154[%parallel_loop3A_150] : memref<59136xf32, #tpu.memory_space<vmem>>[vector<16xi32>], vector<16xf32>,
          %parallel_loop3A_156 = arith.constant 2 : i32
          %parallel_loop3A_157 = arith.constant 0 : i32
          %parallel_loop3A_158 = arith.constant 0 : i32
          %parallel_loop3A_159 = tpu.memref_slice %arg10[%parallel_loop3A_156, %parallel_loop3A_157, %parallel_loop3A_158] : memref<3x16x768xf32, #tpu.memory_space<vmem>> -> memref<1x16x768xf32, #tpu.memory_space<vmem>>
          %parallel_loop3A_160 = tpu.memref_squeeze %parallel_loop3A_159 : memref<1x16x768xf32, #tpu.memory_space<vmem>> -> memref<16x768xf32, #tpu.memory_space<vmem>>
          %parallel_loop3A_161 = arith.index_cast %parallel_loop3A_152 : i32 to index
          %parallel_loop3A_162 = arith.constant 0 : index
          %parallel_loop3A_163 = tpu.vector_load %parallel_loop3A_160[%parallel_loop3A_161, %parallel_loop3A_162] {strides = array<i32>} : memref<16x768xf32, #tpu.memory_space<vmem>>, vector<16xf32>,
          tpu.vector_store %parallel_loop3A_160[%parallel_loop3A_161, %parallel_loop3A_162], %parallel_loop3A_155 {add = true, strides = array<i32>} : memref<16x768xf32, #tpu.memory_space<vmem>>, vector<16xf32>,
          %parallel_loop3A_164 = arith.constant 16 : i32
          %parallel_loop3A_165 = tpu.memref_slice %arg9[%parallel_loop3A_164] : memref<59136xf32, #tpu.memory_space<vmem>> -> memref<59120xf32, #tpu.memory_space<vmem>>
          %parallel_loop3A_166 = tpu.vector_load_idx %parallel_loop3A_165[%parallel_loop3A_150] : memref<59120xf32, #tpu.memory_space<vmem>>[vector<16xi32>], vector<16xf32>,
          %parallel_loop3A_167 = arith.constant 2 : i32
          %parallel_loop3A_168 = arith.constant 0 : i32
          %parallel_loop3A_169 = arith.constant 0 : i32
          %parallel_loop3A_170 = tpu.memref_slice %arg10[%parallel_loop3A_167, %parallel_loop3A_168, %parallel_loop3A_169] : memref<3x16x768xf32, #tpu.memory_space<vmem>> -> memref<1x16x768xf32, #tpu.memory_space<vmem>>
          %parallel_loop3A_171 = tpu.memref_squeeze %parallel_loop3A_170 : memref<1x16x768xf32, #tpu.memory_space<vmem>> -> memref<16x768xf32, #tpu.memory_space<vmem>>
          %parallel_loop3A_172 = arith.index_cast %parallel_loop3A_152 : i32 to index
          %parallel_loop3A_173 = arith.constant 16 : index
          %parallel_loop3A_174 = tpu.vector_load %parallel_loop3A_171[%parallel_loop3A_172, %parallel_loop3A_173] {strides = array<i32>} : memref<16x768xf32, #tpu.memory_space<vmem>>, vector<16xf32>,
          tpu.vector_store %parallel_loop3A_171[%parallel_loop3A_172, %parallel_loop3A_173], %parallel_loop3A_166 {add = true, strides = array<i32>} : memref<16x768xf32, #tpu.memory_space<vmem>>, vector<16xf32>,
          %parallel_loop3A_175 = arith.constant 32 : i32
          %parallel_loop3A_176 = tpu.memref_slice %arg9[%parallel_loop3A_175] : memref<59136xf32, #tpu.memory_space<vmem>> -> memref<59104xf32, #tpu.memory_space<vmem>>
          %parallel_loop3A_177 = tpu.vector_load_idx %parallel_loop3A_176[%parallel_loop3A_150] : memref<59104xf32, #tpu.memory_space<vmem>>[vector<16xi32>], vector<16xf32>,
          %parallel_loop3A_178 = arith.constant 2 : i32
          %parallel_loop3A_179 = arith.constant 0 : i32
          %parallel_loop3A_180 = arith.constant 0 : i32
          %parallel_loop3A_181 = tpu.memref_slice %arg10[%parallel_loop3A_178, %parallel_loop3A_179, %parallel_loop3A_180] : memref<3x16x768xf32, #tpu.memory_space<vmem>> -> memref<1x16x768xf32, #tpu.memory_space<vmem>>
          %parallel_loop3A_182 = tpu.memref_squeeze %parallel_loop3A_181 : memref<1x16x768xf32, #tpu.memory_space<vmem>> -> memref<16x768xf32, #tpu.memory_space<vmem>>
          %parallel_loop3A_183 = arith.index_cast %parallel_loop3A_152 : i32 to index
          %parallel_loop3A_184 = arith.constant 32 : index
          %parallel_loop3A_185 = tpu.vector_load %parallel_loop3A_182[%parallel_loop3A_183, %parallel_loop3A_184] {strides = array<i32>} : memref<16x768xf32, #tpu.memory_space<vmem>>, vector<16xf32>,
          tpu.vector_store %parallel_loop3A_182[%parallel_loop3A_183, %parallel_loop3A_184], %parallel_loop3A_177 {add = true, strides = array<i32>} : memref<16x768xf32, #tpu.memory_space<vmem>>, vector<16xf32>,
          %parallel_loop3A_186 = arith.constant 48 : i32
          %parallel_loop3A_187 = tpu.memref_slice %arg9[%parallel_loop3A_186] : memref<59136xf32, #tpu.memory_space<vmem>> -> memref<59088xf32, #tpu.memory_space<vmem>>
          %parallel_loop3A_188 = tpu.vector_load_idx %parallel_loop3A_187[%parallel_loop3A_150] : memref<59088xf32, #tpu.memory_space<vmem>>[vector<16xi32>], vector<16xf32>,
          %parallel_loop3A_189 = arith.constant 2 : i32
          %parallel_loop3A_190 = arith.constant 0 : i32
          %parallel_loop3A_191 = arith.constant 0 : i32
          %parallel_loop3A_192 = tpu.memref_slice %arg10[%parallel_loop3A_189, %parallel_loop3A_190, %parallel_loop3A_191] : memref<3x16x768xf32, #tpu.memory_space<vmem>> -> memref<1x16x768xf32, #tpu.memory_space<vmem>>
          %parallel_loop3A_193 = tpu.memref_squeeze %parallel_loop3A_192 : memref<1x16x768xf32, #tpu.memory_space<vmem>> -> memref<16x768xf32, #tpu.memory_space<vmem>>
          %parallel_loop3A_194 = arith.index_cast %parallel_loop3A_152 : i32 to index
          %parallel_loop3A_195 = arith.constant 48 : index
          %parallel_loop3A_196 = tpu.vector_load %parallel_loop3A_193[%parallel_loop3A_194, %parallel_loop3A_195] {strides = array<i32>} : memref<16x768xf32, #tpu.memory_space<vmem>>, vector<16xf32>,
          tpu.vector_store %parallel_loop3A_193[%parallel_loop3A_194, %parallel_loop3A_195], %parallel_loop3A_188 {add = true, strides = array<i32>} : memref<16x768xf32, #tpu.memory_space<vmem>>, vector<16xf32>,
          %parallel_loop3A_197 = arith.constant 64 : i32
          %parallel_loop3A_198 = tpu.memref_slice %arg9[%parallel_loop3A_197] : memref<59136xf32, #tpu.memory_space<vmem>> -> memref<59072xf32, #tpu.memory_space<vmem>>
          %parallel_loop3A_199 = tpu.vector_load_idx %parallel_loop3A_198[%parallel_loop3A_150] : memref<59072xf32, #tpu.memory_space<vmem>>[vector<16xi32>], vector<16xf32>,
          %parallel_loop3A_200 = arith.constant 2 : i32
          %parallel_loop3A_201 = arith.constant 0 : i32
          %parallel_loop3A_202 = arith.constant 0 : i32
          %parallel_loop3A_203 = tpu.memref_slice %arg10[%parallel_loop3A_200, %parallel_loop3A_201, %parallel_loop3A_202] : memref<3x16x768xf32, #tpu.memory_space<vmem>> -> memref<1x16x768xf32, #tpu.memory_space<vmem>>
          %parallel_loop3A_204 = tpu.memref_squeeze %parallel_loop3A_203 : memref<1x16x768xf32, #tpu.memory_space<vmem>> -> memref<16x768xf32, #tpu.memory_space<vmem>>
          %parallel_loop3A_205 = arith.index_cast %parallel_loop3A_152 : i32 to index
          %parallel_loop3A_206 = arith.constant 64 : index
          %parallel_loop3A_207 = tpu.vector_load %parallel_loop3A_204[%parallel_loop3A_205, %parallel_loop3A_206] {strides = array<i32>} : memref<16x768xf32, #tpu.memory_space<vmem>>, vector<16xf32>,
          tpu.vector_store %parallel_loop3A_204[%parallel_loop3A_205, %parallel_loop3A_206], %parallel_loop3A_199 {add = true, strides = array<i32>} : memref<16x768xf32, #tpu.memory_space<vmem>>, vector<16xf32>,
          %parallel_loop3A_208 = arith.constant 80 : i32
          %parallel_loop3A_209 = tpu.memref_slice %arg9[%parallel_loop3A_208] : memref<59136xf32, #tpu.memory_space<vmem>> -> memref<59056xf32, #tpu.memory_space<vmem>>
          %parallel_loop3A_210 = tpu.vector_load_idx %parallel_loop3A_209[%parallel_loop3A_150] : memref<59056xf32, #tpu.memory_space<vmem>>[vector<16xi32>], vector<16xf32>,
          %parallel_loop3A_211 = arith.constant 2 : i32
          %parallel_loop3A_212 = arith.constant 0 : i32
          %parallel_loop3A_213 = arith.constant 0 : i32
          %parallel_loop3A_214 = tpu.memref_slice %arg10[%parallel_loop3A_211, %parallel_loop3A_212, %parallel_loop3A_213] : memref<3x16x768xf32, #tpu.memory_space<vmem>> -> memref<1x16x768xf32, #tpu.memory_space<vmem>>
          %parallel_loop3A_215 = tpu.memref_squeeze %parallel_loop3A_214 : memref<1x16x768xf32, #tpu.memory_space<vmem>> -> memref<16x768xf32, #tpu.memory_space<vmem>>
          %parallel_loop3A_216 = arith.index_cast %parallel_loop3A_152 : i32 to index
          %parallel_loop3A_217 = arith.constant 80 : index
          %parallel_loop3A_218 = tpu.vector_load %parallel_loop3A_215[%parallel_loop3A_216, %parallel_loop3A_217] {strides = array<i32>} : memref<16x768xf32, #tpu.memory_space<vmem>>, vector<16xf32>,
          tpu.vector_store %parallel_loop3A_215[%parallel_loop3A_216, %parallel_loop3A_217], %parallel_loop3A_210 {add = true, strides = array<i32>} : memref<16x768xf32, #tpu.memory_space<vmem>>, vector<16xf32>,
          %parallel_loop3A_219 = arith.constant 96 : i32
          %parallel_loop3A_220 = tpu.memref_slice %arg9[%parallel_loop3A_219] : memref<59136xf32, #tpu.memory_space<vmem>> -> memref<59040xf32, #tpu.memory_space<vmem>>
          %parallel_loop3A_221 = tpu.vector_load_idx %parallel_loop3A_220[%parallel_loop3A_150] : memref<59040xf32, #tpu.memory_space<vmem>>[vector<16xi32>], vector<16xf32>,
          %parallel_loop3A_222 = arith.constant 2 : i32
          %parallel_loop3A_223 = arith.constant 0 : i32
          %parallel_loop3A_224 = arith.constant 0 : i32
          %parallel_loop3A_225 = tpu.memref_slice %arg10[%parallel_loop3A_222, %parallel_loop3A_223, %parallel_loop3A_224] : memref<3x16x768xf32, #tpu.memory_space<vmem>> -> memref<1x16x768xf32, #tpu.memory_space<vmem>>
          %parallel_loop3A_226 = tpu.memref_squeeze %parallel_loop3A_225 : memref<1x16x768xf32, #tpu.memory_space<vmem>> -> memref<16x768xf32, #tpu.memory_space<vmem>>
          %parallel_loop3A_227 = arith.index_cast %parallel_loop3A_152 : i32 to index
          %parallel_loop3A_228 = arith.constant 96 : index
          %parallel_loop3A_229 = tpu.vector_load %parallel_loop3A_226[%parallel_loop3A_227, %parallel_loop3A_228] {strides = array<i32>} : memref<16x768xf32, #tpu.memory_space<vmem>>, vector<16xf32>,
          tpu.vector_store %parallel_loop3A_226[%parallel_loop3A_227, %parallel_loop3A_228], %parallel_loop3A_221 {add = true, strides = array<i32>} : memref<16x768xf32, #tpu.memory_space<vmem>>, vector<16xf32>,
          %parallel_loop3A_230 = arith.constant 112 : i32
          %parallel_loop3A_231 = tpu.memref_slice %arg9[%parallel_loop3A_230] : memref<59136xf32, #tpu.memory_space<vmem>> -> memref<59024xf32, #tpu.memory_space<vmem>>
          %parallel_loop3A_232 = tpu.vector_load_idx %parallel_loop3A_231[%parallel_loop3A_150] : memref<59024xf32, #tpu.memory_space<vmem>>[vector<16xi32>], vector<16xf32>,
          %parallel_loop3A_233 = arith.constant 2 : i32
          %parallel_loop3A_234 = arith.constant 0 : i32
          %parallel_loop3A_235 = arith.constant 0 : i32
          %parallel_loop3A_236 = tpu.memref_slice %arg10[%parallel_loop3A_233, %parallel_loop3A_234, %parallel_loop3A_235] : memref<3x16x768xf32, #tpu.memory_space<vmem>> -> memref<1x16x768xf32, #tpu.memory_space<vmem>>
          %parallel_loop3A_237 = tpu.memref_squeeze %parallel_loop3A_236 : memref<1x16x768xf32, #tpu.memory_space<vmem>> -> memref<16x768xf32, #tpu.memory_space<vmem>>
          %parallel_loop3A_238 = arith.index_cast %parallel_loop3A_152 : i32 to index
          %parallel_loop3A_239 = arith.constant 112 : index
          %parallel_loop3A_240 = tpu.vector_load %parallel_loop3A_237[%parallel_loop3A_238, %parallel_loop3A_239] {strides = array<i32>} : memref<16x768xf32, #tpu.memory_space<vmem>>, vector<16xf32>,
          tpu.vector_store %parallel_loop3A_237[%parallel_loop3A_238, %parallel_loop3A_239], %parallel_loop3A_232 {add = true, strides = array<i32>} : memref<16x768xf32, #tpu.memory_space<vmem>>, vector<16xf32>,
          %parallel_loop3A_241 = arith.constant 128 : i32
          %parallel_loop3A_242 = tpu.memref_slice %arg9[%parallel_loop3A_241] : memref<59136xf32, #tpu.memory_space<vmem>> -> memref<59008xf32, #tpu.memory_space<vmem>>
          %parallel_loop3A_243 = tpu.vector_load_idx %parallel_loop3A_242[%parallel_loop3A_150] : memref<59008xf32, #tpu.memory_space<vmem>>[vector<16xi32>], vector<16xf32>,
          %parallel_loop3A_244 = arith.constant 2 : i32
          %parallel_loop3A_245 = arith.constant 0 : i32
          %parallel_loop3A_246 = arith.constant 0 : i32
          %parallel_loop3A_247 = tpu.memref_slice %arg10[%parallel_loop3A_244, %parallel_loop3A_245, %parallel_loop3A_246] : memref<3x16x768xf32, #tpu.memory_space<vmem>> -> memref<1x16x768xf32, #tpu.memory_space<vmem>>
          %parallel_loop3A_248 = tpu.memref_squeeze %parallel_loop3A_247 : memref<1x16x768xf32, #tpu.memory_space<vmem>> -> memref<16x768xf32, #tpu.memory_space<vmem>>
          %parallel_loop3A_249 = arith.index_cast %parallel_loop3A_152 : i32 to index
          %parallel_loop3A_250 = arith.constant 128 : index
          %parallel_loop3A_251 = tpu.vector_load %parallel_loop3A_248[%parallel_loop3A_249, %parallel_loop3A_250] {strides = array<i32>} : memref<16x768xf32, #tpu.memory_space<vmem>>, vector<16xf32>,
          tpu.vector_store %parallel_loop3A_248[%parallel_loop3A_249, %parallel_loop3A_250], %parallel_loop3A_243 {add = true, strides = array<i32>} : memref<16x768xf32, #tpu.memory_space<vmem>>, vector<16xf32>,
          %parallel_loop3A_252 = arith.constant 144 : i32
          %parallel_loop3A_253 = tpu.memref_slice %arg9[%parallel_loop3A_252] : memref<59136xf32, #tpu.memory_space<vmem>> -> memref<58992xf32, #tpu.memory_space<vmem>>
          %parallel_loop3A_254 = tpu.vector_load_idx %parallel_loop3A_253[%parallel_loop3A_150] : memref<58992xf32, #tpu.memory_space<vmem>>[vector<16xi32>], vector<16xf32>,
          %parallel_loop3A_255 = arith.constant 2 : i32
          %parallel_loop3A_256 = arith.constant 0 : i32
          %parallel_loop3A_257 = arith.constant 0 : i32
          %parallel_loop3A_258 = tpu.memref_slice %arg10[%parallel_loop3A_255, %parallel_loop3A_256, %parallel_loop3A_257] : memref<3x16x768xf32, #tpu.memory_space<vmem>> -> memref<1x16x768xf32, #tpu.memory_space<vmem>>
          %parallel_loop3A_259 = tpu.memref_squeeze %parallel_loop3A_258 : memref<1x16x768xf32, #tpu.memory_space<vmem>> -> memref<16x768xf32, #tpu.memory_space<vmem>>
          %parallel_loop3A_260 = arith.index_cast %parallel_loop3A_152 : i32 to index
          %parallel_loop3A_261 = arith.constant 144 : index
          %parallel_loop3A_262 = tpu.vector_load %parallel_loop3A_259[%parallel_loop3A_260, %parallel_loop3A_261] {strides = array<i32>} : memref<16x768xf32, #tpu.memory_space<vmem>>, vector<16xf32>,
          tpu.vector_store %parallel_loop3A_259[%parallel_loop3A_260, %parallel_loop3A_261], %parallel_loop3A_254 {add = true, strides = array<i32>} : memref<16x768xf32, #tpu.memory_space<vmem>>, vector<16xf32>,
          %parallel_loop3A_263 = arith.constant 160 : i32
          %parallel_loop3A_264 = tpu.memref_slice %arg9[%parallel_loop3A_263] : memref<59136xf32, #tpu.memory_space<vmem>> -> memref<58976xf32, #tpu.memory_space<vmem>>
          %parallel_loop3A_265 = tpu.vector_load_idx %parallel_loop3A_264[%parallel_loop3A_150] : memref<58976xf32, #tpu.memory_space<vmem>>[vector<16xi32>], vector<16xf32>,
          %parallel_loop3A_266 = arith.constant 2 : i32
          %parallel_loop3A_267 = arith.constant 0 : i32
          %parallel_loop3A_268 = arith.constant 0 : i32
          %parallel_loop3A_269 = tpu.memref_slice %arg10[%parallel_loop3A_266, %parallel_loop3A_267, %parallel_loop3A_268] : memref<3x16x768xf32, #tpu.memory_space<vmem>> -> memref<1x16x768xf32, #tpu.memory_space<vmem>>
          %parallel_loop3A_270 = tpu.memref_squeeze %parallel_loop3A_269 : memref<1x16x768xf32, #tpu.memory_space<vmem>> -> memref<16x768xf32, #tpu.memory_space<vmem>>
          %parallel_loop3A_271 = arith.index_cast %parallel_loop3A_152 : i32 to index
          %parallel_loop3A_272 = arith.constant 160 : index
          %parallel_loop3A_273 = tpu.vector_load %parallel_loop3A_270[%parallel_loop3A_271, %parallel_loop3A_272] {strides = array<i32>} : memref<16x768xf32, #tpu.memory_space<vmem>>, vector<16xf32>,
          tpu.vector_store %parallel_loop3A_270[%parallel_loop3A_271, %parallel_loop3A_272], %parallel_loop3A_265 {add = true, strides = array<i32>} : memref<16x768xf32, #tpu.memory_space<vmem>>, vector<16xf32>,
          %parallel_loop3A_274 = arith.constant 176 : i32
          %parallel_loop3A_275 = tpu.memref_slice %arg9[%parallel_loop3A_274] : memref<59136xf32, #tpu.memory_space<vmem>> -> memref<58960xf32, #tpu.memory_space<vmem>>
          %parallel_loop3A_276 = tpu.vector_load_idx %parallel_loop3A_275[%parallel_loop3A_150] : memref<58960xf32, #tpu.memory_space<vmem>>[vector<16xi32>], vector<16xf32>,
          %parallel_loop3A_277 = arith.constant 2 : i32
          %parallel_loop3A_278 = arith.constant 0 : i32
          %parallel_loop3A_279 = arith.constant 0 : i32
          %parallel_loop3A_280 = tpu.memref_slice %arg10[%parallel_loop3A_277, %parallel_loop3A_278, %parallel_loop3A_279] : memref<3x16x768xf32, #tpu.memory_space<vmem>> -> memref<1x16x768xf32, #tpu.memory_space<vmem>>
          %parallel_loop3A_281 = tpu.memref_squeeze %parallel_loop3A_280 : memref<1x16x768xf32, #tpu.memory_space<vmem>> -> memref<16x768xf32, #tpu.memory_space<vmem>>
          %parallel_loop3A_282 = arith.index_cast %parallel_loop3A_152 : i32 to index
          %parallel_loop3A_283 = arith.constant 176 : index
          %parallel_loop3A_284 = tpu.vector_load %parallel_loop3A_281[%parallel_loop3A_282, %parallel_loop3A_283] {strides = array<i32>} : memref<16x768xf32, #tpu.memory_space<vmem>>, vector<16xf32>,
          tpu.vector_store %parallel_loop3A_281[%parallel_loop3A_282, %parallel_loop3A_283], %parallel_loop3A_276 {add = true, strides = array<i32>} : memref<16x768xf32, #tpu.memory_space<vmem>>, vector<16xf32>,
          %parallel_loop3A_285 = arith.constant 192 : i32
          %parallel_loop3A_286 = tpu.memref_slice %arg9[%parallel_loop3A_285] : memref<59136xf32, #tpu.memory_space<vmem>> -> memref<58944xf32, #tpu.memory_space<vmem>>
          %parallel_loop3A_287 = tpu.vector_load_idx %parallel_loop3A_286[%parallel_loop3A_150] : memref<58944xf32, #tpu.memory_space<vmem>>[vector<16xi32>], vector<16xf32>,
          %parallel_loop3A_288 = arith.constant 2 : i32
          %parallel_loop3A_289 = arith.constant 0 : i32
          %parallel_loop3A_290 = arith.constant 0 : i32
          %parallel_loop3A_291 = tpu.memref_slice %arg10[%parallel_loop3A_288, %parallel_loop3A_289, %parallel_loop3A_290] : memref<3x16x768xf32, #tpu.memory_space<vmem>> -> memref<1x16x768xf32, #tpu.memory_space<vmem>>
          %parallel_loop3A_292 = tpu.memref_squeeze %parallel_loop3A_291 : memref<1x16x768xf32, #tpu.memory_space<vmem>> -> memref<16x768xf32, #tpu.memory_space<vmem>>
          %parallel_loop3A_293 = arith.index_cast %parallel_loop3A_152 : i32 to index
          %parallel_loop3A_294 = arith.constant 192 : index
          %parallel_loop3A_295 = tpu.vector_load %parallel_loop3A_292[%parallel_loop3A_293, %parallel_loop3A_294] {strides = array<i32>} : memref<16x768xf32, #tpu.memory_space<vmem>>, vector<16xf32>,
          tpu.vector_store %parallel_loop3A_292[%parallel_loop3A_293, %parallel_loop3A_294], %parallel_loop3A_287 {add = true, strides = array<i32>} : memref<16x768xf32, #tpu.memory_space<vmem>>, vector<16xf32>,
          %parallel_loop3A_296 = arith.constant 208 : i32
          %parallel_loop3A_297 = tpu.memref_slice %arg9[%parallel_loop3A_296] : memref<59136xf32, #tpu.memory_space<vmem>> -> memref<58928xf32, #tpu.memory_space<vmem>>
          %parallel_loop3A_298 = tpu.vector_load_idx %parallel_loop3A_297[%parallel_loop3A_150] : memref<58928xf32, #tpu.memory_space<vmem>>[vector<16xi32>], vector<16xf32>,
          %parallel_loop3A_299 = arith.constant 2 : i32
          %parallel_loop3A_300 = arith.constant 0 : i32
          %parallel_loop3A_301 = arith.constant 0 : i32
          %parallel_loop3A_302 = tpu.memref_slice %arg10[%parallel_loop3A_299, %parallel_loop3A_300, %parallel_loop3A_301] : memref<3x16x768xf32, #tpu.memory_space<vmem>> -> memref<1x16x768xf32, #tpu.memory_space<vmem>>
          %parallel_loop3A_303 = tpu.memref_squeeze %parallel_loop3A_302 : memref<1x16x768xf32, #tpu.memory_space<vmem>> -> memref<16x768xf32, #tpu.memory_space<vmem>>
          %parallel_loop3A_304 = arith.index_cast %parallel_loop3A_152 : i32 to index
          %parallel_loop3A_305 = arith.constant 208 : index
          %parallel_loop3A_306 = tpu.vector_load %parallel_loop3A_303[%parallel_loop3A_304, %parallel_loop3A_305] {strides = array<i32>} : memref<16x768xf32, #tpu.memory_space<vmem>>, vector<16xf32>,
          tpu.vector_store %parallel_loop3A_303[%parallel_loop3A_304, %parallel_loop3A_305], %parallel_loop3A_298 {add = true, strides = array<i32>} : memref<16x768xf32, #tpu.memory_space<vmem>>, vector<16xf32>,
          %parallel_loop3A_307 = arith.constant 224 : i32
          %parallel_loop3A_308 = tpu.memref_slice %arg9[%parallel_loop3A_307] : memref<59136xf32, #tpu.memory_space<vmem>> -> memref<58912xf32, #tpu.memory_space<vmem>>
          %parallel_loop3A_309 = tpu.vector_load_idx %parallel_loop3A_308[%parallel_loop3A_150] : memref<58912xf32, #tpu.memory_space<vmem>>[vector<16xi32>], vector<16xf32>,
          %parallel_loop3A_310 = arith.constant 2 : i32
          %parallel_loop3A_311 = arith.constant 0 : i32
          %parallel_loop3A_312 = arith.constant 0 : i32
          %parallel_loop3A_313 = tpu.memref_slice %arg10[%parallel_loop3A_310, %parallel_loop3A_311, %parallel_loop3A_312] : memref<3x16x768xf32, #tpu.memory_space<vmem>> -> memref<1x16x768xf32, #tpu.memory_space<vmem>>
          %parallel_loop3A_314 = tpu.memref_squeeze %parallel_loop3A_313 : memref<1x16x768xf32, #tpu.memory_space<vmem>> -> memref<16x768xf32, #tpu.memory_space<vmem>>
          %parallel_loop3A_315 = arith.index_cast %parallel_loop3A_152 : i32 to index
          %parallel_loop3A_316 = arith.constant 224 : index
          %parallel_loop3A_317 = tpu.vector_load %parallel_loop3A_314[%parallel_loop3A_315, %parallel_loop3A_316] {strides = array<i32>} : memref<16x768xf32, #tpu.memory_space<vmem>>, vector<16xf32>,
          tpu.vector_store %parallel_loop3A_314[%parallel_loop3A_315, %parallel_loop3A_316], %parallel_loop3A_309 {add = true, strides = array<i32>} : memref<16x768xf32, #tpu.memory_space<vmem>>, vector<16xf32>,
          %parallel_loop3A_318 = arith.constant 240 : i32
          %parallel_loop3A_319 = tpu.memref_slice %arg9[%parallel_loop3A_318] : memref<59136xf32, #tpu.memory_space<vmem>> -> memref<58896xf32, #tpu.memory_space<vmem>>
          %parallel_loop3A_320 = tpu.vector_load_idx %parallel_loop3A_319[%parallel_loop3A_150] : memref<58896xf32, #tpu.memory_space<vmem>>[vector<16xi32>], vector<16xf32>,
          %parallel_loop3A_321 = arith.constant 2 : i32
          %parallel_loop3A_322 = arith.constant 0 : i32
          %parallel_loop3A_323 = arith.constant 0 : i32
          %parallel_loop3A_324 = tpu.memref_slice %arg10[%parallel_loop3A_321, %parallel_loop3A_322, %parallel_loop3A_323] : memref<3x16x768xf32, #tpu.memory_space<vmem>> -> memref<1x16x768xf32, #tpu.memory_space<vmem>>
          %parallel_loop3A_325 = tpu.memref_squeeze %parallel_loop3A_324 : memref<1x16x768xf32, #tpu.memory_space<vmem>> -> memref<16x768xf32, #tpu.memory_space<vmem>>
          %parallel_loop3A_326 = arith.index_cast %parallel_loop3A_152 : i32 to index
          %parallel_loop3A_327 = arith.constant 240 : index
          %parallel_loop3A_328 = tpu.vector_load %parallel_loop3A_325[%parallel_loop3A_326, %parallel_loop3A_327] {strides = array<i32>} : memref<16x768xf32, #tpu.memory_space<vmem>>, vector<16xf32>,
          tpu.vector_store %parallel_loop3A_325[%parallel_loop3A_326, %parallel_loop3A_327], %parallel_loop3A_320 {add = true, strides = array<i32>} : memref<16x768xf32, #tpu.memory_space<vmem>>, vector<16xf32>,
          %parallel_loop3A_329 = arith.constant 256 : i32
          %parallel_loop3A_330 = tpu.memref_slice %arg9[%parallel_loop3A_329] : memref<59136xf32, #tpu.memory_space<vmem>> -> memref<58880xf32, #tpu.memory_space<vmem>>
          %parallel_loop3A_331 = tpu.vector_load_idx %parallel_loop3A_330[%parallel_loop3A_150] : memref<58880xf32, #tpu.memory_space<vmem>>[vector<16xi32>], vector<16xf32>,
          %parallel_loop3A_332 = arith.constant 2 : i32
          %parallel_loop3A_333 = arith.constant 0 : i32
          %parallel_loop3A_334 = arith.constant 0 : i32
          %parallel_loop3A_335 = tpu.memref_slice %arg10[%parallel_loop3A_332, %parallel_loop3A_333, %parallel_loop3A_334] : memref<3x16x768xf32, #tpu.memory_space<vmem>> -> memref<1x16x768xf32, #tpu.memory_space<vmem>>
          %parallel_loop3A_336 = tpu.memref_squeeze %parallel_loop3A_335 : memref<1x16x768xf32, #tpu.memory_space<vmem>> -> memref<16x768xf32, #tpu.memory_space<vmem>>
          %parallel_loop3A_337 = arith.index_cast %parallel_loop3A_152 : i32 to index
          %parallel_loop3A_338 = arith.constant 256 : index
          %parallel_loop3A_339 = tpu.vector_load %parallel_loop3A_336[%parallel_loop3A_337, %parallel_loop3A_338] {strides = array<i32>} : memref<16x768xf32, #tpu.memory_space<vmem>>, vector<16xf32>,
          tpu.vector_store %parallel_loop3A_336[%parallel_loop3A_337, %parallel_loop3A_338], %parallel_loop3A_331 {add = true, strides = array<i32>} : memref<16x768xf32, #tpu.memory_space<vmem>>, vector<16xf32>,
          %parallel_loop3A_340 = arith.constant 272 : i32
          %parallel_loop3A_341 = tpu.memref_slice %arg9[%parallel_loop3A_340] : memref<59136xf32, #tpu.memory_space<vmem>> -> memref<58864xf32, #tpu.memory_space<vmem>>
          %parallel_loop3A_342 = tpu.vector_load_idx %parallel_loop3A_341[%parallel_loop3A_150] : memref<58864xf32, #tpu.memory_space<vmem>>[vector<16xi32>], vector<16xf32>,
          %parallel_loop3A_343 = arith.constant 2 : i32
          %parallel_loop3A_344 = arith.constant 0 : i32
          %parallel_loop3A_345 = arith.constant 0 : i32
          %parallel_loop3A_346 = tpu.memref_slice %arg10[%parallel_loop3A_343, %parallel_loop3A_344, %parallel_loop3A_345] : memref<3x16x768xf32, #tpu.memory_space<vmem>> -> memref<1x16x768xf32, #tpu.memory_space<vmem>>
          %parallel_loop3A_347 = tpu.memref_squeeze %parallel_loop3A_346 : memref<1x16x768xf32, #tpu.memory_space<vmem>> -> memref<16x768xf32, #tpu.memory_space<vmem>>
          %parallel_loop3A_348 = arith.index_cast %parallel_loop3A_152 : i32 to index
          %parallel_loop3A_349 = arith.constant 272 : index
          %parallel_loop3A_350 = tpu.vector_load %parallel_loop3A_347[%parallel_loop3A_348, %parallel_loop3A_349] {strides = array<i32>} : memref<16x768xf32, #tpu.memory_space<vmem>>, vector<16xf32>,
          tpu.vector_store %parallel_loop3A_347[%parallel_loop3A_348, %parallel_loop3A_349], %parallel_loop3A_342 {add = true, strides = array<i32>} : memref<16x768xf32, #tpu.memory_space<vmem>>, vector<16xf32>,
          %parallel_loop3A_351 = arith.constant 288 : i32
          %parallel_loop3A_352 = tpu.memref_slice %arg9[%parallel_loop3A_351] : memref<59136xf32, #tpu.memory_space<vmem>> -> memref<58848xf32, #tpu.memory_space<vmem>>
          %parallel_loop3A_353 = tpu.vector_load_idx %parallel_loop3A_352[%parallel_loop3A_150] : memref<58848xf32, #tpu.memory_space<vmem>>[vector<16xi32>], vector<16xf32>,
          %parallel_loop3A_354 = arith.constant 2 : i32
          %parallel_loop3A_355 = arith.constant 0 : i32
          %parallel_loop3A_356 = arith.constant 0 : i32
          %parallel_loop3A_357 = tpu.memref_slice %arg10[%parallel_loop3A_354, %parallel_loop3A_355, %parallel_loop3A_356] : memref<3x16x768xf32, #tpu.memory_space<vmem>> -> memref<1x16x768xf32, #tpu.memory_space<vmem>>
          %parallel_loop3A_358 = tpu.memref_squeeze %parallel_loop3A_357 : memref<1x16x768xf32, #tpu.memory_space<vmem>> -> memref<16x768xf32, #tpu.memory_space<vmem>>
          %parallel_loop3A_359 = arith.index_cast %parallel_loop3A_152 : i32 to index
          %parallel_loop3A_360 = arith.constant 288 : index
          %parallel_loop3A_361 = tpu.vector_load %parallel_loop3A_358[%parallel_loop3A_359, %parallel_loop3A_360] {strides = array<i32>} : memref<16x768xf32, #tpu.memory_space<vmem>>, vector<16xf32>,
          tpu.vector_store %parallel_loop3A_358[%parallel_loop3A_359, %parallel_loop3A_360], %parallel_loop3A_353 {add = true, strides = array<i32>} : memref<16x768xf32, #tpu.memory_space<vmem>>, vector<16xf32>,
          %parallel_loop3A_362 = arith.constant 304 : i32
          %parallel_loop3A_363 = tpu.memref_slice %arg9[%parallel_loop3A_362] : memref<59136xf32, #tpu.memory_space<vmem>> -> memref<58832xf32, #tpu.memory_space<vmem>>
          %parallel_loop3A_364 = tpu.vector_load_idx %parallel_loop3A_363[%parallel_loop3A_150] : memref<58832xf32, #tpu.memory_space<vmem>>[vector<16xi32>], vector<16xf32>,
          %parallel_loop3A_365 = arith.constant 2 : i32
          %parallel_loop3A_366 = arith.constant 0 : i32
          %parallel_loop3A_367 = arith.constant 0 : i32
          %parallel_loop3A_368 = tpu.memref_slice %arg10[%parallel_loop3A_365, %parallel_loop3A_366, %parallel_loop3A_367] : memref<3x16x768xf32, #tpu.memory_space<vmem>> -> memref<1x16x768xf32, #tpu.memory_space<vmem>>
          %parallel_loop3A_369 = tpu.memref_squeeze %parallel_loop3A_368 : memref<1x16x768xf32, #tpu.memory_space<vmem>> -> memref<16x768xf32, #tpu.memory_space<vmem>>
          %parallel_loop3A_370 = arith.index_cast %parallel_loop3A_152 : i32 to index
          %parallel_loop3A_371 = arith.constant 304 : index
          %parallel_loop3A_372 = tpu.vector_load %parallel_loop3A_369[%parallel_loop3A_370, %parallel_loop3A_371] {strides = array<i32>} : memref<16x768xf32, #tpu.memory_space<vmem>>, vector<16xf32>,
          tpu.vector_store %parallel_loop3A_369[%parallel_loop3A_370, %parallel_loop3A_371], %parallel_loop3A_364 {add = true, strides = array<i32>} : memref<16x768xf32, #tpu.memory_space<vmem>>, vector<16xf32>,
          %parallel_loop3A_373 = arith.constant 320 : i32
          %parallel_loop3A_374 = tpu.memref_slice %arg9[%parallel_loop3A_373] : memref<59136xf32, #tpu.memory_space<vmem>> -> memref<58816xf32, #tpu.memory_space<vmem>>
          %parallel_loop3A_375 = tpu.vector_load_idx %parallel_loop3A_374[%parallel_loop3A_150] : memref<58816xf32, #tpu.memory_space<vmem>>[vector<16xi32>], vector<16xf32>,
          %parallel_loop3A_376 = arith.constant 2 : i32
          %parallel_loop3A_377 = arith.constant 0 : i32
          %parallel_loop3A_378 = arith.constant 0 : i32
          %parallel_loop3A_379 = tpu.memref_slice %arg10[%parallel_loop3A_376, %parallel_loop3A_377, %parallel_loop3A_378] : memref<3x16x768xf32, #tpu.memory_space<vmem>> -> memref<1x16x768xf32, #tpu.memory_space<vmem>>
          %parallel_loop3A_380 = tpu.memref_squeeze %parallel_loop3A_379 : memref<1x16x768xf32, #tpu.memory_space<vmem>> -> memref<16x768xf32, #tpu.memory_space<vmem>>
          %parallel_loop3A_381 = arith.index_cast %parallel_loop3A_152 : i32 to index
          %parallel_loop3A_382 = arith.constant 320 : index
          %parallel_loop3A_383 = tpu.vector_load %parallel_loop3A_380[%parallel_loop3A_381, %parallel_loop3A_382] {strides = array<i32>} : memref<16x768xf32, #tpu.memory_space<vmem>>, vector<16xf32>,
          tpu.vector_store %parallel_loop3A_380[%parallel_loop3A_381, %parallel_loop3A_382], %parallel_loop3A_375 {add = true, strides = array<i32>} : memref<16x768xf32, #tpu.memory_space<vmem>>, vector<16xf32>,
          %parallel_loop3A_384 = arith.constant 336 : i32
          %parallel_loop3A_385 = tpu.memref_slice %arg9[%parallel_loop3A_384] : memref<59136xf32, #tpu.memory_space<vmem>> -> memref<58800xf32, #tpu.memory_space<vmem>>
          %parallel_loop3A_386 = tpu.vector_load_idx %parallel_loop3A_385[%parallel_loop3A_150] : memref<58800xf32, #tpu.memory_space<vmem>>[vector<16xi32>], vector<16xf32>,
          %parallel_loop3A_387 = arith.constant 2 : i32
          %parallel_loop3A_388 = arith.constant 0 : i32
          %parallel_loop3A_389 = arith.constant 0 : i32
          %parallel_loop3A_390 = tpu.memref_slice %arg10[%parallel_loop3A_387, %parallel_loop3A_388, %parallel_loop3A_389] : memref<3x16x768xf32, #tpu.memory_space<vmem>> -> memref<1x16x768xf32, #tpu.memory_space<vmem>>
          %parallel_loop3A_391 = tpu.memref_squeeze %parallel_loop3A_390 : memref<1x16x768xf32, #tpu.memory_space<vmem>> -> memref<16x768xf32, #tpu.memory_space<vmem>>
          %parallel_loop3A_392 = arith.index_cast %parallel_loop3A_152 : i32 to index
          %parallel_loop3A_393 = arith.constant 336 : index
          %parallel_loop3A_394 = tpu.vector_load %parallel_loop3A_391[%parallel_loop3A_392, %parallel_loop3A_393] {strides = array<i32>} : memref<16x768xf32, #tpu.memory_space<vmem>>, vector<16xf32>,
          tpu.vector_store %parallel_loop3A_391[%parallel_loop3A_392, %parallel_loop3A_393], %parallel_loop3A_386 {add = true, strides = array<i32>} : memref<16x768xf32, #tpu.memory_space<vmem>>, vector<16xf32>,
          %parallel_loop3A_395 = arith.constant 352 : i32
          %parallel_loop3A_396 = tpu.memref_slice %arg9[%parallel_loop3A_395] : memref<59136xf32, #tpu.memory_space<vmem>> -> memref<58784xf32, #tpu.memory_space<vmem>>
          %parallel_loop3A_397 = tpu.vector_load_idx %parallel_loop3A_396[%parallel_loop3A_150] : memref<58784xf32, #tpu.memory_space<vmem>>[vector<16xi32>], vector<16xf32>,
          %parallel_loop3A_398 = arith.constant 2 : i32
          %parallel_loop3A_399 = arith.constant 0 : i32
          %parallel_loop3A_400 = arith.constant 0 : i32
          %parallel_loop3A_401 = tpu.memref_slice %arg10[%parallel_loop3A_398, %parallel_loop3A_399, %parallel_loop3A_400] : memref<3x16x768xf32, #tpu.memory_space<vmem>> -> memref<1x16x768xf32, #tpu.memory_space<vmem>>
          %parallel_loop3A_402 = tpu.memref_squeeze %parallel_loop3A_401 : memref<1x16x768xf32, #tpu.memory_space<vmem>> -> memref<16x768xf32, #tpu.memory_space<vmem>>
          %parallel_loop3A_403 = arith.index_cast %parallel_loop3A_152 : i32 to index
          %parallel_loop3A_404 = arith.constant 352 : index
          %parallel_loop3A_405 = tpu.vector_load %parallel_loop3A_402[%parallel_loop3A_403, %parallel_loop3A_404] {strides = array<i32>} : memref<16x768xf32, #tpu.memory_space<vmem>>, vector<16xf32>,
          tpu.vector_store %parallel_loop3A_402[%parallel_loop3A_403, %parallel_loop3A_404], %parallel_loop3A_397 {add = true, strides = array<i32>} : memref<16x768xf32, #tpu.memory_space<vmem>>, vector<16xf32>,
          %parallel_loop3A_406 = arith.constant 368 : i32
          %parallel_loop3A_407 = tpu.memref_slice %arg9[%parallel_loop3A_406] : memref<59136xf32, #tpu.memory_space<vmem>> -> memref<58768xf32, #tpu.memory_space<vmem>>
          %parallel_loop3A_408 = tpu.vector_load_idx %parallel_loop3A_407[%parallel_loop3A_150] : memref<58768xf32, #tpu.memory_space<vmem>>[vector<16xi32>], vector<16xf32>,
          %parallel_loop3A_409 = arith.constant 2 : i32
          %parallel_loop3A_410 = arith.constant 0 : i32
          %parallel_loop3A_411 = arith.constant 0 : i32
          %parallel_loop3A_412 = tpu.memref_slice %arg10[%parallel_loop3A_409, %parallel_loop3A_410, %parallel_loop3A_411] : memref<3x16x768xf32, #tpu.memory_space<vmem>> -> memref<1x16x768xf32, #tpu.memory_space<vmem>>
          %parallel_loop3A_413 = tpu.memref_squeeze %parallel_loop3A_412 : memref<1x16x768xf32, #tpu.memory_space<vmem>> -> memref<16x768xf32, #tpu.memory_space<vmem>>
          %parallel_loop3A_414 = arith.index_cast %parallel_loop3A_152 : i32 to index
          %parallel_loop3A_415 = arith.constant 368 : index
          %parallel_loop3A_416 = tpu.vector_load %parallel_loop3A_413[%parallel_loop3A_414, %parallel_loop3A_415] {strides = array<i32>} : memref<16x768xf32, #tpu.memory_space<vmem>>, vector<16xf32>,
          tpu.vector_store %parallel_loop3A_413[%parallel_loop3A_414, %parallel_loop3A_415], %parallel_loop3A_408 {add = true, strides = array<i32>} : memref<16x768xf32, #tpu.memory_space<vmem>>, vector<16xf32>,
          %parallel_loop3A_417 = arith.constant 384 : i32
          %parallel_loop3A_418 = tpu.memref_slice %arg9[%parallel_loop3A_417] : memref<59136xf32, #tpu.memory_space<vmem>> -> memref<58752xf32, #tpu.memory_space<vmem>>
          %parallel_loop3A_419 = tpu.vector_load_idx %parallel_loop3A_418[%parallel_loop3A_150] : memref<58752xf32, #tpu.memory_space<vmem>>[vector<16xi32>], vector<16xf32>,
          %parallel_loop3A_420 = arith.constant 2 : i32
          %parallel_loop3A_421 = arith.constant 0 : i32
          %parallel_loop3A_422 = arith.constant 0 : i32
          %parallel_loop3A_423 = tpu.memref_slice %arg10[%parallel_loop3A_420, %parallel_loop3A_421, %parallel_loop3A_422] : memref<3x16x768xf32, #tpu.memory_space<vmem>> -> memref<1x16x768xf32, #tpu.memory_space<vmem>>
          %parallel_loop3A_424 = tpu.memref_squeeze %parallel_loop3A_423 : memref<1x16x768xf32, #tpu.memory_space<vmem>> -> memref<16x768xf32, #tpu.memory_space<vmem>>
          %parallel_loop3A_425 = arith.index_cast %parallel_loop3A_152 : i32 to index
          %parallel_loop3A_426 = arith.constant 384 : index
          %parallel_loop3A_427 = tpu.vector_load %parallel_loop3A_424[%parallel_loop3A_425, %parallel_loop3A_426] {strides = array<i32>} : memref<16x768xf32, #tpu.memory_space<vmem>>, vector<16xf32>,
          tpu.vector_store %parallel_loop3A_424[%parallel_loop3A_425, %parallel_loop3A_426], %parallel_loop3A_419 {add = true, strides = array<i32>} : memref<16x768xf32, #tpu.memory_space<vmem>>, vector<16xf32>,
          %parallel_loop3A_428 = arith.constant 400 : i32
          %parallel_loop3A_429 = tpu.memref_slice %arg9[%parallel_loop3A_428] : memref<59136xf32, #tpu.memory_space<vmem>> -> memref<58736xf32, #tpu.memory_space<vmem>>
          %parallel_loop3A_430 = tpu.vector_load_idx %parallel_loop3A_429[%parallel_loop3A_150] : memref<58736xf32, #tpu.memory_space<vmem>>[vector<16xi32>], vector<16xf32>,
          %parallel_loop3A_431 = arith.constant 2 : i32
          %parallel_loop3A_432 = arith.constant 0 : i32
          %parallel_loop3A_433 = arith.constant 0 : i32
          %parallel_loop3A_434 = tpu.memref_slice %arg10[%parallel_loop3A_431, %parallel_loop3A_432, %parallel_loop3A_433] : memref<3x16x768xf32, #tpu.memory_space<vmem>> -> memref<1x16x768xf32, #tpu.memory_space<vmem>>
          %parallel_loop3A_435 = tpu.memref_squeeze %parallel_loop3A_434 : memref<1x16x768xf32, #tpu.memory_space<vmem>> -> memref<16x768xf32, #tpu.memory_space<vmem>>
          %parallel_loop3A_436 = arith.index_cast %parallel_loop3A_152 : i32 to index
          %parallel_loop3A_437 = arith.constant 400 : index
          %parallel_loop3A_438 = tpu.vector_load %parallel_loop3A_435[%parallel_loop3A_436, %parallel_loop3A_437] {strides = array<i32>} : memref<16x768xf32, #tpu.memory_space<vmem>>, vector<16xf32>,
          tpu.vector_store %parallel_loop3A_435[%parallel_loop3A_436, %parallel_loop3A_437], %parallel_loop3A_430 {add = true, strides = array<i32>} : memref<16x768xf32, #tpu.memory_space<vmem>>, vector<16xf32>,
          %parallel_loop3A_439 = arith.constant 416 : i32
          %parallel_loop3A_440 = tpu.memref_slice %arg9[%parallel_loop3A_439] : memref<59136xf32, #tpu.memory_space<vmem>> -> memref<58720xf32, #tpu.memory_space<vmem>>
          %parallel_loop3A_441 = tpu.vector_load_idx %parallel_loop3A_440[%parallel_loop3A_150] : memref<58720xf32, #tpu.memory_space<vmem>>[vector<16xi32>], vector<16xf32>,
          %parallel_loop3A_442 = arith.constant 2 : i32
          %parallel_loop3A_443 = arith.constant 0 : i32
          %parallel_loop3A_444 = arith.constant 0 : i32
          %parallel_loop3A_445 = tpu.memref_slice %arg10[%parallel_loop3A_442, %parallel_loop3A_443, %parallel_loop3A_444] : memref<3x16x768xf32, #tpu.memory_space<vmem>> -> memref<1x16x768xf32, #tpu.memory_space<vmem>>
          %parallel_loop3A_446 = tpu.memref_squeeze %parallel_loop3A_445 : memref<1x16x768xf32, #tpu.memory_space<vmem>> -> memref<16x768xf32, #tpu.memory_space<vmem>>
          %parallel_loop3A_447 = arith.index_cast %parallel_loop3A_152 : i32 to index
          %parallel_loop3A_448 = arith.constant 416 : index
          %parallel_loop3A_449 = tpu.vector_load %parallel_loop3A_446[%parallel_loop3A_447, %parallel_loop3A_448] {strides = array<i32>} : memref<16x768xf32, #tpu.memory_space<vmem>>, vector<16xf32>,
          tpu.vector_store %parallel_loop3A_446[%parallel_loop3A_447, %parallel_loop3A_448], %parallel_loop3A_441 {add = true, strides = array<i32>} : memref<16x768xf32, #tpu.memory_space<vmem>>, vector<16xf32>,
          %parallel_loop3A_450 = arith.constant 432 : i32
          %parallel_loop3A_451 = tpu.memref_slice %arg9[%parallel_loop3A_450] : memref<59136xf32, #tpu.memory_space<vmem>> -> memref<58704xf32, #tpu.memory_space<vmem>>
          %parallel_loop3A_452 = tpu.vector_load_idx %parallel_loop3A_451[%parallel_loop3A_150] : memref<58704xf32, #tpu.memory_space<vmem>>[vector<16xi32>], vector<16xf32>,
          %parallel_loop3A_453 = arith.constant 2 : i32
          %parallel_loop3A_454 = arith.constant 0 : i32
          %parallel_loop3A_455 = arith.constant 0 : i32
          %parallel_loop3A_456 = tpu.memref_slice %arg10[%parallel_loop3A_453, %parallel_loop3A_454, %parallel_loop3A_455] : memref<3x16x768xf32, #tpu.memory_space<vmem>> -> memref<1x16x768xf32, #tpu.memory_space<vmem>>
          %parallel_loop3A_457 = tpu.memref_squeeze %parallel_loop3A_456 : memref<1x16x768xf32, #tpu.memory_space<vmem>> -> memref<16x768xf32, #tpu.memory_space<vmem>>
          %parallel_loop3A_458 = arith.index_cast %parallel_loop3A_152 : i32 to index
          %parallel_loop3A_459 = arith.constant 432 : index
          %parallel_loop3A_460 = tpu.vector_load %parallel_loop3A_457[%parallel_loop3A_458, %parallel_loop3A_459] {strides = array<i32>} : memref<16x768xf32, #tpu.memory_space<vmem>>, vector<16xf32>,
          tpu.vector_store %parallel_loop3A_457[%parallel_loop3A_458, %parallel_loop3A_459], %parallel_loop3A_452 {add = true, strides = array<i32>} : memref<16x768xf32, #tpu.memory_space<vmem>>, vector<16xf32>,
          %parallel_loop3A_461 = arith.constant 448 : i32
          %parallel_loop3A_462 = tpu.memref_slice %arg9[%parallel_loop3A_461] : memref<59136xf32, #tpu.memory_space<vmem>> -> memref<58688xf32, #tpu.memory_space<vmem>>
          %parallel_loop3A_463 = tpu.vector_load_idx %parallel_loop3A_462[%parallel_loop3A_150] : memref<58688xf32, #tpu.memory_space<vmem>>[vector<16xi32>], vector<16xf32>,
          %parallel_loop3A_464 = arith.constant 2 : i32
          %parallel_loop3A_465 = arith.constant 0 : i32
          %parallel_loop3A_466 = arith.constant 0 : i32
          %parallel_loop3A_467 = tpu.memref_slice %arg10[%parallel_loop3A_464, %parallel_loop3A_465, %parallel_loop3A_466] : memref<3x16x768xf32, #tpu.memory_space<vmem>> -> memref<1x16x768xf32, #tpu.memory_space<vmem>>
          %parallel_loop3A_468 = tpu.memref_squeeze %parallel_loop3A_467 : memref<1x16x768xf32, #tpu.memory_space<vmem>> -> memref<16x768xf32, #tpu.memory_space<vmem>>
          %parallel_loop3A_469 = arith.index_cast %parallel_loop3A_152 : i32 to index
          %parallel_loop3A_470 = arith.constant 448 : index
          %parallel_loop3A_471 = tpu.vector_load %parallel_loop3A_468[%parallel_loop3A_469, %parallel_loop3A_470] {strides = array<i32>} : memref<16x768xf32, #tpu.memory_space<vmem>>, vector<16xf32>,
          tpu.vector_store %parallel_loop3A_468[%parallel_loop3A_469, %parallel_loop3A_470], %parallel_loop3A_463 {add = true, strides = array<i32>} : memref<16x768xf32, #tpu.memory_space<vmem>>, vector<16xf32>,
          %parallel_loop3A_472 = arith.constant 464 : i32
          %parallel_loop3A_473 = tpu.memref_slice %arg9[%parallel_loop3A_472] : memref<59136xf32, #tpu.memory_space<vmem>> -> memref<58672xf32, #tpu.memory_space<vmem>>
          %parallel_loop3A_474 = tpu.vector_load_idx %parallel_loop3A_473[%parallel_loop3A_150] : memref<58672xf32, #tpu.memory_space<vmem>>[vector<16xi32>], vector<16xf32>,
          %parallel_loop3A_475 = arith.constant 2 : i32
          %parallel_loop3A_476 = arith.constant 0 : i32
          %parallel_loop3A_477 = arith.constant 0 : i32
          %parallel_loop3A_478 = tpu.memref_slice %arg10[%parallel_loop3A_475, %parallel_loop3A_476, %parallel_loop3A_477] : memref<3x16x768xf32, #tpu.memory_space<vmem>> -> memref<1x16x768xf32, #tpu.memory_space<vmem>>
          %parallel_loop3A_479 = tpu.memref_squeeze %parallel_loop3A_478 : memref<1x16x768xf32, #tpu.memory_space<vmem>> -> memref<16x768xf32, #tpu.memory_space<vmem>>
          %parallel_loop3A_480 = arith.index_cast %parallel_loop3A_152 : i32 to index
          %parallel_loop3A_481 = arith.constant 464 : index
          %parallel_loop3A_482 = tpu.vector_load %parallel_loop3A_479[%parallel_loop3A_480, %parallel_loop3A_481] {strides = array<i32>} : memref<16x768xf32, #tpu.memory_space<vmem>>, vector<16xf32>,
          tpu.vector_store %parallel_loop3A_479[%parallel_loop3A_480, %parallel_loop3A_481], %parallel_loop3A_474 {add = true, strides = array<i32>} : memref<16x768xf32, #tpu.memory_space<vmem>>, vector<16xf32>,
          %parallel_loop3A_483 = arith.constant 480 : i32
          %parallel_loop3A_484 = tpu.memref_slice %arg9[%parallel_loop3A_483] : memref<59136xf32, #tpu.memory_space<vmem>> -> memref<58656xf32, #tpu.memory_space<vmem>>
          %parallel_loop3A_485 = tpu.vector_load_idx %parallel_loop3A_484[%parallel_loop3A_150] : memref<58656xf32, #tpu.memory_space<vmem>>[vector<16xi32>], vector<16xf32>,
          %parallel_loop3A_486 = arith.constant 2 : i32
          %parallel_loop3A_487 = arith.constant 0 : i32
          %parallel_loop3A_488 = arith.constant 0 : i32
          %parallel_loop3A_489 = tpu.memref_slice %arg10[%parallel_loop3A_486, %parallel_loop3A_487, %parallel_loop3A_488] : memref<3x16x768xf32, #tpu.memory_space<vmem>> -> memref<1x16x768xf32, #tpu.memory_space<vmem>>
          %parallel_loop3A_490 = tpu.memref_squeeze %parallel_loop3A_489 : memref<1x16x768xf32, #tpu.memory_space<vmem>> -> memref<16x768xf32, #tpu.memory_space<vmem>>
          %parallel_loop3A_491 = arith.index_cast %parallel_loop3A_152 : i32 to index
          %parallel_loop3A_492 = arith.constant 480 : index
          %parallel_loop3A_493 = tpu.vector_load %parallel_loop3A_490[%parallel_loop3A_491, %parallel_loop3A_492] {strides = array<i32>} : memref<16x768xf32, #tpu.memory_space<vmem>>, vector<16xf32>,
          tpu.vector_store %parallel_loop3A_490[%parallel_loop3A_491, %parallel_loop3A_492], %parallel_loop3A_485 {add = true, strides = array<i32>} : memref<16x768xf32, #tpu.memory_space<vmem>>, vector<16xf32>,
          %parallel_loop3A_494 = arith.constant 496 : i32
          %parallel_loop3A_495 = tpu.memref_slice %arg9[%parallel_loop3A_494] : memref<59136xf32, #tpu.memory_space<vmem>> -> memref<58640xf32, #tpu.memory_space<vmem>>
          %parallel_loop3A_496 = tpu.vector_load_idx %parallel_loop3A_495[%parallel_loop3A_150] : memref<58640xf32, #tpu.memory_space<vmem>>[vector<16xi32>], vector<16xf32>,
          %parallel_loop3A_497 = arith.constant 2 : i32
          %parallel_loop3A_498 = arith.constant 0 : i32
          %parallel_loop3A_499 = arith.constant 0 : i32
          %parallel_loop3A_500 = tpu.memref_slice %arg10[%parallel_loop3A_497, %parallel_loop3A_498, %parallel_loop3A_499] : memref<3x16x768xf32, #tpu.memory_space<vmem>> -> memref<1x16x768xf32, #tpu.memory_space<vmem>>
          %parallel_loop3A_501 = tpu.memref_squeeze %parallel_loop3A_500 : memref<1x16x768xf32, #tpu.memory_space<vmem>> -> memref<16x768xf32, #tpu.memory_space<vmem>>
          %parallel_loop3A_502 = arith.index_cast %parallel_loop3A_152 : i32 to index
          %parallel_loop3A_503 = arith.constant 496 : index
          %parallel_loop3A_504 = tpu.vector_load %parallel_loop3A_501[%parallel_loop3A_502, %parallel_loop3A_503] {strides = array<i32>} : memref<16x768xf32, #tpu.memory_space<vmem>>, vector<16xf32>,
          tpu.vector_store %parallel_loop3A_501[%parallel_loop3A_502, %parallel_loop3A_503], %parallel_loop3A_496 {add = true, strides = array<i32>} : memref<16x768xf32, #tpu.memory_space<vmem>>, vector<16xf32>,
          %parallel_loop3A_505 = arith.constant 512 : i32
          %parallel_loop3A_506 = tpu.memref_slice %arg9[%parallel_loop3A_505] : memref<59136xf32, #tpu.memory_space<vmem>> -> memref<58624xf32, #tpu.memory_space<vmem>>
          %parallel_loop3A_507 = tpu.vector_load_idx %parallel_loop3A_506[%parallel_loop3A_150] : memref<58624xf32, #tpu.memory_space<vmem>>[vector<16xi32>], vector<16xf32>,
          %parallel_loop3A_508 = arith.constant 2 : i32
          %parallel_loop3A_509 = arith.constant 0 : i32
          %parallel_loop3A_510 = arith.constant 0 : i32
          %parallel_loop3A_511 = tpu.memref_slice %arg10[%parallel_loop3A_508, %parallel_loop3A_509, %parallel_loop3A_510] : memref<3x16x768xf32, #tpu.memory_space<vmem>> -> memref<1x16x768xf32, #tpu.memory_space<vmem>>
          %parallel_loop3A_512 = tpu.memref_squeeze %parallel_loop3A_511 : memref<1x16x768xf32, #tpu.memory_space<vmem>> -> memref<16x768xf32, #tpu.memory_space<vmem>>
          %parallel_loop3A_513 = arith.index_cast %parallel_loop3A_152 : i32 to index
          %parallel_loop3A_514 = arith.constant 512 : index
          %parallel_loop3A_515 = tpu.vector_load %parallel_loop3A_512[%parallel_loop3A_513, %parallel_loop3A_514] {strides = array<i32>} : memref<16x768xf32, #tpu.memory_space<vmem>>, vector<16xf32>,
          tpu.vector_store %parallel_loop3A_512[%parallel_loop3A_513, %parallel_loop3A_514], %parallel_loop3A_507 {add = true, strides = array<i32>} : memref<16x768xf32, #tpu.memory_space<vmem>>, vector<16xf32>,
          %parallel_loop3A_516 = arith.constant 528 : i32
          %parallel_loop3A_517 = tpu.memref_slice %arg9[%parallel_loop3A_516] : memref<59136xf32, #tpu.memory_space<vmem>> -> memref<58608xf32, #tpu.memory_space<vmem>>
          %parallel_loop3A_518 = tpu.vector_load_idx %parallel_loop3A_517[%parallel_loop3A_150] : memref<58608xf32, #tpu.memory_space<vmem>>[vector<16xi32>], vector<16xf32>,
          %parallel_loop3A_519 = arith.constant 2 : i32
          %parallel_loop3A_520 = arith.constant 0 : i32
          %parallel_loop3A_521 = arith.constant 0 : i32
          %parallel_loop3A_522 = tpu.memref_slice %arg10[%parallel_loop3A_519, %parallel_loop3A_520, %parallel_loop3A_521] : memref<3x16x768xf32, #tpu.memory_space<vmem>> -> memref<1x16x768xf32, #tpu.memory_space<vmem>>
          %parallel_loop3A_523 = tpu.memref_squeeze %parallel_loop3A_522 : memref<1x16x768xf32, #tpu.memory_space<vmem>> -> memref<16x768xf32, #tpu.memory_space<vmem>>
          %parallel_loop3A_524 = arith.index_cast %parallel_loop3A_152 : i32 to index
          %parallel_loop3A_525 = arith.constant 528 : index
          %parallel_loop3A_526 = tpu.vector_load %parallel_loop3A_523[%parallel_loop3A_524, %parallel_loop3A_525] {strides = array<i32>} : memref<16x768xf32, #tpu.memory_space<vmem>>, vector<16xf32>,
          tpu.vector_store %parallel_loop3A_523[%parallel_loop3A_524, %parallel_loop3A_525], %parallel_loop3A_518 {add = true, strides = array<i32>} : memref<16x768xf32, #tpu.memory_space<vmem>>, vector<16xf32>,
          %parallel_loop3A_527 = arith.constant 544 : i32
          %parallel_loop3A_528 = tpu.memref_slice %arg9[%parallel_loop3A_527] : memref<59136xf32, #tpu.memory_space<vmem>> -> memref<58592xf32, #tpu.memory_space<vmem>>
          %parallel_loop3A_529 = tpu.vector_load_idx %parallel_loop3A_528[%parallel_loop3A_150] : memref<58592xf32, #tpu.memory_space<vmem>>[vector<16xi32>], vector<16xf32>,
          %parallel_loop3A_530 = arith.constant 2 : i32
          %parallel_loop3A_531 = arith.constant 0 : i32
          %parallel_loop3A_532 = arith.constant 0 : i32
          %parallel_loop3A_533 = tpu.memref_slice %arg10[%parallel_loop3A_530, %parallel_loop3A_531, %parallel_loop3A_532] : memref<3x16x768xf32, #tpu.memory_space<vmem>> -> memref<1x16x768xf32, #tpu.memory_space<vmem>>
          %parallel_loop3A_534 = tpu.memref_squeeze %parallel_loop3A_533 : memref<1x16x768xf32, #tpu.memory_space<vmem>> -> memref<16x768xf32, #tpu.memory_space<vmem>>
          %parallel_loop3A_535 = arith.index_cast %parallel_loop3A_152 : i32 to index
          %parallel_loop3A_536 = arith.constant 544 : index
          %parallel_loop3A_537 = tpu.vector_load %parallel_loop3A_534[%parallel_loop3A_535, %parallel_loop3A_536] {strides = array<i32>} : memref<16x768xf32, #tpu.memory_space<vmem>>, vector<16xf32>,
          tpu.vector_store %parallel_loop3A_534[%parallel_loop3A_535, %parallel_loop3A_536], %parallel_loop3A_529 {add = true, strides = array<i32>} : memref<16x768xf32, #tpu.memory_space<vmem>>, vector<16xf32>,
          %parallel_loop3A_538 = arith.constant 560 : i32
          %parallel_loop3A_539 = tpu.memref_slice %arg9[%parallel_loop3A_538] : memref<59136xf32, #tpu.memory_space<vmem>> -> memref<58576xf32, #tpu.memory_space<vmem>>
          %parallel_loop3A_540 = tpu.vector_load_idx %parallel_loop3A_539[%parallel_loop3A_150] : memref<58576xf32, #tpu.memory_space<vmem>>[vector<16xi32>], vector<16xf32>,
          %parallel_loop3A_541 = arith.constant 2 : i32
          %parallel_loop3A_542 = arith.constant 0 : i32
          %parallel_loop3A_543 = arith.constant 0 : i32
          %parallel_loop3A_544 = tpu.memref_slice %arg10[%parallel_loop3A_541, %parallel_loop3A_542, %parallel_loop3A_543] : memref<3x16x768xf32, #tpu.memory_space<vmem>> -> memref<1x16x768xf32, #tpu.memory_space<vmem>>
          %parallel_loop3A_545 = tpu.memref_squeeze %parallel_loop3A_544 : memref<1x16x768xf32, #tpu.memory_space<vmem>> -> memref<16x768xf32, #tpu.memory_space<vmem>>
          %parallel_loop3A_546 = arith.index_cast %parallel_loop3A_152 : i32 to index
          %parallel_loop3A_547 = arith.constant 560 : index
          %parallel_loop3A_548 = tpu.vector_load %parallel_loop3A_545[%parallel_loop3A_546, %parallel_loop3A_547] {strides = array<i32>} : memref<16x768xf32, #tpu.memory_space<vmem>>, vector<16xf32>,
          tpu.vector_store %parallel_loop3A_545[%parallel_loop3A_546, %parallel_loop3A_547], %parallel_loop3A_540 {add = true, strides = array<i32>} : memref<16x768xf32, #tpu.memory_space<vmem>>, vector<16xf32>,
          %parallel_loop3A_549 = arith.constant 576 : i32
          %parallel_loop3A_550 = tpu.memref_slice %arg9[%parallel_loop3A_549] : memref<59136xf32, #tpu.memory_space<vmem>> -> memref<58560xf32, #tpu.memory_space<vmem>>
          %parallel_loop3A_551 = tpu.vector_load_idx %parallel_loop3A_550[%parallel_loop3A_150] : memref<58560xf32, #tpu.memory_space<vmem>>[vector<16xi32>], vector<16xf32>,
          %parallel_loop3A_552 = arith.constant 2 : i32
          %parallel_loop3A_553 = arith.constant 0 : i32
          %parallel_loop3A_554 = arith.constant 0 : i32
          %parallel_loop3A_555 = tpu.memref_slice %arg10[%parallel_loop3A_552, %parallel_loop3A_553, %parallel_loop3A_554] : memref<3x16x768xf32, #tpu.memory_space<vmem>> -> memref<1x16x768xf32, #tpu.memory_space<vmem>>
          %parallel_loop3A_556 = tpu.memref_squeeze %parallel_loop3A_555 : memref<1x16x768xf32, #tpu.memory_space<vmem>> -> memref<16x768xf32, #tpu.memory_space<vmem>>
          %parallel_loop3A_557 = arith.index_cast %parallel_loop3A_152 : i32 to index
          %parallel_loop3A_558 = arith.constant 576 : index
          %parallel_loop3A_559 = tpu.vector_load %parallel_loop3A_556[%parallel_loop3A_557, %parallel_loop3A_558] {strides = array<i32>} : memref<16x768xf32, #tpu.memory_space<vmem>>, vector<16xf32>,
          tpu.vector_store %parallel_loop3A_556[%parallel_loop3A_557, %parallel_loop3A_558], %parallel_loop3A_551 {add = true, strides = array<i32>} : memref<16x768xf32, #tpu.memory_space<vmem>>, vector<16xf32>,
          %parallel_loop3A_560 = arith.constant 592 : i32
          %parallel_loop3A_561 = tpu.memref_slice %arg9[%parallel_loop3A_560] : memref<59136xf32, #tpu.memory_space<vmem>> -> memref<58544xf32, #tpu.memory_space<vmem>>
          %parallel_loop3A_562 = tpu.vector_load_idx %parallel_loop3A_561[%parallel_loop3A_150] : memref<58544xf32, #tpu.memory_space<vmem>>[vector<16xi32>], vector<16xf32>,
          %parallel_loop3A_563 = arith.constant 2 : i32
          %parallel_loop3A_564 = arith.constant 0 : i32
          %parallel_loop3A_565 = arith.constant 0 : i32
          %parallel_loop3A_566 = tpu.memref_slice %arg10[%parallel_loop3A_563, %parallel_loop3A_564, %parallel_loop3A_565] : memref<3x16x768xf32, #tpu.memory_space<vmem>> -> memref<1x16x768xf32, #tpu.memory_space<vmem>>
          %parallel_loop3A_567 = tpu.memref_squeeze %parallel_loop3A_566 : memref<1x16x768xf32, #tpu.memory_space<vmem>> -> memref<16x768xf32, #tpu.memory_space<vmem>>
          %parallel_loop3A_568 = arith.index_cast %parallel_loop3A_152 : i32 to index
          %parallel_loop3A_569 = arith.constant 592 : index
          %parallel_loop3A_570 = tpu.vector_load %parallel_loop3A_567[%parallel_loop3A_568, %parallel_loop3A_569] {strides = array<i32>} : memref<16x768xf32, #tpu.memory_space<vmem>>, vector<16xf32>,
          tpu.vector_store %parallel_loop3A_567[%parallel_loop3A_568, %parallel_loop3A_569], %parallel_loop3A_562 {add = true, strides = array<i32>} : memref<16x768xf32, #tpu.memory_space<vmem>>, vector<16xf32>,
          %parallel_loop3A_571 = arith.constant 608 : i32
          %parallel_loop3A_572 = tpu.memref_slice %arg9[%parallel_loop3A_571] : memref<59136xf32, #tpu.memory_space<vmem>> -> memref<58528xf32, #tpu.memory_space<vmem>>
          %parallel_loop3A_573 = tpu.vector_load_idx %parallel_loop3A_572[%parallel_loop3A_150] : memref<58528xf32, #tpu.memory_space<vmem>>[vector<16xi32>], vector<16xf32>,
          %parallel_loop3A_574 = arith.constant 2 : i32
          %parallel_loop3A_575 = arith.constant 0 : i32
          %parallel_loop3A_576 = arith.constant 0 : i32
          %parallel_loop3A_577 = tpu.memref_slice %arg10[%parallel_loop3A_574, %parallel_loop3A_575, %parallel_loop3A_576] : memref<3x16x768xf32, #tpu.memory_space<vmem>> -> memref<1x16x768xf32, #tpu.memory_space<vmem>>
          %parallel_loop3A_578 = tpu.memref_squeeze %parallel_loop3A_577 : memref<1x16x768xf32, #tpu.memory_space<vmem>> -> memref<16x768xf32, #tpu.memory_space<vmem>>
          %parallel_loop3A_579 = arith.index_cast %parallel_loop3A_152 : i32 to index
          %parallel_loop3A_580 = arith.constant 608 : index
          %parallel_loop3A_581 = tpu.vector_load %parallel_loop3A_578[%parallel_loop3A_579, %parallel_loop3A_580] {strides = array<i32>} : memref<16x768xf32, #tpu.memory_space<vmem>>, vector<16xf32>,
          tpu.vector_store %parallel_loop3A_578[%parallel_loop3A_579, %parallel_loop3A_580], %parallel_loop3A_573 {add = true, strides = array<i32>} : memref<16x768xf32, #tpu.memory_space<vmem>>, vector<16xf32>,
          %parallel_loop3A_582 = arith.constant 624 : i32
          %parallel_loop3A_583 = tpu.memref_slice %arg9[%parallel_loop3A_582] : memref<59136xf32, #tpu.memory_space<vmem>> -> memref<58512xf32, #tpu.memory_space<vmem>>
          %parallel_loop3A_584 = tpu.vector_load_idx %parallel_loop3A_583[%parallel_loop3A_150] : memref<58512xf32, #tpu.memory_space<vmem>>[vector<16xi32>], vector<16xf32>,
          %parallel_loop3A_585 = arith.constant 2 : i32
          %parallel_loop3A_586 = arith.constant 0 : i32
          %parallel_loop3A_587 = arith.constant 0 : i32
          %parallel_loop3A_588 = tpu.memref_slice %arg10[%parallel_loop3A_585, %parallel_loop3A_586, %parallel_loop3A_587] : memref<3x16x768xf32, #tpu.memory_space<vmem>> -> memref<1x16x768xf32, #tpu.memory_space<vmem>>
          %parallel_loop3A_589 = tpu.memref_squeeze %parallel_loop3A_588 : memref<1x16x768xf32, #tpu.memory_space<vmem>> -> memref<16x768xf32, #tpu.memory_space<vmem>>
          %parallel_loop3A_590 = arith.index_cast %parallel_loop3A_152 : i32 to index
          %parallel_loop3A_591 = arith.constant 624 : index
          %parallel_loop3A_592 = tpu.vector_load %parallel_loop3A_589[%parallel_loop3A_590, %parallel_loop3A_591] {strides = array<i32>} : memref<16x768xf32, #tpu.memory_space<vmem>>, vector<16xf32>,
          tpu.vector_store %parallel_loop3A_589[%parallel_loop3A_590, %parallel_loop3A_591], %parallel_loop3A_584 {add = true, strides = array<i32>} : memref<16x768xf32, #tpu.memory_space<vmem>>, vector<16xf32>,
          %parallel_loop3A_593 = arith.constant 640 : i32
          %parallel_loop3A_594 = tpu.memref_slice %arg9[%parallel_loop3A_593] : memref<59136xf32, #tpu.memory_space<vmem>> -> memref<58496xf32, #tpu.memory_space<vmem>>
          %parallel_loop3A_595 = tpu.vector_load_idx %parallel_loop3A_594[%parallel_loop3A_150] : memref<58496xf32, #tpu.memory_space<vmem>>[vector<16xi32>], vector<16xf32>,
          %parallel_loop3A_596 = arith.constant 2 : i32
          %parallel_loop3A_597 = arith.constant 0 : i32
          %parallel_loop3A_598 = arith.constant 0 : i32
          %parallel_loop3A_599 = tpu.memref_slice %arg10[%parallel_loop3A_596, %parallel_loop3A_597, %parallel_loop3A_598] : memref<3x16x768xf32, #tpu.memory_space<vmem>> -> memref<1x16x768xf32, #tpu.memory_space<vmem>>
          %parallel_loop3A_600 = tpu.memref_squeeze %parallel_loop3A_599 : memref<1x16x768xf32, #tpu.memory_space<vmem>> -> memref<16x768xf32, #tpu.memory_space<vmem>>
          %parallel_loop3A_601 = arith.index_cast %parallel_loop3A_152 : i32 to index
          %parallel_loop3A_602 = arith.constant 640 : index
          %parallel_loop3A_603 = tpu.vector_load %parallel_loop3A_600[%parallel_loop3A_601, %parallel_loop3A_602] {strides = array<i32>} : memref<16x768xf32, #tpu.memory_space<vmem>>, vector<16xf32>,
          tpu.vector_store %parallel_loop3A_600[%parallel_loop3A_601, %parallel_loop3A_602], %parallel_loop3A_595 {add = true, strides = array<i32>} : memref<16x768xf32, #tpu.memory_space<vmem>>, vector<16xf32>,
          %parallel_loop3A_604 = arith.constant 656 : i32
          %parallel_loop3A_605 = tpu.memref_slice %arg9[%parallel_loop3A_604] : memref<59136xf32, #tpu.memory_space<vmem>> -> memref<58480xf32, #tpu.memory_space<vmem>>
          %parallel_loop3A_606 = tpu.vector_load_idx %parallel_loop3A_605[%parallel_loop3A_150] : memref<58480xf32, #tpu.memory_space<vmem>>[vector<16xi32>], vector<16xf32>,
          %parallel_loop3A_607 = arith.constant 2 : i32
          %parallel_loop3A_608 = arith.constant 0 : i32
          %parallel_loop3A_609 = arith.constant 0 : i32
          %parallel_loop3A_610 = tpu.memref_slice %arg10[%parallel_loop3A_607, %parallel_loop3A_608, %parallel_loop3A_609] : memref<3x16x768xf32, #tpu.memory_space<vmem>> -> memref<1x16x768xf32, #tpu.memory_space<vmem>>
          %parallel_loop3A_611 = tpu.memref_squeeze %parallel_loop3A_610 : memref<1x16x768xf32, #tpu.memory_space<vmem>> -> memref<16x768xf32, #tpu.memory_space<vmem>>
          %parallel_loop3A_612 = arith.index_cast %parallel_loop3A_152 : i32 to index
          %parallel_loop3A_613 = arith.constant 656 : index
          %parallel_loop3A_614 = tpu.vector_load %parallel_loop3A_611[%parallel_loop3A_612, %parallel_loop3A_613] {strides = array<i32>} : memref<16x768xf32, #tpu.memory_space<vmem>>, vector<16xf32>,
          tpu.vector_store %parallel_loop3A_611[%parallel_loop3A_612, %parallel_loop3A_613], %parallel_loop3A_606 {add = true, strides = array<i32>} : memref<16x768xf32, #tpu.memory_space<vmem>>, vector<16xf32>,
          %parallel_loop3A_615 = arith.constant 672 : i32
          %parallel_loop3A_616 = tpu.memref_slice %arg9[%parallel_loop3A_615] : memref<59136xf32, #tpu.memory_space<vmem>> -> memref<58464xf32, #tpu.memory_space<vmem>>
          %parallel_loop3A_617 = tpu.vector_load_idx %parallel_loop3A_616[%parallel_loop3A_150] : memref<58464xf32, #tpu.memory_space<vmem>>[vector<16xi32>], vector<16xf32>,
          %parallel_loop3A_618 = arith.constant 2 : i32
          %parallel_loop3A_619 = arith.constant 0 : i32
          %parallel_loop3A_620 = arith.constant 0 : i32
          %parallel_loop3A_621 = tpu.memref_slice %arg10[%parallel_loop3A_618, %parallel_loop3A_619, %parallel_loop3A_620] : memref<3x16x768xf32, #tpu.memory_space<vmem>> -> memref<1x16x768xf32, #tpu.memory_space<vmem>>
          %parallel_loop3A_622 = tpu.memref_squeeze %parallel_loop3A_621 : memref<1x16x768xf32, #tpu.memory_space<vmem>> -> memref<16x768xf32, #tpu.memory_space<vmem>>
          %parallel_loop3A_623 = arith.index_cast %parallel_loop3A_152 : i32 to index
          %parallel_loop3A_624 = arith.constant 672 : index
          %parallel_loop3A_625 = tpu.vector_load %parallel_loop3A_622[%parallel_loop3A_623, %parallel_loop3A_624] {strides = array<i32>} : memref<16x768xf32, #tpu.memory_space<vmem>>, vector<16xf32>,
          tpu.vector_store %parallel_loop3A_622[%parallel_loop3A_623, %parallel_loop3A_624], %parallel_loop3A_617 {add = true, strides = array<i32>} : memref<16x768xf32, #tpu.memory_space<vmem>>, vector<16xf32>,
          %parallel_loop3A_626 = arith.constant 688 : i32
          %parallel_loop3A_627 = tpu.memref_slice %arg9[%parallel_loop3A_626] : memref<59136xf32, #tpu.memory_space<vmem>> -> memref<58448xf32, #tpu.memory_space<vmem>>
          %parallel_loop3A_628 = tpu.vector_load_idx %parallel_loop3A_627[%parallel_loop3A_150] : memref<58448xf32, #tpu.memory_space<vmem>>[vector<16xi32>], vector<16xf32>,
          %parallel_loop3A_629 = arith.constant 2 : i32
          %parallel_loop3A_630 = arith.constant 0 : i32
          %parallel_loop3A_631 = arith.constant 0 : i32
          %parallel_loop3A_632 = tpu.memref_slice %arg10[%parallel_loop3A_629, %parallel_loop3A_630, %parallel_loop3A_631] : memref<3x16x768xf32, #tpu.memory_space<vmem>> -> memref<1x16x768xf32, #tpu.memory_space<vmem>>
          %parallel_loop3A_633 = tpu.memref_squeeze %parallel_loop3A_632 : memref<1x16x768xf32, #tpu.memory_space<vmem>> -> memref<16x768xf32, #tpu.memory_space<vmem>>
          %parallel_loop3A_634 = arith.index_cast %parallel_loop3A_152 : i32 to index
          %parallel_loop3A_635 = arith.constant 688 : index
          %parallel_loop3A_636 = tpu.vector_load %parallel_loop3A_633[%parallel_loop3A_634, %parallel_loop3A_635] {strides = array<i32>} : memref<16x768xf32, #tpu.memory_space<vmem>>, vector<16xf32>,
          tpu.vector_store %parallel_loop3A_633[%parallel_loop3A_634, %parallel_loop3A_635], %parallel_loop3A_628 {add = true, strides = array<i32>} : memref<16x768xf32, #tpu.memory_space<vmem>>, vector<16xf32>,
          %parallel_loop3A_637 = arith.constant 704 : i32
          %parallel_loop3A_638 = tpu.memref_slice %arg9[%parallel_loop3A_637] : memref<59136xf32, #tpu.memory_space<vmem>> -> memref<58432xf32, #tpu.memory_space<vmem>>
          %parallel_loop3A_639 = tpu.vector_load_idx %parallel_loop3A_638[%parallel_loop3A_150] : memref<58432xf32, #tpu.memory_space<vmem>>[vector<16xi32>], vector<16xf32>,
          %parallel_loop3A_640 = arith.constant 2 : i32
          %parallel_loop3A_641 = arith.constant 0 : i32
          %parallel_loop3A_642 = arith.constant 0 : i32
          %parallel_loop3A_643 = tpu.memref_slice %arg10[%parallel_loop3A_640, %parallel_loop3A_641, %parallel_loop3A_642] : memref<3x16x768xf32, #tpu.memory_space<vmem>> -> memref<1x16x768xf32, #tpu.memory_space<vmem>>
          %parallel_loop3A_644 = tpu.memref_squeeze %parallel_loop3A_643 : memref<1x16x768xf32, #tpu.memory_space<vmem>> -> memref<16x768xf32, #tpu.memory_space<vmem>>
          %parallel_loop3A_645 = arith.index_cast %parallel_loop3A_152 : i32 to index
          %parallel_loop3A_646 = arith.constant 704 : index
          %parallel_loop3A_647 = tpu.vector_load %parallel_loop3A_644[%parallel_loop3A_645, %parallel_loop3A_646] {strides = array<i32>} : memref<16x768xf32, #tpu.memory_space<vmem>>, vector<16xf32>,
          tpu.vector_store %parallel_loop3A_644[%parallel_loop3A_645, %parallel_loop3A_646], %parallel_loop3A_639 {add = true, strides = array<i32>} : memref<16x768xf32, #tpu.memory_space<vmem>>, vector<16xf32>,
          %parallel_loop3A_648 = arith.constant 720 : i32
          %parallel_loop3A_649 = tpu.memref_slice %arg9[%parallel_loop3A_648] : memref<59136xf32, #tpu.memory_space<vmem>> -> memref<58416xf32, #tpu.memory_space<vmem>>
          %parallel_loop3A_650 = tpu.vector_load_idx %parallel_loop3A_649[%parallel_loop3A_150] : memref<58416xf32, #tpu.memory_space<vmem>>[vector<16xi32>], vector<16xf32>,
          %parallel_loop3A_651 = arith.constant 2 : i32
          %parallel_loop3A_652 = arith.constant 0 : i32
          %parallel_loop3A_653 = arith.constant 0 : i32
          %parallel_loop3A_654 = tpu.memref_slice %arg10[%parallel_loop3A_651, %parallel_loop3A_652, %parallel_loop3A_653] : memref<3x16x768xf32, #tpu.memory_space<vmem>> -> memref<1x16x768xf32, #tpu.memory_space<vmem>>
          %parallel_loop3A_655 = tpu.memref_squeeze %parallel_loop3A_654 : memref<1x16x768xf32, #tpu.memory_space<vmem>> -> memref<16x768xf32, #tpu.memory_space<vmem>>
          %parallel_loop3A_656 = arith.index_cast %parallel_loop3A_152 : i32 to index
          %parallel_loop3A_657 = arith.constant 720 : index
          %parallel_loop3A_658 = tpu.vector_load %parallel_loop3A_655[%parallel_loop3A_656, %parallel_loop3A_657] {strides = array<i32>} : memref<16x768xf32, #tpu.memory_space<vmem>>, vector<16xf32>,
          tpu.vector_store %parallel_loop3A_655[%parallel_loop3A_656, %parallel_loop3A_657], %parallel_loop3A_650 {add = true, strides = array<i32>} : memref<16x768xf32, #tpu.memory_space<vmem>>, vector<16xf32>,
          %parallel_loop3A_659 = arith.constant 736 : i32
          %parallel_loop3A_660 = tpu.memref_slice %arg9[%parallel_loop3A_659] : memref<59136xf32, #tpu.memory_space<vmem>> -> memref<58400xf32, #tpu.memory_space<vmem>>
          %parallel_loop3A_661 = tpu.vector_load_idx %parallel_loop3A_660[%parallel_loop3A_150] : memref<58400xf32, #tpu.memory_space<vmem>>[vector<16xi32>], vector<16xf32>,
          %parallel_loop3A_662 = arith.constant 2 : i32
          %parallel_loop3A_663 = arith.constant 0 : i32
          %parallel_loop3A_664 = arith.constant 0 : i32
          %parallel_loop3A_665 = tpu.memref_slice %arg10[%parallel_loop3A_662, %parallel_loop3A_663, %parallel_loop3A_664] : memref<3x16x768xf32, #tpu.memory_space<vmem>> -> memref<1x16x768xf32, #tpu.memory_space<vmem>>
          %parallel_loop3A_666 = tpu.memref_squeeze %parallel_loop3A_665 : memref<1x16x768xf32, #tpu.memory_space<vmem>> -> memref<16x768xf32, #tpu.memory_space<vmem>>
          %parallel_loop3A_667 = arith.index_cast %parallel_loop3A_152 : i32 to index
          %parallel_loop3A_668 = arith.constant 736 : index
          %parallel_loop3A_669 = tpu.vector_load %parallel_loop3A_666[%parallel_loop3A_667, %parallel_loop3A_668] {strides = array<i32>} : memref<16x768xf32, #tpu.memory_space<vmem>>, vector<16xf32>,
          tpu.vector_store %parallel_loop3A_666[%parallel_loop3A_667, %parallel_loop3A_668], %parallel_loop3A_661 {add = true, strides = array<i32>} : memref<16x768xf32, #tpu.memory_space<vmem>>, vector<16xf32>,
          %parallel_loop3A_670 = arith.constant 752 : i32
          %parallel_loop3A_671 = tpu.memref_slice %arg9[%parallel_loop3A_670] : memref<59136xf32, #tpu.memory_space<vmem>> -> memref<58384xf32, #tpu.memory_space<vmem>>
          %parallel_loop3A_672 = tpu.vector_load_idx %parallel_loop3A_671[%parallel_loop3A_150] : memref<58384xf32, #tpu.memory_space<vmem>>[vector<16xi32>], vector<16xf32>,
          %parallel_loop3A_673 = arith.constant 2 : i32
          %parallel_loop3A_674 = arith.constant 0 : i32
          %parallel_loop3A_675 = arith.constant 0 : i32
          %parallel_loop3A_676 = tpu.memref_slice %arg10[%parallel_loop3A_673, %parallel_loop3A_674, %parallel_loop3A_675] : memref<3x16x768xf32, #tpu.memory_space<vmem>> -> memref<1x16x768xf32, #tpu.memory_space<vmem>>
          %parallel_loop3A_677 = tpu.memref_squeeze %parallel_loop3A_676 : memref<1x16x768xf32, #tpu.memory_space<vmem>> -> memref<16x768xf32, #tpu.memory_space<vmem>>
          %parallel_loop3A_678 = arith.index_cast %parallel_loop3A_152 : i32 to index
          %parallel_loop3A_679 = arith.constant 752 : index
          %parallel_loop3A_680 = tpu.vector_load %parallel_loop3A_677[%parallel_loop3A_678, %parallel_loop3A_679] {strides = array<i32>} : memref<16x768xf32, #tpu.memory_space<vmem>>, vector<16xf32>,
          tpu.vector_store %parallel_loop3A_677[%parallel_loop3A_678, %parallel_loop3A_679], %parallel_loop3A_672 {add = true, strides = array<i32>} : memref<16x768xf32, #tpu.memory_space<vmem>>, vector<16xf32>,
        } {sc.loop_unroll_factor = 1 : i64, sc.parallel_access}
        %mul3A_125 = arith.constant 154 : i32
        %mul3A_126 = arith.muli %add3A, %mul3A_125 : i32
        %add3A_127 = arith.addi %mul3A_126, %add3A_83 : i32
        %mul3A_128 = arith.constant 16 : i32
        %mul3A_129 = arith.muli %add3A_127, %mul3A_128 : i32
        %dma_start3A_130 = arith.constant 2 : i32
        %dma_start3A_131 = arith.constant 0 : i32
        %dma_start3A_132 = arith.constant 0 : i32
        %dma_start3A_133 = tpu.memref_slice %arg10[%dma_start3A_130, %dma_start3A_131, %dma_start3A_132] : memref<3x16x768xf32, #tpu.memory_space<vmem>> -> memref<1x16x768xf32, #tpu.memory_space<vmem>>
        %dma_start3A_134 = tpu.memref_squeeze %dma_start3A_133 : memref<1x16x768xf32, #tpu.memory_space<vmem>> -> memref<16x768xf32, #tpu.memory_space<vmem>>
        %dma_start3A_135 = arith.constant 0 : i32
        %dma_start3A_136 = tpu.memref_slice %arg6[%mul3A_129, %dma_start3A_135] : memref<78848x768xf32, #tpu.memory_space<hbm>> -> memref<16x768xf32, #tpu.memory_space<hbm>>
        %dma_start3A_137 = arith.constant 0 : i32
        %dma_start3A_138 = tpu.memref_slice %arg6[%mul3A_129, %dma_start3A_137] : memref<78848x768xf32, #tpu.memory_space<hbm>> -> memref<16x768xf32, #tpu.memory_space<hbm>>
        %dma_start3A_139 = arith.constant 0 : i32
        %dma_start3A_140 = arith.constant 0 : i32
        %dma_start3A_141 = tpu.memref_slice %arg10[%dma_start3A_130, %dma_start3A_139, %dma_start3A_140] : memref<3x16x768xf32, #tpu.memory_space<vmem>> -> memref<1x16x768xf32, #tpu.memory_space<vmem>>
        %dma_start3A_142 = tpu.memref_squeeze %dma_start3A_141 : memref<1x16x768xf32, #tpu.memory_space<vmem>> -> memref<16x768xf32, #tpu.memory_space<vmem>>
        tpu.enqueue_dma source(%dma_start3A_142 : memref<16x768xf32, #tpu.memory_space<vmem>>) target(%dma_start3A_138 : memref<16x768xf32, #tpu.memory_space<hbm>>) target_semaphore(%arg16 : memref<!tpu.dma_semaphore, #tpu.memory_space<semaphore_mem>>)
      } else {
      }
    }
    %scan3A_28 = arith.constant 52 : i32
    return
  }
}

</mosaic_0001>

<sc_bundles>
// kernel: kernel.3.cloned.1.call-start
scs
__scs_entry_jumppad:
0x0: {  	(pc) =	sbr.rel $0x88, $3  }
0x1: {  	(tag) =	ssettag $0x0;
	lr =	simm.s32 $0x1  }
0x2: {  	[smem:$0x3F9D] =	sst lr;
	_ =	strace $0xD0000000  }
0x3: {  	_ = 	snop  }
0x4: {  	_ = 	snop  }
0x5: {  	_ = 	snop  }
0x6: {  	_ = 	snop  }
0x7: {  	_ = 	snop  }
__scs_overlays_trampoline_lowered:
0x8: {  	[smem:$0x3FAC] =	sst s0  }
0x9: {  	[smem:$0x3FAD] =	sst s1  }
0xa: {  	[smem:$0x3FAE] =	sst s2  }
0xb: {  	[smem:$0x3FAF] =	sst s3  }
0xc: {  	[smem:$0x3FB0] =	sst s4  }
0xd: {  	[smem:$0x3FB1] =	sst s5  }
0xe: {  	[smem:$0x3FB2] =	sst s6  }
0xf: {  	[smem:$0x3FB3] =	sst s7  }
0x10: {  	[smem:$0x3FB4] =	sst s8  }
0x11: {  	[smem:$0x3FB5] =	sst s9;
	s0 =	simm.s32 @!p0 $0x0  }
0x12: {  	s1 =	sld [smem:$0x3F9B];
	s0 =	simm.s32 @p0 $0x1  }
0x13: {  	[smem:$0x3FB6] =	sst s0;
	s0 =	simm.s32 @!p1 $0x0  }
0x14: {  	s2 =	sld [smem:$0x3F9A];
	s0 =	simm.s32 @p1 $0x1  }
0x15: {  	[smem:$0x3FB7] =	sst s0;
	s0 =	simm.s32 @!p2 $0x0  }
0x16: {  	s3 =	sld [smem:$0x3FDB];
	s0 =	simm.s32 @p2 $0x1  }
0x17: {  	s4 =	simm.s32 $0x1BF5;
	[smem:$0x3FB9] =	sst s0  }
0x18: {  	s0 =	sld [smem:$0x3F9C];
	_ =	swait.ge [sflag:s4], $0x0  }
0x19: {  	s7 =	sld [smem:$0x3F9D]  }
0x1a: {  	s8 =	sadd.s32 $0xFFFFE003, lr  }
0x1b: {  	s9 =	sadd.s32 $0xFFFFFEF7, lr;
	s5 =	simm.s32 $0xFFFFFFFF;
	p2 =	slt.u32 s8, $0xFFFFF086  }
0x1c: {  	p1 =	slt.u32 s9, $0xF7A;
	s5 =	simm.s32 @!p2 $0x0  }
0x1d: {  	s5 =	simm.s32 @p1 $0x1;
	p0 =	seq.s32 s7, s2  }
0x1e: {  	s7 =	smul.u32 @!p0 $0xF7A, s2;
	p2 =	seq.s32 @!p0 s5, $0x0  }
0x1f: {  	s9 =	smul.u32 $0xF7A, s1;
	s8 =	simm.s32 @!p0 $0x1BF5;
	p2 =	por !p2, p0  }
0x20: {  	[sflag:s8] =	ssyncset.s32 @!p0 $0xFFFFF086;
	s6 =	sadd.s32 @!p0 s3, s7;
	s7 =	simm.s32 @!p0 $0x108  }
0x21: {  	s3 =	sadd.s32 s3, s9;
	s6 =	sadd.s32 @!p0 $0x88, s6;
	s7 =	simm.s32 @p2 $0x1082  }
0x22: {  	[simem:s7], [sflag:s8] =	dma.local @!p0 [hbm:s6], $0xF7A  }
0x23: {  	s9 =	sor.u32 $0xD0000000, s2;
	s6 =	simm.s32 $0x108;
	_ =	swait.ge @!p0 [sflag:s8], $0x0  }
0x24: {  	s3 =	sadd.s32 $0x88, s3;
	s6 =	simm.s32 @!p1 $0x1082;
	[sflag:s4] =	ssyncset.s32 $0xFFFFF086  }
0x25: {  	[simem:s6], [sflag:s4] =	dma.local [hbm:s3], $0xF7A  }
0x26: {  	[smem:$0x3F9D] =	sst s1;
	(tag) =	ssettag s2;
	_ =	strace s9  }
0x27: {  	s1 =	sld [smem:$0x3FAD]  }
0x28: {  	s2 =	sld [smem:$0x3FAE]  }
0x29: {  	s4 =	sld [smem:$0x3FB0]  }
0x2a: {  	p0 =	seq.s32 s5, $0x0;
	s5 =	sld [smem:$0x3FB1]  }
0x2b: {  	s6 =	sld [smem:$0x3FB2]  }
0x2c: {  	s7 =	sld [smem:$0x3FB3]  }
0x2d: {  	s3 =	simm.s32 $0x108;
	s8 =	sld [smem:$0x3FB4]  }
0x2e: {  	s3 =	simm.s32 @!p0 $0x1082;
	s9 =	sld [smem:$0x3FB5]  }
0x2f: {  	lr =	sadd.s32 s0, s3;
	s0 =	sld [smem:$0x3FAC]  }
0x30: {  	s3 =	sld [smem:$0x3FAF]  }
0x31: {  	[smem:$0x3FB8] =	sst s10  }
0x32: {  	s10 =	sld [smem:$0x3FB6];
	_ =	sdelay $0x3  }
0x33: {  	p0 =	seq.s32 s10, $0x1;
	s10 =	sld [smem:$0x3FB8];
	_ =	sdelay $0x3  }
0x34: {  	[smem:$0x3FB8] =	sst s10  }
0x35: {  	s10 =	sld [smem:$0x3FB7];
	_ =	sdelay $0x3  }
0x36: {  	p1 =	seq.s32 s10, $0x1;
	s10 =	sld [smem:$0x3FB8];
	_ =	sdelay $0x3  }
0x37: {  	[smem:$0x3FB8] =	sst s10  }
0x38: {  	s10 =	sld [smem:$0x3FB9]  }
0x39: {  	_ = 	snop;
	(pc) =	sbr.ind lr, $3  }
0x3a: {  	_ = 	snop  }
0x3b: {  	_ = 	snop  }
0x3c: {  	p2 =	seq.s32 s10, $0x1;
	s10 =	sld [smem:$0x3FB8]  }
0x3d: {  	_ =	shalt  }
0x3e: {  	_ =	shalt  }
0x3f: {  	_ =	shalt  }
0x40: {  	_ =	shalt  }
0x41: {  	_ =	shalt  }
0x42: {  	_ =	shalt  }
0x43: {  	_ =	shalt  }
0x44: {  	_ =	shalt  }
0x45: {  	_ =	shalt  }
0x46: {  	_ =	shalt  }
0x47: {  	_ =	shalt  }
0x48: {  	_ =	shalt  }
0x49: {  	_ =	shalt  }
0x4a: {  	_ =	shalt  }
0x4b: {  	_ =	shalt  }
0x4c: {  	_ =	shalt  }
0x4d: {  	_ =	shalt  }
0x4e: {  	_ =	shalt  }
0x4f: {  	_ =	shalt  }
0x50: {  	_ =	shalt  }
0x51: {  	_ =	shalt  }
0x52: {  	_ =	shalt  }
0x53: {  	_ =	shalt  }
0x54: {  	_ =	shalt  }
0x55: {  	_ =	shalt  }
0x56: {  	_ =	shalt  }
0x57: {  	_ =	shalt  }
0x58: {  	_ =	shalt  }
0x59: {  	_ =	shalt  }
0x5a: {  	_ =	shalt  }
0x5b: {  	_ =	shalt  }
0x5c: {  	_ =	shalt  }
0x5d: {  	_ =	shalt  }
0x5e: {  	_ =	shalt  }
0x5f: {  	_ =	shalt  }
0x60: {  	_ =	shalt  }
0x61: {  	_ =	shalt  }
0x62: {  	_ =	shalt  }
0x63: {  	_ =	shalt  }
0x64: {  	_ =	shalt  }
0x65: {  	_ =	shalt  }
0x66: {  	_ =	shalt  }
0x67: {  	_ =	shalt  }
0x68: {  	_ =	shalt  }
0x69: {  	_ =	shalt  }
0x6a: {  	_ =	shalt  }
0x6b: {  	_ =	shalt  }
0x6c: {  	_ =	shalt  }
0x6d: {  	_ =	shalt  }
0x6e: {  	_ =	shalt  }
0x6f: {  	_ =	shalt  }
0x70: {  	_ =	shalt  }
0x71: {  	_ =	shalt  }
0x72: {  	_ =	shalt  }
0x73: {  	_ =	shalt  }
0x74: {  	_ =	shalt  }
0x75: {  	_ =	shalt  }
0x76: {  	_ =	shalt  }
0x77: {  	_ =	shalt  }
0x78: {  	_ =	shalt  }
0x79: {  	_ =	shalt  }
0x7a: {  	_ =	shalt  }
0x7b: {  	_ =	shalt  }
0x7c: {  	_ =	shalt  }
0x7d: {  	_ =	shalt  }
0x7e: {  	_ =	shalt  }
0x7f: {  	_ =	shalt  }
0x80: {  	_ =	shalt  }
0x81: {  	_ =	shalt  }
0x82: {  	_ =	shalt  }
0x83: {  	_ =	shalt  }
0x84: {  	_ =	shalt  }
0x85: {  	_ =	shalt  }
0x86: {  	_ =	shalt  }
0x87: {  	_ =	shalt  }
.Lfunc_end0:
.L_simem_size_0:
called_computation.1_lowered:
.L_overlay_start_0:
0x88: {  	s2 =	sld [smem:$0x3FD9]  }
0x89: {  	s3 =	sld [smem:$0x3FFE];
	_ =	sdelay $0x1  }
0x8a: {  	s1 =	srdreg.scid  }
0x8b: {  	s0 =	sand.u32 $0x1, s1  }
0x8c: {  	s17 =	sshll.u32 s0, $0xA;
	s2 =	sadd.s32 s3, s2  }
0x8d: {  	s2 =	sadd.s32 s2, s17  }
0x8e: {  	[smem:$0x3FC4] =	sst s2  }
0x8f: {  	_ = 	snop  }
0x90: {  	s2 =	sld [smem:$0x3FC7]  }
0x91: {  	s18 =	sld [smem:$0x3FD0];
	(tm) =	ssettm $0x1  }
0x92: {  	s4 =	sld [smem:$0x3FFB];
	_ =	sdelay $0x3  }
0x93: {  	_ =	strace s4  }
0x94: {  	s4 =	sld [smem:$0x3FFC];
	_ =	sdelay $0x3  }
0x95: {  	_ =	strace s4  }
0x96: {  	s4 =	sld [smem:$0x3FFD];
	_ =	sdelay $0x3  }
0x97: {  	_ =	strace s4  }
0x98: {  	_ =	strace $0x8FFFFFFF  }
0x99: {  	s19 =	sld [smem:$0x3FDB];
	_ =	sdelay $0x1  }
0x9a: {  	s5 =	simm.s32 $_scs_section_size  }
0x9b: {  	s6 =	simm.s32 $_size__tile_overlayer_lowered;
	s7 =	simm.s32 $_tile_overlayer_lowered  }
0x9c: {  	s22 =	simm.s32 $0x1BFF;
	s21 =	sshll.u32 s7, $0x1;
	s4 =	sadd.s32 s5, s19  }
0x9d: {  	s8 =	simm.s32 $0x0;
	s20 =	sshll.u32 s6, $0x1;
	s6 =	sadd.s32 s21, s4  }
0x9e: {  	[timem:s8], [sflag:s22] =	dma.local [hbm:s6], s20  }
0x9f: {  	_ =	swait.ge [sflag:s22], s20  }
0xa0: {  	s5 =	ssub.s32 $0x0, s20;
	[sflag:s22] =	ssyncset.done $0x0  }
0xa1: {  	[sflag:s22] =	ssyncadd.s32 s5;
	_ =	sdelay $0x1  }
0xa2: {  	s23 =	simm.s32 $0x1B8B  }
0xa3: {  	_ =	swait.ge [sflag:s23], $0x1  }
0xa4: {  	[sflag:s23] =	ssyncset.done $0x0  }
0xa5: {  	s25 =	simm.s32 $0x1B8E;
	s24 =	sld [smem:$0x3FFE];
	[sflag:s23] =	ssyncadd.s32 $0xFFFFFFFF  }
0xa6: {  	s26 =	simm.s32 $execute0_lowered;
	[smem:$0x3FD2] =	sst s25  }
0xa7: {  	s6 =	sshll.u32 s26, $0x1;
	_ =	strace $0x80000046;
	[dreg:$0x1] =	wrdreg $0xFFFFFFFF  }
0xa8: {  	s28 =	simm.s32 $_size_execute0_lowered;
	s4 =	sadd.s32 s4, s6;
	[dreg:$0x0] =	wrdreg $0x0  }
0xa9: {  	s6 =	sshll.u32 s28, $0x1;
	[dreg:$0x2] =	wrdreg s4  }
0xaa: {  	[dreg:$0x3] =	wrdreg s6  }
0xab: {  	[dreg:$0x4] =	wrdreg $0xC0  }
0xac: {  	_ =	task [dreg:s8], $0x5FFFF  }
0xad: {  	[dreg:$0x1] =	wrdreg $0xFFFFFFFF  }
0xae: {  	[dreg:$0x0] =	wrdreg $0x60  }
0xaf: {  	[dreg:$0x2] =	wrdreg s24  }
0xb0: {  	[dreg:$0x3] =	wrdreg s2  }
0xb1: {  	[dreg:$0x4] =	wrdreg s18  }
0xb2: {  	[dreg:$0x5] =	wrdreg $0x9  }
0xb3: {  	_ =	task.clear_ibuf [dreg:s8], $0x6FFFF;
	_ =	strace $0x90000046  }
0xb4: {  	s29 =	simm.s32 $0x9;
	_ =	strace $0x80000048  }
0xb5: {  	_ =	swait.ge [sflag:s29], $0x1  }
0xb6: {  	[sflag:s29] =	ssyncadd.s32 $0xFFFFFFFF  }
0xb7: {  	_ =	strace $0x90000048  }
0xb8: {  	_ =	sfence  }
0xb9: {  	s30 =	sld [smem:$0x0];
	_ =	sdelay $0x2  }
0xba: {  	s31 =	sshll.u32 s1, $0xD;
	s1 =	sshrl.u32 s1, $0x2  }
0xbb: {  	s3 =	sand.u32 $0x4000, s31;
	s1 =	sadd.s32 s1, s30  }
0xbc: {  	s0 =	sor.u32 s3, s0;
	s1 =	sshll.u32 s1, $0x11  }
0xbd: {  	s0 =	sor.u32 s1, s0  }
0xbe: {  	s0 =	sadd.s32 $0x8F2B, s0  }
0xbf: {  	[sflag:s0] =	ssyncadd.remote.s32 $0x1  }
0xc0: {  	_ =	sfence.sel $0xFFFF  }
0xc1: {  	[dreg:$0x0] =	wrdreg $0xFFFFFFFF;
	(pc) =	sbr.abs _section_cstart, $3  }
0xc2: {  	[dreg:$0x1] =	wrdreg $0xFFFFFFFF  }
0xc3: {  	_ =	task.clear_ibuf [dreg:s8], $0x2FFFF;
	_ =	strace $0x9FFFFFFF  }
0xc4: {  	(tm) =	ssettm $0x7FFFFFFF  }
0xc5: {  	_ =	shalt  }
tec
execute0_lowered:
.L_overlay_start_1:
0x0: {  	(tag) =	ssettag $0x1  }
0x1: {  	s0 =	rddreg [dreg:$0x0]  }
0x2: {  	s5 =	rddreg [dreg:$0x1]  }
0x3: {  	s1 =	srdreg.scid;
	s2 =	stileid.u32;
	s3 =	simm.s32 $0x0  }
0x4: {  	s11 =	simm.s32 $0xFB00;
	s8 =	simm.s32 $0x1410;
	s9 =	simm.s32 $0x1420  }
0x5: {  	s14 =	simm.s32 $0x1430;
	s30 =	simm.s32 $0x1450;
	s19 =	simm.s32 $0x1550  }
0x6: {  	s28 =	simm.s32 $0x1570;
	s17 =	simm.s32 $0x15A0;
	s29 =	simm.s32 $0x15C0  }
0x7: {  	s7 =	simm.s32 $0x15D0;
	s6 =	simm.s32 $0x15E0;
	s31 =	simm.s32 $0x1630  }
0x8: {  	s1 =	sand.u32 $0x1, s1;
	s2 =	sshll.u32 s2, $0x1;
	[smem:$0x7FF] =	sst s3  }
0x9: {  	s24 =	sadd.s32 $0x100, s5;
	s25 =	sadd.s32 $0x200, s5;
	s5 =	simm.s32 $0x15F0  }
0xa: {  	s2 =	sor.u32 s1, s2;
	_ =	strace $0x80000047;
	[dreg:$0x7] =	wrdreg s24  }
0xb: {  	s1 =	ssub.s32 $0x2, s1;
	[dreg:$0x8] =	wrdreg s25;
	s20 =	smul.u32 $0x134, s2  }
0xc: {  	s24 =	simm.s32 $0x1460;
	s4 =	sshrl.u32 s1, $0x1;
	s26 =	smul.u32 $0x9A, s2  }
0xd: {  	s25 =	simm.s32 $0x1540;
	s2 =	simm.s32 $0x1560;
	s21 =	ssub.s32 s1, s4  }
0xe: {  	s3 =	sadd.s32 s20, s0;
	s0 =	sadd.s32 $0x800, s0;
	[dreg:$0x9] =	wrdreg s26  }
.Ltmp0:
0xf: {  	[dreg:$0x4] =	wrdreg s0;
	s22 =	sadd.s32 $0x2600, s3;
	(pc) =	sbr.rel .LBB2_1-.Ltmp0, $4  }
0x10: {  	s1 =	simm.s32 $0x1590;
	s23 =	sadd.s32 $0x4E00, s3;
	[dreg:$0x5] =	wrdreg s22  }
0x11: {  	v0 =	vlaneseq.u32;
	s4 =	simm.s32 $0x0;
	s0 =	smax.u32 s21, $0x1;
	[dreg:$0x6] =	wrdreg s23  }
0x12: {  	vm0 =	vmmov $0xffff;
	v2 =	vshrl.u32 v0, $0x3;
	s20 =	simm.s32 $0x15B0;
	s21 =	simm.s32 $0x1440;
	[dreg:$0xa] =	wrdreg s0  }
0x13: {  	v1 =	vand.u32 $0x7, v0;
	v3 =	vor.u32 $0x8, v0;
	v2 =	vmul.u32 $0x8, v2;
	s22 =	simm.s32 $0x1400;
	s23 =	simm.s32 $0x1470;
	s0 =	simm.s32 $0x1580  }
.LBB2_10:
0x14: {  	s4 =	rddreg [dreg:$0xb]  }
0x15: {  	s3 =	rddreg [dreg:$0xa];
	s4 =	sadd.s32 $0x1, s4  }
0x16: {  	p0 =	sne.s32 s4, s3  }
.Ltmp1:
0x17: {  	_ = 	snop;
	(pc) =	sbr.rel @!p0 .LBB2_11-.Ltmp1, $1  }
0x18: {  	_ =	sdelay $0x3  }
.LBB2_1:
0x19: {  	[dreg:$0xb] =	wrdreg s4  }
0x1a: {  	s4 =	simm.s32 $0x0;
	s3 =	rddreg [dreg:$0x5];
	s10 =	simm.s32 $0x7  }
0x1b: {  	[tilespmem:s4], [sflag:$0x7] =	stream.linear.gather [hbm4b:s3+s4], $0x9A0, $0x38;
	[tilespmem:$0x18B00] =	vst v63  }
0x1c: {  	_ =	swait.ge [sflag:s10], $0x9A0  }
0x1d: {  	[sflag:s10] =	ssyncset.done $0x0  }
0x1e: {  	s15 =	simm.s32 $0xA00;
	s18 =	rddreg [dreg:$0x6];
	[sflag:s10] =	ssyncadd.s32 $0xFFFFF660  }
0x1f: {  	[tilespmem:s15], [sflag:$0x7] =	stream.linear.gather [hbm4b:s18+s4], $0x9A0, $0x38;
	[tilespmem:$0x18B00] =	vst v63  }
0x20: {  	_ =	swait.ge [sflag:s10], $0x9A0  }
0x21: {  	[sflag:s10] =	ssyncset.done $0x0  }
0x22: {  	s26 =	rddreg [dreg:$0x4];
	[sflag:s10] =	ssyncadd.s32 $0xFFFFF660  }
0x23: {  	[tilespmem:s22], [sflag:$0x7] =	stream.linear.gather [hbm4b:s26+s4], $0xE700, $0x38;
	[tilespmem:$0x18B00] =	vst v63  }
0x24: {  	_ =	swait.ge [sflag:s10], $0xE700  }
0x25: {  	[sflag:s10] =	ssyncset.done $0x0  }
0x26: {  	[sflag:s10] =	ssyncadd.s32 $0xFFFF1900  }
0x27: {  	v4 =	vld [tilespmem:$0x0];
	_ =	sdelay $0x4  }
0x28: {  	v5 =	vshrl.u32 v4, $0x3  }
0x29: {  	v5 =	vmul.u32 $0x30, v5  }
0x2a: {  	v4 =	vand.u32 $0x7, v4  }
0x2b: {  	v4 =	vor.u32 v4, v5  }
0x2c: {  	v5 =	vperm.xlane v4, v1;
	_ =	sdelay $0x1  }
0x2d: {  	v5 =	vadd.s32 v2, v5;
	_ =	sdelay $0x3  }
0x2e: {  	s3 =	rddreg [dreg:$0x1];
	v4 =	vperm.xlane v4, v3  }
0x2f: {  	[tilespmem:s11], [sflag:$0x1] =	stream.indirect_vreg.gather [hbm4b:s3+s4], $0x80, v5, vm0, $0xb8;
	[tilespmem:$0x18B00] =	vst v63  }
0x30: {  	s10 =	rddreg [dreg:$0x7];
	v4 =	vadd.s32 v2, v4;
	s11 =	simm.s32 $0x10300  }
0x31: {  	[tilespmem:s11], [sflag:$0x1] =	stream.indirect_vreg.gather [hbm4b:s10+s4], $0x80, v5, vm0, $0xb8;
	[tilespmem:$0x18B00] =	vst v63  }
0x32: {  	s16 =	simm.s32 $0x10B00;
	s15 =	rddreg [dreg:$0x8]  }
0x33: {  	[tilespmem:s16], [sflag:$0x1] =	stream.indirect_vreg.gather [hbm4b:s15+s4], $0x80, v5, vm0, $0xb8;
	[tilespmem:$0x18B00] =	vst v63  }
0x34: {  	s12 =	simm.s32 $0x11300  }
0x35: {  	[tilespmem:s12], [sflag:$0x1] =	stream.indirect_vreg.gather [hbm4b:s3+s4], $0x80, v4, vm0, $0xb8;
	[tilespmem:$0x18B00] =	vst v63  }
0x36: {  	s13 =	simm.s32 $0x11B00  }
0x37: {  	[tilespmem:s13], [sflag:$0x1] =	stream.indirect_vreg.gather [hbm4b:s10+s4], $0x80, v4, vm0, $0xb8;
	[tilespmem:$0x18B00] =	vst v63  }
0x38: {  	s18 =	simm.s32 $0x12300  }
0x39: {  	[tilespmem:s18], [sflag:$0x1] =	stream.indirect_vreg.gather [hbm4b:s15+s4], $0x80, v4, vm0, $0xb8;
	[tilespmem:$0x18B00] =	vst v63  }
0x3a: {  	v4 =	vld [tilespmem:$0x10];
	_ =	sdelay $0x4  }
0x3b: {  	v5 =	vshrl.u32 v4, $0x3  }
0x3c: {  	v5 =	vmul.u32 $0x30, v5  }
0x3d: {  	v4 =	vand.u32 $0x7, v4  }
0x3e: {  	v4 =	vor.u32 v4, v5  }
0x3f: {  	v5 =	vperm.xlane v4, v1;
	_ =	sdelay $0x1  }
0x40: {  	v5 =	vadd.s32 v2, v5;
	_ =	sdelay $0x3  }
0x41: {  	s26 =	simm.s32 $0x12B00;
	v4 =	vperm.xlane v4, v3  }
0x42: {  	[tilespmem:s26], [sflag:$0x2] =	stream.indirect_vreg.gather [hbm4b:s3+s4], $0x80, v5, vm0, $0xb8;
	[tilespmem:$0x18B00] =	vst v63  }
0x43: {  	s11 =	simm.s32 $0x13300;
	v4 =	vadd.s32 v2, v4  }
0x44: {  	[tilespmem:s11], [sflag:$0x2] =	stream.indirect_vreg.gather [hbm4b:s10+s4], $0x80, v5, vm0, $0xb8;
	[tilespmem:$0x18B00] =	vst v63  }
0x45: {  	s12 =	simm.s32 $0x13B00  }
0x46: {  	[tilespmem:s12], [sflag:$0x2] =	stream.indirect_vreg.gather [hbm4b:s15+s4], $0x80, v5, vm0, $0xb8;
	[tilespmem:$0x18B00] =	vst v63  }
0x47: {  	s13 =	simm.s32 $0x14300  }
0x48: {  	[tilespmem:s13], [sflag:$0x2] =	stream.indirect_vreg.gather [hbm4b:s3+s4], $0x80, v4, vm0, $0xb8;
	[tilespmem:$0x18B00] =	vst v63  }
0x49: {  	s16 =	simm.s32 $0x14B00;
	s26 =	simm.s32 $0x0  }
0x4a: {  	[tilespmem:s16], [sflag:$0x2] =	stream.indirect_vreg.gather [hbm4b:s10+s4], $0x80, v4, vm0, $0xb8;
	[tilespmem:$0x18B00] =	vst v63  }
0x4b: {  	s18 =	simm.s32 $0x15300;
	[dreg:$0xc] =	wrdreg s26  }
0x4c: {  	[tilespmem:s18], [sflag:$0x2] =	stream.indirect_vreg.gather [hbm4b:s15+s4], $0x80, v4, vm0, $0xb8;
	[tilespmem:$0x18B00] =	vst v63  }
.LBB2_2:
0x4d: {  	s13 =	rddreg [dreg:$0xc]  }
0x4e: {  	s4 =	smul.u32 $0x3, s13;
	_ =	sdelay $0x1  }
0x4f: {  	s3 =	sadd.s32 $0xFFFFFFFF, s4  }
0x50: {  	p1 =	sgt.u32 s3, $0x99  }
0x51: {  	p0 =	seq.s32 s13, $0x33;
	s3 =	simm.s32 @!p1 $0x6  }
0x52: {  	_ =	swait.ge @!p1 [sflag:s3], $0x3000;
	[dreg:$0xf] =	wrdreg s4;
	s4 =	sadd.s32 $0x2, s4  }
0x53: {  	[sflag:s3] =	ssyncset.done @!p1 $0x0;
	[dreg:$0xd] =	wrdreg s4;
	s4 =	sshll.u32 @!p0 s4, $0x4  }
0x54: {  	[sflag:s3] =	ssyncadd.s32 @!p1 $0xFFFFD000;
	s3 =	sand.u32 @!p0 $0x3FFFFFF0, s4  }
0x55: {  	v4 =	vld @!p0 [tilespmem:s3+$0x0];
	_ =	sdelay $0x4  }
0x56: {  	v5 =	vshrl.u32 @!p0 v4, $0x3  }
0x57: {  	v5 =	vmul.u32 @!p0 $0x30, v5  }
0x58: {  	v6 =	vlaneseq.u32 @!p0;
	v4 =	vand.u32 @!p0 $0x7, v4  }
0x59: {  	v7 =	vshrl.u32 @!p0 v6, $0x3;
	v4 =	vor.u32 @!p0 v4, v5;
	v5 =	vand.u32 @!p0 $0x7, v6  }
0x5a: {  	v7 =	vmul.u32 @!p0 $0x8, v7;
	v5 =	vperm.xlane @!p0 v4, v5;
	_ =	sdelay $0x1  }
0x5b: {  	v5 =	vadd.s32 @!p0 v7, v5;
	_ =	sdelay $0x2  }
0x5c: {  	v6 =	vor.u32 @!p0 $0x8, v6  }
0x5d: {  	vm1 =	vmmov @!p0 $0xffff;
	s4 =	simm.s32 @!p0 $0x15B00;
	s3 =	simm.s32 @!p0 $0x0;
	s10 =	rddreg [dreg:$0x1];
	v4 =	vperm.xlane @!p0 v4, v6  }
0x5e: {  	[tilespmem:s4], [sflag:$0x3] =	stream.indirect_vreg.gather @!p0 [hbm4b:s10+s3], $0x80, v5, vm1, $0xb8;
	[tilespmem:$0x18B00] =	vst v63  }
0x5f: {  	s15 =	rddreg [dreg:$0x7];
	v4 =	vadd.s32 @!p0 v7, v4;
	s4 =	simm.s32 @!p0 $0x16300  }
0x60: {  	[tilespmem:s4], [sflag:$0x3] =	stream.indirect_vreg.gather @!p0 [hbm4b:s15+s3], $0x80, v5, vm1, $0xb8;
	[tilespmem:$0x18B00] =	vst v63  }
0x61: {  	s16 =	rddreg [dreg:$0x8];
	s4 =	simm.s32 @!p0 $0x16B00  }
0x62: {  	[tilespmem:s4], [sflag:$0x3] =	stream.indirect_vreg.gather @!p0 [hbm4b:s16+s3], $0x80, v5, vm1, $0xb8;
	[tilespmem:$0x18B00] =	vst v63  }
0x63: {  	s4 =	simm.s32 @!p0 $0x17300  }
0x64: {  	[tilespmem:s4], [sflag:$0x3] =	stream.indirect_vreg.gather @!p0 [hbm4b:s10+s3], $0x80, v4, vm1, $0xb8;
	[tilespmem:$0x18B00] =	vst v63  }
0x65: {  	s4 =	simm.s32 @!p0 $0x17B00  }
0x66: {  	[tilespmem:s4], [sflag:$0x3] =	stream.indirect_vreg.gather @!p0 [hbm4b:s15+s3], $0x80, v4, vm1, $0xb8;
	[tilespmem:$0x18B00] =	vst v63  }
0x67: {  	s10 =	simm.s32 $0x1;
	s4 =	simm.s32 @!p0 $0x18300  }
0x68: {  	[tilespmem:s4], [sflag:$0x3] =	stream.indirect_vreg.gather @!p0 [hbm4b:s16+s3], $0x80, v4, vm1, $0xb8;
	[tilespmem:$0x18B00] =	vst v63  }
0x69: {  	s11 =	smul.u32 $0xC0, s13;
	_ =	swait.ge [sflag:s10], $0x3000  }
0x6a: {  	[sflag:s10] =	ssyncset.done $0x0  }
0x6b: {  	s3 =	sshra.s32 s11, $0x2;
	[sflag:s10] =	ssyncadd.s32 $0xFFFFD000  }
0x6c: {  	v8 =	vld [tilespmem:s3+$0xA00];
	_ =	sdelay $0x2  }
0x6d: {  	s12 =	simm.s32 $0x0  }
0x6e: {  	v4 =	vmov s12  }
0x6f: {  	v4 =	vperm.xlane v8, v4;
	_ =	sdelay $0x1  }
0x70: {  	v4 =	vmul.u32 $0x300, v4;
	_ =	sdelay $0x1  }
0x71: {  	v4 =	vor.u32 v0, v4;
	_ =	sdelay $0x3  }
0x72: {  	[dreg:$0xe] =	wrdreg s3  }
0x73: {  	s13 =	simm.s32 $0x0;
	v5 =	vld.idx.msk [tilespmem:v4+s22+$0x0], $0xffff  }
0x74: {  	s4 =	smul.u32 $0x6000, s13;
	_ =	sdelay $0x1  }
0x75: {  	s4 =	sshra.s32 s4, $0x2;
	s3 =	sand.u32 $0x380, s12  }
0x76: {  	s18 =	sor.u32 s3, s4  }
0x77: {  	[tilespmem:s18+$0xFB00] =	vst.add.f32.msk $0xffff, v5  }
0x78: {  	v5 =	vld.idx.msk [tilespmem:v4+s8+$0x0], $0xffff;
	_ =	sdelay $0x4  }
0x79: {  	[tilespmem:s18+$0xFB10] =	vst.add.f32.msk $0xffff, v5  }
0x7a: {  	v5 =	vld.idx.msk [tilespmem:v4+s9+$0x0], $0xffff;
	_ =	sdelay $0x4  }
0x7b: {  	[tilespmem:s18+$0xFB20] =	vst.add.f32.msk $0xffff, v5  }
0x7c: {  	v5 =	vld.idx.msk [tilespmem:v4+s14+$0x0], $0xffff;
	_ =	sdelay $0x4  }
0x7d: {  	[tilespmem:s18+$0xFB30] =	vst.add.f32.msk $0xffff, v5  }
0x7e: {  	v5 =	vld.idx.msk [tilespmem:v4+s21+$0x0], $0xffff;
	_ =	sdelay $0x4  }
0x7f: {  	[tilespmem:s18+$0xFB40] =	vst.add.f32.msk $0xffff, v5  }
0x80: {  	v5 =	vld.idx.msk [tilespmem:v4+s30+$0x0], $0xffff;
	_ =	sdelay $0x4  }
0x81: {  	[tilespmem:s18+$0xFB50] =	vst.add.f32.msk $0xffff, v5  }
0x82: {  	v5 =	vld.idx.msk [tilespmem:v4+s24+$0x0], $0xffff;
	_ =	sdelay $0x4  }
0x83: {  	[tilespmem:s18+$0xFB60] =	vst.add.f32.msk $0xffff, v5  }
0x84: {  	v5 =	vld.idx.msk [tilespmem:v4+s23+$0x0], $0xffff;
	_ =	sdelay $0x4  }
0x85: {  	s26 =	simm.s32 $0x1480;
	[tilespmem:s18+$0xFB70] =	vst.add.f32.msk $0xffff, v5  }
0x86: {  	v5 =	vld.idx.msk [tilespmem:v4+s26+$0x0], $0xffff;
	_ =	sdelay $0x4  }
0x87: {  	s15 =	simm.s32 $0x1490;
	[tilespmem:s18+$0xFF00] =	vst.add.f32.msk $0xffff, v5  }
0x88: {  	v5 =	vld.idx.msk [tilespmem:v4+s15+$0x0], $0xffff;
	_ =	sdelay $0x4  }
0x89: {  	s16 =	simm.s32 $0x14A0;
	[tilespmem:s18+$0xFF10] =	vst.add.f32.msk $0xffff, v5  }
0x8a: {  	v5 =	vld.idx.msk [tilespmem:v4+s16+$0x0], $0xffff;
	_ =	sdelay $0x4  }
0x8b: {  	s4 =	simm.s32 $0x14B0;
	[tilespmem:s18+$0xFF20] =	vst.add.f32.msk $0xffff, v5  }
0x8c: {  	v5 =	vld.idx.msk [tilespmem:v4+s4+$0x0], $0xffff;
	_ =	sdelay $0x4  }
0x8d: {  	s11 =	simm.s32 $0x14C0;
	s10 =	simm.s32 $0x1;
	[tilespmem:s18+$0xFF30] =	vst.add.f32.msk $0xffff, v5  }
0x8e: {  	v5 =	vmov s10;
	v6 =	vld.idx.msk [tilespmem:v4+s11+$0x0], $0xffff  }
0x8f: {  	v5 =	vperm.xlane v8, v5;
	_ =	sdelay $0x1  }
0x90: {  	v5 =	vmul.u32 $0x300, v5;
	_ =	sdelay $0x1  }
0x91: {  	s10 =	simm.s32 $0x14D0;
	v5 =	vor.u32 v0, v5;
	[tilespmem:s18+$0xFF40] =	vst.add.f32.msk $0xffff, v6  }
0x92: {  	v6 =	vld.idx.msk [tilespmem:v4+s10+$0x0], $0xffff;
	_ =	sdelay $0x3  }
0x93: {  	s13 =	simm.s32 $0x0;
	v7 =	vld.idx.msk [tilespmem:v5+s22+$0x0], $0xffff  }
0x94: {  	s3 =	smul.u32 $0x6000, s13;
	s11 =	simm.s32 $0x14E0;
	[tilespmem:s18+$0xFF50] =	vst.add.f32.msk $0xffff, v6  }
0x95: {  	s16 =	simm.s32 $0x80;
	v6 =	vld.idx.msk [tilespmem:v4+s11+$0x0], $0xffff  }
0x96: {  	s3 =	sshra.s32 s3, $0x2;
	s4 =	sand.u32 $0x380, s16  }
0x97: {  	s16 =	sor.u32 s4, s3  }
0x98: {  	[tilespmem:s16+$0xFB00] =	vst.add.f32.msk $0xffff, v7  }
0x99: {  	v7 =	vld.idx.msk [tilespmem:v5+s8+$0x0], $0xffff  }
0x9a: {  	s13 =	simm.s32 $0x14F0;
	[tilespmem:s18+$0xFF60] =	vst.add.f32.msk $0xffff, v6  }
0x9b: {  	v6 =	vld.idx.msk [tilespmem:v4+s13+$0x0], $0xffff;
	_ =	sdelay $0x2  }
0x9c: {  	[tilespmem:s16+$0xFB10] =	vst.add.f32.msk $0xffff, v7  }
0x9d: {  	v7 =	vld.idx.msk [tilespmem:v5+s9+$0x0], $0xffff  }
0x9e: {  	s4 =	simm.s32 $0x1500;
	[tilespmem:s18+$0xFF70] =	vst.add.f32.msk $0xffff, v6  }
0x9f: {  	v6 =	vld.idx.msk [tilespmem:v4+s4+$0x0], $0xffff;
	_ =	sdelay $0x2  }
0xa0: {  	[tilespmem:s16+$0xFB20] =	vst.add.f32.msk $0xffff, v7  }
0xa1: {  	v7 =	vld.idx.msk [tilespmem:v5+s14+$0x0], $0xffff  }
0xa2: {  	s4 =	simm.s32 $0x1510;
	[tilespmem:s18+$0x10300] =	vst.add.f32.msk $0xffff, v6  }
0xa3: {  	v6 =	vld.idx.msk [tilespmem:v4+s4+$0x0], $0xffff;
	_ =	sdelay $0x2  }
0xa4: {  	s3 =	sadd.s32 $0x10300, s18;
	[tilespmem:s16+$0xFB30] =	vst.add.f32.msk $0xffff, v7  }
0xa5: {  	s4 =	sor.u32 $0x10, s3;
	v7 =	vld.idx.msk [tilespmem:v5+s21+$0x0], $0xffff  }
0xa6: {  	[tilespmem:s4+$0x0] =	vst.add.f32.msk $0xffff, v6;
	s4 =	simm.s32 $0x1520  }
0xa7: {  	v6 =	vld.idx.msk [tilespmem:v4+s4+$0x0], $0xffff;
	_ =	sdelay $0x2  }
0xa8: {  	[tilespmem:s16+$0xFB40] =	vst.add.f32.msk $0xffff, v7  }
0xa9: {  	s4 =	sor.u32 $0x20, s3;
	v7 =	vld.idx.msk [tilespmem:v5+s30+$0x0], $0xffff  }
0xaa: {  	[tilespmem:s4+$0x0] =	vst.add.f32.msk $0xffff, v6;
	s4 =	simm.s32 $0x1530  }
0xab: {  	v6 =	vld.idx.msk [tilespmem:v4+s4+$0x0], $0xffff;
	_ =	sdelay $0x2  }
0xac: {  	[tilespmem:s16+$0xFB50] =	vst.add.f32.msk $0xffff, v7  }
0xad: {  	s4 =	sor.u32 $0x30, s3;
	v7 =	vld.idx.msk [tilespmem:v5+s24+$0x0], $0xffff  }
0xae: {  	[tilespmem:s4+$0x0] =	vst.add.f32.msk $0xffff, v6  }
0xaf: {  	v6 =	vld.idx.msk [tilespmem:v4+s25+$0x0], $0xffff;
	_ =	sdelay $0x2  }
0xb0: {  	[tilespmem:s16+$0xFB60] =	vst.add.f32.msk $0xffff, v7  }
0xb1: {  	s4 =	sor.u32 $0x40, s3;
	v7 =	vld.idx.msk [tilespmem:v5+s23+$0x0], $0xffff  }
0xb2: {  	[tilespmem:s4+$0x0] =	vst.add.f32.msk $0xffff, v6  }
0xb3: {  	v6 =	vld.idx.msk [tilespmem:v4+s19+$0x0], $0xffff;
	_ =	sdelay $0x2  }
0xb4: {  	[tilespmem:s16+$0xFB70] =	vst.add.f32.msk $0xffff, v7  }
0xb5: {  	s4 =	sor.u32 $0x50, s3;
	v7 =	vld.idx.msk [tilespmem:v5+s26+$0x0], $0xffff  }
0xb6: {  	[tilespmem:s4+$0x0] =	vst.add.f32.msk $0xffff, v6  }
0xb7: {  	v6 =	vld.idx.msk [tilespmem:v4+s2+$0x0], $0xffff;
	_ =	sdelay $0x2  }
0xb8: {  	s12 =	simm.s32 $0x1490;
	[tilespmem:s16+$0xFF00] =	vst.add.f32.msk $0xffff, v7  }
0xb9: {  	v7 =	vld.idx.msk [tilespmem:v5+s12+$0x0], $0xffff;
	s12 =	sor.u32 $0x60, s3  }
0xba: {  	[tilespmem:s12+$0x0] =	vst.add.f32.msk $0xffff, v6  }
0xbb: {  	v6 =	vld.idx.msk [tilespmem:v4+s28+$0x0], $0xffff;
	_ =	sdelay $0x2  }
0xbc: {  	s15 =	simm.s32 $0x14A0;
	[tilespmem:s16+$0xFF10] =	vst.add.f32.msk $0xffff, v7  }
0xbd: {  	s3 =	sor.u32 $0x70, s3;
	v7 =	vld.idx.msk [tilespmem:v5+s15+$0x0], $0xffff  }
0xbe: {  	[tilespmem:s3+$0x0] =	vst.add.f32.msk $0xffff, v6  }
0xbf: {  	v6 =	vld.idx.msk [tilespmem:v4+s0+$0x0], $0xffff;
	_ =	sdelay $0x2  }
0xc0: {  	s15 =	simm.s32 $0x14B0;
	[tilespmem:s16+$0xFF20] =	vst.add.f32.msk $0xffff, v7  }
0xc1: {  	v7 =	vld.idx.msk [tilespmem:v5+s15+$0x0], $0xffff  }
0xc2: {  	[tilespmem:s18+$0x10700] =	vst.add.f32.msk $0xffff, v6  }
0xc3: {  	v6 =	vld.idx.msk [tilespmem:v4+s1+$0x0], $0xffff;
	_ =	sdelay $0x1  }
0xc4: {  	s1 =	simm.s32 $0x2  }
0xc5: {  	s4 =	sadd.s32 $0x10700, s18;
	s12 =	simm.s32 $0x14C0;
	[tilespmem:s16+$0xFF30] =	vst.add.f32.msk $0xffff, v7;
	v7 =	vmov s1  }
0xc6: {  	s15 =	sor.u32 $0x10, s4;
	v9 =	vld.idx.msk [tilespmem:v5+s12+$0x0], $0xffff;
	v7 =	vperm.xlane v8, v7  }
0xc7: {  	[tilespmem:s15+$0x0] =	vst.add.f32.msk $0xffff, v6  }
0xc8: {  	v6 =	vmul.u32 $0x300, v7;
	v10 =	vld.idx.msk [tilespmem:v4+s17+$0x0], $0xffff;
	_ =	sdelay $0x1  }
0xc9: {  	v6 =	vor.u32 v0, v6  }
0xca: {  	[tilespmem:s16+$0xFF40] =	vst.add.f32.msk $0xffff, v9  }
0xcb: {  	s17 =	sor.u32 $0x20, s4;
	v7 =	vld.idx.msk [tilespmem:v5+s10+$0x0], $0xffff  }
0xcc: {  	[tilespmem:s17+$0x0] =	vst.add.f32.msk $0xffff, v10  }
0xcd: {  	v9 =	vld.idx.msk [tilespmem:v4+s20+$0x0], $0xffff  }
0xce: {  	s0 =	simm.s32 $0x0;
	v10 =	vld.idx.msk [tilespmem:v6+s22+$0x0], $0xffff  }
0xcf: {  	s3 =	smul.u32 $0x6000, s0  }
0xd0: {  	s1 =	simm.s32 $0x100;
	[tilespmem:s16+$0xFF50] =	vst.add.f32.msk $0xffff, v7  }
0xd1: {  	s3 =	sshra.s32 s3, $0x2;
	s12 =	sor.u32 $0x30, s4;
	s10 =	sand.u32 $0x380, s1;
	v7 =	vld.idx.msk [tilespmem:v5+s11+$0x0], $0xffff  }
0xd2: {  	s17 =	sor.u32 s10, s3;
	[tilespmem:s12+$0x0] =	vst.add.f32.msk $0xffff, v9  }
0xd3: {  	[tilespmem:s17+$0xFB00] =	vst.add.f32.msk $0xffff, v10  }
0xd4: {  	v9 =	vld.idx.msk [tilespmem:v4+s29+$0x0], $0xffff  }
0xd5: {  	v10 =	vld.idx.msk [tilespmem:v6+s8+$0x0], $0xffff;
	_ =	sdelay $0x1  }
0xd6: {  	[tilespmem:s16+$0xFF60] =	vst.add.f32.msk $0xffff, v7  }
0xd7: {  	s15 =	sor.u32 $0x40, s4;
	v7 =	vld.idx.msk [tilespmem:v5+s13+$0x0], $0xffff  }
0xd8: {  	[tilespmem:s15+$0x0] =	vst.add.f32.msk $0xffff, v9  }
0xd9: {  	[tilespmem:s17+$0xFB10] =	vst.add.f32.msk $0xffff, v10  }
0xda: {  	v9 =	vld.idx.msk [tilespmem:v4+s7+$0x0], $0xffff  }
0xdb: {  	v10 =	vld.idx.msk [tilespmem:v6+s9+$0x0], $0xffff;
	_ =	sdelay $0x1  }
0xdc: {  	s20 =	simm.s32 $0x1500;
	[tilespmem:s16+$0xFF70] =	vst.add.f32.msk $0xffff, v7  }
0xdd: {  	s1 =	sor.u32 $0x50, s4;
	v7 =	vld.idx.msk [tilespmem:v5+s20+$0x0], $0xffff  }
0xde: {  	[tilespmem:s1+$0x0] =	vst.add.f32.msk $0xffff, v9  }
0xdf: {  	[tilespmem:s17+$0xFB20] =	vst.add.f32.msk $0xffff, v10  }
0xe0: {  	v9 =	vld.idx.msk [tilespmem:v4+s6+$0x0], $0xffff  }
0xe1: {  	v10 =	vld.idx.msk [tilespmem:v6+s14+$0x0], $0xffff;
	_ =	sdelay $0x1  }
0xe2: {  	s3 =	simm.s32 $0x1510;
	[tilespmem:s16+$0x10300] =	vst.add.f32.msk $0xffff, v7  }
0xe3: {  	s6 =	sor.u32 $0x60, s4;
	v7 =	vld.idx.msk [tilespmem:v5+s3+$0x0], $0xffff  }
0xe4: {  	[tilespmem:s6+$0x0] =	vst.add.f32.msk $0xffff, v9  }
0xe5: {  	[tilespmem:s17+$0xFB30] =	vst.add.f32.msk $0xffff, v10  }
0xe6: {  	v9 =	vld.idx.msk [tilespmem:v4+s5+$0x0], $0xffff  }
0xe7: {  	s3 =	sadd.s32 $0x10300, s16;
	v10 =	vld.idx.msk [tilespmem:v6+s21+$0x0], $0xffff  }
0xe8: {  	s7 =	sor.u32 $0x10, s3  }
0xe9: {  	s11 =	simm.s32 $0x1520;
	[tilespmem:s7+$0x0] =	vst.add.f32.msk $0xffff, v7  }
0xea: {  	s4 =	sor.u32 $0x70, s4;
	v7 =	vld.idx.msk [tilespmem:v5+s11+$0x0], $0xffff  }
0xeb: {  	[tilespmem:s4+$0x0] =	vst.add.f32.msk $0xffff, v9  }
0xec: {  	s12 =	simm.s32 $0x1600;
	[tilespmem:s17+$0xFB40] =	vst.add.f32.msk $0xffff, v10  }
0xed: {  	v9 =	vld.idx.msk [tilespmem:v4+s12+$0x0], $0xffff  }
0xee: {  	v10 =	vld.idx.msk [tilespmem:v6+s30+$0x0], $0xffff  }
0xef: {  	s13 =	sor.u32 $0x20, s3  }
0xf0: {  	s15 =	simm.s32 $0x1530;
	[tilespmem:s13+$0x0] =	vst.add.f32.msk $0xffff, v7  }
0xf1: {  	v7 =	vld.idx.msk [tilespmem:v5+s15+$0x0], $0xffff  }
0xf2: {  	[tilespmem:s18+$0x10B00] =	vst.add.f32.msk $0xffff, v9  }
0xf3: {  	s20 =	simm.s32 $0x1610;
	[tilespmem:s17+$0xFB50] =	vst.add.f32.msk $0xffff, v10  }
0xf4: {  	v9 =	vld.idx.msk [tilespmem:v4+s20+$0x0], $0xffff  }
0xf5: {  	v10 =	vld.idx.msk [tilespmem:v6+s24+$0x0], $0xffff  }
0xf6: {  	s1 =	sor.u32 $0x30, s3  }
0xf7: {  	s4 =	sadd.s32 $0x10B00, s18;
	[tilespmem:s1+$0x0] =	vst.add.f32.msk $0xffff, v7  }
0xf8: {  	s5 =	sor.u32 $0x10, s4;
	v11 =	vld.idx.msk [tilespmem:v5+s25+$0x0], $0xffff  }
0xf9: {  	s0 =	simm.s32 $0x3;
	[tilespmem:s5+$0x0] =	vst.add.f32.msk $0xffff, v9  }
0xfa: {  	s6 =	simm.s32 $0x1620;
	v7 =	vmov s0;
	[tilespmem:s17+$0xFB60] =	vst.add.f32.msk $0xffff, v10  }
0xfb: {  	v7 =	vperm.xlane v8, v7;
	v9 =	vld.idx.msk [tilespmem:v4+s6+$0x0], $0xffff  }
0xfc: {  	v10 =	vld.idx.msk [tilespmem:v6+s23+$0x0], $0xffff  }
0xfd: {  	s7 =	sor.u32 $0x40, s3;
	v7 =	vmul.u32 $0x300, v7  }
0xfe: {  	[tilespmem:s7+$0x0] =	vst.add.f32.msk $0xffff, v11  }
0xff: {  	s11 =	sor.u32 $0x20, s4;
	v7 =	vor.u32 v0, v7;
	v11 =	vld.idx.msk [tilespmem:v5+s19+$0x0], $0xffff  }
0x100: {  	[tilespmem:s11+$0x0] =	vst.add.f32.msk $0xffff, v9  }
0x101: {  	[tilespmem:s17+$0xFB70] =	vst.add.f32.msk $0xffff, v10  }
0x102: {  	s26 =	simm.s32 $0x1480;
	v9 =	vld.idx.msk [tilespmem:v4+s31+$0x0], $0xffff  }
0x103: {  	v10 =	vld.idx.msk [tilespmem:v6+s26+$0x0], $0xffff  }
0x104: {  	s13 =	sor.u32 $0x50, s3;
	v12 =	vld.idx.msk [tilespmem:v7+s22+$0x0], $0xffff  }
0x105: {  	s12 =	simm.s32 $0x0;
	[tilespmem:s13+$0x0] =	vst.add.f32.msk $0xffff, v11  }
0x106: {  	s10 =	smul.u32 $0x6000, s12;
	s19 =	sor.u32 $0x30, s4;
	v11 =	vld.idx.msk [tilespmem:v5+s2+$0x0], $0xffff  }
0x107: {  	s20 =	simm.s32 $0x180;
	[tilespmem:s19+$0x0] =	vst.add.f32.msk $0xffff, v9  }
0x108: {  	s10 =	sshra.s32 s10, $0x2;
	s23 =	simm.s32 $0x1640;
	s22 =	sand.u32 $0x380, s20;
	[tilespmem:s17+$0xFF00] =	vst.add.f32.msk $0xffff, v10  }
0x109: {  	s19 =	sor.u32 s22, s10;
	v9 =	vld.idx.msk [tilespmem:v4+s23+$0x0], $0xffff  }
0x10a: {  	[tilespmem:s19+$0xFB00] =	vst.add.f32.msk $0xffff, v12;
	s23 =	simm.s32 $0x1490  }
0x10b: {  	v10 =	vld.idx.msk [tilespmem:v6+s23+$0x0], $0xffff  }
0x10c: {  	s15 =	sor.u32 $0x60, s3;
	v12 =	vld.idx.msk [tilespmem:v7+s8+$0x0], $0xffff  }
0x10d: {  	s13 =	simm.s32 $0x1570;
	[tilespmem:s15+$0x0] =	vst.add.f32.msk $0xffff, v11  }
0x10e: {  	s23 =	sor.u32 $0x40, s4;
	v11 =	vld.idx.msk [tilespmem:v5+s13+$0x0], $0xffff  }
0x10f: {  	s25 =	simm.s32 $0x1650;
	[tilespmem:s23+$0x0] =	vst.add.f32.msk $0xffff, v9  }
0x110: {  	v9 =	vld.idx.msk [tilespmem:v4+s25+$0x0], $0xffff  }
0x111: {  	[tilespmem:s17+$0xFF10] =	vst.add.f32.msk $0xffff, v10  }
0x112: {  	s25 =	simm.s32 $0x14A0;
	[tilespmem:s19+$0xFB10] =	vst.add.f32.msk $0xffff, v12  }
0x113: {  	v10 =	vld.idx.msk [tilespmem:v6+s25+$0x0], $0xffff  }
0x114: {  	s3 =	sor.u32 $0x70, s3;
	v13 =	vld.idx.msk [tilespmem:v7+s9+$0x0], $0xffff  }
0x115: {  	s1 =	simm.s32 $0x1580;
	[tilespmem:s3+$0x0] =	vst.add.f32.msk $0xffff, v11  }
0x116: {  	s10 =	sor.u32 $0x50, s4;
	v11 =	vld.idx.msk [tilespmem:v5+s1+$0x0], $0xffff  }
0x117: {  	s26 =	simm.s32 $0x1660;
	[tilespmem:s10+$0x0] =	vst.add.f32.msk $0xffff, v9  }
0x118: {  	v9 =	vld.idx.msk [tilespmem:v4+s26+$0x0], $0xffff  }
0x119: {  	s28 =	simm.s32 $0x16E0;
	s15 =	simm.s32 $0x14B0;
	[tilespmem:s17+$0xFF20] =	vst.add.f32.msk $0xffff, v10  }
0x11a: {  	s29 =	simm.s32 $0x1670;
	s30 =	simm.s32 $0x1560;
	s12 =	simm.s32 $0x16D0;
	v12 =	vld.idx.msk [tilespmem:v6+s15+$0x0], $0xffff  }
0x11b: {  	s24 =	simm.s32 $0x1590;
	s0 =	simm.s32 $0x16F0;
	s5 =	simm.s32 $0x1550;
	[tilespmem:s16+$0x10700] =	vst.add.f32.msk $0xffff, v11  }
0x11c: {  	s6 =	simm.s32 $0x1690;
	s7 =	simm.s32 $0x16A0;
	s26 =	sor.u32 $0x60, s4;
	v11 =	vld.idx.msk [tilespmem:v5+s24+$0x0], $0xffff  }
0x11d: {  	s11 =	simm.s32 $0x16B0;
	s31 =	simm.s32 $0x1570;
	s2 =	simm.s32 $0x16C0;
	[tilespmem:s26+$0x0] =	vst.add.f32.msk $0xffff, v9  }
0x11e: {  	s22 =	simm.s32 $0x1640;
	s8 =	simm.s32 $0x14C0;
	s13 =	simm.s32 $0x1580;
	v10 =	vld.idx.msk [tilespmem:v4+s29+$0x0], $0xffff  }
0x11f: {  	s23 =	simm.s32 $0x1650;
	s25 =	simm.s32 $0x1660;
	s15 =	sadd.s32 $0x10700, s16;
	[tilespmem:s17+$0xFF30] =	vst.add.f32.msk $0xffff, v12  }
0x120: {  	s3 =	simm.s32 $0x4;
	s1 =	simm.s32 $0x1590;
	s9 =	sor.u32 $0x10, s15;
	v12 =	vld.idx.msk [tilespmem:v6+s8+$0x0], $0xffff  }
0x121: {  	s10 =	simm.s32 $0x15A0;
	s4 =	sor.u32 $0x70, s4;
	s24 =	simm.s32 $0x15A0;
	[tilespmem:s9+$0x0] =	vst.add.f32.msk $0xffff, v11  }
0x122: {  	s26 =	simm.s32 $0x1670;
	v9 =	vmov v6;
	s29 =	simm.s32 $0x14C0;
	s8 =	simm.s32 $0x1410;
	v11 =	vld.idx.msk [tilespmem:v5+s10+$0x0], $0xffff  }
.LBB2_3:
0x123: {  	p1 =	sne.s32 s3, $0xF;
	[tilespmem:s4+$0x0] =	vst.add.f32.msk $0xffff, v10;
	s4 =	simm.s32 $0x1680  }
0x124: {  	v10 =	vld.idx.msk [tilespmem:v4+s4+$0x0], $0xffff  }
0x125: {  	[tilespmem:s19+$0xFB20] =	vst.add.f32.msk $0xffff, v13  }
0x126: {  	s4 =	simm.s32 $0x14D0;
	[tilespmem:s17+$0xFF40] =	vst.add.f32.msk $0xffff, v12  }
0x127: {  	v12 =	vld.idx.msk [tilespmem:v6+s4+$0x0], $0xffff;
	s4 =	sor.u32 $0x20, s15  }
0x128: {  	[tilespmem:s4+$0x0] =	vst.add.f32.msk $0xffff, v11;
	s4 =	simm.s32 $0x15B0  }
0x129: {  	v11 =	vld.idx.msk [tilespmem:v5+s4+$0x0], $0xffff  }
0x12a: {  	[tilespmem:s18+$0x10F00] =	vst.add.f32.msk $0xffff, v10  }
0x12b: {  	v10 =	vld.idx.msk [tilespmem:v4+s6+$0x0], $0xffff  }
0x12c: {  	v13 =	vld.idx.msk [tilespmem:v7+s14+$0x0], $0xffff  }
0x12d: {  	s4 =	simm.s32 $0x14E0;
	[tilespmem:s17+$0xFF50] =	vst.add.f32.msk $0xffff, v12  }
0x12e: {  	s10 =	sadd.s32 $0x10F00, s18;
	v12 =	vld.idx.msk [tilespmem:v6+s4+$0x0], $0xffff;
	s4 =	sor.u32 $0x30, s15  }
0x12f: {  	s18 =	smov.u32 s16;
	s16 =	smov.u32 s17;
	[tilespmem:s4+$0x0] =	vst.add.f32.msk $0xffff, v11;
	s4 =	simm.s32 $0x15C0  }
0x130: {  	s17 =	smov.u32 s19;
	v11 =	vld.idx.msk [tilespmem:v5+s4+$0x0], $0xffff;
	s4 =	sor.u32 $0x10, s10  }
0x131: {  	[tilespmem:s4+$0x0] =	vst.add.f32.msk $0xffff, v10  }
0x132: {  	v10 =	vld.idx.msk [tilespmem:v4+s7+$0x0], $0xffff  }
0x133: {  	[tilespmem:s17+$0xFB30] =	vst.add.f32.msk $0xffff, v13  }
0x134: {  	s4 =	simm.s32 $0x14F0;
	[tilespmem:s16+$0xFF60] =	vst.add.f32.msk $0xffff, v12  }
0x135: {  	v12 =	vld.idx.msk [tilespmem:v6+s4+$0x0], $0xffff;
	s4 =	sor.u32 $0x40, s15  }
0x136: {  	[tilespmem:s4+$0x0] =	vst.add.f32.msk $0xffff, v11;
	s4 =	simm.s32 $0x15D0  }
0x137: {  	v11 =	vld.idx.msk [tilespmem:v5+s4+$0x0], $0xffff;
	s4 =	sor.u32 $0x20, s10  }
0x138: {  	[tilespmem:s4+$0x0] =	vst.add.f32.msk $0xffff, v10  }
0x139: {  	v10 =	vld.idx.msk [tilespmem:v4+s11+$0x0], $0xffff  }
0x13a: {  	v13 =	vld.idx.msk [tilespmem:v7+s21+$0x0], $0xffff  }
0x13b: {  	s4 =	simm.s32 $0x1500;
	[tilespmem:s16+$0xFF70] =	vst.add.f32.msk $0xffff, v12  }
0x13c: {  	v12 =	vld.idx.msk [tilespmem:v6+s4+$0x0], $0xffff;
	s4 =	sor.u32 $0x50, s15  }
0x13d: {  	[tilespmem:s4+$0x0] =	vst.add.f32.msk $0xffff, v11;
	s4 =	simm.s32 $0x15E0  }
0x13e: {  	v11 =	vld.idx.msk [tilespmem:v5+s4+$0x0], $0xffff;
	s4 =	sor.u32 $0x30, s10  }
0x13f: {  	[tilespmem:s4+$0x0] =	vst.add.f32.msk $0xffff, v10  }
0x140: {  	v10 =	vld.idx.msk [tilespmem:v4+s2+$0x0], $0xffff  }
0x141: {  	[tilespmem:s17+$0xFB40] =	vst.add.f32.msk $0xffff, v13  }
0x142: {  	s4 =	simm.s32 $0x1510;
	[tilespmem:s16+$0x10300] =	vst.add.f32.msk $0xffff, v12  }
0x143: {  	v12 =	vld.idx.msk [tilespmem:v6+s4+$0x0], $0xffff;
	s4 =	sor.u32 $0x60, s15  }
0x144: {  	[tilespmem:s4+$0x0] =	vst.add.f32.msk $0xffff, v11;
	s4 =	simm.s32 $0x15F0  }
0x145: {  	v11 =	vld.idx.msk [tilespmem:v5+s4+$0x0], $0xffff;
	s4 =	sor.u32 $0x40, s10  }
0x146: {  	[tilespmem:s4+$0x0] =	vst.add.f32.msk $0xffff, v10  }
0x147: {  	s21 =	sadd.s32 $0x10300, s16;
	s4 =	simm.s32 $0x1450;
	v10 =	vld.idx.msk [tilespmem:v4+s12+$0x0], $0xffff  }
0x148: {  	v13 =	vld.idx.msk [tilespmem:v7+s4+$0x0], $0xffff;
	s4 =	sor.u32 $0x10, s21  }
0x149: {  	[tilespmem:s4+$0x0] =	vst.add.f32.msk $0xffff, v12;
	s4 =	simm.s32 $0x1520  }
0x14a: {  	v12 =	vld.idx.msk [tilespmem:v6+s4+$0x0], $0xffff;
	s4 =	sor.u32 $0x70, s15  }
0x14b: {  	[tilespmem:s4+$0x0] =	vst.add.f32.msk $0xffff, v11;
	s4 =	simm.s32 $0x1600  }
0x14c: {  	v11 =	vld.idx.msk [tilespmem:v5+s4+$0x0], $0xffff;
	s4 =	sor.u32 $0x50, s10  }
0x14d: {  	[tilespmem:s4+$0x0] =	vst.add.f32.msk $0xffff, v10  }
0x14e: {  	v10 =	vld.idx.msk [tilespmem:v4+s28+$0x0], $0xffff  }
0x14f: {  	s4 =	sor.u32 $0x20, s21;
	[tilespmem:s17+$0xFB50] =	vst.add.f32.msk $0xffff, v13  }
0x150: {  	[tilespmem:s4+$0x0] =	vst.add.f32.msk $0xffff, v12;
	s4 =	simm.s32 $0x1530  }
0x151: {  	v12 =	vld.idx.msk [tilespmem:v6+s4+$0x0], $0xffff  }
0x152: {  	s4 =	simm.s32 $0x1610;
	[tilespmem:s18+$0x10B00] =	vst.add.f32.msk $0xffff, v11  }
0x153: {  	v11 =	vld.idx.msk [tilespmem:v5+s4+$0x0], $0xffff;
	s4 =	sor.u32 $0x60, s10  }
0x154: {  	[tilespmem:s4+$0x0] =	vst.add.f32.msk $0xffff, v10  }
0x155: {  	s4 =	simm.s32 $0x1460;
	v10 =	vld.idx.msk [tilespmem:v4+s0+$0x0], $0xffff;
	v4 =	vmov v5;
	v5 =	vmov v6;
	v6 =	vmov v7  }
0x156: {  	v13 =	vld.idx.msk [tilespmem:v7+s4+$0x0], $0xffff;
	s4 =	sor.u32 $0x30, s21  }
0x157: {  	s9 =	simm.s32 $0x1540;
	[tilespmem:s4+$0x0] =	vst.add.f32.msk $0xffff, v12;
	s4 =	sadd.s32 $0x10B00, s18  }
0x158: {  	v12 =	vmov s3;
	v14 =	vld.idx.msk [tilespmem:v9+s9+$0x0], $0xffff;
	s15 =	sor.u32 $0x10, s4;
	v9 =	vmov v7  }
0x159: {  	v7 =	vperm.xlane v8, v12;
	s9 =	simm.s32 $0x1620;
	[tilespmem:s15+$0x0] =	vst.add.f32.msk $0xffff, v11  }
0x15a: {  	s10 =	sor.u32 $0x70, s10;
	v11 =	vld.idx.msk [tilespmem:v4+s9+$0x0], $0xffff  }
0x15b: {  	v7 =	vmul.u32 $0x300, v7;
	[tilespmem:s10+$0x0] =	vst.add.f32.msk $0xffff, v10  }
0x15c: {  	s9 =	simm.s32 $0x1470;
	[tilespmem:s17+$0xFB60] =	vst.add.f32.msk $0xffff, v13  }
0x15d: {  	s10 =	sor.u32 $0x40, s21;
	v7 =	vor.u32 v0, v7;
	v10 =	vld.idx.msk [tilespmem:v6+s9+$0x0], $0xffff  }
0x15e: {  	[tilespmem:s10+$0x0] =	vst.add.f32.msk $0xffff, v14  }
0x15f: {  	s10 =	sor.u32 $0x20, s4;
	v12 =	vld.idx.msk [tilespmem:v5+s5+$0x0], $0xffff  }
0x160: {  	s9 =	simm.s32 $0x1630;
	[tilespmem:s10+$0x0] =	vst.add.f32.msk $0xffff, v11  }
0x161: {  	v11 =	vld.idx.msk [tilespmem:v4+s9+$0x0], $0xffff;
	s9 =	simm.s32 $0x1400  }
0x162: {  	v13 =	vld.idx.msk [tilespmem:v7+s9+$0x0], $0xffff  }
0x163: {  	s9 =	simm.s32 $0x1480;
	[tilespmem:s17+$0xFB70] =	vst.add.f32.msk $0xffff, v10  }
0x164: {  	s15 =	sor.u32 $0x50, s21;
	s10 =	sshrl.u32 s3, $0x3;
	v10 =	vld.idx.msk [tilespmem:v6+s9+$0x0], $0xffff  }
0x165: {  	s10 =	smul.u32 $0x6000, s10;
	[tilespmem:s15+$0x0] =	vst.add.f32.msk $0xffff, v12  }
0x166: {  	s20 =	sadd.s32 $0x80, s20;
	s15 =	sor.u32 $0x30, s4;
	v12 =	vld.idx.msk [tilespmem:v5+s30+$0x0], $0xffff  }
0x167: {  	s19 =	sand.u32 $0x380, s20;
	s10 =	sshra.s32 s10, $0x2;
	[tilespmem:s15+$0x0] =	vst.add.f32.msk $0xffff, v11  }
0x168: {  	s19 =	sor.u32 s19, s10;
	v11 =	vld.idx.msk [tilespmem:v4+s22+$0x0], $0xffff  }
0x169: {  	[tilespmem:s19+$0xFB00] =	vst.add.f32.msk $0xffff, v13  }
0x16a: {  	s9 =	simm.s32 $0x1490;
	[tilespmem:s17+$0xFF00] =	vst.add.f32.msk $0xffff, v10  }
0x16b: {  	s10 =	sor.u32 $0x60, s21;
	v10 =	vld.idx.msk [tilespmem:v6+s9+$0x0], $0xffff  }
0x16c: {  	[tilespmem:s10+$0x0] =	vst.add.f32.msk $0xffff, v12  }
0x16d: {  	s10 =	sor.u32 $0x40, s4;
	v12 =	vld.idx.msk [tilespmem:v5+s31+$0x0], $0xffff  }
0x16e: {  	[tilespmem:s10+$0x0] =	vst.add.f32.msk $0xffff, v11  }
0x16f: {  	v11 =	vld.idx.msk [tilespmem:v4+s23+$0x0], $0xffff  }
0x170: {  	v13 =	vld.idx.msk [tilespmem:v7+s8+$0x0], $0xffff  }
0x171: {  	s14 =	simm.s32 $0x1430;
	s9 =	simm.s32 $0x14A0;
	[tilespmem:s17+$0xFF10] =	vst.add.f32.msk $0xffff, v10  }
0x172: {  	s10 =	sor.u32 $0x70, s21;
	s21 =	simm.s32 $0x1440;
	v10 =	vld.idx.msk [tilespmem:v6+s9+$0x0], $0xffff;
	s9 =	simm.s32 $0x1420  }
0x173: {  	[tilespmem:s10+$0x0] =	vst.add.f32.msk $0xffff, v12  }
0x174: {  	s10 =	sor.u32 $0x50, s4;
	v12 =	vld.idx.msk [tilespmem:v5+s13+$0x0], $0xffff  }
0x175: {  	[tilespmem:s10+$0x0] =	vst.add.f32.msk $0xffff, v11  }
0x176: {  	v11 =	vld.idx.msk [tilespmem:v4+s25+$0x0], $0xffff  }
0x177: {  	[tilespmem:s19+$0xFB10] =	vst.add.f32.msk $0xffff, v13  }
0x178: {  	s10 =	simm.s32 $0x14B0;
	[tilespmem:s17+$0xFF20] =	vst.add.f32.msk $0xffff, v10  }
0x179: {  	v14 =	vld.idx.msk [tilespmem:v6+s10+$0x0], $0xffff  }
0x17a: {  	[tilespmem:s16+$0x10700] =	vst.add.f32.msk $0xffff, v12  }
0x17b: {  	s10 =	sor.u32 $0x60, s4;
	v15 =	vld.idx.msk [tilespmem:v5+s1+$0x0], $0xffff  }
0x17c: {  	[tilespmem:s10+$0x0] =	vst.add.f32.msk $0xffff, v11  }
0x17d: {  	v10 =	vld.idx.msk [tilespmem:v4+s26+$0x0], $0xffff  }
.Ltmp2:
0x17e: {  	v13 =	vld.idx.msk [tilespmem:v7+s9+$0x0], $0xffff;
	(pc) =	sbr.rel @p1 .LBB2_3-.Ltmp2, $4  }
0x17f: {  	s15 =	sadd.s32 $0x10700, s16;
	[tilespmem:s17+$0xFF30] =	vst.add.f32.msk $0xffff, v14  }
0x180: {  	s10 =	sor.u32 $0x10, s15;
	v12 =	vld.idx.msk [tilespmem:v6+s29+$0x0], $0xffff  }
0x181: {  	[tilespmem:s10+$0x0] =	vst.add.f32.msk $0xffff, v15  }
0x182: {  	s3 =	sadd.s32 $0x1, s3;
	s4 =	sor.u32 $0x70, s4;
	v11 =	vld.idx.msk [tilespmem:v5+s24+$0x0], $0xffff  }
0x183: {  	_ =	sdelay $0x2  }
0x184: {  	[tilespmem:s19+$0xFB20] =	vst.add.f32.msk $0xffff, v13  }
0x185: {  	v8 =	vld.idx.msk [tilespmem:v7+s14+$0x0], $0xffff;
	_ =	sdelay $0x4  }
0x186: {  	[tilespmem:s19+$0xFB30] =	vst.add.f32.msk $0xffff, v8  }
0x187: {  	v8 =	vld.idx.msk [tilespmem:v7+s21+$0x0], $0xffff;
	_ =	sdelay $0x4  }
0x188: {  	s0 =	simm.s32 $0x1450;
	[tilespmem:s19+$0xFB40] =	vst.add.f32.msk $0xffff, v8  }
0x189: {  	v8 =	vld.idx.msk [tilespmem:v7+s0+$0x0], $0xffff;
	_ =	sdelay $0x4  }
0x18a: {  	s22 =	simm.s32 $0x1460;
	[tilespmem:s19+$0xFB50] =	vst.add.f32.msk $0xffff, v8  }
0x18b: {  	v8 =	vld.idx.msk [tilespmem:v7+s22+$0x0], $0xffff;
	_ =	sdelay $0x4  }
0x18c: {  	s23 =	simm.s32 $0x1470;
	[tilespmem:s19+$0xFB60] =	vst.add.f32.msk $0xffff, v8  }
0x18d: {  	v8 =	vld.idx.msk [tilespmem:v7+s23+$0x0], $0xffff;
	_ =	sdelay $0x4  }
0x18e: {  	s24 =	simm.s32 $0x1480;
	[tilespmem:s19+$0xFB70] =	vst.add.f32.msk $0xffff, v8  }
0x18f: {  	v8 =	vld.idx.msk [tilespmem:v7+s24+$0x0], $0xffff;
	_ =	sdelay $0x4  }
0x190: {  	s25 =	simm.s32 $0x1490;
	[tilespmem:s19+$0xFF00] =	vst.add.f32.msk $0xffff, v8  }
0x191: {  	v8 =	vld.idx.msk [tilespmem:v7+s25+$0x0], $0xffff;
	_ =	sdelay $0x4  }
0x192: {  	s26 =	simm.s32 $0x14A0;
	[tilespmem:s19+$0xFF10] =	vst.add.f32.msk $0xffff, v8  }
0x193: {  	v8 =	vld.idx.msk [tilespmem:v7+s26+$0x0], $0xffff;
	_ =	sdelay $0x4  }
0x194: {  	s1 =	simm.s32 $0x14B0;
	[tilespmem:s19+$0xFF20] =	vst.add.f32.msk $0xffff, v8  }
0x195: {  	v8 =	vld.idx.msk [tilespmem:v7+s1+$0x0], $0xffff;
	_ =	sdelay $0x4  }
0x196: {  	[tilespmem:s19+$0xFF30] =	vst.add.f32.msk $0xffff, v8  }
0x197: {  	v8 =	vld.idx.msk [tilespmem:v7+s29+$0x0], $0xffff  }
0x198: {  	s3 =	simm.s32 $0x14D0;
	[tilespmem:s17+$0xFF40] =	vst.add.f32.msk $0xffff, v12  }
0x199: {  	v12 =	vld.idx.msk [tilespmem:v6+s3+$0x0], $0xffff;
	_ =	sdelay $0x2  }
0x19a: {  	[tilespmem:s19+$0xFF40] =	vst.add.f32.msk $0xffff, v8  }
0x19b: {  	v8 =	vld.idx.msk [tilespmem:v7+s3+$0x0], $0xffff  }
0x19c: {  	s2 =	simm.s32 $0x14E0;
	[tilespmem:s17+$0xFF50] =	vst.add.f32.msk $0xffff, v12  }
0x19d: {  	v12 =	vld.idx.msk [tilespmem:v6+s2+$0x0], $0xffff;
	_ =	sdelay $0x2  }
0x19e: {  	[tilespmem:s19+$0xFF50] =	vst.add.f32.msk $0xffff, v8  }
0x19f: {  	v8 =	vld.idx.msk [tilespmem:v7+s2+$0x0], $0xffff  }
0x1a0: {  	s5 =	simm.s32 $0x14F0;
	[tilespmem:s17+$0xFF60] =	vst.add.f32.msk $0xffff, v12  }
0x1a1: {  	v12 =	vld.idx.msk [tilespmem:v6+s5+$0x0], $0xffff;
	_ =	sdelay $0x2  }
0x1a2: {  	[tilespmem:s19+$0xFF60] =	vst.add.f32.msk $0xffff, v8  }
0x1a3: {  	v8 =	vld.idx.msk [tilespmem:v7+s5+$0x0], $0xffff  }
0x1a4: {  	s6 =	simm.s32 $0x1500;
	[tilespmem:s17+$0xFF70] =	vst.add.f32.msk $0xffff, v12  }
0x1a5: {  	v12 =	vld.idx.msk [tilespmem:v6+s6+$0x0], $0xffff;
	_ =	sdelay $0x2  }
0x1a6: {  	[tilespmem:s19+$0xFF70] =	vst.add.f32.msk $0xffff, v8  }
0x1a7: {  	v8 =	vld.idx.msk [tilespmem:v7+s6+$0x0], $0xffff  }
0x1a8: {  	[tilespmem:s17+$0x10300] =	vst.add.f32.msk $0xffff, v12;
	s5 =	simm.s32 $0x1510  }
0x1a9: {  	v12 =	vld.idx.msk [tilespmem:v6+s5+$0x0], $0xffff;
	_ =	sdelay $0x2  }
0x1aa: {  	s3 =	sadd.s32 $0x10300, s17;
	[tilespmem:s19+$0x10300] =	vst.add.f32.msk $0xffff, v8  }
0x1ab: {  	s10 =	sor.u32 $0x10, s3;
	v8 =	vld.idx.msk [tilespmem:v7+s5+$0x0], $0xffff  }
0x1ac: {  	s7 =	simm.s32 $0x1520;
	[tilespmem:s10+$0x0] =	vst.add.f32.msk $0xffff, v12  }
0x1ad: {  	v12 =	vld.idx.msk [tilespmem:v6+s7+$0x0], $0xffff  }
0x1ae: {  	s10 =	sadd.s32 $0x10300, s19  }
0x1af: {  	s20 =	sor.u32 $0x10, s10  }
0x1b0: {  	[tilespmem:s20+$0x0] =	vst.add.f32.msk $0xffff, v8  }
0x1b1: {  	s8 =	sor.u32 $0x20, s3;
	v8 =	vld.idx.msk [tilespmem:v7+s7+$0x0], $0xffff  }
0x1b2: {  	[tilespmem:s8+$0x0] =	vst.add.f32.msk $0xffff, v12;
	s8 =	simm.s32 $0x1530  }
0x1b3: {  	v12 =	vld.idx.msk [tilespmem:v6+s8+$0x0], $0xffff;
	_ =	sdelay $0x1  }
0x1b4: {  	[tilespmem:s4+$0x0] =	vst.add.f32.msk $0xffff, v10;
	s11 =	sor.u32 $0x20, s10  }
0x1b5: {  	[tilespmem:s11+$0x0] =	vst.add.f32.msk $0xffff, v8  }
0x1b6: {  	s12 =	sor.u32 $0x30, s3;
	v8 =	vld.idx.msk [tilespmem:v7+s8+$0x0], $0xffff  }
0x1b7: {  	s13 =	simm.s32 $0x1540;
	[tilespmem:s12+$0x0] =	vst.add.f32.msk $0xffff, v12  }
0x1b8: {  	s23 =	sor.u32 $0x20, s15;
	v9 =	vld.idx.msk [tilespmem:v9+s13+$0x0], $0xffff  }
0x1b9: {  	[tilespmem:s23+$0x0] =	vst.add.f32.msk $0xffff, v11;
	s2 =	simm.s32 $0x15B0  }
0x1ba: {  	v11 =	vld.idx.msk [tilespmem:v5+s2+$0x0], $0xffff;
	s20 =	sor.u32 $0x30, s10  }
0x1bb: {  	[tilespmem:s20+$0x0] =	vst.add.f32.msk $0xffff, v8  }
0x1bc: {  	s22 =	sor.u32 $0x40, s3;
	v8 =	vld.idx.msk [tilespmem:v7+s13+$0x0], $0xffff  }
0x1bd: {  	s24 =	simm.s32 $0x1550;
	[tilespmem:s22+$0x0] =	vst.add.f32.msk $0xffff, v9  }
0x1be: {  	s11 =	sor.u32 $0x30, s15;
	v9 =	vld.idx.msk [tilespmem:v6+s24+$0x0], $0xffff  }
0x1bf: {  	s8 =	simm.s32 $0x1680;
	[tilespmem:s11+$0x0] =	vst.add.f32.msk $0xffff, v11  }
0x1c0: {  	s25 =	sor.u32 $0x40, s10;
	v10 =	vld.idx.msk [tilespmem:v4+s8+$0x0], $0xffff  }
0x1c1: {  	[tilespmem:s25+$0x0] =	vst.add.f32.msk $0xffff, v8  }
0x1c2: {  	s26 =	sor.u32 $0x50, s3;
	v8 =	vld.idx.msk [tilespmem:v7+s24+$0x0], $0xffff  }
0x1c3: {  	s1 =	simm.s32 $0x1560;
	[tilespmem:s26+$0x0] =	vst.add.f32.msk $0xffff, v9  }
0x1c4: {  	v9 =	vld.idx.msk [tilespmem:v6+s1+$0x0], $0xffff  }
0x1c5: {  	s7 =	simm.s32 $0x1690;
	[tilespmem:s18+$0x10F00] =	vst.add.f32.msk $0xffff, v10  }
0x1c6: {  	s5 =	sor.u32 $0x50, s10;
	v10 =	vld.idx.msk [tilespmem:v4+s7+$0x0], $0xffff  }
0x1c7: {  	[tilespmem:s5+$0x0] =	vst.add.f32.msk $0xffff, v8  }
0x1c8: {  	s6 =	sor.u32 $0x60, s3;
	v8 =	vld.idx.msk [tilespmem:v7+s1+$0x0], $0xffff  }
0x1c9: {  	[tilespmem:s6+$0x0] =	vst.add.f32.msk $0xffff, v9;
	s1 =	simm.s32 $0x1570  }
0x1ca: {  	s0 =	simm.s32 $0x15C0;
	s13 =	sor.u32 $0x70, s3;
	s3 =	sadd.s32 $0x10F00, s18;
	v9 =	vld.idx.msk [tilespmem:v6+s1+$0x0], $0xffff  }
0x1cb: {  	v11 =	vld.idx.msk [tilespmem:v5+s0+$0x0], $0xffff;
	s20 =	sor.u32 $0x10, s3  }
0x1cc: {  	s12 =	sor.u32 $0x60, s10;
	[tilespmem:s20+$0x0] =	vst.add.f32.msk $0xffff, v10  }
0x1cd: {  	[tilespmem:s12+$0x0] =	vst.add.f32.msk $0xffff, v8  }
0x1ce: {  	v8 =	vld.idx.msk [tilespmem:v7+s1+$0x0], $0xffff  }
0x1cf: {  	s22 =	simm.s32 $0x1580;
	[tilespmem:s13+$0x0] =	vst.add.f32.msk $0xffff, v9  }
0x1d0: {  	s6 =	simm.s32 $0x16A0;
	v9 =	vld.idx.msk [tilespmem:v6+s22+$0x0], $0xffff  }
0x1d1: {  	s24 =	sor.u32 $0x40, s15;
	v10 =	vld.idx.msk [tilespmem:v4+s6+$0x0], $0xffff  }
0x1d2: {  	s23 =	sor.u32 $0x70, s10;
	[tilespmem:s24+$0x0] =	vst.add.f32.msk $0xffff, v11  }
0x1d3: {  	[tilespmem:s23+$0x0] =	vst.add.f32.msk $0xffff, v8  }
0x1d4: {  	v8 =	vld.idx.msk [tilespmem:v7+s22+$0x0], $0xffff  }
0x1d5: {  	s25 =	simm.s32 $0x1590;
	[tilespmem:s17+$0x10700] =	vst.add.f32.msk $0xffff, v9  }
0x1d6: {  	s5 =	sor.u32 $0x20, s3;
	v9 =	vld.idx.msk [tilespmem:v6+s25+$0x0], $0xffff  }
0x1d7: {  	[tilespmem:s5+$0x0] =	vst.add.f32.msk $0xffff, v10;
	s5 =	simm.s32 $0x16B0  }
0x1d8: {  	v10 =	vld.idx.msk [tilespmem:v4+s5+$0x0], $0xffff  }
0x1d9: {  	s4 =	sadd.s32 $0x10700, s17;
	[tilespmem:s19+$0x10700] =	vst.add.f32.msk $0xffff, v8  }
0x1da: {  	s26 =	sor.u32 $0x10, s4;
	v8 =	vld.idx.msk [tilespmem:v7+s25+$0x0], $0xffff  }
0x1db: {  	s11 =	simm.s32 $0x15A0;
	[tilespmem:s26+$0x0] =	vst.add.f32.msk $0xffff, v9  }
0x1dc: {  	s24 =	sor.u32 $0x30, s3;
	v9 =	vld.idx.msk [tilespmem:v6+s11+$0x0], $0xffff  }
0x1dd: {  	s10 =	sadd.s32 $0x10700, s19;
	s1 =	simm.s32 $0x15D0;
	[tilespmem:s24+$0x0] =	vst.add.f32.msk $0xffff, v10  }
0x1de: {  	s12 =	sor.u32 $0x10, s10;
	v11 =	vld.idx.msk [tilespmem:v5+s1+$0x0], $0xffff  }
0x1df: {  	[tilespmem:s12+$0x0] =	vst.add.f32.msk $0xffff, v8  }
0x1e0: {  	s13 =	sor.u32 $0x20, s4;
	v8 =	vld.idx.msk [tilespmem:v7+s11+$0x0], $0xffff  }
0x1e1: {  	[tilespmem:s13+$0x0] =	vst.add.f32.msk $0xffff, v9  }
0x1e2: {  	s20 =	sor.u32 $0x50, s15;
	v9 =	vld.idx.msk [tilespmem:v6+s2+$0x0], $0xffff  }
0x1e3: {  	[tilespmem:s20+$0x0] =	vst.add.f32.msk $0xffff, v11;
	s11 =	simm.s32 $0x15E0  }
0x1e4: {  	s22 =	sor.u32 $0x20, s10;
	v11 =	vld.idx.msk [tilespmem:v5+s11+$0x0], $0xffff  }
0x1e5: {  	[tilespmem:s22+$0x0] =	vst.add.f32.msk $0xffff, v8  }
0x1e6: {  	s23 =	sor.u32 $0x30, s4;
	v8 =	vld.idx.msk [tilespmem:v7+s2+$0x0], $0xffff  }
0x1e7: {  	[tilespmem:s23+$0x0] =	vst.add.f32.msk $0xffff, v9  }
0x1e8: {  	s12 =	sor.u32 $0x60, s15;
	v9 =	vld.idx.msk [tilespmem:v6+s0+$0x0], $0xffff  }
0x1e9: {  	s2 =	simm.s32 $0x16C0;
	[tilespmem:s12+$0x0] =	vst.add.f32.msk $0xffff, v11  }
0x1ea: {  	s25 =	sor.u32 $0x30, s10;
	v10 =	vld.idx.msk [tilespmem:v4+s2+$0x0], $0xffff  }
0x1eb: {  	[tilespmem:s25+$0x0] =	vst.add.f32.msk $0xffff, v8  }
0x1ec: {  	s26 =	sor.u32 $0x40, s4;
	v8 =	vld.idx.msk [tilespmem:v7+s0+$0x0], $0xffff  }
0x1ed: {  	[tilespmem:s26+$0x0] =	vst.add.f32.msk $0xffff, v9  }
0x1ee: {  	s22 =	sor.u32 $0x40, s3;
	v9 =	vld.idx.msk [tilespmem:v6+s1+$0x0], $0xffff  }
0x1ef: {  	s0 =	simm.s32 $0x15F0;
	[tilespmem:s22+$0x0] =	vst.add.f32.msk $0xffff, v10  }
0x1f0: {  	s13 =	sor.u32 $0x40, s10;
	v11 =	vld.idx.msk [tilespmem:v5+s0+$0x0], $0xffff  }
0x1f1: {  	[tilespmem:s13+$0x0] =	vst.add.f32.msk $0xffff, v8  }
0x1f2: {  	s20 =	sor.u32 $0x50, s4;
	v8 =	vld.idx.msk [tilespmem:v7+s1+$0x0], $0xffff  }
0x1f3: {  	[tilespmem:s20+$0x0] =	vst.add.f32.msk $0xffff, v9  }
0x1f4: {  	s25 =	sor.u32 $0x70, s15;
	v9 =	vld.idx.msk [tilespmem:v6+s11+$0x0], $0xffff  }
0x1f5: {  	s26 =	simm.s32 $0x1600;
	[tilespmem:s25+$0x0] =	vst.add.f32.msk $0xffff, v11  }
0x1f6: {  	s23 =	sor.u32 $0x50, s10;
	v11 =	vld.idx.msk [tilespmem:v5+s26+$0x0], $0xffff  }
0x1f7: {  	[tilespmem:s23+$0x0] =	vst.add.f32.msk $0xffff, v8  }
0x1f8: {  	s24 =	sor.u32 $0x60, s4;
	v8 =	vld.idx.msk [tilespmem:v7+s11+$0x0], $0xffff  }
0x1f9: {  	[tilespmem:s24+$0x0] =	vst.add.f32.msk $0xffff, v9  }
0x1fa: {  	v9 =	vld.idx.msk [tilespmem:v6+s0+$0x0], $0xffff  }
0x1fb: {  	s13 =	simm.s32 $0x1610;
	[tilespmem:s16+$0x10B00] =	vst.add.f32.msk $0xffff, v11  }
0x1fc: {  	s12 =	sor.u32 $0x60, s10;
	v11 =	vld.idx.msk [tilespmem:v5+s13+$0x0], $0xffff  }
0x1fd: {  	[tilespmem:s12+$0x0] =	vst.add.f32.msk $0xffff, v8  }
0x1fe: {  	s4 =	sor.u32 $0x70, s4;
	v8 =	vld.idx.msk [tilespmem:v7+s0+$0x0], $0xffff  }
0x1ff: {  	[tilespmem:s4+$0x0] =	vst.add.f32.msk $0xffff, v9;
	s4 =	sadd.s32 $0x10B00, s16  }
0x200: {  	v9 =	vld.idx.msk [tilespmem:v6+s26+$0x0], $0xffff;
	s18 =	sor.u32 $0x10, s4  }
0x201: {  	s20 =	simm.s32 $0x1620;
	[tilespmem:s18+$0x0] =	vst.add.f32.msk $0xffff, v11  }
0x202: {  	s15 =	sor.u32 $0x70, s10;
	v11 =	vld.idx.msk [tilespmem:v5+s20+$0x0], $0xffff  }
0x203: {  	[tilespmem:s15+$0x0] =	vst.add.f32.msk $0xffff, v8  }
0x204: {  	v8 =	vld.idx.msk [tilespmem:v7+s26+$0x0], $0xffff  }
0x205: {  	[tilespmem:s17+$0x10B00] =	vst.add.f32.msk $0xffff, v9  }
0x206: {  	s23 =	sor.u32 $0x20, s4;
	v9 =	vld.idx.msk [tilespmem:v6+s13+$0x0], $0xffff  }
0x207: {  	s24 =	simm.s32 $0x1630;
	[tilespmem:s23+$0x0] =	vst.add.f32.msk $0xffff, v11  }
0x208: {  	v11 =	vld.idx.msk [tilespmem:v5+s24+$0x0], $0xffff  }
0x209: {  	s10 =	sadd.s32 $0x10B00, s17;
	[tilespmem:s19+$0x10B00] =	vst.add.f32.msk $0xffff, v8  }
0x20a: {  	s22 =	sor.u32 $0x10, s10;
	v8 =	vld.idx.msk [tilespmem:v7+s13+$0x0], $0xffff  }
0x20b: {  	[tilespmem:s22+$0x0] =	vst.add.f32.msk $0xffff, v9  }
0x20c: {  	s12 =	sor.u32 $0x30, s4;
	v9 =	vld.idx.msk [tilespmem:v6+s20+$0x0], $0xffff  }
0x20d: {  	s15 =	sadd.s32 $0x10B00, s19;
	s13 =	simm.s32 $0x1640;
	[tilespmem:s12+$0x0] =	vst.add.f32.msk $0xffff, v11  }
0x20e: {  	s25 =	sor.u32 $0x10, s15;
	v11 =	vld.idx.msk [tilespmem:v5+s13+$0x0], $0xffff  }
0x20f: {  	[tilespmem:s25+$0x0] =	vst.add.f32.msk $0xffff, v8  }
0x210: {  	s26 =	sor.u32 $0x20, s10;
	v8 =	vld.idx.msk [tilespmem:v7+s20+$0x0], $0xffff  }
0x211: {  	[tilespmem:s26+$0x0] =	vst.add.f32.msk $0xffff, v9  }
0x212: {  	v9 =	vld.idx.msk [tilespmem:v6+s24+$0x0], $0xffff  }
0x213: {  	s23 =	sor.u32 $0x40, s4  }
0x214: {  	s20 =	sor.u32 $0x20, s15;
	[tilespmem:s23+$0x0] =	vst.add.f32.msk $0xffff, v11  }
0x215: {  	[tilespmem:s20+$0x0] =	vst.add.f32.msk $0xffff, v8  }
0x216: {  	s22 =	sor.u32 $0x30, s10;
	v8 =	vld.idx.msk [tilespmem:v7+s24+$0x0], $0xffff  }
0x217: {  	[tilespmem:s22+$0x0] =	vst.add.f32.msk $0xffff, v9  }
0x218: {  	s24 =	simm.s32 $0x1650;
	v9 =	vld.idx.msk [tilespmem:v6+s13+$0x0], $0xffff  }
0x219: {  	v11 =	vld.idx.msk [tilespmem:v5+s24+$0x0], $0xffff  }
0x21a: {  	s25 =	sor.u32 $0x30, s15  }
0x21b: {  	[tilespmem:s25+$0x0] =	vst.add.f32.msk $0xffff, v8  }
0x21c: {  	s26 =	sor.u32 $0x40, s10;
	v8 =	vld.idx.msk [tilespmem:v7+s13+$0x0], $0xffff  }
0x21d: {  	s11 =	sor.u32 $0x50, s4;
	[tilespmem:s26+$0x0] =	vst.add.f32.msk $0xffff, v9  }
0x21e: {  	[tilespmem:s11+$0x0] =	vst.add.f32.msk $0xffff, v11  }
0x21f: {  	s12 =	simm.s32 $0x1660;
	v9 =	vld.idx.msk [tilespmem:v6+s24+$0x0], $0xffff  }
0x220: {  	v11 =	vld.idx.msk [tilespmem:v5+s12+$0x0], $0xffff  }
0x221: {  	s13 =	sor.u32 $0x40, s15  }
0x222: {  	[tilespmem:s13+$0x0] =	vst.add.f32.msk $0xffff, v8  }
0x223: {  	s20 =	sor.u32 $0x50, s10;
	v8 =	vld.idx.msk [tilespmem:v7+s24+$0x0], $0xffff  }
0x224: {  	s22 =	sor.u32 $0x60, s4;
	[tilespmem:s20+$0x0] =	vst.add.f32.msk $0xffff, v9  }
0x225: {  	[tilespmem:s22+$0x0] =	vst.add.f32.msk $0xffff, v11  }
0x226: {  	s23 =	simm.s32 $0x1670;
	v9 =	vld.idx.msk [tilespmem:v6+s12+$0x0], $0xffff  }
0x227: {  	v11 =	vld.idx.msk [tilespmem:v5+s23+$0x0], $0xffff  }
0x228: {  	s24 =	sor.u32 $0x50, s15  }
0x229: {  	[tilespmem:s24+$0x0] =	vst.add.f32.msk $0xffff, v8  }
0x22a: {  	s25 =	sor.u32 $0x60, s10;
	v8 =	vld.idx.msk [tilespmem:v7+s12+$0x0], $0xffff  }
0x22b: {  	s4 =	sor.u32 $0x70, s4;
	[tilespmem:s25+$0x0] =	vst.add.f32.msk $0xffff, v9  }
0x22c: {  	[tilespmem:s4+$0x0] =	vst.add.f32.msk $0xffff, v11  }
0x22d: {  	v9 =	vld.idx.msk [tilespmem:v6+s23+$0x0], $0xffff  }
0x22e: {  	s1 =	simm.s32 $0x16D0;
	v60 =	vld.idx.msk [tilespmem:v5+s8+$0x0], $0xffff  }
0x22f: {  	v10 =	vld.idx.msk [tilespmem:v4+s1+$0x0], $0xffff;
	s11 =	sor.u32 $0x60, s15  }
0x230: {  	[tilespmem:s11+$0x0] =	vst.add.f32.msk $0xffff, v8  }
0x231: {  	s12 =	sor.u32 $0x70, s10;
	v8 =	vld.idx.msk [tilespmem:v7+s23+$0x0], $0xffff  }
0x232: {  	[tilespmem:s12+$0x0] =	vst.add.f32.msk $0xffff, v9  }
0x233: {  	[tilespmem:s16+$0x10F00] =	vst.add.f32.msk $0xffff, v60  }
0x234: {  	v61 =	vld.idx.msk [tilespmem:v6+s8+$0x0], $0xffff  }
0x235: {  	s26 =	sor.u32 $0x50, s3;
	v9 =	vld.idx.msk [tilespmem:v5+s7+$0x0], $0xffff  }
0x236: {  	[tilespmem:s26+$0x0] =	vst.add.f32.msk $0xffff, v10;
	s15 =	sor.u32 $0x70, s15  }
0x237: {  	[tilespmem:s15+$0x0] =	vst.add.f32.msk $0xffff, v8  }
0x238: {  	s4 =	sadd.s32 $0x10F00, s16;
	v8 =	vld.idx.msk [tilespmem:v7+s8+$0x0], $0xffff  }
0x239: {  	s16 =	sor.u32 $0x10, s4;
	[tilespmem:s17+$0x10F00] =	vst.add.f32.msk $0xffff, v61  }
0x23a: {  	[tilespmem:s16+$0x0] =	vst.add.f32.msk $0xffff, v9  }
0x23b: {  	v11 =	vld.idx.msk [tilespmem:v6+s7+$0x0], $0xffff  }
0x23c: {  	s13 =	simm.s32 $0x16E0;
	v9 =	vld.idx.msk [tilespmem:v5+s6+$0x0], $0xffff  }
0x23d: {  	v10 =	vld.idx.msk [tilespmem:v4+s13+$0x0], $0xffff  }
0x23e: {  	s10 =	sadd.s32 $0x10F00, s17;
	[tilespmem:s19+$0x10F00] =	vst.add.f32.msk $0xffff, v8  }
0x23f: {  	s17 =	sor.u32 $0x10, s10;
	v8 =	vld.idx.msk [tilespmem:v7+s7+$0x0], $0xffff  }
0x240: {  	s15 =	sadd.s32 $0x10F00, s19;
	s19 =	sor.u32 $0x20, s4;
	[tilespmem:s17+$0x0] =	vst.add.f32.msk $0xffff, v11  }
0x241: {  	[tilespmem:s19+$0x0] =	vst.add.f32.msk $0xffff, v9  }
0x242: {  	v11 =	vld.idx.msk [tilespmem:v6+s6+$0x0], $0xffff  }
0x243: {  	s11 =	sor.u32 $0x60, s3;
	v9 =	vld.idx.msk [tilespmem:v5+s5+$0x0], $0xffff  }
0x244: {  	[tilespmem:s11+$0x0] =	vst.add.f32.msk $0xffff, v10;
	s18 =	sor.u32 $0x10, s15  }
0x245: {  	[tilespmem:s18+$0x0] =	vst.add.f32.msk $0xffff, v8  }
0x246: {  	s20 =	sor.u32 $0x20, s10;
	v8 =	vld.idx.msk [tilespmem:v7+s6+$0x0], $0xffff  }
0x247: {  	s23 =	sor.u32 $0x30, s4;
	[tilespmem:s20+$0x0] =	vst.add.f32.msk $0xffff, v11  }
0x248: {  	s18 =	simm.s32 $0x16F0;
	[tilespmem:s23+$0x0] =	vst.add.f32.msk $0xffff, v9  }
0x249: {  	v4 =	vld.idx.msk [tilespmem:v4+s18+$0x0], $0xffff  }
0x24a: {  	s22 =	sor.u32 $0x20, s15;
	v11 =	vld.idx.msk [tilespmem:v6+s5+$0x0], $0xffff  }
0x24b: {  	[tilespmem:s22+$0x0] =	vst.add.f32.msk $0xffff, v8  }
0x24c: {  	v8 =	vld.idx.msk [tilespmem:v7+s5+$0x0], $0xffff  }
0x24d: {  	s3 =	sor.u32 $0x70, s3;
	v9 =	vld.idx.msk [tilespmem:v5+s2+$0x0], $0xffff  }
0x24e: {  	s24 =	sor.u32 $0x30, s10;
	[tilespmem:s3+$0x0] =	vst.add.f32.msk $0xffff, v4  }
0x24f: {  	[tilespmem:s24+$0x0] =	vst.add.f32.msk $0xffff, v11  }
0x250: {  	s25 =	sor.u32 $0x30, s15;
	v11 =	vld.idx.msk [tilespmem:v6+s2+$0x0], $0xffff  }
0x251: {  	[tilespmem:s25+$0x0] =	vst.add.f32.msk $0xffff, v8  }
0x252: {  	s26 =	sor.u32 $0x40, s4;
	v8 =	vld.idx.msk [tilespmem:v7+s2+$0x0], $0xffff  }
0x253: {  	[tilespmem:s26+$0x0] =	vst.add.f32.msk $0xffff, v9  }
0x254: {  	v9 =	vld.idx.msk [tilespmem:v5+s1+$0x0], $0xffff;
	s2 =	sor.u32 $0x40, s10  }
0x255: {  	[tilespmem:s2+$0x0] =	vst.add.f32.msk $0xffff, v11  }
0x256: {  	s5 =	sor.u32 $0x40, s15;
	v11 =	vld.idx.msk [tilespmem:v6+s1+$0x0], $0xffff  }
0x257: {  	[tilespmem:s5+$0x0] =	vst.add.f32.msk $0xffff, v8  }
0x258: {  	s6 =	sor.u32 $0x50, s4;
	v8 =	vld.idx.msk [tilespmem:v7+s1+$0x0], $0xffff  }
0x259: {  	[tilespmem:s6+$0x0] =	vst.add.f32.msk $0xffff, v9  }
0x25a: {  	s7 =	sor.u32 $0x50, s10;
	v9 =	vld.idx.msk [tilespmem:v5+s13+$0x0], $0xffff  }
0x25b: {  	[tilespmem:s7+$0x0] =	vst.add.f32.msk $0xffff, v11  }
0x25c: {  	s8 =	sor.u32 $0x50, s15;
	v11 =	vld.idx.msk [tilespmem:v6+s13+$0x0], $0xffff  }
0x25d: {  	[tilespmem:s8+$0x0] =	vst.add.f32.msk $0xffff, v8  }
0x25e: {  	s12 =	sor.u32 $0x60, s4;
	v8 =	vld.idx.msk [tilespmem:v7+s13+$0x0], $0xffff  }
0x25f: {  	[tilespmem:s12+$0x0] =	vst.add.f32.msk $0xffff, v9  }
0x260: {  	v5 =	vld.idx.msk [tilespmem:v5+s18+$0x0], $0xffff;
	s13 =	sor.u32 $0x60, s10  }
0x261: {  	s28 =	simm.s32 $0x1570;
	s31 =	simm.s32 $0x1630;
	s30 =	simm.s32 $0x1450;
	[tilespmem:s13+$0x0] =	vst.add.f32.msk $0xffff, v11  }
0x262: {  	s29 =	simm.s32 $0x15C0;
	s0 =	simm.s32 $0x1580;
	s17 =	sor.u32 $0x60, s15;
	v62 =	vld.idx.msk [tilespmem:v6+s18+$0x0], $0xffff  }
0x263: {  	s11 =	simm.s32 $0xFB00;
	s19 =	sor.u32 $0x70, s4;
	s24 =	rddreg [dreg:$0x2];
	[tilespmem:s17+$0x0] =	vst.add.f32.msk $0xffff, v8  }
0x264: {  	s23 =	sor.u32 $0x70, s15;
	s22 =	sor.u32 $0x70, s10;
	v63 =	vld.idx.msk [tilespmem:v7+s18+$0x0], $0xffff;
	s20 =	rddreg [dreg:$0x9]  }
0x265: {  	s26 =	simm.s32 $0x4;
	s25 =	simm.s32 $0x0;
	s12 =	rddreg [dreg:$0xf]  }
0x266: {  	s6 =	simm.s32 $0x15E0;
	s2 =	simm.s32 $0x1560;
	s4 =	sadd.s32 s20, s12  }
0x267: {  	s5 =	simm.s32 $0x15F0;
	s1 =	simm.s32 $0x1590;
	[tilespmem:s19+$0x0] =	vst.add.f32.msk $0xffff, v5;
	s4 =	smul.u32 $0x600, s4  }
0x268: {  	s7 =	simm.s32 $0x15D0;
	s8 =	simm.s32 $0x1410;
	s13 =	simm.s32 $0x1480;
	[tilespmem:s22+$0x0] =	vst.add.f32.msk $0xffff, v62  }
.Ltmp3:
0x269: {  	s17 =	simm.s32 $0x15A0;
	s3 =	sadd.s32 s24, s4;
	[tilespmem:s23+$0x0] =	vst.add.f32.msk $0xffff, v63;
	(pc) =	sbr.rel @p0 .LBB2_10-.Ltmp3, $4  }
0x26a: {  	[hbm4b:s3+s25] =	stream.linear.scatter [tilespmem:s11], [sflag:$0x4], $0x3000, $0x38;
	[tilespmem:$0x18B00] =	vst v63  }
0x26b: {  	s19 =	simm.s32 $0x1550;
	s20 =	simm.s32 $0x15B0;
	_ =	swait.ge [sflag:s26], $0x3000  }
0x26c: {  	s22 =	simm.s32 $0x1400;
	s24 =	simm.s32 $0x1460;
	[sflag:s26] =	ssyncset.done $0x0  }
0x26d: {  	s23 =	simm.s32 $0x1470;
	s25 =	simm.s32 $0x1540;
	[sflag:s26] =	ssyncadd.s32 $0xFFFFD000  }
0x26e: {  	s2 =	rddreg [dreg:$0xe]  }
0x26f: {  	v4 =	vld [tilespmem:s2+$0x30];
	_ =	sdelay $0x4  }
0x270: {  	v5 =	vshrl.u32 v4, $0x3  }
0x271: {  	v5 =	vmul.u32 $0x30, v5  }
0x272: {  	v4 =	vand.u32 $0x7, v4  }
0x273: {  	v4 =	vor.u32 v4, v5  }
0x274: {  	v5 =	vperm.xlane v4, v1;
	_ =	sdelay $0x1  }
0x275: {  	v5 =	vadd.s32 v2, v5;
	_ =	sdelay $0x3  }
0x276: {  	s3 =	simm.s32 $0x0;
	s4 =	rddreg [dreg:$0x1];
	v4 =	vperm.xlane v4, v3  }
0x277: {  	[tilespmem:s11], [sflag:$0x1] =	stream.indirect_vreg.gather [hbm4b:s4+s3], $0x80, v5, vm0, $0xb8;
	[tilespmem:$0x18B00] =	vst v63  }
0x278: {  	s10 =	rddreg [dreg:$0x7];
	s16 =	simm.s32 $0x10300;
	v4 =	vadd.s32 v2, v4  }
0x279: {  	[tilespmem:s16], [sflag:$0x1] =	stream.indirect_vreg.gather [hbm4b:s10+s3], $0x80, v5, vm0, $0xb8;
	[tilespmem:$0x18B00] =	vst v63  }
0x27a: {  	s15 =	rddreg [dreg:$0x8];
	s18 =	simm.s32 $0x10B00  }
0x27b: {  	[tilespmem:s18], [sflag:$0x1] =	stream.indirect_vreg.gather [hbm4b:s15+s3], $0x80, v5, vm0, $0xb8;
	[tilespmem:$0x18B00] =	vst v63  }
0x27c: {  	s26 =	simm.s32 $0x11300  }
0x27d: {  	[tilespmem:s26], [sflag:$0x1] =	stream.indirect_vreg.gather [hbm4b:s4+s3], $0x80, v4, vm0, $0xb8;
	[tilespmem:$0x18B00] =	vst v63  }
0x27e: {  	s11 =	simm.s32 $0x11B00  }
0x27f: {  	[tilespmem:s11], [sflag:$0x1] =	stream.indirect_vreg.gather [hbm4b:s10+s3], $0x80, v4, vm0, $0xb8;
	[tilespmem:$0x18B00] =	vst v63  }
0x280: {  	s16 =	simm.s32 $0x12300;
	s26 =	simm.s32 $0x2  }
0x281: {  	[tilespmem:s16], [sflag:$0x1] =	stream.indirect_vreg.gather [hbm4b:s15+s3], $0x80, v4, vm0, $0xb8;
	[tilespmem:$0x18B00] =	vst v63  }
0x282: {  	s18 =	sadd.s32 $0x1, s12;
	_ =	swait.ge [sflag:s26], $0x3000  }
0x283: {  	s4 =	sshll.u32 s18, $0x4;
	[sflag:s26] =	ssyncset.done $0x0  }
0x284: {  	s4 =	sand.u32 $0x3FFFFFF0, s4;
	[sflag:s26] =	ssyncadd.s32 $0xFFFFD000  }
0x285: {  	v8 =	vld [tilespmem:s4+$0xA00];
	_ =	sdelay $0x3  }
0x286: {  	v4 =	vmov s3  }
0x287: {  	v4 =	vperm.xlane v8, v4;
	_ =	sdelay $0x1  }
0x288: {  	v4 =	vmul.u32 $0x300, v4;
	_ =	sdelay $0x1  }
0x289: {  	v6 =	vor.u32 v0, v4;
	_ =	sdelay $0x3  }
0x28a: {  	[dreg:$0x10] =	wrdreg s18  }
0x28b: {  	s2 =	simm.s32 $0x0;
	v4 =	vld.idx.msk [tilespmem:v6+s22+$0x0], $0xffff  }
0x28c: {  	s4 =	smul.u32 $0x6000, s2;
	_ =	sdelay $0x1  }
0x28d: {  	s3 =	sand.u32 $0x380, s3;
	s4 =	sshra.s32 s4, $0x2  }
0x28e: {  	s18 =	sor.u32 s3, s4  }
0x28f: {  	[tilespmem:s18+$0x12B00] =	vst.add.f32.msk $0xffff, v4  }
0x290: {  	v4 =	vld.idx.msk [tilespmem:v6+s8+$0x0], $0xffff;
	_ =	sdelay $0x2  }
0x291: {  	s4 =	sadd.s32 $0x12B00, s18  }
0x292: {  	s10 =	sor.u32 $0x10, s4  }
0x293: {  	[tilespmem:s10+$0x0] =	vst.add.f32.msk $0xffff, v4  }
0x294: {  	v4 =	vld.idx.msk [tilespmem:v6+s9+$0x0], $0xffff;
	_ =	sdelay $0x3  }
0x295: {  	s11 =	sor.u32 $0x20, s4  }
0x296: {  	[tilespmem:s11+$0x0] =	vst.add.f32.msk $0xffff, v4  }
0x297: {  	v4 =	vld.idx.msk [tilespmem:v6+s14+$0x0], $0xffff;
	_ =	sdelay $0x3  }
0x298: {  	s12 =	sor.u32 $0x30, s4  }
0x299: {  	[tilespmem:s12+$0x0] =	vst.add.f32.msk $0xffff, v4  }
0x29a: {  	v4 =	vld.idx.msk [tilespmem:v6+s21+$0x0], $0xffff;
	_ =	sdelay $0x3  }
0x29b: {  	s15 =	sor.u32 $0x40, s4  }
0x29c: {  	[tilespmem:s15+$0x0] =	vst.add.f32.msk $0xffff, v4  }
0x29d: {  	v4 =	vld.idx.msk [tilespmem:v6+s30+$0x0], $0xffff;
	_ =	sdelay $0x3  }
0x29e: {  	s16 =	sor.u32 $0x50, s4  }
0x29f: {  	[tilespmem:s16+$0x0] =	vst.add.f32.msk $0xffff, v4  }
0x2a0: {  	v4 =	vld.idx.msk [tilespmem:v6+s24+$0x0], $0xffff;
	_ =	sdelay $0x3  }
0x2a1: {  	s26 =	sor.u32 $0x60, s4  }
0x2a2: {  	[tilespmem:s26+$0x0] =	vst.add.f32.msk $0xffff, v4  }
0x2a3: {  	v4 =	vld.idx.msk [tilespmem:v6+s23+$0x0], $0xffff;
	_ =	sdelay $0x3  }
0x2a4: {  	s2 =	sor.u32 $0x70, s4  }
0x2a5: {  	[tilespmem:s2+$0x0] =	vst.add.f32.msk $0xffff, v4  }
0x2a6: {  	v4 =	vld.idx.msk [tilespmem:v6+s13+$0x0], $0xffff;
	_ =	sdelay $0x4  }
0x2a7: {  	s2 =	simm.s32 $0x1490;
	[tilespmem:s4+$0x400] =	vst.add.f32.msk $0xffff, v4  }
0x2a8: {  	v4 =	vld.idx.msk [tilespmem:v6+s2+$0x0], $0xffff;
	_ =	sdelay $0x4  }
0x2a9: {  	s11 =	simm.s32 $0x14A0;
	[tilespmem:s4+$0x410] =	vst.add.f32.msk $0xffff, v4  }
0x2aa: {  	v4 =	vld.idx.msk [tilespmem:v6+s11+$0x0], $0xffff;
	_ =	sdelay $0x4  }
0x2ab: {  	s12 =	simm.s32 $0x14B0;
	[tilespmem:s4+$0x420] =	vst.add.f32.msk $0xffff, v4  }
0x2ac: {  	v4 =	vld.idx.msk [tilespmem:v6+s12+$0x0], $0xffff;
	_ =	sdelay $0x4  }
0x2ad: {  	s31 =	simm.s32 $0x14C0;
	s10 =	simm.s32 $0x1;
	[tilespmem:s4+$0x430] =	vst.add.f32.msk $0xffff, v4  }
0x2ae: {  	v4 =	vmov s10;
	v5 =	vld.idx.msk [tilespmem:v6+s31+$0x0], $0xffff  }
0x2af: {  	v4 =	vperm.xlane v8, v4;
	_ =	sdelay $0x1  }
0x2b0: {  	v4 =	vmul.u32 $0x300, v4;
	_ =	sdelay $0x1  }
0x2b1: {  	s15 =	simm.s32 $0x14D0;
	v4 =	vor.u32 v0, v4;
	[tilespmem:s4+$0x440] =	vst.add.f32.msk $0xffff, v5  }
0x2b2: {  	v5 =	vld.idx.msk [tilespmem:v6+s15+$0x0], $0xffff;
	_ =	sdelay $0x3  }
0x2b3: {  	s13 =	simm.s32 $0x0;
	v7 =	vld.idx.msk [tilespmem:v4+s22+$0x0], $0xffff  }
0x2b4: {  	s3 =	smul.u32 $0x6000, s13;
	s13 =	simm.s32 $0x14E0;
	[tilespmem:s4+$0x450] =	vst.add.f32.msk $0xffff, v5  }
0x2b5: {  	s16 =	simm.s32 $0x80;
	v5 =	vld.idx.msk [tilespmem:v6+s13+$0x0], $0xffff  }
0x2b6: {  	s3 =	sshra.s32 s3, $0x2;
	s10 =	sand.u32 $0x380, s16  }
0x2b7: {  	s16 =	sor.u32 s10, s3  }
0x2b8: {  	[tilespmem:s16+$0x12B00] =	vst.add.f32.msk $0xffff, v7  }
0x2b9: {  	v7 =	vld.idx.msk [tilespmem:v4+s8+$0x0], $0xffff  }
0x2ba: {  	s10 =	simm.s32 $0x14F0;
	[tilespmem:s4+$0x460] =	vst.add.f32.msk $0xffff, v5  }
0x2bb: {  	v5 =	vld.idx.msk [tilespmem:v6+s10+$0x0], $0xffff  }
0x2bc: {  	s3 =	sadd.s32 $0x12B00, s16  }
0x2bd: {  	s10 =	sor.u32 $0x10, s3  }
0x2be: {  	[tilespmem:s10+$0x0] =	vst.add.f32.msk $0xffff, v7  }
0x2bf: {  	v7 =	vld.idx.msk [tilespmem:v4+s9+$0x0], $0xffff  }
0x2c0: {  	s10 =	simm.s32 $0x1500;
	[tilespmem:s4+$0x470] =	vst.add.f32.msk $0xffff, v5  }
0x2c1: {  	v5 =	vld.idx.msk [tilespmem:v6+s10+$0x0], $0xffff;
	_ =	sdelay $0x1  }
0x2c2: {  	s10 =	sor.u32 $0x20, s3  }
0x2c3: {  	[tilespmem:s10+$0x0] =	vst.add.f32.msk $0xffff, v7  }
0x2c4: {  	v7 =	vld.idx.msk [tilespmem:v4+s14+$0x0], $0xffff  }
0x2c5: {  	s10 =	simm.s32 $0x1510;
	[tilespmem:s18+$0x13300] =	vst.add.f32.msk $0xffff, v5  }
0x2c6: {  	v5 =	vld.idx.msk [tilespmem:v6+s10+$0x0], $0xffff;
	_ =	sdelay $0x1  }
0x2c7: {  	s10 =	sor.u32 $0x30, s3  }
0x2c8: {  	s4 =	sadd.s32 $0x13300, s18;
	[tilespmem:s10+$0x0] =	vst.add.f32.msk $0xffff, v7  }
0x2c9: {  	s10 =	sor.u32 $0x10, s4;
	v7 =	vld.idx.msk [tilespmem:v4+s21+$0x0], $0xffff  }
0x2ca: {  	[tilespmem:s10+$0x0] =	vst.add.f32.msk $0xffff, v5;
	s10 =	simm.s32 $0x1520  }
0x2cb: {  	v5 =	vld.idx.msk [tilespmem:v6+s10+$0x0], $0xffff;
	_ =	sdelay $0x1  }
0x2cc: {  	s10 =	sor.u32 $0x40, s3  }
0x2cd: {  	[tilespmem:s10+$0x0] =	vst.add.f32.msk $0xffff, v7  }
0x2ce: {  	s10 =	sor.u32 $0x20, s4;
	v7 =	vld.idx.msk [tilespmem:v4+s30+$0x0], $0xffff  }
0x2cf: {  	[tilespmem:s10+$0x0] =	vst.add.f32.msk $0xffff, v5;
	s10 =	simm.s32 $0x1530  }
0x2d0: {  	v5 =	vld.idx.msk [tilespmem:v6+s10+$0x0], $0xffff;
	_ =	sdelay $0x1  }
0x2d1: {  	s10 =	sor.u32 $0x50, s3  }
0x2d2: {  	[tilespmem:s10+$0x0] =	vst.add.f32.msk $0xffff, v7  }
0x2d3: {  	s10 =	sor.u32 $0x30, s4;
	v7 =	vld.idx.msk [tilespmem:v4+s24+$0x0], $0xffff  }
0x2d4: {  	[tilespmem:s10+$0x0] =	vst.add.f32.msk $0xffff, v5  }
0x2d5: {  	v5 =	vld.idx.msk [tilespmem:v6+s25+$0x0], $0xffff;
	_ =	sdelay $0x1  }
0x2d6: {  	s10 =	sor.u32 $0x60, s3  }
0x2d7: {  	[tilespmem:s10+$0x0] =	vst.add.f32.msk $0xffff, v7  }
0x2d8: {  	s10 =	sor.u32 $0x40, s4;
	v7 =	vld.idx.msk [tilespmem:v4+s23+$0x0], $0xffff  }
0x2d9: {  	[tilespmem:s10+$0x0] =	vst.add.f32.msk $0xffff, v5  }
0x2da: {  	v5 =	vld.idx.msk [tilespmem:v6+s19+$0x0], $0xffff;
	_ =	sdelay $0x1  }
0x2db: {  	s10 =	sor.u32 $0x70, s3  }
0x2dc: {  	s26 =	simm.s32 $0x1480;
	[tilespmem:s10+$0x0] =	vst.add.f32.msk $0xffff, v7  }
0x2dd: {  	s10 =	sor.u32 $0x50, s4;
	v7 =	vld.idx.msk [tilespmem:v4+s26+$0x0], $0xffff  }
0x2de: {  	[tilespmem:s10+$0x0] =	vst.add.f32.msk $0xffff, v5;
	s10 =	simm.s32 $0x1560  }
0x2df: {  	v5 =	vld.idx.msk [tilespmem:v6+s10+$0x0], $0xffff;
	_ =	sdelay $0x2  }
0x2e0: {  	[tilespmem:s3+$0x400] =	vst.add.f32.msk $0xffff, v7  }
0x2e1: {  	v7 =	vld.idx.msk [tilespmem:v4+s2+$0x0], $0xffff;
	s2 =	sor.u32 $0x60, s4  }
0x2e2: {  	[tilespmem:s2+$0x0] =	vst.add.f32.msk $0xffff, v5  }
0x2e3: {  	v5 =	vld.idx.msk [tilespmem:v6+s28+$0x0], $0xffff;
	_ =	sdelay $0x2  }
0x2e4: {  	[tilespmem:s3+$0x410] =	vst.add.f32.msk $0xffff, v7  }
0x2e5: {  	s4 =	sor.u32 $0x70, s4;
	v7 =	vld.idx.msk [tilespmem:v4+s11+$0x0], $0xffff  }
0x2e6: {  	[tilespmem:s4+$0x0] =	vst.add.f32.msk $0xffff, v5  }
0x2e7: {  	v5 =	vld.idx.msk [tilespmem:v6+s0+$0x0], $0xffff;
	_ =	sdelay $0x2  }
0x2e8: {  	[tilespmem:s3+$0x420] =	vst.add.f32.msk $0xffff, v7  }
0x2e9: {  	v7 =	vld.idx.msk [tilespmem:v4+s12+$0x0], $0xffff  }
0x2ea: {  	[tilespmem:s18+$0x13700] =	vst.add.f32.msk $0xffff, v5  }
0x2eb: {  	v5 =	vld.idx.msk [tilespmem:v6+s1+$0x0], $0xffff;
	_ =	sdelay $0x1  }
0x2ec: {  	s11 =	simm.s32 $0x2  }
0x2ed: {  	s10 =	sadd.s32 $0x13700, s18;
	[tilespmem:s3+$0x430] =	vst.add.f32.msk $0xffff, v7;
	v7 =	vmov s11  }
0x2ee: {  	s12 =	sor.u32 $0x10, s10;
	v9 =	vld.idx.msk [tilespmem:v4+s31+$0x0], $0xffff;
	v7 =	vperm.xlane v8, v7  }
0x2ef: {  	[tilespmem:s12+$0x0] =	vst.add.f32.msk $0xffff, v5  }
0x2f0: {  	v5 =	vmul.u32 $0x300, v7;
	v10 =	vld.idx.msk [tilespmem:v6+s17+$0x0], $0xffff;
	_ =	sdelay $0x1  }
0x2f1: {  	v5 =	vor.u32 v0, v5  }
0x2f2: {  	[tilespmem:s3+$0x440] =	vst.add.f32.msk $0xffff, v9  }
0x2f3: {  	v7 =	vld.idx.msk [tilespmem:v4+s15+$0x0], $0xffff;
	s15 =	sor.u32 $0x20, s10  }
0x2f4: {  	[tilespmem:s15+$0x0] =	vst.add.f32.msk $0xffff, v10  }
0x2f5: {  	v9 =	vld.idx.msk [tilespmem:v6+s20+$0x0], $0xffff  }
0x2f6: {  	s17 =	simm.s32 $0x0;
	v10 =	vld.idx.msk [tilespmem:v5+s22+$0x0], $0xffff  }
0x2f7: {  	s4 =	smul.u32 $0x6000, s17  }
0x2f8: {  	s20 =	simm.s32 $0x100;
	[tilespmem:s3+$0x450] =	vst.add.f32.msk $0xffff, v7  }
0x2f9: {  	s0 =	sor.u32 $0x30, s10;
	s4 =	sshra.s32 s4, $0x2;
	s15 =	sand.u32 $0x380, s20;
	v7 =	vld.idx.msk [tilespmem:v4+s13+$0x0], $0xffff  }
0x2fa: {  	s17 =	sor.u32 s15, s4;
	[tilespmem:s0+$0x0] =	vst.add.f32.msk $0xffff, v9  }
0x2fb: {  	[tilespmem:s17+$0x12B00] =	vst.add.f32.msk $0xffff, v10  }
0x2fc: {  	v9 =	vld.idx.msk [tilespmem:v6+s29+$0x0], $0xffff  }
0x2fd: {  	v10 =	vld.idx.msk [tilespmem:v5+s8+$0x0], $0xffff;
	_ =	sdelay $0x1  }
0x2fe: {  	s1 =	simm.s32 $0x14F0;
	[tilespmem:s3+$0x460] =	vst.add.f32.msk $0xffff, v7  }
0x2ff: {  	s2 =	sor.u32 $0x40, s10;
	s20 =	sadd.s32 $0x12B00, s17;
	v7 =	vld.idx.msk [tilespmem:v4+s1+$0x0], $0xffff  }
0x300: {  	s8 =	sor.u32 $0x10, s20;
	[tilespmem:s2+$0x0] =	vst.add.f32.msk $0xffff, v9  }
0x301: {  	[tilespmem:s8+$0x0] =	vst.add.f32.msk $0xffff, v10  }
0x302: {  	v9 =	vld.idx.msk [tilespmem:v6+s7+$0x0], $0xffff  }
0x303: {  	v10 =	vld.idx.msk [tilespmem:v5+s9+$0x0], $0xffff;
	_ =	sdelay $0x1  }
0x304: {  	s11 =	simm.s32 $0x1500;
	[tilespmem:s3+$0x470] =	vst.add.f32.msk $0xffff, v7  }
0x305: {  	s12 =	sor.u32 $0x50, s10;
	v7 =	vld.idx.msk [tilespmem:v4+s11+$0x0], $0xffff  }
0x306: {  	s13 =	sor.u32 $0x20, s20;
	[tilespmem:s12+$0x0] =	vst.add.f32.msk $0xffff, v9  }
0x307: {  	[tilespmem:s13+$0x0] =	vst.add.f32.msk $0xffff, v10  }
0x308: {  	v9 =	vld.idx.msk [tilespmem:v6+s6+$0x0], $0xffff  }
0x309: {  	v10 =	vld.idx.msk [tilespmem:v5+s14+$0x0], $0xffff;
	_ =	sdelay $0x1  }
0x30a: {  	s15 =	simm.s32 $0x1510;
	[tilespmem:s16+$0x13300] =	vst.add.f32.msk $0xffff, v7  }
0x30b: {  	s0 =	sor.u32 $0x60, s10;
	v7 =	vld.idx.msk [tilespmem:v4+s15+$0x0], $0xffff  }
0x30c: {  	s1 =	sor.u32 $0x30, s20;
	[tilespmem:s0+$0x0] =	vst.add.f32.msk $0xffff, v9  }
0x30d: {  	[tilespmem:s1+$0x0] =	vst.add.f32.msk $0xffff, v10  }
0x30e: {  	v9 =	vld.idx.msk [tilespmem:v6+s5+$0x0], $0xffff  }
0x30f: {  	s3 =	sadd.s32 $0x13300, s16;
	v10 =	vld.idx.msk [tilespmem:v5+s21+$0x0], $0xffff  }
0x310: {  	s2 =	sor.u32 $0x10, s3  }
0x311: {  	s4 =	simm.s32 $0x1520;
	[tilespmem:s2+$0x0] =	vst.add.f32.msk $0xffff, v7  }
0x312: {  	s5 =	sor.u32 $0x70, s10;
	v7 =	vld.idx.msk [tilespmem:v4+s4+$0x0], $0xffff  }
0x313: {  	s6 =	sor.u32 $0x40, s20;
	[tilespmem:s5+$0x0] =	vst.add.f32.msk $0xffff, v9  }
0x314: {  	s7 =	simm.s32 $0x1600;
	[tilespmem:s6+$0x0] =	vst.add.f32.msk $0xffff, v10  }
0x315: {  	v9 =	vld.idx.msk [tilespmem:v6+s7+$0x0], $0xffff  }
0x316: {  	v10 =	vld.idx.msk [tilespmem:v5+s30+$0x0], $0xffff  }
0x317: {  	s8 =	sor.u32 $0x20, s3  }
0x318: {  	s9 =	simm.s32 $0x1530;
	[tilespmem:s8+$0x0] =	vst.add.f32.msk $0xffff, v7  }
0x319: {  	v7 =	vld.idx.msk [tilespmem:v4+s9+$0x0], $0xffff  }
0x31a: {  	s10 =	sor.u32 $0x50, s20;
	[tilespmem:s18+$0x13B00] =	vst.add.f32.msk $0xffff, v9  }
0x31b: {  	s11 =	simm.s32 $0x1610;
	[tilespmem:s10+$0x0] =	vst.add.f32.msk $0xffff, v10  }
0x31c: {  	v9 =	vld.idx.msk [tilespmem:v6+s11+$0x0], $0xffff  }
0x31d: {  	v10 =	vld.idx.msk [tilespmem:v5+s24+$0x0], $0xffff  }
0x31e: {  	s13 =	sor.u32 $0x30, s3  }
0x31f: {  	s4 =	sadd.s32 $0x13B00, s18;
	[tilespmem:s13+$0x0] =	vst.add.f32.msk $0xffff, v7  }
0x320: {  	s14 =	sor.u32 $0x10, s4;
	v11 =	vld.idx.msk [tilespmem:v4+s25+$0x0], $0xffff  }
0x321: {  	s12 =	simm.s32 $0x3;
	s21 =	sor.u32 $0x60, s20;
	[tilespmem:s14+$0x0] =	vst.add.f32.msk $0xffff, v9  }
0x322: {  	s15 =	simm.s32 $0x1620;
	v7 =	vmov s12;
	[tilespmem:s21+$0x0] =	vst.add.f32.msk $0xffff, v10  }
0x323: {  	v7 =	vperm.xlane v8, v7;
	v9 =	vld.idx.msk [tilespmem:v6+s15+$0x0], $0xffff  }
0x324: {  	v10 =	vld.idx.msk [tilespmem:v5+s23+$0x0], $0xffff  }
0x325: {  	v7 =	vmul.u32 $0x300, v7;
	s23 =	sor.u32 $0x40, s3  }
0x326: {  	[tilespmem:s23+$0x0] =	vst.add.f32.msk $0xffff, v11  }
0x327: {  	s24 =	sor.u32 $0x20, s4;
	v7 =	vor.u32 v0, v7;
	v11 =	vld.idx.msk [tilespmem:v4+s19+$0x0], $0xffff  }
0x328: {  	s0 =	sor.u32 $0x70, s20;
	[tilespmem:s24+$0x0] =	vst.add.f32.msk $0xffff, v9  }
0x329: {  	s25 =	simm.s32 $0x1630;
	[tilespmem:s0+$0x0] =	vst.add.f32.msk $0xffff, v10  }
0x32a: {  	s26 =	simm.s32 $0x1480;
	v9 =	vld.idx.msk [tilespmem:v6+s25+$0x0], $0xffff  }
0x32b: {  	v10 =	vld.idx.msk [tilespmem:v5+s26+$0x0], $0xffff  }
0x32c: {  	s2 =	sor.u32 $0x50, s3;
	v12 =	vld.idx.msk [tilespmem:v7+s22+$0x0], $0xffff  }
0x32d: {  	s1 =	simm.s32 $0x0;
	s15 =	simm.s32 $0x1560;
	[tilespmem:s2+$0x0] =	vst.add.f32.msk $0xffff, v11  }
0x32e: {  	s10 =	smul.u32 $0x6000, s1;
	s19 =	sor.u32 $0x30, s4;
	v11 =	vld.idx.msk [tilespmem:v4+s15+$0x0], $0xffff  }
0x32f: {  	s21 =	simm.s32 $0x180;
	[tilespmem:s19+$0x0] =	vst.add.f32.msk $0xffff, v9  }
0x330: {  	s5 =	simm.s32 $0x1640;
	s10 =	sshra.s32 s10, $0x2;
	s1 =	sand.u32 $0x380, s21;
	[tilespmem:s20+$0x400] =	vst.add.f32.msk $0xffff, v10  }
0x331: {  	s19 =	sor.u32 s1, s10;
	v9 =	vld.idx.msk [tilespmem:v6+s5+$0x0], $0xffff  }
0x332: {  	s11 =	simm.s32 $0x1490;
	[tilespmem:s19+$0x12B00] =	vst.add.f32.msk $0xffff, v12  }
0x333: {  	s14 =	simm.s32 $0x1410;
	v10 =	vld.idx.msk [tilespmem:v5+s11+$0x0], $0xffff  }
0x334: {  	s5 =	sor.u32 $0x60, s3;
	v12 =	vld.idx.msk [tilespmem:v7+s14+$0x0], $0xffff  }
0x335: {  	[tilespmem:s5+$0x0] =	vst.add.f32.msk $0xffff, v11  }
0x336: {  	s11 =	sor.u32 $0x40, s4;
	v11 =	vld.idx.msk [tilespmem:v4+s28+$0x0], $0xffff  }
0x337: {  	[tilespmem:s11+$0x0] =	vst.add.f32.msk $0xffff, v9  }
0x338: {  	s13 =	simm.s32 $0x1650;
	[tilespmem:s20+$0x410] =	vst.add.f32.msk $0xffff, v10  }
0x339: {  	s2 =	simm.s32 $0x14A0;
	v9 =	vld.idx.msk [tilespmem:v6+s13+$0x0], $0xffff  }
0x33a: {  	s3 =	sor.u32 $0x70, s3;
	v10 =	vld.idx.msk [tilespmem:v5+s2+$0x0], $0xffff  }
0x33b: {  	s7 =	simm.s32 $0x1580;
	s28 =	sadd.s32 $0x12B00, s19;
	[tilespmem:s3+$0x0] =	vst.add.f32.msk $0xffff, v11  }
0x33c: {  	v11 =	vld.idx.msk [tilespmem:v4+s7+$0x0], $0xffff;
	s7 =	sor.u32 $0x10, s28  }
0x33d: {  	s15 =	sor.u32 $0x50, s4;
	[tilespmem:s7+$0x0] =	vst.add.f32.msk $0xffff, v12  }
0x33e: {  	[tilespmem:s15+$0x0] =	vst.add.f32.msk $0xffff, v9  }
0x33f: {  	s22 =	simm.s32 $0x1660;
	[tilespmem:s20+$0x420] =	vst.add.f32.msk $0xffff, v10  }
0x340: {  	s8 =	simm.s32 $0x14B0;
	v9 =	vld.idx.msk [tilespmem:v6+s22+$0x0], $0xffff  }
0x341: {  	s31 =	simm.s32 $0x1410;
	s29 =	simm.s32 $0x14A0;
	s15 =	simm.s32 $0x1420;
	v12 =	vld.idx.msk [tilespmem:v5+s8+$0x0], $0xffff  }
0x342: {  	s6 =	simm.s32 $0x1440;
	s30 =	simm.s32 $0x1490;
	s9 =	simm.s32 $0x1550;
	v13 =	vld.idx.msk [tilespmem:v7+s15+$0x0], $0xffff  }
0x343: {  	s12 =	simm.s32 $0x1560;
	s23 =	simm.s32 $0x15C0;
	s25 =	simm.s32 $0x1590;
	[tilespmem:s16+$0x13700] =	vst.add.f32.msk $0xffff, v11  }
0x344: {  	s24 =	simm.s32 $0x15B0;
	s0 =	simm.s32 $0x1650;
	s8 =	sor.u32 $0x60, s4;
	v11 =	vld.idx.msk [tilespmem:v4+s25+$0x0], $0xffff  }
0x345: {  	s26 =	simm.s32 $0x14C0;
	s1 =	simm.s32 $0x1640;
	s10 =	simm.s32 $0x1670;
	[tilespmem:s8+$0x0] =	vst.add.f32.msk $0xffff, v9  }
0x346: {  	s14 =	simm.s32 $0x14B0;
	s5 =	simm.s32 $0x1400;
	s11 =	simm.s32 $0x1580;
	v10 =	vld.idx.msk [tilespmem:v6+s10+$0x0], $0xffff  }
0x347: {  	s2 =	simm.s32 $0x1570;
	s13 =	simm.s32 $0x1660;
	s15 =	sadd.s32 $0x13700, s16;
	[tilespmem:s20+$0x430] =	vst.add.f32.msk $0xffff, v12  }
0x348: {  	s3 =	simm.s32 $0x4;
	s7 =	simm.s32 $0x1590;
	v12 =	vld.idx.msk [tilespmem:v5+s26+$0x0], $0xffff;
	s26 =	sor.u32 $0x10, s15  }
0x349: {  	s22 =	simm.s32 $0x1670;
	s4 =	sor.u32 $0x70, s4;
	s10 =	simm.s32 $0x15A0;
	[tilespmem:s26+$0x0] =	vst.add.f32.msk $0xffff, v11  }
0x34a: {  	s25 =	simm.s32 $0x1420;
	s8 =	simm.s32 $0x14C0;
	v9 =	vmov v5;
	s26 =	simm.s32 $0x15A0;
	v11 =	vld.idx.msk [tilespmem:v4+s10+$0x0], $0xffff  }
.LBB2_6:
0x34b: {  	p0 =	sne.s32 s3, $0xF;
	[tilespmem:s4+$0x0] =	vst.add.f32.msk $0xffff, v10;
	s10 =	simm.s32 $0x1680  }
0x34c: {  	s4 =	sor.u32 $0x20, s28;
	v10 =	vld.idx.msk [tilespmem:v6+s10+$0x0], $0xffff  }
0x34d: {  	[tilespmem:s4+$0x0] =	vst.add.f32.msk $0xffff, v13  }
0x34e: {  	s4 =	simm.s32 $0x14D0;
	[tilespmem:s20+$0x440] =	vst.add.f32.msk $0xffff, v12  }
0x34f: {  	v12 =	vld.idx.msk [tilespmem:v5+s4+$0x0], $0xffff;
	s4 =	sor.u32 $0x20, s15  }
0x350: {  	[tilespmem:s4+$0x0] =	vst.add.f32.msk $0xffff, v11  }
0x351: {  	v11 =	vld.idx.msk [tilespmem:v4+s24+$0x0], $0xffff  }
0x352: {  	s4 =	simm.s32 $0x1690;
	[tilespmem:s18+$0x13F00] =	vst.add.f32.msk $0xffff, v10  }
0x353: {  	v10 =	vld.idx.msk [tilespmem:v6+s4+$0x0], $0xffff;
	s4 =	simm.s32 $0x1430  }
0x354: {  	v13 =	vld.idx.msk [tilespmem:v7+s4+$0x0], $0xffff  }
0x355: {  	s4 =	simm.s32 $0x14E0;
	[tilespmem:s20+$0x450] =	vst.add.f32.msk $0xffff, v12  }
0x356: {  	v12 =	vld.idx.msk [tilespmem:v5+s4+$0x0], $0xffff;
	s4 =	sor.u32 $0x30, s15  }
0x357: {  	s10 =	sadd.s32 $0x13F00, s18;
	s18 =	smov.u32 s16;
	s16 =	smov.u32 s17;
	[tilespmem:s4+$0x0] =	vst.add.f32.msk $0xffff, v11  }
0x358: {  	s17 =	smov.u32 s19;
	s4 =	sor.u32 $0x10, s10;
	v11 =	vld.idx.msk [tilespmem:v4+s23+$0x0], $0xffff  }
0x359: {  	s19 =	simm.s32 $0x16A0;
	[tilespmem:s4+$0x0] =	vst.add.f32.msk $0xffff, v10  }
0x35a: {  	s4 =	sor.u32 $0x30, s28;
	v10 =	vld.idx.msk [tilespmem:v6+s19+$0x0], $0xffff  }
0x35b: {  	[tilespmem:s4+$0x0] =	vst.add.f32.msk $0xffff, v13  }
0x35c: {  	s4 =	simm.s32 $0x14F0;
	[tilespmem:s20+$0x460] =	vst.add.f32.msk $0xffff, v12  }
0x35d: {  	v12 =	vld.idx.msk [tilespmem:v5+s4+$0x0], $0xffff;
	s4 =	sor.u32 $0x40, s15  }
0x35e: {  	[tilespmem:s4+$0x0] =	vst.add.f32.msk $0xffff, v11;
	s4 =	simm.s32 $0x15D0  }
0x35f: {  	v11 =	vld.idx.msk [tilespmem:v4+s4+$0x0], $0xffff;
	s4 =	sor.u32 $0x20, s10  }
0x360: {  	[tilespmem:s4+$0x0] =	vst.add.f32.msk $0xffff, v10;
	s4 =	simm.s32 $0x16B0  }
0x361: {  	v10 =	vld.idx.msk [tilespmem:v6+s4+$0x0], $0xffff  }
0x362: {  	v13 =	vld.idx.msk [tilespmem:v7+s6+$0x0], $0xffff  }
0x363: {  	s4 =	simm.s32 $0x1500;
	[tilespmem:s20+$0x470] =	vst.add.f32.msk $0xffff, v12;
	s20 =	smov.u32 s28  }
0x364: {  	v12 =	vld.idx.msk [tilespmem:v5+s4+$0x0], $0xffff;
	s4 =	sor.u32 $0x50, s15  }
0x365: {  	[tilespmem:s4+$0x0] =	vst.add.f32.msk $0xffff, v11;
	s4 =	simm.s32 $0x15E0  }
0x366: {  	v11 =	vld.idx.msk [tilespmem:v4+s4+$0x0], $0xffff;
	s4 =	sor.u32 $0x30, s10  }
0x367: {  	s19 =	simm.s32 $0x16C0;
	[tilespmem:s4+$0x0] =	vst.add.f32.msk $0xffff, v10  }
0x368: {  	s4 =	sor.u32 $0x40, s20;
	v10 =	vld.idx.msk [tilespmem:v6+s19+$0x0], $0xffff  }
0x369: {  	[tilespmem:s4+$0x0] =	vst.add.f32.msk $0xffff, v13  }
0x36a: {  	s4 =	simm.s32 $0x1510;
	[tilespmem:s16+$0x13300] =	vst.add.f32.msk $0xffff, v12  }
0x36b: {  	v12 =	vld.idx.msk [tilespmem:v5+s4+$0x0], $0xffff;
	s4 =	sor.u32 $0x60, s15  }
0x36c: {  	[tilespmem:s4+$0x0] =	vst.add.f32.msk $0xffff, v11;
	s4 =	simm.s32 $0x15F0  }
0x36d: {  	v11 =	vld.idx.msk [tilespmem:v4+s4+$0x0], $0xffff;
	s4 =	sor.u32 $0x40, s10  }
0x36e: {  	[tilespmem:s4+$0x0] =	vst.add.f32.msk $0xffff, v10;
	s4 =	simm.s32 $0x16D0  }
0x36f: {  	s28 =	sadd.s32 $0x13300, s16;
	v10 =	vld.idx.msk [tilespmem:v6+s4+$0x0], $0xffff;
	s4 =	simm.s32 $0x1450  }
0x370: {  	v13 =	vld.idx.msk [tilespmem:v7+s4+$0x0], $0xffff;
	s4 =	sor.u32 $0x10, s28  }
0x371: {  	[tilespmem:s4+$0x0] =	vst.add.f32.msk $0xffff, v12;
	s4 =	simm.s32 $0x1520  }
0x372: {  	v12 =	vld.idx.msk [tilespmem:v5+s4+$0x0], $0xffff;
	s4 =	sor.u32 $0x70, s15  }
0x373: {  	[tilespmem:s4+$0x0] =	vst.add.f32.msk $0xffff, v11;
	s4 =	simm.s32 $0x1600  }
0x374: {  	v11 =	vld.idx.msk [tilespmem:v4+s4+$0x0], $0xffff;
	s4 =	sor.u32 $0x50, s10  }
0x375: {  	s15 =	simm.s32 $0x16E0;
	[tilespmem:s4+$0x0] =	vst.add.f32.msk $0xffff, v10  }
0x376: {  	s4 =	sor.u32 $0x50, s20;
	v10 =	vld.idx.msk [tilespmem:v6+s15+$0x0], $0xffff  }
0x377: {  	[tilespmem:s4+$0x0] =	vst.add.f32.msk $0xffff, v13;
	s4 =	sor.u32 $0x20, s28  }
0x378: {  	[tilespmem:s4+$0x0] =	vst.add.f32.msk $0xffff, v12;
	s4 =	simm.s32 $0x1530  }
0x379: {  	v12 =	vld.idx.msk [tilespmem:v5+s4+$0x0], $0xffff  }
0x37a: {  	s4 =	simm.s32 $0x1610;
	[tilespmem:s18+$0x13B00] =	vst.add.f32.msk $0xffff, v11  }
0x37b: {  	v11 =	vld.idx.msk [tilespmem:v4+s4+$0x0], $0xffff;
	s4 =	sor.u32 $0x60, s10  }
0x37c: {  	[tilespmem:s4+$0x0] =	vst.add.f32.msk $0xffff, v10;
	s4 =	simm.s32 $0x16F0  }
0x37d: {  	v10 =	vld.idx.msk [tilespmem:v6+s4+$0x0], $0xffff;
	v6 =	vmov v4;
	v4 =	vmov v5;
	v5 =	vmov v7;
	s4 =	simm.s32 $0x1460  }
0x37e: {  	v13 =	vld.idx.msk [tilespmem:v7+s4+$0x0], $0xffff;
	s4 =	sor.u32 $0x30, s28  }
0x37f: {  	s15 =	simm.s32 $0x1540;
	[tilespmem:s4+$0x0] =	vst.add.f32.msk $0xffff, v12;
	s4 =	sadd.s32 $0x13B00, s18  }
0x380: {  	v12 =	vmov s3;
	v14 =	vld.idx.msk [tilespmem:v9+s15+$0x0], $0xffff;
	s15 =	sor.u32 $0x10, s4;
	v9 =	vmov v7  }
0x381: {  	v7 =	vperm.xlane v8, v12;
	[tilespmem:s15+$0x0] =	vst.add.f32.msk $0xffff, v11;
	s15 =	simm.s32 $0x1620  }
0x382: {  	s10 =	sor.u32 $0x70, s10;
	v11 =	vld.idx.msk [tilespmem:v6+s15+$0x0], $0xffff  }
0x383: {  	v7 =	vmul.u32 $0x300, v7;
	s15 =	sor.u32 $0x60, s20;
	[tilespmem:s10+$0x0] =	vst.add.f32.msk $0xffff, v10  }
0x384: {  	s10 =	simm.s32 $0x1470;
	[tilespmem:s15+$0x0] =	vst.add.f32.msk $0xffff, v13  }
0x385: {  	v7 =	vor.u32 v0, v7;
	v10 =	vld.idx.msk [tilespmem:v5+s10+$0x0], $0xffff;
	s10 =	sor.u32 $0x40, s28  }
0x386: {  	[tilespmem:s10+$0x0] =	vst.add.f32.msk $0xffff, v14  }
0x387: {  	s10 =	sor.u32 $0x20, s4;
	v12 =	vld.idx.msk [tilespmem:v4+s9+$0x0], $0xffff  }
0x388: {  	[tilespmem:s10+$0x0] =	vst.add.f32.msk $0xffff, v11;
	s10 =	simm.s32 $0x1630  }
0x389: {  	v11 =	vld.idx.msk [tilespmem:v6+s10+$0x0], $0xffff  }
0x38a: {  	s10 =	sor.u32 $0x70, s20;
	v13 =	vld.idx.msk [tilespmem:v7+s5+$0x0], $0xffff  }
0x38b: {  	s15 =	simm.s32 $0x1480;
	[tilespmem:s10+$0x0] =	vst.add.f32.msk $0xffff, v10  }
0x38c: {  	s10 =	sshrl.u32 s3, $0x3;
	v10 =	vld.idx.msk [tilespmem:v5+s15+$0x0], $0xffff;
	s15 =	sor.u32 $0x50, s28  }
0x38d: {  	s10 =	smul.u32 $0x6000, s10;
	[tilespmem:s15+$0x0] =	vst.add.f32.msk $0xffff, v12  }
0x38e: {  	s21 =	sadd.s32 $0x80, s21;
	s15 =	sor.u32 $0x30, s4;
	v12 =	vld.idx.msk [tilespmem:v4+s12+$0x0], $0xffff  }
0x38f: {  	s19 =	sand.u32 $0x380, s21;
	s10 =	sshra.s32 s10, $0x2;
	[tilespmem:s15+$0x0] =	vst.add.f32.msk $0xffff, v11  }
0x390: {  	s19 =	sor.u32 s19, s10;
	v11 =	vld.idx.msk [tilespmem:v6+s1+$0x0], $0xffff  }
0x391: {  	[tilespmem:s19+$0x12B00] =	vst.add.f32.msk $0xffff, v13  }
0x392: {  	[tilespmem:s20+$0x400] =	vst.add.f32.msk $0xffff, v10  }
0x393: {  	s10 =	sor.u32 $0x60, s28;
	v10 =	vld.idx.msk [tilespmem:v5+s30+$0x0], $0xffff  }
0x394: {  	[tilespmem:s10+$0x0] =	vst.add.f32.msk $0xffff, v12  }
0x395: {  	s10 =	sor.u32 $0x40, s4;
	v12 =	vld.idx.msk [tilespmem:v4+s2+$0x0], $0xffff  }
0x396: {  	[tilespmem:s10+$0x0] =	vst.add.f32.msk $0xffff, v11  }
0x397: {  	v11 =	vld.idx.msk [tilespmem:v6+s0+$0x0], $0xffff  }
0x398: {  	v13 =	vld.idx.msk [tilespmem:v7+s31+$0x0], $0xffff  }
0x399: {  	[tilespmem:s20+$0x410] =	vst.add.f32.msk $0xffff, v10  }
0x39a: {  	s10 =	sor.u32 $0x70, s28;
	v10 =	vld.idx.msk [tilespmem:v5+s29+$0x0], $0xffff  }
0x39b: {  	[tilespmem:s10+$0x0] =	vst.add.f32.msk $0xffff, v12  }
0x39c: {  	s10 =	sor.u32 $0x50, s4;
	v12 =	vld.idx.msk [tilespmem:v4+s11+$0x0], $0xffff  }
0x39d: {  	s28 =	sadd.s32 $0x12B00, s19;
	[tilespmem:s10+$0x0] =	vst.add.f32.msk $0xffff, v11  }
0x39e: {  	s10 =	sor.u32 $0x10, s28;
	v11 =	vld.idx.msk [tilespmem:v6+s13+$0x0], $0xffff  }
0x39f: {  	[tilespmem:s10+$0x0] =	vst.add.f32.msk $0xffff, v13  }
0x3a0: {  	[tilespmem:s20+$0x420] =	vst.add.f32.msk $0xffff, v10  }
0x3a1: {  	v14 =	vld.idx.msk [tilespmem:v5+s14+$0x0], $0xffff  }
0x3a2: {  	[tilespmem:s16+$0x13700] =	vst.add.f32.msk $0xffff, v12  }
0x3a3: {  	s10 =	sor.u32 $0x60, s4;
	v15 =	vld.idx.msk [tilespmem:v4+s7+$0x0], $0xffff  }
0x3a4: {  	[tilespmem:s10+$0x0] =	vst.add.f32.msk $0xffff, v11  }
0x3a5: {  	v10 =	vld.idx.msk [tilespmem:v6+s22+$0x0], $0xffff  }
.Ltmp4:
0x3a6: {  	v13 =	vld.idx.msk [tilespmem:v7+s25+$0x0], $0xffff;
	(pc) =	sbr.rel @p0 .LBB2_6-.Ltmp4, $4  }
0x3a7: {  	s15 =	sadd.s32 $0x13700, s16;
	[tilespmem:s20+$0x430] =	vst.add.f32.msk $0xffff, v14  }
0x3a8: {  	s10 =	sor.u32 $0x10, s15;
	v12 =	vld.idx.msk [tilespmem:v5+s8+$0x0], $0xffff  }
0x3a9: {  	[tilespmem:s10+$0x0] =	vst.add.f32.msk $0xffff, v15  }
0x3aa: {  	s3 =	sadd.s32 $0x1, s3;
	s4 =	sor.u32 $0x70, s4;
	v11 =	vld.idx.msk [tilespmem:v4+s26+$0x0], $0xffff  }
0x3ab: {  	_ =	sdelay $0x1  }
0x3ac: {  	s3 =	sor.u32 $0x20, s28  }
0x3ad: {  	s0 =	simm.s32 $0x1430;
	[tilespmem:s3+$0x0] =	vst.add.f32.msk $0xffff, v13  }
0x3ae: {  	v8 =	vld.idx.msk [tilespmem:v7+s0+$0x0], $0xffff;
	_ =	sdelay $0x3  }
0x3af: {  	s0 =	sor.u32 $0x30, s28  }
0x3b0: {  	s1 =	simm.s32 $0x1440;
	[tilespmem:s0+$0x0] =	vst.add.f32.msk $0xffff, v8  }
0x3b1: {  	v8 =	vld.idx.msk [tilespmem:v7+s1+$0x0], $0xffff;
	_ =	sdelay $0x3  }
0x3b2: {  	s2 =	sor.u32 $0x40, s28  }
0x3b3: {  	s5 =	simm.s32 $0x1450;
	[tilespmem:s2+$0x0] =	vst.add.f32.msk $0xffff, v8  }
0x3b4: {  	v8 =	vld.idx.msk [tilespmem:v7+s5+$0x0], $0xffff;
	_ =	sdelay $0x3  }
0x3b5: {  	s6 =	sor.u32 $0x50, s28  }
0x3b6: {  	s7 =	simm.s32 $0x1460;
	[tilespmem:s6+$0x0] =	vst.add.f32.msk $0xffff, v8  }
0x3b7: {  	v8 =	vld.idx.msk [tilespmem:v7+s7+$0x0], $0xffff;
	_ =	sdelay $0x3  }
0x3b8: {  	s8 =	sor.u32 $0x60, s28  }
0x3b9: {  	s9 =	simm.s32 $0x1470;
	[tilespmem:s8+$0x0] =	vst.add.f32.msk $0xffff, v8  }
0x3ba: {  	v8 =	vld.idx.msk [tilespmem:v7+s9+$0x0], $0xffff;
	_ =	sdelay $0x3  }
0x3bb: {  	s10 =	sor.u32 $0x70, s28  }
0x3bc: {  	s11 =	simm.s32 $0x1480;
	[tilespmem:s10+$0x0] =	vst.add.f32.msk $0xffff, v8  }
0x3bd: {  	v8 =	vld.idx.msk [tilespmem:v7+s11+$0x0], $0xffff;
	_ =	sdelay $0x4  }
0x3be: {  	s12 =	simm.s32 $0x1490;
	[tilespmem:s28+$0x400] =	vst.add.f32.msk $0xffff, v8  }
0x3bf: {  	v8 =	vld.idx.msk [tilespmem:v7+s12+$0x0], $0xffff;
	_ =	sdelay $0x4  }
0x3c0: {  	s13 =	simm.s32 $0x14A0;
	[tilespmem:s28+$0x410] =	vst.add.f32.msk $0xffff, v8  }
0x3c1: {  	v8 =	vld.idx.msk [tilespmem:v7+s13+$0x0], $0xffff;
	_ =	sdelay $0x4  }
0x3c2: {  	s14 =	simm.s32 $0x14B0;
	[tilespmem:s28+$0x420] =	vst.add.f32.msk $0xffff, v8  }
0x3c3: {  	v8 =	vld.idx.msk [tilespmem:v7+s14+$0x0], $0xffff;
	_ =	sdelay $0x4  }
0x3c4: {  	s21 =	simm.s32 $0x14C0;
	[tilespmem:s28+$0x430] =	vst.add.f32.msk $0xffff, v8  }
0x3c5: {  	v8 =	vld.idx.msk [tilespmem:v7+s21+$0x0], $0xffff  }
0x3c6: {  	s22 =	simm.s32 $0x14D0;
	[tilespmem:s20+$0x440] =	vst.add.f32.msk $0xffff, v12  }
0x3c7: {  	v12 =	vld.idx.msk [tilespmem:v5+s22+$0x0], $0xffff;
	_ =	sdelay $0x2  }
0x3c8: {  	[tilespmem:s28+$0x440] =	vst.add.f32.msk $0xffff, v8  }
0x3c9: {  	v8 =	vld.idx.msk [tilespmem:v7+s22+$0x0], $0xffff  }
0x3ca: {  	s23 =	simm.s32 $0x14E0;
	[tilespmem:s20+$0x450] =	vst.add.f32.msk $0xffff, v12  }
0x3cb: {  	v12 =	vld.idx.msk [tilespmem:v5+s23+$0x0], $0xffff;
	_ =	sdelay $0x2  }
0x3cc: {  	[tilespmem:s28+$0x450] =	vst.add.f32.msk $0xffff, v8  }
0x3cd: {  	v8 =	vld.idx.msk [tilespmem:v7+s23+$0x0], $0xffff  }
0x3ce: {  	s24 =	simm.s32 $0x14F0;
	[tilespmem:s20+$0x460] =	vst.add.f32.msk $0xffff, v12  }
0x3cf: {  	v12 =	vld.idx.msk [tilespmem:v5+s24+$0x0], $0xffff;
	_ =	sdelay $0x2  }
0x3d0: {  	[tilespmem:s28+$0x460] =	vst.add.f32.msk $0xffff, v8  }
0x3d1: {  	v8 =	vld.idx.msk [tilespmem:v7+s24+$0x0], $0xffff  }
0x3d2: {  	s25 =	simm.s32 $0x1500;
	[tilespmem:s20+$0x470] =	vst.add.f32.msk $0xffff, v12  }
0x3d3: {  	v12 =	vld.idx.msk [tilespmem:v5+s25+$0x0], $0xffff;
	_ =	sdelay $0x2  }
0x3d4: {  	[tilespmem:s28+$0x470] =	vst.add.f32.msk $0xffff, v8  }
0x3d5: {  	v8 =	vld.idx.msk [tilespmem:v7+s25+$0x0], $0xffff  }
0x3d6: {  	s26 =	simm.s32 $0x1510;
	[tilespmem:s17+$0x13300] =	vst.add.f32.msk $0xffff, v12  }
0x3d7: {  	v12 =	vld.idx.msk [tilespmem:v5+s26+$0x0], $0xffff;
	_ =	sdelay $0x2  }
0x3d8: {  	s10 =	sadd.s32 $0x13300, s17;
	[tilespmem:s19+$0x13300] =	vst.add.f32.msk $0xffff, v8  }
0x3d9: {  	s0 =	sor.u32 $0x10, s10;
	v8 =	vld.idx.msk [tilespmem:v7+s26+$0x0], $0xffff  }
0x3da: {  	s1 =	simm.s32 $0x1520;
	[tilespmem:s0+$0x0] =	vst.add.f32.msk $0xffff, v12  }
0x3db: {  	v12 =	vld.idx.msk [tilespmem:v5+s1+$0x0], $0xffff  }
0x3dc: {  	s20 =	sadd.s32 $0x13300, s19  }
0x3dd: {  	[tilespmem:s4+$0x0] =	vst.add.f32.msk $0xffff, v10;
	s2 =	sor.u32 $0x10, s20  }
0x3de: {  	[tilespmem:s2+$0x0] =	vst.add.f32.msk $0xffff, v8  }
0x3df: {  	s5 =	sor.u32 $0x20, s10;
	v8 =	vld.idx.msk [tilespmem:v7+s1+$0x0], $0xffff  }
0x3e0: {  	s6 =	simm.s32 $0x1530;
	[tilespmem:s5+$0x0] =	vst.add.f32.msk $0xffff, v12  }
0x3e1: {  	s8 =	sor.u32 $0x20, s15;
	v12 =	vld.idx.msk [tilespmem:v5+s6+$0x0], $0xffff  }
0x3e2: {  	[tilespmem:s8+$0x0] =	vst.add.f32.msk $0xffff, v11;
	s9 =	simm.s32 $0x15B0  }
0x3e3: {  	s7 =	sor.u32 $0x20, s20;
	v11 =	vld.idx.msk [tilespmem:v4+s9+$0x0], $0xffff  }
0x3e4: {  	[tilespmem:s7+$0x0] =	vst.add.f32.msk $0xffff, v8  }
0x3e5: {  	s11 =	sor.u32 $0x30, s10;
	v8 =	vld.idx.msk [tilespmem:v7+s6+$0x0], $0xffff  }
0x3e6: {  	s12 =	simm.s32 $0x1540;
	[tilespmem:s11+$0x0] =	vst.add.f32.msk $0xffff, v12  }
0x3e7: {  	v9 =	vld.idx.msk [tilespmem:v9+s12+$0x0], $0xffff;
	s23 =	sor.u32 $0x30, s15  }
0x3e8: {  	[tilespmem:s23+$0x0] =	vst.add.f32.msk $0xffff, v11;
	s24 =	simm.s32 $0x15C0  }
0x3e9: {  	s13 =	sor.u32 $0x30, s20;
	v11 =	vld.idx.msk [tilespmem:v4+s24+$0x0], $0xffff  }
0x3ea: {  	[tilespmem:s13+$0x0] =	vst.add.f32.msk $0xffff, v8  }
0x3eb: {  	s14 =	sor.u32 $0x40, s10;
	v8 =	vld.idx.msk [tilespmem:v7+s12+$0x0], $0xffff  }
0x3ec: {  	[tilespmem:s14+$0x0] =	vst.add.f32.msk $0xffff, v9;
	s21 =	simm.s32 $0x1550  }
0x3ed: {  	s11 =	sor.u32 $0x40, s15;
	v9 =	vld.idx.msk [tilespmem:v5+s21+$0x0], $0xffff  }
0x3ee: {  	[tilespmem:s11+$0x0] =	vst.add.f32.msk $0xffff, v11;
	s2 =	simm.s32 $0x1680  }
0x3ef: {  	s22 =	sor.u32 $0x40, s20;
	v10 =	vld.idx.msk [tilespmem:v6+s2+$0x0], $0xffff  }
0x3f0: {  	[tilespmem:s22+$0x0] =	vst.add.f32.msk $0xffff, v8  }
0x3f1: {  	s25 =	sor.u32 $0x50, s10;
	v8 =	vld.idx.msk [tilespmem:v7+s21+$0x0], $0xffff  }
0x3f2: {  	[tilespmem:s25+$0x0] =	vst.add.f32.msk $0xffff, v9;
	s26 =	simm.s32 $0x1560  }
0x3f3: {  	v9 =	vld.idx.msk [tilespmem:v5+s26+$0x0], $0xffff  }
0x3f4: {  	s1 =	simm.s32 $0x1690;
	[tilespmem:s18+$0x13F00] =	vst.add.f32.msk $0xffff, v10  }
0x3f5: {  	s5 =	sor.u32 $0x50, s20;
	v10 =	vld.idx.msk [tilespmem:v6+s1+$0x0], $0xffff  }
0x3f6: {  	[tilespmem:s5+$0x0] =	vst.add.f32.msk $0xffff, v8  }
0x3f7: {  	s7 =	sor.u32 $0x60, s10;
	v8 =	vld.idx.msk [tilespmem:v7+s26+$0x0], $0xffff  }
0x3f8: {  	s3 =	sadd.s32 $0x13F00, s18;
	s8 =	simm.s32 $0x1570;
	[tilespmem:s7+$0x0] =	vst.add.f32.msk $0xffff, v9  }
0x3f9: {  	s6 =	sor.u32 $0x10, s3;
	v9 =	vld.idx.msk [tilespmem:v5+s8+$0x0], $0xffff  }
0x3fa: {  	[tilespmem:s6+$0x0] =	vst.add.f32.msk $0xffff, v10;
	s6 =	simm.s32 $0x16A0  }
0x3fb: {  	s9 =	sor.u32 $0x60, s20;
	v10 =	vld.idx.msk [tilespmem:v6+s6+$0x0], $0xffff  }
0x3fc: {  	[tilespmem:s9+$0x0] =	vst.add.f32.msk $0xffff, v8  }
0x3fd: {  	s13 =	sor.u32 $0x70, s10;
	v8 =	vld.idx.msk [tilespmem:v7+s8+$0x0], $0xffff  }
0x3fe: {  	s14 =	simm.s32 $0x1580;
	[tilespmem:s13+$0x0] =	vst.add.f32.msk $0xffff, v9  }
0x3ff: {  	s12 =	simm.s32 $0x15D0;
	v9 =	vld.idx.msk [tilespmem:v5+s14+$0x0], $0xffff  }
0x400: {  	s18 =	sor.u32 $0x70, s20;
	s20 =	sor.u32 $0x20, s3;
	v11 =	vld.idx.msk [tilespmem:v4+s12+$0x0], $0xffff  }
0x401: {  	[tilespmem:s20+$0x0] =	vst.add.f32.msk $0xffff, v10  }
0x402: {  	[tilespmem:s18+$0x0] =	vst.add.f32.msk $0xffff, v8  }
0x403: {  	v8 =	vld.idx.msk [tilespmem:v7+s14+$0x0], $0xffff  }
0x404: {  	[tilespmem:s17+$0x13700] =	vst.add.f32.msk $0xffff, v9;
	s5 =	simm.s32 $0x1590  }
0x405: {  	s0 =	simm.s32 $0x16B0;
	v9 =	vld.idx.msk [tilespmem:v5+s5+$0x0], $0xffff  }
0x406: {  	v10 =	vld.idx.msk [tilespmem:v6+s0+$0x0], $0xffff;
	s21 =	sor.u32 $0x50, s15  }
0x407: {  	[tilespmem:s21+$0x0] =	vst.add.f32.msk $0xffff, v11  }
0x408: {  	s4 =	sadd.s32 $0x13700, s17;
	[tilespmem:s19+$0x13700] =	vst.add.f32.msk $0xffff, v8  }
0x409: {  	s23 =	sor.u32 $0x10, s4;
	v8 =	vld.idx.msk [tilespmem:v7+s5+$0x0], $0xffff  }
0x40a: {  	s24 =	simm.s32 $0x15A0;
	[tilespmem:s23+$0x0] =	vst.add.f32.msk $0xffff, v9  }
0x40b: {  	s22 =	simm.s32 $0x15E0;
	v9 =	vld.idx.msk [tilespmem:v5+s24+$0x0], $0xffff  }
0x40c: {  	s10 =	sadd.s32 $0x13700, s19;
	v11 =	vld.idx.msk [tilespmem:v4+s22+$0x0], $0xffff;
	s26 =	sor.u32 $0x30, s3  }
0x40d: {  	s25 =	sor.u32 $0x10, s10;
	[tilespmem:s26+$0x0] =	vst.add.f32.msk $0xffff, v10  }
0x40e: {  	[tilespmem:s25+$0x0] =	vst.add.f32.msk $0xffff, v8  }
0x40f: {  	s7 =	sor.u32 $0x20, s4;
	v8 =	vld.idx.msk [tilespmem:v7+s24+$0x0], $0xffff  }
0x410: {  	[tilespmem:s7+$0x0] =	vst.add.f32.msk $0xffff, v9;
	s7 =	simm.s32 $0x15B0  }
0x411: {  	s9 =	sor.u32 $0x60, s15;
	v9 =	vld.idx.msk [tilespmem:v5+s7+$0x0], $0xffff  }
0x412: {  	s11 =	simm.s32 $0x15F0;
	[tilespmem:s9+$0x0] =	vst.add.f32.msk $0xffff, v11  }
0x413: {  	s8 =	sor.u32 $0x20, s10;
	v11 =	vld.idx.msk [tilespmem:v4+s11+$0x0], $0xffff  }
0x414: {  	[tilespmem:s8+$0x0] =	vst.add.f32.msk $0xffff, v8  }
0x415: {  	s12 =	sor.u32 $0x30, s4;
	v8 =	vld.idx.msk [tilespmem:v7+s7+$0x0], $0xffff  }
0x416: {  	s13 =	simm.s32 $0x15C0;
	[tilespmem:s12+$0x0] =	vst.add.f32.msk $0xffff, v9  }
0x417: {  	s23 =	sor.u32 $0x70, s15;
	v9 =	vld.idx.msk [tilespmem:v5+s13+$0x0], $0xffff  }
0x418: {  	[tilespmem:s23+$0x0] =	vst.add.f32.msk $0xffff, v11;
	s5 =	simm.s32 $0x16C0  }
0x419: {  	s14 =	sor.u32 $0x30, s10;
	v10 =	vld.idx.msk [tilespmem:v6+s5+$0x0], $0xffff  }
0x41a: {  	[tilespmem:s14+$0x0] =	vst.add.f32.msk $0xffff, v8  }
0x41b: {  	s21 =	sor.u32 $0x40, s4;
	v8 =	vld.idx.msk [tilespmem:v7+s13+$0x0], $0xffff  }
0x41c: {  	[tilespmem:s21+$0x0] =	vst.add.f32.msk $0xffff, v9;
	s24 =	simm.s32 $0x1600  }
0x41d: {  	s20 =	sor.u32 $0x40, s3;
	v11 =	vld.idx.msk [tilespmem:v4+s24+$0x0], $0xffff  }
0x41e: {  	[tilespmem:s20+$0x0] =	vst.add.f32.msk $0xffff, v10;
	s8 =	simm.s32 $0x15D0  }
0x41f: {  	s22 =	sor.u32 $0x40, s10;
	v9 =	vld.idx.msk [tilespmem:v5+s8+$0x0], $0xffff  }
0x420: {  	[tilespmem:s22+$0x0] =	vst.add.f32.msk $0xffff, v8  }
0x421: {  	v8 =	vld.idx.msk [tilespmem:v7+s8+$0x0], $0xffff  }
0x422: {  	s7 =	simm.s32 $0x16D0;
	[tilespmem:s16+$0x13B00] =	vst.add.f32.msk $0xffff, v11  }
0x423: {  	s25 =	sor.u32 $0x50, s4;
	v10 =	vld.idx.msk [tilespmem:v6+s7+$0x0], $0xffff  }
0x424: {  	s26 =	simm.s32 $0x15E0;
	[tilespmem:s25+$0x0] =	vst.add.f32.msk $0xffff, v9  }
0x425: {  	s9 =	sor.u32 $0x50, s10;
	v9 =	vld.idx.msk [tilespmem:v5+s26+$0x0], $0xffff  }
0x426: {  	[tilespmem:s9+$0x0] =	vst.add.f32.msk $0xffff, v8  }
0x427: {  	s11 =	sor.u32 $0x50, s3;
	v8 =	vld.idx.msk [tilespmem:v7+s26+$0x0], $0xffff  }
0x428: {  	[tilespmem:s11+$0x0] =	vst.add.f32.msk $0xffff, v10;
	s11 =	simm.s32 $0x16E0  }
0x429: {  	s12 =	sor.u32 $0x60, s4;
	v10 =	vld.idx.msk [tilespmem:v6+s11+$0x0], $0xffff  }
0x42a: {  	s13 =	simm.s32 $0x15F0;
	[tilespmem:s12+$0x0] =	vst.add.f32.msk $0xffff, v9  }
0x42b: {  	s14 =	sor.u32 $0x60, s10;
	v9 =	vld.idx.msk [tilespmem:v5+s13+$0x0], $0xffff  }
0x42c: {  	[tilespmem:s14+$0x0] =	vst.add.f32.msk $0xffff, v8  }
0x42d: {  	s21 =	sor.u32 $0x60, s3;
	v8 =	vld.idx.msk [tilespmem:v7+s13+$0x0], $0xffff  }
0x42e: {  	s12 =	simm.s32 $0x16F0;
	[tilespmem:s21+$0x0] =	vst.add.f32.msk $0xffff, v10  }
0x42f: {  	s4 =	sor.u32 $0x70, s4;
	v6 =	vld.idx.msk [tilespmem:v6+s12+$0x0], $0xffff  }
0x430: {  	s18 =	simm.s32 $0x1600;
	[tilespmem:s4+$0x0] =	vst.add.f32.msk $0xffff, v9  }
0x431: {  	s20 =	sor.u32 $0x70, s10;
	v9 =	vld.idx.msk [tilespmem:v5+s18+$0x0], $0xffff  }
0x432: {  	[tilespmem:s20+$0x0] =	vst.add.f32.msk $0xffff, v8  }
0x433: {  	s9 =	simm.s32 $0x1610;
	v8 =	vld.idx.msk [tilespmem:v7+s18+$0x0], $0xffff  }
0x434: {  	s3 =	sor.u32 $0x70, s3;
	v11 =	vld.idx.msk [tilespmem:v4+s9+$0x0], $0xffff  }
0x435: {  	[tilespmem:s3+$0x0] =	vst.add.f32.msk $0xffff, v6  }
0x436: {  	[tilespmem:s17+$0x13B00] =	vst.add.f32.msk $0xffff, v9  }
0x437: {  	v9 =	vld.idx.msk [tilespmem:v5+s9+$0x0], $0xffff  }
0x438: {  	s4 =	sadd.s32 $0x13B00, s16;
	[tilespmem:s19+$0x13B00] =	vst.add.f32.msk $0xffff, v8  }
0x439: {  	s22 =	sor.u32 $0x10, s4;
	v8 =	vld.idx.msk [tilespmem:v7+s9+$0x0], $0xffff  }
0x43a: {  	s31 =	simm.s32 $0x1620;
	s10 =	sadd.s32 $0x13B00, s17;
	[tilespmem:s22+$0x0] =	vst.add.f32.msk $0xffff, v11  }
0x43b: {  	s23 =	sor.u32 $0x10, s10;
	v10 =	vld.idx.msk [tilespmem:v4+s31+$0x0], $0xffff  }
0x43c: {  	s15 =	sadd.s32 $0x13B00, s19;
	[tilespmem:s23+$0x0] =	vst.add.f32.msk $0xffff, v9  }
0x43d: {  	s24 =	sor.u32 $0x10, s15;
	v9 =	vld.idx.msk [tilespmem:v5+s31+$0x0], $0xffff  }
0x43e: {  	[tilespmem:s24+$0x0] =	vst.add.f32.msk $0xffff, v8  }
0x43f: {  	s25 =	sor.u32 $0x20, s4;
	v8 =	vld.idx.msk [tilespmem:v7+s31+$0x0], $0xffff  }
0x440: {  	s26 =	simm.s32 $0x1630;
	[tilespmem:s25+$0x0] =	vst.add.f32.msk $0xffff, v10  }
0x441: {  	v10 =	vld.idx.msk [tilespmem:v4+s26+$0x0], $0xffff;
	s9 =	sor.u32 $0x20, s10  }
0x442: {  	[tilespmem:s9+$0x0] =	vst.add.f32.msk $0xffff, v9  }
0x443: {  	s13 =	sor.u32 $0x20, s15;
	v9 =	vld.idx.msk [tilespmem:v5+s26+$0x0], $0xffff  }
0x444: {  	[tilespmem:s13+$0x0] =	vst.add.f32.msk $0xffff, v8  }
0x445: {  	s14 =	sor.u32 $0x30, s4;
	v8 =	vld.idx.msk [tilespmem:v7+s26+$0x0], $0xffff  }
0x446: {  	s20 =	simm.s32 $0x1640;
	[tilespmem:s14+$0x0] =	vst.add.f32.msk $0xffff, v10  }
0x447: {  	s21 =	sor.u32 $0x30, s10;
	v10 =	vld.idx.msk [tilespmem:v4+s20+$0x0], $0xffff  }
0x448: {  	[tilespmem:s21+$0x0] =	vst.add.f32.msk $0xffff, v9  }
0x449: {  	s22 =	sor.u32 $0x30, s15;
	v9 =	vld.idx.msk [tilespmem:v5+s20+$0x0], $0xffff  }
0x44a: {  	[tilespmem:s22+$0x0] =	vst.add.f32.msk $0xffff, v8  }
0x44b: {  	s23 =	sor.u32 $0x40, s4;
	v8 =	vld.idx.msk [tilespmem:v7+s20+$0x0], $0xffff  }
0x44c: {  	[tilespmem:s23+$0x0] =	vst.add.f32.msk $0xffff, v10;
	s24 =	simm.s32 $0x1650  }
0x44d: {  	s25 =	sor.u32 $0x40, s10;
	v10 =	vld.idx.msk [tilespmem:v4+s24+$0x0], $0xffff  }
0x44e: {  	[tilespmem:s25+$0x0] =	vst.add.f32.msk $0xffff, v9  }
0x44f: {  	s26 =	sor.u32 $0x40, s15;
	v9 =	vld.idx.msk [tilespmem:v5+s24+$0x0], $0xffff  }
0x450: {  	[tilespmem:s26+$0x0] =	vst.add.f32.msk $0xffff, v8  }
0x451: {  	s9 =	sor.u32 $0x50, s4;
	v8 =	vld.idx.msk [tilespmem:v7+s24+$0x0], $0xffff  }
0x452: {  	[tilespmem:s9+$0x0] =	vst.add.f32.msk $0xffff, v10;
	s13 =	simm.s32 $0x1660  }
0x453: {  	s14 =	sor.u32 $0x50, s10;
	v10 =	vld.idx.msk [tilespmem:v4+s13+$0x0], $0xffff  }
0x454: {  	[tilespmem:s14+$0x0] =	vst.add.f32.msk $0xffff, v9  }
0x455: {  	s20 =	sor.u32 $0x50, s15;
	v9 =	vld.idx.msk [tilespmem:v5+s13+$0x0], $0xffff  }
0x456: {  	[tilespmem:s20+$0x0] =	vst.add.f32.msk $0xffff, v8  }
0x457: {  	s21 =	sor.u32 $0x60, s4;
	v8 =	vld.idx.msk [tilespmem:v7+s13+$0x0], $0xffff  }
0x458: {  	[tilespmem:s21+$0x0] =	vst.add.f32.msk $0xffff, v10;
	s22 =	simm.s32 $0x1670  }
0x459: {  	s23 =	sor.u32 $0x60, s10;
	v10 =	vld.idx.msk [tilespmem:v4+s22+$0x0], $0xffff  }
0x45a: {  	[tilespmem:s23+$0x0] =	vst.add.f32.msk $0xffff, v9  }
0x45b: {  	s24 =	sor.u32 $0x60, s15;
	v9 =	vld.idx.msk [tilespmem:v5+s22+$0x0], $0xffff  }
0x45c: {  	[tilespmem:s24+$0x0] =	vst.add.f32.msk $0xffff, v8  }
0x45d: {  	s4 =	sor.u32 $0x70, s4;
	v8 =	vld.idx.msk [tilespmem:v7+s22+$0x0], $0xffff  }
0x45e: {  	[tilespmem:s4+$0x0] =	vst.add.f32.msk $0xffff, v10  }
0x45f: {  	s25 =	sor.u32 $0x70, s10;
	v10 =	vld.idx.msk [tilespmem:v4+s2+$0x0], $0xffff  }
0x460: {  	[tilespmem:s25+$0x0] =	vst.add.f32.msk $0xffff, v9  }
0x461: {  	s26 =	sor.u32 $0x70, s15;
	v9 =	vld.idx.msk [tilespmem:v5+s2+$0x0], $0xffff  }
0x462: {  	[tilespmem:s26+$0x0] =	vst.add.f32.msk $0xffff, v8  }
0x463: {  	v8 =	vld.idx.msk [tilespmem:v7+s2+$0x0], $0xffff  }
0x464: {  	[tilespmem:s16+$0x13F00] =	vst.add.f32.msk $0xffff, v10  }
0x465: {  	v10 =	vld.idx.msk [tilespmem:v4+s1+$0x0], $0xffff  }
0x466: {  	[tilespmem:s17+$0x13F00] =	vst.add.f32.msk $0xffff, v9  }
0x467: {  	v9 =	vld.idx.msk [tilespmem:v5+s1+$0x0], $0xffff  }
0x468: {  	s4 =	sadd.s32 $0x13F00, s16;
	[tilespmem:s19+$0x13F00] =	vst.add.f32.msk $0xffff, v8  }
0x469: {  	s8 =	sor.u32 $0x10, s4;
	v8 =	vld.idx.msk [tilespmem:v7+s1+$0x0], $0xffff  }
0x46a: {  	s10 =	sadd.s32 $0x13F00, s17;
	[tilespmem:s8+$0x0] =	vst.add.f32.msk $0xffff, v10  }
0x46b: {  	s9 =	sor.u32 $0x10, s10;
	v10 =	vld.idx.msk [tilespmem:v4+s6+$0x0], $0xffff  }
0x46c: {  	s15 =	sadd.s32 $0x13F00, s19;
	[tilespmem:s9+$0x0] =	vst.add.f32.msk $0xffff, v9  }
0x46d: {  	s13 =	sor.u32 $0x10, s15;
	v9 =	vld.idx.msk [tilespmem:v5+s6+$0x0], $0xffff  }
0x46e: {  	[tilespmem:s13+$0x0] =	vst.add.f32.msk $0xffff, v8  }
0x46f: {  	s14 =	sor.u32 $0x20, s4;
	v8 =	vld.idx.msk [tilespmem:v7+s6+$0x0], $0xffff  }
0x470: {  	[tilespmem:s14+$0x0] =	vst.add.f32.msk $0xffff, v10  }
0x471: {  	s17 =	sor.u32 $0x20, s10;
	v10 =	vld.idx.msk [tilespmem:v4+s0+$0x0], $0xffff  }
0x472: {  	[tilespmem:s17+$0x0] =	vst.add.f32.msk $0xffff, v9  }
0x473: {  	s18 =	sor.u32 $0x20, s15;
	v9 =	vld.idx.msk [tilespmem:v5+s0+$0x0], $0xffff  }
0x474: {  	[tilespmem:s18+$0x0] =	vst.add.f32.msk $0xffff, v8  }
0x475: {  	s19 =	sor.u32 $0x30, s4;
	v8 =	vld.idx.msk [tilespmem:v7+s0+$0x0], $0xffff  }
0x476: {  	[tilespmem:s19+$0x0] =	vst.add.f32.msk $0xffff, v10  }
0x477: {  	s20 =	sor.u32 $0x30, s10;
	v10 =	vld.idx.msk [tilespmem:v4+s5+$0x0], $0xffff  }
0x478: {  	[tilespmem:s20+$0x0] =	vst.add.f32.msk $0xffff, v9  }
0x479: {  	s21 =	sor.u32 $0x30, s15;
	v9 =	vld.idx.msk [tilespmem:v5+s5+$0x0], $0xffff  }
0x47a: {  	[tilespmem:s21+$0x0] =	vst.add.f32.msk $0xffff, v8  }
0x47b: {  	s22 =	sor.u32 $0x40, s4;
	v8 =	vld.idx.msk [tilespmem:v7+s5+$0x0], $0xffff  }
0x47c: {  	[tilespmem:s22+$0x0] =	vst.add.f32.msk $0xffff, v10  }
0x47d: {  	s23 =	sor.u32 $0x40, s10;
	v10 =	vld.idx.msk [tilespmem:v4+s7+$0x0], $0xffff  }
0x47e: {  	[tilespmem:s23+$0x0] =	vst.add.f32.msk $0xffff, v9  }
0x47f: {  	s24 =	sor.u32 $0x40, s15;
	v9 =	vld.idx.msk [tilespmem:v5+s7+$0x0], $0xffff  }
0x480: {  	[tilespmem:s24+$0x0] =	vst.add.f32.msk $0xffff, v8  }
0x481: {  	s25 =	sor.u32 $0x50, s4;
	v8 =	vld.idx.msk [tilespmem:v7+s7+$0x0], $0xffff  }
0x482: {  	[tilespmem:s25+$0x0] =	vst.add.f32.msk $0xffff, v10  }
0x483: {  	s26 =	sor.u32 $0x50, s10;
	v10 =	vld.idx.msk [tilespmem:v4+s11+$0x0], $0xffff  }
0x484: {  	[tilespmem:s26+$0x0] =	vst.add.f32.msk $0xffff, v9  }
0x485: {  	s0 =	sor.u32 $0x50, s15;
	v9 =	vld.idx.msk [tilespmem:v5+s11+$0x0], $0xffff  }
0x486: {  	[tilespmem:s0+$0x0] =	vst.add.f32.msk $0xffff, v8  }
0x487: {  	s1 =	sor.u32 $0x60, s4;
	v8 =	vld.idx.msk [tilespmem:v7+s11+$0x0], $0xffff  }
0x488: {  	[tilespmem:s1+$0x0] =	vst.add.f32.msk $0xffff, v10  }
0x489: {  	s2 =	sor.u32 $0x60, s10;
	v4 =	vld.idx.msk [tilespmem:v4+s12+$0x0], $0xffff  }
0x48a: {  	[tilespmem:s2+$0x0] =	vst.add.f32.msk $0xffff, v9  }
0x48b: {  	s5 =	sor.u32 $0x60, s15;
	v5 =	vld.idx.msk [tilespmem:v5+s12+$0x0], $0xffff  }
0x48c: {  	[tilespmem:s5+$0x0] =	vst.add.f32.msk $0xffff, v8  }
0x48d: {  	v7 =	vld.idx.msk [tilespmem:v7+s12+$0x0], $0xffff;
	s7 =	rddreg [dreg:$0x9]  }
0x48e: {  	s8 =	rddreg [dreg:$0x10]  }
0x48f: {  	s6 =	sor.u32 $0x70, s4;
	s4 =	sadd.s32 s7, s8  }
0x490: {  	s9 =	sor.u32 $0x70, s10;
	[tilespmem:s6+$0x0] =	vst.add.f32.msk $0xffff, v4;
	s4 =	smul.u32 $0x600, s4  }
0x491: {  	s14 =	simm.s32 $0x5;
	s10 =	sor.u32 $0x70, s15;
	s11 =	rddreg [dreg:$0x2];
	[tilespmem:s9+$0x0] =	vst.add.f32.msk $0xffff, v5  }
0x492: {  	s13 =	simm.s32 $0x12B00;
	s12 =	simm.s32 $0x0;
	s3 =	sadd.s32 s11, s4;
	[tilespmem:s10+$0x0] =	vst.add.f32.msk $0xffff, v7  }
0x493: {  	[hbm4b:s3+s12] =	stream.linear.scatter [tilespmem:s13], [sflag:$0x5], $0x3000, $0x38;
	[tilespmem:$0x18B00] =	vst v63  }
0x494: {  	_ =	swait.ge [sflag:s14], $0x3000  }
0x495: {  	[sflag:s14] =	ssyncset.done $0x0;
	s15 =	rddreg [dreg:$0xc]  }
0x496: {  	s3 =	rddreg [dreg:$0xe];
	[sflag:s14] =	ssyncadd.s32 $0xFFFFD000;
	p0 =	sgt.u32 s15, $0x31  }
0x497: {  	v4 =	vld @!p0 [tilespmem:s3+$0x40];
	_ =	sdelay $0x4  }
0x498: {  	v5 =	vshrl.u32 @!p0 v4, $0x3  }
0x499: {  	v5 =	vmul.u32 @!p0 $0x30, v5  }
0x49a: {  	v6 =	vlaneseq.u32 @!p0;
	v4 =	vand.u32 @!p0 $0x7, v4  }
0x49b: {  	v7 =	vshrl.u32 @!p0 v6, $0x3;
	v4 =	vor.u32 @!p0 v4, v5;
	v5 =	vand.u32 @!p0 $0x7, v6  }
0x49c: {  	v7 =	vmul.u32 @!p0 $0x8, v7;
	v5 =	vperm.xlane @!p0 v4, v5;
	_ =	sdelay $0x1  }
0x49d: {  	v5 =	vadd.s32 @!p0 v7, v5;
	_ =	sdelay $0x2  }
0x49e: {  	v6 =	vor.u32 @!p0 $0x8, v6  }
0x49f: {  	vm1 =	vmmov @!p0 $0xffff;
	s3 =	simm.s32 @!p0 $0x0;
	s4 =	simm.s32 @!p0 $0x12B00;
	s10 =	rddreg [dreg:$0x1];
	v4 =	vperm.xlane @!p0 v4, v6  }
0x4a0: {  	[tilespmem:s4], [sflag:$0x2] =	stream.indirect_vreg.gather @!p0 [hbm4b:s10+s3], $0x80, v5, vm1, $0xb8;
	[tilespmem:$0x18B00] =	vst v63  }
0x4a1: {  	s15 =	rddreg [dreg:$0x7];
	v4 =	vadd.s32 @!p0 v7, v4;
	s4 =	simm.s32 @!p0 $0x13300  }
0x4a2: {  	[tilespmem:s4], [sflag:$0x2] =	stream.indirect_vreg.gather @!p0 [hbm4b:s15+s3], $0x80, v5, vm1, $0xb8;
	[tilespmem:$0x18B00] =	vst v63  }
0x4a3: {  	s16 =	rddreg [dreg:$0x8];
	s4 =	simm.s32 @!p0 $0x13B00  }
0x4a4: {  	[tilespmem:s4], [sflag:$0x2] =	stream.indirect_vreg.gather @!p0 [hbm4b:s16+s3], $0x80, v5, vm1, $0xb8;
	[tilespmem:$0x18B00] =	vst v63  }
0x4a5: {  	s4 =	simm.s32 @!p0 $0x14300  }
0x4a6: {  	[tilespmem:s4], [sflag:$0x2] =	stream.indirect_vreg.gather @!p0 [hbm4b:s10+s3], $0x80, v4, vm1, $0xb8;
	[tilespmem:$0x18B00] =	vst v63  }
0x4a7: {  	s4 =	simm.s32 @!p0 $0x14B00  }
0x4a8: {  	[tilespmem:s4], [sflag:$0x2] =	stream.indirect_vreg.gather @!p0 [hbm4b:s15+s3], $0x80, v4, vm1, $0xb8;
	[tilespmem:$0x18B00] =	vst v63  }
0x4a9: {  	s4 =	simm.s32 @!p0 $0x15300  }
0x4aa: {  	[tilespmem:s4], [sflag:$0x2] =	stream.indirect_vreg.gather @!p0 [hbm4b:s16+s3], $0x80, v4, vm1, $0xb8;
	[tilespmem:$0x18B00] =	vst v63  }
0x4ab: {  	s16 =	simm.s32 $0x3  }
0x4ac: {  	_ =	swait.ge [sflag:s16], $0x3000  }
0x4ad: {  	s17 =	rddreg [dreg:$0xd]  }
0x4ae: {  	[sflag:s16] =	ssyncset.done $0x0;
	s3 =	sshll.u32 s17, $0x4  }
0x4af: {  	[sflag:s16] =	ssyncadd.s32 $0xFFFFD000;
	s3 =	sand.u32 $0x3FFFFFF0, s3  }
0x4b0: {  	v8 =	vld [tilespmem:s3+$0xA00];
	_ =	sdelay $0x2  }
0x4b1: {  	s18 =	simm.s32 $0x0  }
0x4b2: {  	v4 =	vmov s18  }
0x4b3: {  	v4 =	vperm.xlane v8, v4;
	_ =	sdelay $0x1  }
0x4b4: {  	v4 =	vmul.u32 $0x300, v4;
	_ =	sdelay $0x1  }
0x4b5: {  	v4 =	vor.u32 v0, v4;
	_ =	sdelay $0x3  }
0x4b6: {  	s20 =	simm.s32 $0x1400  }
0x4b7: {  	s19 =	simm.s32 $0x0;
	v5 =	vld.idx.msk [tilespmem:v4+s20+$0x0], $0xffff  }
0x4b8: {  	s4 =	smul.u32 $0x6000, s19;
	_ =	sdelay $0x1  }
0x4b9: {  	s4 =	sshra.s32 s4, $0x2;
	s3 =	sand.u32 $0x380, s18  }
0x4ba: {  	s18 =	sor.u32 s3, s4  }
0x4bb: {  	s23 =	simm.s32 $0x1410;
	[tilespmem:s18+$0x15B00] =	vst.add.f32.msk $0xffff, v5  }
0x4bc: {  	v5 =	vld.idx.msk [tilespmem:v4+s23+$0x0], $0xffff;
	_ =	sdelay $0x2  }
0x4bd: {  	s4 =	sadd.s32 $0x15B00, s18  }
0x4be: {  	s21 =	sor.u32 $0x10, s4  }
0x4bf: {  	s22 =	simm.s32 $0x1420;
	[tilespmem:s21+$0x0] =	vst.add.f32.msk $0xffff, v5  }
0x4c0: {  	v5 =	vld.idx.msk [tilespmem:v4+s22+$0x0], $0xffff;
	_ =	sdelay $0x3  }
0x4c1: {  	s25 =	sor.u32 $0x20, s4  }
0x4c2: {  	s26 =	simm.s32 $0x1430;
	[tilespmem:s25+$0x0] =	vst.add.f32.msk $0xffff, v5  }
0x4c3: {  	v5 =	vld.idx.msk [tilespmem:v4+s26+$0x0], $0xffff;
	_ =	sdelay $0x3  }
0x4c4: {  	s7 =	sor.u32 $0x30, s4  }
0x4c5: {  	s14 =	simm.s32 $0x1440;
	[tilespmem:s7+$0x0] =	vst.add.f32.msk $0xffff, v5  }
0x4c6: {  	v5 =	vld.idx.msk [tilespmem:v4+s14+$0x0], $0xffff;
	_ =	sdelay $0x3  }
0x4c7: {  	s8 =	sor.u32 $0x40, s4  }
0x4c8: {  	s13 =	simm.s32 $0x1450;
	[tilespmem:s8+$0x0] =	vst.add.f32.msk $0xffff, v5  }
0x4c9: {  	v5 =	vld.idx.msk [tilespmem:v4+s13+$0x0], $0xffff;
	_ =	sdelay $0x3  }
0x4ca: {  	s9 =	sor.u32 $0x50, s4  }
0x4cb: {  	s12 =	simm.s32 $0x1460;
	[tilespmem:s9+$0x0] =	vst.add.f32.msk $0xffff, v5  }
0x4cc: {  	v5 =	vld.idx.msk [tilespmem:v4+s12+$0x0], $0xffff;
	_ =	sdelay $0x3  }
0x4cd: {  	s10 =	sor.u32 $0x60, s4  }
0x4ce: {  	s8 =	simm.s32 $0x1470;
	[tilespmem:s10+$0x0] =	vst.add.f32.msk $0xffff, v5  }
0x4cf: {  	v5 =	vld.idx.msk [tilespmem:v4+s8+$0x0], $0xffff;
	_ =	sdelay $0x3  }
0x4d0: {  	s11 =	sor.u32 $0x70, s4  }
0x4d1: {  	s9 =	simm.s32 $0x1480;
	[tilespmem:s11+$0x0] =	vst.add.f32.msk $0xffff, v5  }
0x4d2: {  	v5 =	vld.idx.msk [tilespmem:v4+s9+$0x0], $0xffff;
	_ =	sdelay $0x4  }
0x4d3: {  	s7 =	simm.s32 $0x1490;
	[tilespmem:s4+$0x400] =	vst.add.f32.msk $0xffff, v5  }
0x4d4: {  	v5 =	vld.idx.msk [tilespmem:v4+s7+$0x0], $0xffff;
	_ =	sdelay $0x4  }
0x4d5: {  	s2 =	simm.s32 $0x14A0;
	[tilespmem:s4+$0x410] =	vst.add.f32.msk $0xffff, v5  }
0x4d6: {  	v5 =	vld.idx.msk [tilespmem:v4+s2+$0x0], $0xffff;
	_ =	sdelay $0x4  }
0x4d7: {  	s1 =	simm.s32 $0x14B0;
	[tilespmem:s4+$0x420] =	vst.add.f32.msk $0xffff, v5  }
0x4d8: {  	v5 =	vld.idx.msk [tilespmem:v4+s1+$0x0], $0xffff;
	_ =	sdelay $0x4  }
0x4d9: {  	s0 =	simm.s32 $0x14C0;
	s16 =	simm.s32 $0x1;
	[tilespmem:s4+$0x430] =	vst.add.f32.msk $0xffff, v5  }
0x4da: {  	v5 =	vmov s16;
	v6 =	vld.idx.msk [tilespmem:v4+s0+$0x0], $0xffff  }
0x4db: {  	v5 =	vperm.xlane v8, v5;
	_ =	sdelay $0x1  }
0x4dc: {  	v5 =	vmul.u32 $0x300, v5;
	_ =	sdelay $0x1  }
0x4dd: {  	s5 =	simm.s32 $0x14D0;
	v5 =	vor.u32 v0, v5;
	[tilespmem:s4+$0x440] =	vst.add.f32.msk $0xffff, v6  }
0x4de: {  	v6 =	vld.idx.msk [tilespmem:v4+s5+$0x0], $0xffff;
	_ =	sdelay $0x3  }
0x4df: {  	s17 =	simm.s32 $0x0;
	v7 =	vld.idx.msk [tilespmem:v5+s20+$0x0], $0xffff  }
0x4e0: {  	s3 =	smul.u32 $0x6000, s17;
	s17 =	simm.s32 $0x14E0;
	[tilespmem:s4+$0x450] =	vst.add.f32.msk $0xffff, v6  }
0x4e1: {  	s19 =	simm.s32 $0x80;
	v6 =	vld.idx.msk [tilespmem:v4+s17+$0x0], $0xffff  }
0x4e2: {  	s3 =	sshra.s32 s3, $0x2;
	s10 =	sand.u32 $0x380, s19  }
0x4e3: {  	s16 =	sor.u32 s10, s3  }
0x4e4: {  	[tilespmem:s16+$0x15B00] =	vst.add.f32.msk $0xffff, v7  }
0x4e5: {  	v7 =	vld.idx.msk [tilespmem:v5+s23+$0x0], $0xffff  }
0x4e6: {  	s19 =	simm.s32 $0x14F0;
	[tilespmem:s4+$0x460] =	vst.add.f32.msk $0xffff, v6  }
0x4e7: {  	v6 =	vld.idx.msk [tilespmem:v4+s19+$0x0], $0xffff  }
0x4e8: {  	s3 =	sadd.s32 $0x15B00, s16  }
0x4e9: {  	s21 =	sor.u32 $0x10, s3  }
0x4ea: {  	s24 =	simm.s32 $0x1420;
	[tilespmem:s21+$0x0] =	vst.add.f32.msk $0xffff, v7  }
0x4eb: {  	v7 =	vld.idx.msk [tilespmem:v5+s24+$0x0], $0xffff  }
0x4ec: {  	s6 =	simm.s32 $0x1500;
	[tilespmem:s4+$0x470] =	vst.add.f32.msk $0xffff, v6  }
0x4ed: {  	v6 =	vld.idx.msk [tilespmem:v4+s6+$0x0], $0xffff;
	_ =	sdelay $0x1  }
0x4ee: {  	s22 =	sor.u32 $0x20, s3  }
0x4ef: {  	[tilespmem:s22+$0x0] =	vst.add.f32.msk $0xffff, v7  }
0x4f0: {  	v7 =	vld.idx.msk [tilespmem:v5+s26+$0x0], $0xffff  }
0x4f1: {  	s11 =	simm.s32 $0x1510;
	[tilespmem:s18+$0x16300] =	vst.add.f32.msk $0xffff, v6  }
0x4f2: {  	v6 =	vld.idx.msk [tilespmem:v4+s11+$0x0], $0xffff;
	_ =	sdelay $0x1  }
0x4f3: {  	s24 =	sor.u32 $0x30, s3  }
0x4f4: {  	s4 =	sadd.s32 $0x16300, s18;
	[tilespmem:s24+$0x0] =	vst.add.f32.msk $0xffff, v7  }
0x4f5: {  	s25 =	sor.u32 $0x10, s4;
	v7 =	vld.idx.msk [tilespmem:v5+s14+$0x0], $0xffff  }
0x4f6: {  	s14 =	simm.s32 $0x1520;
	[tilespmem:s25+$0x0] =	vst.add.f32.msk $0xffff, v6  }
0x4f7: {  	v6 =	vld.idx.msk [tilespmem:v4+s14+$0x0], $0xffff;
	_ =	sdelay $0x1  }
0x4f8: {  	s26 =	sor.u32 $0x40, s3  }
0x4f9: {  	[tilespmem:s26+$0x0] =	vst.add.f32.msk $0xffff, v7  }
0x4fa: {  	s15 =	sor.u32 $0x20, s4;
	v7 =	vld.idx.msk [tilespmem:v5+s13+$0x0], $0xffff  }
0x4fb: {  	s13 =	simm.s32 $0x1530;
	[tilespmem:s15+$0x0] =	vst.add.f32.msk $0xffff, v6  }
0x4fc: {  	v6 =	vld.idx.msk [tilespmem:v4+s13+$0x0], $0xffff;
	_ =	sdelay $0x1  }
0x4fd: {  	s25 =	sor.u32 $0x50, s3  }
0x4fe: {  	[tilespmem:s25+$0x0] =	vst.add.f32.msk $0xffff, v7  }
0x4ff: {  	s15 =	sor.u32 $0x30, s4;
	v7 =	vld.idx.msk [tilespmem:v5+s12+$0x0], $0xffff  }
0x500: {  	s12 =	simm.s32 $0x1540;
	[tilespmem:s15+$0x0] =	vst.add.f32.msk $0xffff, v6  }
0x501: {  	v6 =	vld.idx.msk [tilespmem:v4+s12+$0x0], $0xffff;
	_ =	sdelay $0x1  }
0x502: {  	s25 =	sor.u32 $0x60, s3  }
0x503: {  	[tilespmem:s25+$0x0] =	vst.add.f32.msk $0xffff, v7  }
0x504: {  	s15 =	sor.u32 $0x40, s4;
	v7 =	vld.idx.msk [tilespmem:v5+s8+$0x0], $0xffff  }
0x505: {  	s8 =	simm.s32 $0x1550;
	[tilespmem:s15+$0x0] =	vst.add.f32.msk $0xffff, v6  }
0x506: {  	v6 =	vld.idx.msk [tilespmem:v4+s8+$0x0], $0xffff;
	_ =	sdelay $0x1  }
0x507: {  	s25 =	sor.u32 $0x70, s3  }
0x508: {  	[tilespmem:s25+$0x0] =	vst.add.f32.msk $0xffff, v7  }
0x509: {  	s15 =	sor.u32 $0x50, s4;
	v7 =	vld.idx.msk [tilespmem:v5+s9+$0x0], $0xffff  }
0x50a: {  	s9 =	simm.s32 $0x1560;
	[tilespmem:s15+$0x0] =	vst.add.f32.msk $0xffff, v6  }
0x50b: {  	v6 =	vld.idx.msk [tilespmem:v4+s9+$0x0], $0xffff;
	_ =	sdelay $0x2  }
0x50c: {  	[tilespmem:s3+$0x400] =	vst.add.f32.msk $0xffff, v7  }
0x50d: {  	s25 =	sor.u32 $0x60, s4;
	v7 =	vld.idx.msk [tilespmem:v5+s7+$0x0], $0xffff  }
0x50e: {  	s7 =	simm.s32 $0x1570;
	[tilespmem:s25+$0x0] =	vst.add.f32.msk $0xffff, v6  }
0x50f: {  	v6 =	vld.idx.msk [tilespmem:v4+s7+$0x0], $0xffff;
	_ =	sdelay $0x2  }
0x510: {  	[tilespmem:s3+$0x410] =	vst.add.f32.msk $0xffff, v7  }
0x511: {  	s4 =	sor.u32 $0x70, s4;
	v7 =	vld.idx.msk [tilespmem:v5+s2+$0x0], $0xffff  }
0x512: {  	s25 =	simm.s32 $0x1580;
	[tilespmem:s4+$0x0] =	vst.add.f32.msk $0xffff, v6  }
0x513: {  	v6 =	vld.idx.msk [tilespmem:v4+s25+$0x0], $0xffff;
	_ =	sdelay $0x2  }
0x514: {  	[tilespmem:s3+$0x420] =	vst.add.f32.msk $0xffff, v7  }
0x515: {  	v7 =	vld.idx.msk [tilespmem:v5+s1+$0x0], $0xffff  }
0x516: {  	s30 =	simm.s32 $0x1590;
	[tilespmem:s18+$0x16700] =	vst.add.f32.msk $0xffff, v6  }
0x517: {  	v6 =	vld.idx.msk [tilespmem:v4+s30+$0x0], $0xffff;
	_ =	sdelay $0x1  }
0x518: {  	s1 =	simm.s32 $0x2  }
0x519: {  	s10 =	sadd.s32 $0x16700, s18;
	[tilespmem:s3+$0x430] =	vst.add.f32.msk $0xffff, v7;
	v7 =	vmov s1  }
0x51a: {  	s2 =	sor.u32 $0x10, s10;
	v9 =	vld.idx.msk [tilespmem:v5+s0+$0x0], $0xffff;
	v7 =	vperm.xlane v8, v7  }
0x51b: {  	s15 =	simm.s32 $0x15A0;
	[tilespmem:s2+$0x0] =	vst.add.f32.msk $0xffff, v6  }
0x51c: {  	v6 =	vmul.u32 $0x300, v7;
	v10 =	vld.idx.msk [tilespmem:v4+s15+$0x0], $0xffff;
	_ =	sdelay $0x1  }
0x51d: {  	v6 =	vor.u32 v0, v6  }
0x51e: {  	[tilespmem:s3+$0x440] =	vst.add.f32.msk $0xffff, v9  }
0x51f: {  	s0 =	sor.u32 $0x20, s10;
	v7 =	vld.idx.msk [tilespmem:v5+s5+$0x0], $0xffff  }
0x520: {  	s1 =	simm.s32 $0x15B0;
	[tilespmem:s0+$0x0] =	vst.add.f32.msk $0xffff, v10  }
0x521: {  	v9 =	vld.idx.msk [tilespmem:v4+s1+$0x0], $0xffff  }
0x522: {  	s2 =	simm.s32 $0x0;
	v10 =	vld.idx.msk [tilespmem:v6+s20+$0x0], $0xffff  }
0x523: {  	s4 =	smul.u32 $0x6000, s2  }
0x524: {  	s5 =	simm.s32 $0x100;
	[tilespmem:s3+$0x450] =	vst.add.f32.msk $0xffff, v7  }
0x525: {  	s4 =	sshra.s32 s4, $0x2;
	s15 =	sand.u32 $0x380, s5;
	s0 =	sor.u32 $0x30, s10;
	v7 =	vld.idx.msk [tilespmem:v5+s17+$0x0], $0xffff  }
0x526: {  	s17 =	sor.u32 s15, s4;
	[tilespmem:s0+$0x0] =	vst.add.f32.msk $0xffff, v9  }
0x527: {  	s1 =	simm.s32 $0x15C0;
	[tilespmem:s17+$0x15B00] =	vst.add.f32.msk $0xffff, v10  }
0x528: {  	v9 =	vld.idx.msk [tilespmem:v4+s1+$0x0], $0xffff  }
0x529: {  	v10 =	vld.idx.msk [tilespmem:v6+s23+$0x0], $0xffff;
	_ =	sdelay $0x1  }
0x52a: {  	[tilespmem:s3+$0x460] =	vst.add.f32.msk $0xffff, v7  }
0x52b: {  	s2 =	sor.u32 $0x40, s10;
	v7 =	vld.idx.msk [tilespmem:v5+s19+$0x0], $0xffff;
	s19 =	sadd.s32 $0x15B00, s17  }
0x52c: {  	s5 =	sor.u32 $0x10, s19;
	[tilespmem:s2+$0x0] =	vst.add.f32.msk $0xffff, v9  }
0x52d: {  	s15 =	simm.s32 $0x15D0;
	[tilespmem:s5+$0x0] =	vst.add.f32.msk $0xffff, v10  }
0x52e: {  	s21 =	simm.s32 $0x1420;
	v9 =	vld.idx.msk [tilespmem:v4+s15+$0x0], $0xffff  }
0x52f: {  	v10 =	vld.idx.msk [tilespmem:v6+s21+$0x0], $0xffff;
	_ =	sdelay $0x1  }
0x530: {  	[tilespmem:s3+$0x470] =	vst.add.f32.msk $0xffff, v7  }
0x531: {  	s0 =	sor.u32 $0x50, s10;
	v7 =	vld.idx.msk [tilespmem:v5+s6+$0x0], $0xffff  }
0x532: {  	s1 =	sor.u32 $0x20, s19;
	[tilespmem:s0+$0x0] =	vst.add.f32.msk $0xffff, v9  }
0x533: {  	s2 =	simm.s32 $0x15E0;
	[tilespmem:s1+$0x0] =	vst.add.f32.msk $0xffff, v10  }
0x534: {  	s22 =	simm.s32 $0x1430;
	v9 =	vld.idx.msk [tilespmem:v4+s2+$0x0], $0xffff  }
0x535: {  	v10 =	vld.idx.msk [tilespmem:v6+s22+$0x0], $0xffff;
	_ =	sdelay $0x1  }
0x536: {  	[tilespmem:s16+$0x16300] =	vst.add.f32.msk $0xffff, v7  }
0x537: {  	s4 =	sor.u32 $0x60, s10;
	v7 =	vld.idx.msk [tilespmem:v5+s11+$0x0], $0xffff  }
0x538: {  	s5 =	sor.u32 $0x30, s19;
	[tilespmem:s4+$0x0] =	vst.add.f32.msk $0xffff, v9  }
0x539: {  	s6 =	simm.s32 $0x15F0;
	[tilespmem:s5+$0x0] =	vst.add.f32.msk $0xffff, v10  }
0x53a: {  	s24 =	simm.s32 $0x1440;
	v9 =	vld.idx.msk [tilespmem:v4+s6+$0x0], $0xffff  }
0x53b: {  	s3 =	sadd.s32 $0x16300, s16;
	v10 =	vld.idx.msk [tilespmem:v6+s24+$0x0], $0xffff  }
0x53c: {  	s11 =	sor.u32 $0x10, s3  }
0x53d: {  	[tilespmem:s11+$0x0] =	vst.add.f32.msk $0xffff, v7  }
0x53e: {  	s15 =	sor.u32 $0x70, s10;
	v7 =	vld.idx.msk [tilespmem:v5+s14+$0x0], $0xffff  }
0x53f: {  	s21 =	sor.u32 $0x40, s19;
	[tilespmem:s15+$0x0] =	vst.add.f32.msk $0xffff, v9  }
0x540: {  	s22 =	simm.s32 $0x1600;
	[tilespmem:s21+$0x0] =	vst.add.f32.msk $0xffff, v10  }
0x541: {  	s26 =	simm.s32 $0x1450;
	v9 =	vld.idx.msk [tilespmem:v4+s22+$0x0], $0xffff  }
0x542: {  	v10 =	vld.idx.msk [tilespmem:v6+s26+$0x0], $0xffff  }
0x543: {  	s24 =	sor.u32 $0x20, s3  }
0x544: {  	[tilespmem:s24+$0x0] =	vst.add.f32.msk $0xffff, v7  }
0x545: {  	v7 =	vld.idx.msk [tilespmem:v5+s13+$0x0], $0xffff  }
0x546: {  	s26 =	sor.u32 $0x50, s19;
	[tilespmem:s18+$0x16B00] =	vst.add.f32.msk $0xffff, v9  }
0x547: {  	s1 =	simm.s32 $0x1610;
	[tilespmem:s26+$0x0] =	vst.add.f32.msk $0xffff, v10  }
0x548: {  	s28 =	simm.s32 $0x1460;
	v9 =	vld.idx.msk [tilespmem:v4+s1+$0x0], $0xffff  }
0x549: {  	v10 =	vld.idx.msk [tilespmem:v6+s28+$0x0], $0xffff  }
0x54a: {  	s5 =	sor.u32 $0x30, s3  }
0x54b: {  	s4 =	sadd.s32 $0x16B00, s18;
	[tilespmem:s5+$0x0] =	vst.add.f32.msk $0xffff, v7  }
0x54c: {  	s2 =	simm.s32 $0x3;
	s6 =	sor.u32 $0x10, s4;
	v11 =	vld.idx.msk [tilespmem:v5+s12+$0x0], $0xffff  }
0x54d: {  	s11 =	sor.u32 $0x60, s19;
	v7 =	vmov s2;
	[tilespmem:s6+$0x0] =	vst.add.f32.msk $0xffff, v9  }
0x54e: {  	v7 =	vperm.xlane v8, v7;
	[tilespmem:s11+$0x0] =	vst.add.f32.msk $0xffff, v10  }
0x54f: {  	s29 =	simm.s32 $0x1470;
	v9 =	vld.idx.msk [tilespmem:v4+s31+$0x0], $0xffff  }
0x550: {  	v7 =	vmul.u32 $0x300, v7;
	v10 =	vld.idx.msk [tilespmem:v6+s29+$0x0], $0xffff  }
0x551: {  	s12 =	sor.u32 $0x40, s3  }
0x552: {  	v7 =	vor.u32 v0, v7;
	[tilespmem:s12+$0x0] =	vst.add.f32.msk $0xffff, v11  }
0x553: {  	s13 =	sor.u32 $0x20, s4;
	v11 =	vld.idx.msk [tilespmem:v5+s8+$0x0], $0xffff  }
0x554: {  	s21 =	sor.u32 $0x70, s19;
	[tilespmem:s13+$0x0] =	vst.add.f32.msk $0xffff, v9  }
0x555: {  	s15 =	simm.s32 $0x1630;
	[tilespmem:s21+$0x0] =	vst.add.f32.msk $0xffff, v10  }
0x556: {  	v9 =	vld.idx.msk [tilespmem:v4+s15+$0x0], $0xffff  }
0x557: {  	s24 =	simm.s32 $0x0;
	s26 =	simm.s32 $0x1480;
	v12 =	vld.idx.msk [tilespmem:v7+s20+$0x0], $0xffff  }
0x558: {  	s0 =	sor.u32 $0x50, s3;
	s10 =	smul.u32 $0x6000, s24;
	v10 =	vld.idx.msk [tilespmem:v6+s26+$0x0], $0xffff  }
0x559: {  	s21 =	simm.s32 $0x180;
	[tilespmem:s0+$0x0] =	vst.add.f32.msk $0xffff, v11  }
0x55a: {  	s10 =	sshra.s32 s10, $0x2;
	s2 =	sor.u32 $0x30, s4;
	s5 =	sand.u32 $0x380, s21;
	v11 =	vld.idx.msk [tilespmem:v5+s9+$0x0], $0xffff  }
0x55b: {  	s20 =	sor.u32 s5, s10;
	[tilespmem:s2+$0x0] =	vst.add.f32.msk $0xffff, v9  }
0x55c: {  	[tilespmem:s20+$0x15B00] =	vst.add.f32.msk $0xffff, v12  }
0x55d: {  	s6 =	simm.s32 $0x1640;
	[tilespmem:s19+$0x400] =	vst.add.f32.msk $0xffff, v10  }
0x55e: {  	s8 =	simm.s32 $0x1490;
	v9 =	vld.idx.msk [tilespmem:v4+s6+$0x0], $0xffff  }
0x55f: {  	v10 =	vld.idx.msk [tilespmem:v6+s8+$0x0], $0xffff  }
0x560: {  	s9 =	sor.u32 $0x60, s3;
	v12 =	vld.idx.msk [tilespmem:v7+s23+$0x0], $0xffff  }
0x561: {  	[tilespmem:s9+$0x0] =	vst.add.f32.msk $0xffff, v11  }
0x562: {  	s11 =	sor.u32 $0x40, s4;
	v11 =	vld.idx.msk [tilespmem:v5+s7+$0x0], $0xffff  }
0x563: {  	[tilespmem:s11+$0x0] =	vst.add.f32.msk $0xffff, v9  }
0x564: {  	s13 =	simm.s32 $0x1650;
	[tilespmem:s19+$0x410] =	vst.add.f32.msk $0xffff, v10  }
0x565: {  	s15 =	simm.s32 $0x14A0;
	v9 =	vld.idx.msk [tilespmem:v4+s13+$0x0], $0xffff  }
0x566: {  	s3 =	sor.u32 $0x70, s3;
	v10 =	vld.idx.msk [tilespmem:v6+s15+$0x0], $0xffff  }
0x567: {  	s28 =	sadd.s32 $0x15B00, s20;
	[tilespmem:s3+$0x0] =	vst.add.f32.msk $0xffff, v11  }
0x568: {  	v11 =	vld.idx.msk [tilespmem:v5+s25+$0x0], $0xffff;
	s25 =	sor.u32 $0x10, s28  }
0x569: {  	s23 =	sor.u32 $0x50, s4;
	[tilespmem:s25+$0x0] =	vst.add.f32.msk $0xffff, v12  }
0x56a: {  	[tilespmem:s23+$0x0] =	vst.add.f32.msk $0xffff, v9  }
0x56b: {  	s26 =	simm.s32 $0x1660;
	[tilespmem:s19+$0x420] =	vst.add.f32.msk $0xffff, v10  }
0x56c: {  	s15 =	simm.s32 $0x1420;
	v9 =	vld.idx.msk [tilespmem:v4+s26+$0x0], $0xffff  }
0x56d: {  	s5 =	simm.s32 $0x14B0;
	v13 =	vld.idx.msk [tilespmem:v7+s15+$0x0], $0xffff  }
0x56e: {  	s14 =	simm.s32 $0x1550;
	s22 =	simm.s32 $0x1620;
	s24 =	simm.s32 $0x14A0;
	v12 =	vld.idx.msk [tilespmem:v6+s5+$0x0], $0xffff  }
0x56f: {  	s1 =	simm.s32 $0x1630;
	s31 =	simm.s32 $0x1400;
	s29 =	simm.s32 $0x1660;
	[tilespmem:s16+$0x16700] =	vst.add.f32.msk $0xffff, v11  }
0x570: {  	s12 =	simm.s32 $0x1560;
	s10 =	sor.u32 $0x60, s4;
	s0 =	simm.s32 $0x1640;
	v11 =	vld.idx.msk [tilespmem:v5+s30+$0x0], $0xffff  }
0x571: {  	s2 =	simm.s32 $0x1490;
	s8 =	simm.s32 $0x1570;
	s11 =	simm.s32 $0x1670;
	[tilespmem:s10+$0x0] =	vst.add.f32.msk $0xffff, v9  }
0x572: {  	s6 =	simm.s32 $0x1650;
	s4 =	sor.u32 $0x70, s4;
	s9 =	simm.s32 $0x1580;
	v10 =	vld.idx.msk [tilespmem:v4+s11+$0x0], $0xffff  }
0x573: {  	s7 =	simm.s32 $0x14B0;
	s25 =	simm.s32 $0x14C0;
	s15 =	sadd.s32 $0x16700, s16;
	[tilespmem:s19+$0x430] =	vst.add.f32.msk $0xffff, v12  }
0x574: {  	s13 =	simm.s32 $0x1410;
	s3 =	simm.s32 $0x4;
	s5 =	sor.u32 $0x10, s15;
	v12 =	vld.idx.msk [tilespmem:v6+s25+$0x0], $0xffff  }
0x575: {  	s23 =	simm.s32 $0x1420;
	s26 =	simm.s32 $0x1590;
	s10 =	simm.s32 $0x15A0;
	[tilespmem:s5+$0x0] =	vst.add.f32.msk $0xffff, v11  }
0x576: {  	s30 =	simm.s32 $0x1670;
	v9 =	vmov v6;
	s11 =	simm.s32 $0x14C0;
	s25 =	simm.s32 $0x15A0;
	v11 =	vld.idx.msk [tilespmem:v5+s10+$0x0], $0xffff  }
.LBB2_8:
0x577: {  	p0 =	sne.s32 s3, $0xF;
	[tilespmem:s4+$0x0] =	vst.add.f32.msk $0xffff, v10;
	s5 =	simm.s32 $0x1680  }
0x578: {  	s4 =	sor.u32 $0x20, s28;
	v10 =	vld.idx.msk [tilespmem:v4+s5+$0x0], $0xffff  }
0x579: {  	[tilespmem:s4+$0x0] =	vst.add.f32.msk $0xffff, v13  }
0x57a: {  	s4 =	simm.s32 $0x14D0;
	[tilespmem:s19+$0x440] =	vst.add.f32.msk $0xffff, v12  }
0x57b: {  	v12 =	vld.idx.msk [tilespmem:v6+s4+$0x0], $0xffff;
	s4 =	sor.u32 $0x20, s15  }
0x57c: {  	[tilespmem:s4+$0x0] =	vst.add.f32.msk $0xffff, v11;
	s4 =	simm.s32 $0x15B0  }
0x57d: {  	v11 =	vld.idx.msk [tilespmem:v5+s4+$0x0], $0xffff  }
0x57e: {  	s4 =	simm.s32 $0x1690;
	[tilespmem:s18+$0x16F00] =	vst.add.f32.msk $0xffff, v10  }
0x57f: {  	v10 =	vld.idx.msk [tilespmem:v4+s4+$0x0], $0xffff;
	s4 =	simm.s32 $0x1430  }
0x580: {  	v13 =	vld.idx.msk [tilespmem:v7+s4+$0x0], $0xffff  }
0x581: {  	s4 =	simm.s32 $0x14E0;
	[tilespmem:s19+$0x450] =	vst.add.f32.msk $0xffff, v12  }
0x582: {  	s10 =	sadd.s32 $0x16F00, s18;
	v12 =	vld.idx.msk [tilespmem:v6+s4+$0x0], $0xffff;
	s4 =	sor.u32 $0x30, s15  }
0x583: {  	s18 =	smov.u32 s16;
	s16 =	smov.u32 s17;
	[tilespmem:s4+$0x0] =	vst.add.f32.msk $0xffff, v11;
	s4 =	simm.s32 $0x15C0  }
0x584: {  	s17 =	smov.u32 s20;
	v11 =	vld.idx.msk [tilespmem:v5+s4+$0x0], $0xffff;
	s4 =	sor.u32 $0x10, s10  }
0x585: {  	s5 =	simm.s32 $0x16A0;
	[tilespmem:s4+$0x0] =	vst.add.f32.msk $0xffff, v10  }
0x586: {  	s4 =	sor.u32 $0x30, s28;
	v10 =	vld.idx.msk [tilespmem:v4+s5+$0x0], $0xffff  }
0x587: {  	[tilespmem:s4+$0x0] =	vst.add.f32.msk $0xffff, v13  }
0x588: {  	s4 =	simm.s32 $0x14F0;
	[tilespmem:s19+$0x460] =	vst.add.f32.msk $0xffff, v12  }
0x589: {  	v12 =	vld.idx.msk [tilespmem:v6+s4+$0x0], $0xffff;
	s4 =	sor.u32 $0x40, s15  }
0x58a: {  	[tilespmem:s4+$0x0] =	vst.add.f32.msk $0xffff, v11;
	s4 =	simm.s32 $0x15D0  }
0x58b: {  	v11 =	vld.idx.msk [tilespmem:v5+s4+$0x0], $0xffff;
	s4 =	sor.u32 $0x20, s10  }
0x58c: {  	[tilespmem:s4+$0x0] =	vst.add.f32.msk $0xffff, v10;
	s4 =	simm.s32 $0x16B0  }
0x58d: {  	v10 =	vld.idx.msk [tilespmem:v4+s4+$0x0], $0xffff;
	s4 =	simm.s32 $0x1440  }
0x58e: {  	v13 =	vld.idx.msk [tilespmem:v7+s4+$0x0], $0xffff  }
0x58f: {  	s4 =	simm.s32 $0x1500;
	[tilespmem:s19+$0x470] =	vst.add.f32.msk $0xffff, v12;
	s19 =	smov.u32 s28  }
0x590: {  	v12 =	vld.idx.msk [tilespmem:v6+s4+$0x0], $0xffff;
	s4 =	sor.u32 $0x50, s15  }
0x591: {  	[tilespmem:s4+$0x0] =	vst.add.f32.msk $0xffff, v11;
	s4 =	simm.s32 $0x15E0  }
0x592: {  	v11 =	vld.idx.msk [tilespmem:v5+s4+$0x0], $0xffff;
	s4 =	sor.u32 $0x30, s10  }
0x593: {  	s5 =	simm.s32 $0x16C0;
	[tilespmem:s4+$0x0] =	vst.add.f32.msk $0xffff, v10  }
0x594: {  	s4 =	sor.u32 $0x40, s19;
	v10 =	vld.idx.msk [tilespmem:v4+s5+$0x0], $0xffff  }
0x595: {  	[tilespmem:s4+$0x0] =	vst.add.f32.msk $0xffff, v13  }
0x596: {  	s4 =	simm.s32 $0x1510;
	[tilespmem:s16+$0x16300] =	vst.add.f32.msk $0xffff, v12  }
0x597: {  	v12 =	vld.idx.msk [tilespmem:v6+s4+$0x0], $0xffff;
	s4 =	sor.u32 $0x60, s15  }
0x598: {  	[tilespmem:s4+$0x0] =	vst.add.f32.msk $0xffff, v11;
	s4 =	simm.s32 $0x15F0  }
0x599: {  	v11 =	vld.idx.msk [tilespmem:v5+s4+$0x0], $0xffff;
	s4 =	sor.u32 $0x40, s10  }
0x59a: {  	[tilespmem:s4+$0x0] =	vst.add.f32.msk $0xffff, v10;
	s4 =	simm.s32 $0x16D0  }
0x59b: {  	s28 =	sadd.s32 $0x16300, s16;
	v10 =	vld.idx.msk [tilespmem:v4+s4+$0x0], $0xffff;
	s4 =	simm.s32 $0x1450  }
0x59c: {  	v13 =	vld.idx.msk [tilespmem:v7+s4+$0x0], $0xffff;
	s4 =	sor.u32 $0x10, s28  }
0x59d: {  	[tilespmem:s4+$0x0] =	vst.add.f32.msk $0xffff, v12;
	s4 =	simm.s32 $0x1520  }
0x59e: {  	v12 =	vld.idx.msk [tilespmem:v6+s4+$0x0], $0xffff;
	s4 =	sor.u32 $0x70, s15  }
0x59f: {  	[tilespmem:s4+$0x0] =	vst.add.f32.msk $0xffff, v11;
	s4 =	simm.s32 $0x1600  }
0x5a0: {  	v11 =	vld.idx.msk [tilespmem:v5+s4+$0x0], $0xffff;
	s4 =	sor.u32 $0x50, s10  }
0x5a1: {  	s5 =	simm.s32 $0x16E0;
	[tilespmem:s4+$0x0] =	vst.add.f32.msk $0xffff, v10  }
0x5a2: {  	s4 =	sor.u32 $0x50, s19;
	v10 =	vld.idx.msk [tilespmem:v4+s5+$0x0], $0xffff  }
0x5a3: {  	[tilespmem:s4+$0x0] =	vst.add.f32.msk $0xffff, v13;
	s4 =	sor.u32 $0x20, s28  }
0x5a4: {  	[tilespmem:s4+$0x0] =	vst.add.f32.msk $0xffff, v12;
	s4 =	simm.s32 $0x1530  }
0x5a5: {  	v12 =	vld.idx.msk [tilespmem:v6+s4+$0x0], $0xffff  }
0x5a6: {  	s4 =	simm.s32 $0x1610;
	[tilespmem:s18+$0x16B00] =	vst.add.f32.msk $0xffff, v11  }
0x5a7: {  	v11 =	vld.idx.msk [tilespmem:v5+s4+$0x0], $0xffff;
	s4 =	sor.u32 $0x60, s10  }
0x5a8: {  	[tilespmem:s4+$0x0] =	vst.add.f32.msk $0xffff, v10;
	s4 =	simm.s32 $0x16F0  }
0x5a9: {  	v10 =	vld.idx.msk [tilespmem:v4+s4+$0x0], $0xffff;
	v4 =	vmov v5;
	v5 =	vmov v6;
	v6 =	vmov v7;
	s4 =	simm.s32 $0x1460  }
0x5aa: {  	v13 =	vld.idx.msk [tilespmem:v7+s4+$0x0], $0xffff;
	s4 =	sor.u32 $0x30, s28  }
0x5ab: {  	s5 =	simm.s32 $0x1540;
	[tilespmem:s4+$0x0] =	vst.add.f32.msk $0xffff, v12;
	s4 =	sadd.s32 $0x16B00, s18  }
0x5ac: {  	v12 =	vmov s3;
	v14 =	vld.idx.msk [tilespmem:v9+s5+$0x0], $0xffff;
	s15 =	sor.u32 $0x10, s4;
	v9 =	vmov v7  }
0x5ad: {  	v7 =	vperm.xlane v8, v12;
	[tilespmem:s15+$0x0] =	vst.add.f32.msk $0xffff, v11  }
0x5ae: {  	s10 =	sor.u32 $0x70, s10;
	v11 =	vld.idx.msk [tilespmem:v4+s22+$0x0], $0xffff  }
0x5af: {  	s15 =	sor.u32 $0x60, s19;
	v7 =	vmul.u32 $0x300, v7;
	[tilespmem:s10+$0x0] =	vst.add.f32.msk $0xffff, v10  }
0x5b0: {  	s5 =	simm.s32 $0x1470;
	[tilespmem:s15+$0x0] =	vst.add.f32.msk $0xffff, v13  }
0x5b1: {  	s10 =	sor.u32 $0x40, s28;
	v7 =	vor.u32 v0, v7;
	v10 =	vld.idx.msk [tilespmem:v6+s5+$0x0], $0xffff  }
0x5b2: {  	[tilespmem:s10+$0x0] =	vst.add.f32.msk $0xffff, v14  }
0x5b3: {  	s10 =	sor.u32 $0x20, s4;
	v12 =	vld.idx.msk [tilespmem:v5+s14+$0x0], $0xffff  }
0x5b4: {  	[tilespmem:s10+$0x0] =	vst.add.f32.msk $0xffff, v11  }
0x5b5: {  	v11 =	vld.idx.msk [tilespmem:v4+s1+$0x0], $0xffff  }
0x5b6: {  	s10 =	sor.u32 $0x70, s19;
	v13 =	vld.idx.msk [tilespmem:v7+s31+$0x0], $0xffff  }
0x5b7: {  	s5 =	simm.s32 $0x1480;
	[tilespmem:s10+$0x0] =	vst.add.f32.msk $0xffff, v10  }
0x5b8: {  	s15 =	sor.u32 $0x50, s28;
	s10 =	sshrl.u32 s3, $0x3;
	v10 =	vld.idx.msk [tilespmem:v6+s5+$0x0], $0xffff  }
0x5b9: {  	s10 =	smul.u32 $0x6000, s10;
	[tilespmem:s15+$0x0] =	vst.add.f32.msk $0xffff, v12  }
0x5ba: {  	s21 =	sadd.s32 $0x80, s21;
	s15 =	sor.u32 $0x30, s4;
	v12 =	vld.idx.msk [tilespmem:v5+s12+$0x0], $0xffff  }
0x5bb: {  	s20 =	sand.u32 $0x380, s21;
	s10 =	sshra.s32 s10, $0x2;
	[tilespmem:s15+$0x0] =	vst.add.f32.msk $0xffff, v11  }
0x5bc: {  	s20 =	sor.u32 s20, s10;
	v11 =	vld.idx.msk [tilespmem:v4+s0+$0x0], $0xffff  }
0x5bd: {  	[tilespmem:s20+$0x15B00] =	vst.add.f32.msk $0xffff, v13  }
0x5be: {  	[tilespmem:s19+$0x400] =	vst.add.f32.msk $0xffff, v10  }
0x5bf: {  	s10 =	sor.u32 $0x60, s28;
	v10 =	vld.idx.msk [tilespmem:v6+s2+$0x0], $0xffff  }
0x5c0: {  	[tilespmem:s10+$0x0] =	vst.add.f32.msk $0xffff, v12  }
0x5c1: {  	s10 =	sor.u32 $0x40, s4;
	v12 =	vld.idx.msk [tilespmem:v5+s8+$0x0], $0xffff  }
0x5c2: {  	[tilespmem:s10+$0x0] =	vst.add.f32.msk $0xffff, v11  }
0x5c3: {  	v11 =	vld.idx.msk [tilespmem:v4+s6+$0x0], $0xffff  }
0x5c4: {  	v13 =	vld.idx.msk [tilespmem:v7+s13+$0x0], $0xffff  }
0x5c5: {  	[tilespmem:s19+$0x410] =	vst.add.f32.msk $0xffff, v10  }
0x5c6: {  	s10 =	sor.u32 $0x70, s28;
	v10 =	vld.idx.msk [tilespmem:v6+s24+$0x0], $0xffff  }
0x5c7: {  	[tilespmem:s10+$0x0] =	vst.add.f32.msk $0xffff, v12  }
0x5c8: {  	s10 =	sor.u32 $0x50, s4;
	v12 =	vld.idx.msk [tilespmem:v5+s9+$0x0], $0xffff  }
0x5c9: {  	s28 =	sadd.s32 $0x15B00, s20;
	[tilespmem:s10+$0x0] =	vst.add.f32.msk $0xffff, v11  }
0x5ca: {  	s10 =	sor.u32 $0x10, s28;
	v11 =	vld.idx.msk [tilespmem:v4+s29+$0x0], $0xffff  }
0x5cb: {  	[tilespmem:s10+$0x0] =	vst.add.f32.msk $0xffff, v13  }
0x5cc: {  	[tilespmem:s19+$0x420] =	vst.add.f32.msk $0xffff, v10  }
0x5cd: {  	v14 =	vld.idx.msk [tilespmem:v6+s7+$0x0], $0xffff  }
0x5ce: {  	[tilespmem:s16+$0x16700] =	vst.add.f32.msk $0xffff, v12  }
0x5cf: {  	s10 =	sor.u32 $0x60, s4;
	v15 =	vld.idx.msk [tilespmem:v5+s26+$0x0], $0xffff  }
0x5d0: {  	[tilespmem:s10+$0x0] =	vst.add.f32.msk $0xffff, v11  }
0x5d1: {  	v10 =	vld.idx.msk [tilespmem:v4+s30+$0x0], $0xffff  }
.Ltmp5:
0x5d2: {  	v13 =	vld.idx.msk [tilespmem:v7+s23+$0x0], $0xffff;
	(pc) =	sbr.rel @p0 .LBB2_8-.Ltmp5, $4  }
0x5d3: {  	s15 =	sadd.s32 $0x16700, s16;
	[tilespmem:s19+$0x430] =	vst.add.f32.msk $0xffff, v14  }
0x5d4: {  	s10 =	sor.u32 $0x10, s15;
	v12 =	vld.idx.msk [tilespmem:v6+s11+$0x0], $0xffff  }
0x5d5: {  	[tilespmem:s10+$0x0] =	vst.add.f32.msk $0xffff, v15  }
0x5d6: {  	s3 =	sadd.s32 $0x1, s3;
	s4 =	sor.u32 $0x70, s4;
	v11 =	vld.idx.msk [tilespmem:v5+s25+$0x0], $0xffff  }
0x5d7: {  	_ =	sdelay $0x1  }
0x5d8: {  	s3 =	sor.u32 $0x20, s28  }
0x5d9: {  	s0 =	simm.s32 $0x1430;
	[tilespmem:s3+$0x0] =	vst.add.f32.msk $0xffff, v13  }
0x5da: {  	v8 =	vld.idx.msk [tilespmem:v7+s0+$0x0], $0xffff;
	_ =	sdelay $0x3  }
0x5db: {  	s12 =	sor.u32 $0x30, s28  }
0x5dc: {  	s13 =	simm.s32 $0x1440;
	[tilespmem:s12+$0x0] =	vst.add.f32.msk $0xffff, v8  }
0x5dd: {  	v8 =	vld.idx.msk [tilespmem:v7+s13+$0x0], $0xffff;
	_ =	sdelay $0x3  }
0x5de: {  	s14 =	sor.u32 $0x40, s28  }
0x5df: {  	s21 =	simm.s32 $0x1450;
	[tilespmem:s14+$0x0] =	vst.add.f32.msk $0xffff, v8  }
0x5e0: {  	v8 =	vld.idx.msk [tilespmem:v7+s21+$0x0], $0xffff;
	_ =	sdelay $0x3  }
0x5e1: {  	s22 =	sor.u32 $0x50, s28  }
0x5e2: {  	s23 =	simm.s32 $0x1460;
	[tilespmem:s22+$0x0] =	vst.add.f32.msk $0xffff, v8  }
0x5e3: {  	v8 =	vld.idx.msk [tilespmem:v7+s23+$0x0], $0xffff;
	_ =	sdelay $0x3  }
0x5e4: {  	s25 =	sor.u32 $0x60, s28  }
0x5e5: {  	s26 =	simm.s32 $0x1470;
	[tilespmem:s25+$0x0] =	vst.add.f32.msk $0xffff, v8  }
0x5e6: {  	v8 =	vld.idx.msk [tilespmem:v7+s26+$0x0], $0xffff;
	_ =	sdelay $0x3  }
0x5e7: {  	s0 =	sor.u32 $0x70, s28  }
0x5e8: {  	s1 =	simm.s32 $0x1480;
	[tilespmem:s0+$0x0] =	vst.add.f32.msk $0xffff, v8  }
0x5e9: {  	v8 =	vld.idx.msk [tilespmem:v7+s1+$0x0], $0xffff;
	_ =	sdelay $0x4  }
0x5ea: {  	[tilespmem:s28+$0x400] =	vst.add.f32.msk $0xffff, v8  }
0x5eb: {  	v8 =	vld.idx.msk [tilespmem:v7+s2+$0x0], $0xffff;
	_ =	sdelay $0x4  }
0x5ec: {  	[tilespmem:s28+$0x410] =	vst.add.f32.msk $0xffff, v8  }
0x5ed: {  	v8 =	vld.idx.msk [tilespmem:v7+s24+$0x0], $0xffff;
	_ =	sdelay $0x1  }
0x5ee: {  	s3 =	simm.s32 $0x14D0;
	[tilespmem:s19+$0x440] =	vst.add.f32.msk $0xffff, v12  }
0x5ef: {  	v12 =	vld.idx.msk [tilespmem:v6+s3+$0x0], $0xffff;
	_ =	sdelay $0x1  }
0x5f0: {  	[tilespmem:s28+$0x420] =	vst.add.f32.msk $0xffff, v8  }
0x5f1: {  	v8 =	vld.idx.msk [tilespmem:v7+s7+$0x0], $0xffff;
	_ =	sdelay $0x1  }
0x5f2: {  	s5 =	simm.s32 $0x14E0;
	[tilespmem:s19+$0x450] =	vst.add.f32.msk $0xffff, v12  }
0x5f3: {  	v12 =	vld.idx.msk [tilespmem:v6+s5+$0x0], $0xffff;
	_ =	sdelay $0x1  }
0x5f4: {  	[tilespmem:s28+$0x430] =	vst.add.f32.msk $0xffff, v8  }
0x5f5: {  	v8 =	vld.idx.msk [tilespmem:v7+s11+$0x0], $0xffff;
	_ =	sdelay $0x1  }
0x5f6: {  	s6 =	simm.s32 $0x14F0;
	[tilespmem:s19+$0x460] =	vst.add.f32.msk $0xffff, v12  }
0x5f7: {  	v12 =	vld.idx.msk [tilespmem:v6+s6+$0x0], $0xffff;
	_ =	sdelay $0x1  }
0x5f8: {  	[tilespmem:s28+$0x440] =	vst.add.f32.msk $0xffff, v8  }
0x5f9: {  	v8 =	vld.idx.msk [tilespmem:v7+s3+$0x0], $0xffff;
	_ =	sdelay $0x1  }
0x5fa: {  	[tilespmem:s19+$0x470] =	vst.add.f32.msk $0xffff, v12;
	s7 =	simm.s32 $0x1500  }
0x5fb: {  	v12 =	vld.idx.msk [tilespmem:v6+s7+$0x0], $0xffff;
	_ =	sdelay $0x1  }
0x5fc: {  	[tilespmem:s28+$0x450] =	vst.add.f32.msk $0xffff, v8  }
0x5fd: {  	v8 =	vld.idx.msk [tilespmem:v7+s5+$0x0], $0xffff;
	_ =	sdelay $0x1  }
0x5fe: {  	s8 =	simm.s32 $0x1510;
	[tilespmem:s17+$0x16300] =	vst.add.f32.msk $0xffff, v12  }
0x5ff: {  	v12 =	vld.idx.msk [tilespmem:v6+s8+$0x0], $0xffff;
	_ =	sdelay $0x1  }
0x600: {  	[tilespmem:s28+$0x460] =	vst.add.f32.msk $0xffff, v8  }
0x601: {  	s3 =	sadd.s32 $0x16300, s17;
	v8 =	vld.idx.msk [tilespmem:v7+s6+$0x0], $0xffff  }
0x602: {  	s10 =	sor.u32 $0x10, s3  }
0x603: {  	s9 =	simm.s32 $0x1520;
	[tilespmem:s10+$0x0] =	vst.add.f32.msk $0xffff, v12  }
0x604: {  	v12 =	vld.idx.msk [tilespmem:v6+s9+$0x0], $0xffff;
	_ =	sdelay $0x1  }
0x605: {  	[tilespmem:s28+$0x470] =	vst.add.f32.msk $0xffff, v8  }
0x606: {  	v8 =	vld.idx.msk [tilespmem:v7+s7+$0x0], $0xffff  }
0x607: {  	s12 =	sor.u32 $0x20, s3  }
0x608: {  	s13 =	simm.s32 $0x1530;
	[tilespmem:s12+$0x0] =	vst.add.f32.msk $0xffff, v12  }
0x609: {  	v12 =	vld.idx.msk [tilespmem:v6+s13+$0x0], $0xffff;
	_ =	sdelay $0x1  }
0x60a: {  	[tilespmem:s20+$0x16300] =	vst.add.f32.msk $0xffff, v8  }
0x60b: {  	v8 =	vld.idx.msk [tilespmem:v7+s8+$0x0], $0xffff  }
0x60c: {  	s21 =	sor.u32 $0x30, s3  }
0x60d: {  	s22 =	simm.s32 $0x1540;
	[tilespmem:s21+$0x0] =	vst.add.f32.msk $0xffff, v12  }
0x60e: {  	s10 =	sadd.s32 $0x16300, s20;
	v9 =	vld.idx.msk [tilespmem:v9+s22+$0x0], $0xffff  }
0x60f: {  	s11 =	sor.u32 $0x10, s10  }
0x610: {  	[tilespmem:s11+$0x0] =	vst.add.f32.msk $0xffff, v8  }
0x611: {  	v8 =	vld.idx.msk [tilespmem:v7+s9+$0x0], $0xffff  }
0x612: {  	s24 =	sor.u32 $0x40, s3  }
0x613: {  	s26 =	simm.s32 $0x1550;
	[tilespmem:s24+$0x0] =	vst.add.f32.msk $0xffff, v9  }
0x614: {  	v9 =	vld.idx.msk [tilespmem:v6+s26+$0x0], $0xffff  }
0x615: {  	s14 =	sor.u32 $0x20, s10  }
0x616: {  	[tilespmem:s14+$0x0] =	vst.add.f32.msk $0xffff, v8  }
0x617: {  	v8 =	vld.idx.msk [tilespmem:v7+s13+$0x0], $0xffff  }
0x618: {  	s5 =	sor.u32 $0x50, s3  }
0x619: {  	s6 =	simm.s32 $0x1560;
	[tilespmem:s5+$0x0] =	vst.add.f32.msk $0xffff, v9  }
0x61a: {  	s25 =	sor.u32 $0x20, s15;
	v9 =	vld.idx.msk [tilespmem:v6+s6+$0x0], $0xffff  }
0x61b: {  	[tilespmem:s25+$0x0] =	vst.add.f32.msk $0xffff, v11;
	s23 =	sor.u32 $0x30, s10  }
0x61c: {  	[tilespmem:s23+$0x0] =	vst.add.f32.msk $0xffff, v8  }
0x61d: {  	s1 =	simm.s32 $0x15B0;
	v8 =	vld.idx.msk [tilespmem:v7+s22+$0x0], $0xffff  }
0x61e: {  	v11 =	vld.idx.msk [tilespmem:v5+s1+$0x0], $0xffff;
	s11 =	sor.u32 $0x60, s3  }
0x61f: {  	[tilespmem:s11+$0x0] =	vst.add.f32.msk $0xffff, v9;
	s13 =	simm.s32 $0x1570  }
0x620: {  	v9 =	vld.idx.msk [tilespmem:v6+s13+$0x0], $0xffff  }
0x621: {  	[tilespmem:s4+$0x0] =	vst.add.f32.msk $0xffff, v10;
	s2 =	sor.u32 $0x40, s10  }
0x622: {  	[tilespmem:s2+$0x0] =	vst.add.f32.msk $0xffff, v8  }
0x623: {  	s12 =	sor.u32 $0x30, s15;
	v8 =	vld.idx.msk [tilespmem:v7+s26+$0x0], $0xffff  }
0x624: {  	s19 =	sor.u32 $0x70, s3;
	[tilespmem:s12+$0x0] =	vst.add.f32.msk $0xffff, v11  }
0x625: {  	[tilespmem:s19+$0x0] =	vst.add.f32.msk $0xffff, v9;
	s22 =	simm.s32 $0x1580  }
0x626: {  	s7 =	simm.s32 $0x1680;
	v9 =	vld.idx.msk [tilespmem:v6+s22+$0x0], $0xffff  }
0x627: {  	v10 =	vld.idx.msk [tilespmem:v4+s7+$0x0], $0xffff;
	s9 =	sor.u32 $0x50, s10  }
0x628: {  	[tilespmem:s9+$0x0] =	vst.add.f32.msk $0xffff, v8  }
0x629: {  	s0 =	simm.s32 $0x15C0;
	v8 =	vld.idx.msk [tilespmem:v7+s6+$0x0], $0xffff  }
0x62a: {  	v11 =	vld.idx.msk [tilespmem:v5+s0+$0x0], $0xffff  }
0x62b: {  	s25 =	simm.s32 $0x1590;
	[tilespmem:s17+$0x16700] =	vst.add.f32.msk $0xffff, v9  }
0x62c: {  	v9 =	vld.idx.msk [tilespmem:v6+s25+$0x0], $0xffff  }
0x62d: {  	[tilespmem:s18+$0x16F00] =	vst.add.f32.msk $0xffff, v10;
	s14 =	sor.u32 $0x60, s10  }
0x62e: {  	[tilespmem:s14+$0x0] =	vst.add.f32.msk $0xffff, v8  }
0x62f: {  	s4 =	sadd.s32 $0x16700, s17;
	s8 =	simm.s32 $0x1690;
	v8 =	vld.idx.msk [tilespmem:v7+s13+$0x0], $0xffff  }
0x630: {  	v10 =	vld.idx.msk [tilespmem:v4+s8+$0x0], $0xffff;
	s26 =	sor.u32 $0x10, s4  }
0x631: {  	s11 =	simm.s32 $0x15A0;
	[tilespmem:s26+$0x0] =	vst.add.f32.msk $0xffff, v9  }
0x632: {  	s24 =	sor.u32 $0x40, s15;
	v9 =	vld.idx.msk [tilespmem:v6+s11+$0x0], $0xffff  }
0x633: {  	[tilespmem:s24+$0x0] =	vst.add.f32.msk $0xffff, v11;
	s23 =	sor.u32 $0x70, s10  }
0x634: {  	s3 =	sadd.s32 $0x16F00, s18;
	[tilespmem:s23+$0x0] =	vst.add.f32.msk $0xffff, v8  }
0x635: {  	s21 =	sor.u32 $0x10, s3;
	v8 =	vld.idx.msk [tilespmem:v7+s22+$0x0], $0xffff  }
0x636: {  	[tilespmem:s21+$0x0] =	vst.add.f32.msk $0xffff, v10;
	s13 =	sor.u32 $0x20, s4  }
0x637: {  	[tilespmem:s13+$0x0] =	vst.add.f32.msk $0xffff, v9  }
0x638: {  	s5 =	simm.s32 $0x16A0;
	v9 =	vld.idx.msk [tilespmem:v6+s1+$0x0], $0xffff  }
0x639: {  	v10 =	vld.idx.msk [tilespmem:v4+s5+$0x0], $0xffff  }
0x63a: {  	[tilespmem:s20+$0x16700] =	vst.add.f32.msk $0xffff, v8  }
0x63b: {  	s6 =	simm.s32 $0x15D0;
	v8 =	vld.idx.msk [tilespmem:v7+s25+$0x0], $0xffff  }
0x63c: {  	s21 =	sor.u32 $0x30, s4;
	v11 =	vld.idx.msk [tilespmem:v5+s6+$0x0], $0xffff  }
0x63d: {  	[tilespmem:s21+$0x0] =	vst.add.f32.msk $0xffff, v9  }
0x63e: {  	s10 =	sadd.s32 $0x16700, s20;
	s9 =	sor.u32 $0x20, s3;
	v9 =	vld.idx.msk [tilespmem:v6+s0+$0x0], $0xffff  }
0x63f: {  	s12 =	sor.u32 $0x10, s10;
	[tilespmem:s9+$0x0] =	vst.add.f32.msk $0xffff, v10  }
0x640: {  	[tilespmem:s12+$0x0] =	vst.add.f32.msk $0xffff, v8  }
0x641: {  	s14 =	sor.u32 $0x50, s15;
	v8 =	vld.idx.msk [tilespmem:v7+s11+$0x0], $0xffff  }
0x642: {  	s24 =	sor.u32 $0x40, s4;
	[tilespmem:s14+$0x0] =	vst.add.f32.msk $0xffff, v11  }
0x643: {  	[tilespmem:s24+$0x0] =	vst.add.f32.msk $0xffff, v9  }
0x644: {  	v9 =	vld.idx.msk [tilespmem:v6+s6+$0x0], $0xffff;
	s11 =	simm.s32 $0x15E0  }
0x645: {  	s19 =	sor.u32 $0x20, s10;
	v11 =	vld.idx.msk [tilespmem:v5+s11+$0x0], $0xffff  }
0x646: {  	[tilespmem:s19+$0x0] =	vst.add.f32.msk $0xffff, v8  }
0x647: {  	s9 =	simm.s32 $0x16B0;
	v8 =	vld.idx.msk [tilespmem:v7+s1+$0x0], $0xffff  }
0x648: {  	v10 =	vld.idx.msk [tilespmem:v4+s9+$0x0], $0xffff;
	s12 =	sor.u32 $0x50, s4  }
0x649: {  	[tilespmem:s12+$0x0] =	vst.add.f32.msk $0xffff, v9  }
0x64a: {  	s25 =	sor.u32 $0x60, s15;
	v9 =	vld.idx.msk [tilespmem:v6+s11+$0x0], $0xffff  }
0x64b: {  	s23 =	sor.u32 $0x30, s10;
	[tilespmem:s25+$0x0] =	vst.add.f32.msk $0xffff, v11  }
0x64c: {  	[tilespmem:s23+$0x0] =	vst.add.f32.msk $0xffff, v8  }
0x64d: {  	s26 =	simm.s32 $0x15F0;
	v8 =	vld.idx.msk [tilespmem:v7+s0+$0x0], $0xffff  }
0x64e: {  	s19 =	sor.u32 $0x60, s4;
	v11 =	vld.idx.msk [tilespmem:v5+s26+$0x0], $0xffff  }
0x64f: {  	[tilespmem:s19+$0x0] =	vst.add.f32.msk $0xffff, v9  }
0x650: {  	s22 =	sor.u32 $0x30, s3;
	v9 =	vld.idx.msk [tilespmem:v6+s26+$0x0], $0xffff  }
0x651: {  	[tilespmem:s22+$0x0] =	vst.add.f32.msk $0xffff, v10;
	s1 =	sor.u32 $0x40, s10  }
0x652: {  	[tilespmem:s1+$0x0] =	vst.add.f32.msk $0xffff, v8  }
0x653: {  	s21 =	sor.u32 $0x70, s15;
	v8 =	vld.idx.msk [tilespmem:v7+s6+$0x0], $0xffff  }
0x654: {  	s4 =	sor.u32 $0x70, s4;
	[tilespmem:s21+$0x0] =	vst.add.f32.msk $0xffff, v11  }
0x655: {  	s22 =	simm.s32 $0x1600;
	[tilespmem:s4+$0x0] =	vst.add.f32.msk $0xffff, v9  }
0x656: {  	v9 =	vld.idx.msk [tilespmem:v6+s22+$0x0], $0xffff  }
0x657: {  	s14 =	sor.u32 $0x50, s10;
	v11 =	vld.idx.msk [tilespmem:v5+s22+$0x0], $0xffff  }
0x658: {  	[tilespmem:s14+$0x0] =	vst.add.f32.msk $0xffff, v8  }
0x659: {  	v8 =	vld.idx.msk [tilespmem:v7+s11+$0x0], $0xffff;
	_ =	sdelay $0x1  }
0x65a: {  	s24 =	simm.s32 $0x1610;
	[tilespmem:s17+$0x16B00] =	vst.add.f32.msk $0xffff, v9  }
0x65b: {  	v9 =	vld.idx.msk [tilespmem:v6+s24+$0x0], $0xffff  }
0x65c: {  	s23 =	sor.u32 $0x60, s10;
	[tilespmem:s16+$0x16B00] =	vst.add.f32.msk $0xffff, v11  }
0x65d: {  	[tilespmem:s23+$0x0] =	vst.add.f32.msk $0xffff, v8  }
0x65e: {  	s25 =	sor.u32 $0x70, s10;
	s10 =	sadd.s32 $0x16B00, s17;
	v8 =	vld.idx.msk [tilespmem:v7+s26+$0x0], $0xffff  }
0x65f: {  	s12 =	sor.u32 $0x10, s10;
	v11 =	vld.idx.msk [tilespmem:v5+s24+$0x0], $0xffff  }
0x660: {  	s6 =	simm.s32 $0x1620;
	[tilespmem:s12+$0x0] =	vst.add.f32.msk $0xffff, v9  }
0x661: {  	s2 =	simm.s32 $0x16C0;
	v9 =	vld.idx.msk [tilespmem:v6+s6+$0x0], $0xffff  }
0x662: {  	v10 =	vld.idx.msk [tilespmem:v4+s2+$0x0], $0xffff  }
0x663: {  	s4 =	sadd.s32 $0x16B00, s16;
	[tilespmem:s25+$0x0] =	vst.add.f32.msk $0xffff, v8  }
0x664: {  	s26 =	sor.u32 $0x10, s4;
	v8 =	vld.idx.msk [tilespmem:v7+s22+$0x0], $0xffff  }
0x665: {  	s21 =	sor.u32 $0x20, s10;
	[tilespmem:s26+$0x0] =	vst.add.f32.msk $0xffff, v11  }
0x666: {  	[tilespmem:s21+$0x0] =	vst.add.f32.msk $0xffff, v9  }
0x667: {  	s14 =	simm.s32 $0x1630;
	v11 =	vld.idx.msk [tilespmem:v5+s6+$0x0], $0xffff  }
0x668: {  	v9 =	vld.idx.msk [tilespmem:v6+s14+$0x0], $0xffff  }
0x669: {  	[tilespmem:s20+$0x16B00] =	vst.add.f32.msk $0xffff, v8  }
0x66a: {  	s13 =	sor.u32 $0x40, s3;
	v8 =	vld.idx.msk [tilespmem:v7+s24+$0x0], $0xffff  }
0x66b: {  	[tilespmem:s13+$0x0] =	vst.add.f32.msk $0xffff, v10;
	s13 =	sor.u32 $0x20, s4  }
0x66c: {  	[tilespmem:s13+$0x0] =	vst.add.f32.msk $0xffff, v11  }
0x66d: {  	s15 =	sadd.s32 $0x16B00, s20;
	s25 =	sor.u32 $0x30, s10;
	v11 =	vld.idx.msk [tilespmem:v5+s14+$0x0], $0xffff  }
0x66e: {  	s19 =	sor.u32 $0x10, s15;
	[tilespmem:s25+$0x0] =	vst.add.f32.msk $0xffff, v9  }
0x66f: {  	[tilespmem:s19+$0x0] =	vst.add.f32.msk $0xffff, v8  }
0x670: {  	s23 =	simm.s32 $0x1640;
	v8 =	vld.idx.msk [tilespmem:v7+s6+$0x0], $0xffff  }
0x671: {  	s22 =	sor.u32 $0x30, s4;
	v9 =	vld.idx.msk [tilespmem:v6+s23+$0x0], $0xffff  }
0x672: {  	[tilespmem:s22+$0x0] =	vst.add.f32.msk $0xffff, v11  }
0x673: {  	s1 =	simm.s32 $0x16D0;
	v11 =	vld.idx.msk [tilespmem:v5+s23+$0x0], $0xffff  }
0x674: {  	v10 =	vld.idx.msk [tilespmem:v4+s1+$0x0], $0xffff;
	s24 =	sor.u32 $0x20, s15  }
0x675: {  	[tilespmem:s24+$0x0] =	vst.add.f32.msk $0xffff, v8  }
0x676: {  	s13 =	sor.u32 $0x40, s10;
	v8 =	vld.idx.msk [tilespmem:v7+s14+$0x0], $0xffff  }
0x677: {  	s26 =	sor.u32 $0x40, s4;
	[tilespmem:s13+$0x0] =	vst.add.f32.msk $0xffff, v9  }
0x678: {  	s6 =	simm.s32 $0x1650;
	[tilespmem:s26+$0x0] =	vst.add.f32.msk $0xffff, v11  }
0x679: {  	v9 =	vld.idx.msk [tilespmem:v6+s6+$0x0], $0xffff  }
0x67a: {  	s12 =	sor.u32 $0x30, s15;
	v11 =	vld.idx.msk [tilespmem:v5+s6+$0x0], $0xffff  }
0x67b: {  	[tilespmem:s12+$0x0] =	vst.add.f32.msk $0xffff, v8  }
0x67c: {  	s11 =	sor.u32 $0x50, s3;
	v8 =	vld.idx.msk [tilespmem:v7+s23+$0x0], $0xffff  }
0x67d: {  	[tilespmem:s11+$0x0] =	vst.add.f32.msk $0xffff, v10;
	s22 =	sor.u32 $0x50, s10  }
0x67e: {  	s14 =	sor.u32 $0x50, s4;
	[tilespmem:s22+$0x0] =	vst.add.f32.msk $0xffff, v9  }
0x67f: {  	s19 =	simm.s32 $0x1660;
	[tilespmem:s14+$0x0] =	vst.add.f32.msk $0xffff, v11  }
0x680: {  	s21 =	sor.u32 $0x40, s15;
	v9 =	vld.idx.msk [tilespmem:v6+s19+$0x0], $0xffff  }
0x681: {  	[tilespmem:s21+$0x0] =	vst.add.f32.msk $0xffff, v8  }
0x682: {  	v8 =	vld.idx.msk [tilespmem:v7+s6+$0x0], $0xffff  }
0x683: {  	s14 =	simm.s32 $0x16E0;
	v11 =	vld.idx.msk [tilespmem:v5+s19+$0x0], $0xffff  }
0x684: {  	s26 =	sor.u32 $0x60, s10;
	v10 =	vld.idx.msk [tilespmem:v4+s14+$0x0], $0xffff  }
0x685: {  	s24 =	simm.s32 $0x1670;
	[tilespmem:s26+$0x0] =	vst.add.f32.msk $0xffff, v9  }
0x686: {  	s25 =	sor.u32 $0x50, s15;
	v9 =	vld.idx.msk [tilespmem:v6+s24+$0x0], $0xffff  }
0x687: {  	[tilespmem:s25+$0x0] =	vst.add.f32.msk $0xffff, v8  }
0x688: {  	s23 =	sor.u32 $0x60, s4;
	v8 =	vld.idx.msk [tilespmem:v7+s19+$0x0], $0xffff  }
0x689: {  	[tilespmem:s23+$0x0] =	vst.add.f32.msk $0xffff, v11  }
0x68a: {  	s13 =	sor.u32 $0x70, s10;
	v11 =	vld.idx.msk [tilespmem:v5+s24+$0x0], $0xffff  }
0x68b: {  	[tilespmem:s13+$0x0] =	vst.add.f32.msk $0xffff, v9  }
0x68c: {  	s12 =	sor.u32 $0x60, s15;
	v61 =	vld.idx.msk [tilespmem:v6+s7+$0x0], $0xffff  }
0x68d: {  	[tilespmem:s12+$0x0] =	vst.add.f32.msk $0xffff, v8  }
0x68e: {  	s4 =	sor.u32 $0x70, s4;
	v8 =	vld.idx.msk [tilespmem:v7+s24+$0x0], $0xffff  }
0x68f: {  	[tilespmem:s4+$0x0] =	vst.add.f32.msk $0xffff, v11  }
0x690: {  	s11 =	sor.u32 $0x60, s3;
	v60 =	vld.idx.msk [tilespmem:v5+s7+$0x0], $0xffff  }
0x691: {  	[tilespmem:s11+$0x0] =	vst.add.f32.msk $0xffff, v10  }
0x692: {  	s15 =	sor.u32 $0x70, s15;
	[tilespmem:s17+$0x16F00] =	vst.add.f32.msk $0xffff, v61  }
0x693: {  	[tilespmem:s15+$0x0] =	vst.add.f32.msk $0xffff, v8  }
0x694: {  	v8 =	vld.idx.msk [tilespmem:v7+s7+$0x0], $0xffff  }
0x695: {  	[tilespmem:s16+$0x16F00] =	vst.add.f32.msk $0xffff, v60  }
0x696: {  	s10 =	sadd.s32 $0x16F00, s17;
	s17 =	simm.s32 $0x16F0;
	v11 =	vld.idx.msk [tilespmem:v6+s8+$0x0], $0xffff  }
0x697: {  	v4 =	vld.idx.msk [tilespmem:v4+s17+$0x0], $0xffff  }
0x698: {  	v9 =	vld.idx.msk [tilespmem:v5+s8+$0x0], $0xffff  }
0x699: {  	[tilespmem:s20+$0x16F00] =	vst.add.f32.msk $0xffff, v8  }
0x69a: {  	s18 =	sor.u32 $0x10, s10;
	v8 =	vld.idx.msk [tilespmem:v7+s8+$0x0], $0xffff  }
0x69b: {  	s4 =	sadd.s32 $0x16F00, s16;
	[tilespmem:s18+$0x0] =	vst.add.f32.msk $0xffff, v11  }
0x69c: {  	s16 =	sor.u32 $0x10, s4;
	v11 =	vld.idx.msk [tilespmem:v6+s5+$0x0], $0xffff  }
0x69d: {  	[tilespmem:s16+$0x0] =	vst.add.f32.msk $0xffff, v9;
	s15 =	sadd.s32 $0x16F00, s20  }
0x69e: {  	v9 =	vld.idx.msk [tilespmem:v5+s5+$0x0], $0xffff;
	s19 =	sor.u32 $0x10, s15  }
0x69f: {  	[tilespmem:s19+$0x0] =	vst.add.f32.msk $0xffff, v8  }
0x6a0: {  	s21 =	sor.u32 $0x20, s10;
	v8 =	vld.idx.msk [tilespmem:v7+s5+$0x0], $0xffff  }
0x6a1: {  	[tilespmem:s21+$0x0] =	vst.add.f32.msk $0xffff, v11  }
0x6a2: {  	v11 =	vld.idx.msk [tilespmem:v6+s9+$0x0], $0xffff;
	s20 =	sor.u32 $0x20, s4  }
0x6a3: {  	[tilespmem:s20+$0x0] =	vst.add.f32.msk $0xffff, v9  }
0x6a4: {  	s22 =	sor.u32 $0x20, s15;
	v9 =	vld.idx.msk [tilespmem:v5+s9+$0x0], $0xffff  }
0x6a5: {  	[tilespmem:s22+$0x0] =	vst.add.f32.msk $0xffff, v8  }
0x6a6: {  	s24 =	sor.u32 $0x30, s10;
	v8 =	vld.idx.msk [tilespmem:v7+s9+$0x0], $0xffff  }
0x6a7: {  	[tilespmem:s24+$0x0] =	vst.add.f32.msk $0xffff, v11  }
0x6a8: {  	s23 =	sor.u32 $0x30, s4;
	v11 =	vld.idx.msk [tilespmem:v6+s2+$0x0], $0xffff  }
0x6a9: {  	[tilespmem:s23+$0x0] =	vst.add.f32.msk $0xffff, v9  }
0x6aa: {  	s25 =	sor.u32 $0x30, s15;
	v9 =	vld.idx.msk [tilespmem:v5+s2+$0x0], $0xffff  }
0x6ab: {  	[tilespmem:s25+$0x0] =	vst.add.f32.msk $0xffff, v8  }
0x6ac: {  	s5 =	sor.u32 $0x40, s10;
	v8 =	vld.idx.msk [tilespmem:v7+s2+$0x0], $0xffff  }
0x6ad: {  	[tilespmem:s5+$0x0] =	vst.add.f32.msk $0xffff, v11  }
0x6ae: {  	s26 =	sor.u32 $0x40, s4;
	v11 =	vld.idx.msk [tilespmem:v6+s1+$0x0], $0xffff  }
0x6af: {  	[tilespmem:s26+$0x0] =	vst.add.f32.msk $0xffff, v9  }
0x6b0: {  	s6 =	sor.u32 $0x40, s15;
	v9 =	vld.idx.msk [tilespmem:v5+s1+$0x0], $0xffff  }
0x6b1: {  	[tilespmem:s6+$0x0] =	vst.add.f32.msk $0xffff, v8  }
0x6b2: {  	s8 =	sor.u32 $0x50, s10;
	v8 =	vld.idx.msk [tilespmem:v7+s1+$0x0], $0xffff  }
0x6b3: {  	[tilespmem:s8+$0x0] =	vst.add.f32.msk $0xffff, v11  }
0x6b4: {  	s7 =	sor.u32 $0x50, s4;
	v11 =	vld.idx.msk [tilespmem:v6+s14+$0x0], $0xffff  }
0x6b5: {  	[tilespmem:s7+$0x0] =	vst.add.f32.msk $0xffff, v9  }
0x6b6: {  	s9 =	sor.u32 $0x50, s15;
	v9 =	vld.idx.msk [tilespmem:v5+s14+$0x0], $0xffff  }
0x6b7: {  	[tilespmem:s9+$0x0] =	vst.add.f32.msk $0xffff, v8  }
0x6b8: {  	s13 =	sor.u32 $0x60, s10;
	v8 =	vld.idx.msk [tilespmem:v7+s14+$0x0], $0xffff  }
0x6b9: {  	[tilespmem:s13+$0x0] =	vst.add.f32.msk $0xffff, v11  }
0x6ba: {  	s12 =	sor.u32 $0x60, s4;
	v62 =	vld.idx.msk [tilespmem:v6+s17+$0x0], $0xffff  }
0x6bb: {  	[tilespmem:s12+$0x0] =	vst.add.f32.msk $0xffff, v9  }
0x6bc: {  	v5 =	vld.idx.msk [tilespmem:v5+s17+$0x0], $0xffff;
	s14 =	sor.u32 $0x60, s15  }
0x6bd: {  	s30 =	simm.s32 $0x1450;
	[tilespmem:s14+$0x0] =	vst.add.f32.msk $0xffff, v8  }
0x6be: {  	s29 =	simm.s32 $0x15C0;
	s31 =	simm.s32 $0x1630;
	s3 =	sor.u32 $0x70, s3;
	v63 =	vld.idx.msk [tilespmem:v7+s17+$0x0], $0xffff  }
0x6bf: {  	s28 =	simm.s32 $0x1570;
	s11 =	simm.s32 $0xFB00;
	[tilespmem:s3+$0x0] =	vst.add.f32.msk $0xffff, v4;
	s23 =	rddreg [dreg:$0x2]  }
0x6c0: {  	s18 =	sor.u32 $0x70, s4;
	s21 =	sor.u32 $0x70, s10;
	s19 =	rddreg [dreg:$0x9]  }
0x6c1: {  	s24 =	simm.s32 $0x0;
	s5 =	simm.s32 $0x15F0;
	s20 =	rddreg [dreg:$0xd];
	[tilespmem:s18+$0x0] =	vst.add.f32.msk $0xffff, v5  }
0x6c2: {  	s22 =	sor.u32 $0x70, s15;
	s8 =	simm.s32 $0x1410;
	s25 =	simm.s32 $0x15B00;
	[tilespmem:s21+$0x0] =	vst.add.f32.msk $0xffff, v62  }
0x6c3: {  	s2 =	simm.s32 $0x1560;
	s7 =	simm.s32 $0x15D0;
	s6 =	simm.s32 $0x15E0;
	[tilespmem:s22+$0x0] =	vst.add.f32.msk $0xffff, v63  }
0x6c4: {  	s1 =	simm.s32 $0x1590;
	s9 =	simm.s32 $0x1420;
	s26 =	rddreg [dreg:$0xc]  }
0x6c5: {  	s14 =	simm.s32 $0x1430;
	s4 =	sadd.s32 s19, s20;
	s0 =	sadd.s32 $0x1, s26  }
0x6c6: {  	s21 =	simm.s32 $0x1440;
	s4 =	smul.u32 $0x600, s4;
	p0 =	sne.s32 s0, $0x34  }
.Ltmp6:
0x6c7: {  	s17 =	simm.s32 $0x15A0;
	s19 =	simm.s32 $0x1550;
	(pc) =	sbr.rel @p0 .LBB2_2-.Ltmp6, $4  }
.Ltmp7:
0x6c8: {  	s20 =	simm.s32 $0x15B0;
	s3 =	sadd.s32 s23, s4;
	(pc) =	sbr.rel @!p0 .LBB2_10-.Ltmp7, $4  }
0x6c9: {  	[hbm4b:s3+s24] =	stream.linear.scatter [tilespmem:s25], [sflag:$0x6], $0x3000, $0x38;
	[tilespmem:$0x18B00] =	vst v63  }
0x6ca: {  	s23 =	simm.s32 $0x1470;
	s22 =	simm.s32 $0x1400;
	s24 =	simm.s32 $0x1460  }
0x6cb: {  	s25 =	simm.s32 $0x1540;
	[dreg:$0xc] =	wrdreg s0;
	s0 =	simm.s32 $0x1580  }
0x6cc: {  	_ = 	snop  }
.LBB2_11:
0x6cd: {  	_ =	sfence.sel $0x180000  }
0x6ce: {  	[bflag:$0x0] =	sbarrier.arrive $0xFFFF  }
0x6cf: {  	_ =	strace $0x90000047  }
0x6d0: {  	s0 =	stileid.u32;
	[bflag:$0x2] =	sbarrier.arrive $0xFFFF  }
0x6d1: {  	p0 =	sne.s32 s0, $0x0;
	s0 =	rddreg [dreg:$0x3]  }
0x6d2: {  	s0 =	sadd.s32 @!p0 $0x100000, s0  }
0x6d3: {  	[sflag:s0] =	ssyncadd.tile.s32 @!p0 $0x1;
	_ =	shalt  }
.Lfunc_end2:
_tile_overlayer_lowered:
.L_overlay_start_2:
0x6d4: {  	(tag) =	ssettag $0x2  }
0x6d5: {  	s0 =	rddreg [dreg:$0x0];
	s2 =	stileid.u32  }
0x6d6: {  	s1 =	rddreg [dreg:$0x1];
	p0 =	sne.s32 s2, $0x0  }
0x6d7: {  	s3 =	rddreg [dreg:$0x2];
	[bflag:$0x3] =	sbarrier.arrive $0xFFFF;
	s2 =	simm.s32 @!p0 $0x1C07  }
0x6d8: {  	[timem:s3], [sflag:s2] =	dma.local @!p0 [hbm:s0], s1  }
0x6d9: {  	s0 =	simm.s32 @!p0 $0x7  }
0x6da: {  	_ =	swait.ge @!p0 [sflag:s0], s1  }
0x6db: {  	s1 =	ssub.s32 @!p0 $0x0, s1;
	[sflag:s0] =	ssyncset.done @!p0 $0x0  }
0x6dc: {  	[sflag:s0] =	ssyncadd.s32 @!p0 s1  }
0x6dd: {  	[bflag:$0x3] =	sbarrier.arrive $0xFFFF  }
0x6de: {  	_ =	shalt  }

// kernel: sparse-core-data-format-call.cloned.1.call-start
scs
called_computation_lowered:
.L_overlay_start_0:
0x0: {  	s2 =	sld [smem:$0x3FD9]  }
0x1: {  	s3 =	sld [smem:$0x3FFE];
	_ =	sdelay $0x1  }
0x2: {  	s1 =	srdreg.scid  }
0x3: {  	s0 =	sand.u32 $0x1, s1  }
0x4: {  	s18 =	sshll.u32 s0, $0xA;
	s2 =	sadd.s32 s3, s2  }
0x5: {  	s2 =	sadd.s32 s2, s18  }
0x6: {  	[smem:$0x3FC4] =	sst s2  }
0x7: {  	_ = 	snop  }
0x8: {  	s2 =	sld [smem:$0x3FD0];
	(tm) =	ssettm $0x1  }
0x9: {  	s19 =	sld [smem:$0x3FFB];
	_ =	sdelay $0x3  }
0xa: {  	_ =	strace s19  }
0xb: {  	s3 =	sld [smem:$0x3FFC];
	_ =	sdelay $0x3  }
0xc: {  	_ =	strace s3  }
0xd: {  	s3 =	sld [smem:$0x3FFD];
	_ =	sdelay $0x3  }
0xe: {  	_ =	strace s3  }
0xf: {  	_ =	strace $0x8FFFFFFF  }
0x10: {  	s20 =	sld [smem:$0x3FDB];
	_ =	sdelay $0x1  }
0x11: {  	s4 =	simm.s32 $_scs_section_size  }
0x12: {  	s5 =	simm.s32 $_size__tile_overlayer_lowered;
	s6 =	simm.s32 $_tile_overlayer_lowered  }
0x13: {  	s23 =	simm.s32 $0x1BFF;
	s22 =	sshll.u32 s6, $0x1;
	s3 =	sadd.s32 s4, s20  }
0x14: {  	s7 =	simm.s32 $0x0;
	s21 =	sshll.u32 s5, $0x1;
	s5 =	sadd.s32 s22, s3  }
0x15: {  	[timem:s7], [sflag:s23] =	dma.local [hbm:s5], s21  }
0x16: {  	_ =	swait.ge [sflag:s23], s21  }
0x17: {  	s4 =	ssub.s32 $0x0, s21;
	[sflag:s23] =	ssyncset.done $0x0  }
0x18: {  	[sflag:s23] =	ssyncadd.s32 s4;
	_ =	sdelay $0x1  }
0x19: {  	s24 =	simm.s32 $0x1B8B  }
0x1a: {  	_ =	swait.ge [sflag:s24], $0x1  }
0x1b: {  	[sflag:s24] =	ssyncset.done $0x0  }
0x1c: {  	s26 =	simm.s32 $0x1B8E;
	s25 =	sld [smem:$0x3FFE];
	[sflag:s24] =	ssyncadd.s32 $0xFFFFFFFF  }
0x1d: {  	s27 =	simm.s32 $execute0_lowered;
	[smem:$0x3FD2] =	sst s26  }
0x1e: {  	s5 =	sshll.u32 s27, $0x1;
	_ =	strace $0x80000049;
	[dreg:$0x1] =	wrdreg $0xFFFFFFFF  }
0x1f: {  	s28 =	simm.s32 $_size_execute0_lowered;
	s3 =	sadd.s32 s3, s5;
	[dreg:$0x0] =	wrdreg $0x0  }
0x20: {  	s5 =	sshll.u32 s28, $0x1;
	[dreg:$0x2] =	wrdreg s3  }
0x21: {  	[dreg:$0x3] =	wrdreg s5  }
0x22: {  	[dreg:$0x4] =	wrdreg $0xC0  }
0x23: {  	_ =	task [dreg:s7], $0x5FFFF  }
0x24: {  	[dreg:$0x1] =	wrdreg $0xFFFFFFFF  }
0x25: {  	[dreg:$0x0] =	wrdreg $0x60  }
0x26: {  	[dreg:$0x2] =	wrdreg s25  }
0x27: {  	[dreg:$0x3] =	wrdreg s2  }
0x28: {  	[dreg:$0x4] =	wrdreg $0x9  }
0x29: {  	_ =	task.clear_ibuf [dreg:s7], $0x5FFFF;
	_ =	strace $0x90000049  }
0x2a: {  	s29 =	simm.s32 $0x9;
	_ =	strace $0x8000004B  }
0x2b: {  	_ =	swait.ge [sflag:s29], $0x1  }
0x2c: {  	[sflag:s29] =	ssyncadd.s32 $0xFFFFFFFF  }
0x2d: {  	_ =	strace $0x9000004B  }
0x2e: {  	_ =	sfence  }
0x2f: {  	s30 =	sld [smem:$0x0];
	_ =	sdelay $0x2  }
0x30: {  	s31 =	sshll.u32 s1, $0xD;
	s1 =	sshrl.u32 s1, $0x2  }
0x31: {  	s3 =	sand.u32 $0x4000, s31;
	s1 =	sadd.s32 s1, s30  }
0x32: {  	s0 =	sor.u32 s3, s0;
	s1 =	sshll.u32 s1, $0x11  }
0x33: {  	s0 =	sor.u32 s1, s0  }
0x34: {  	s0 =	sadd.s32 $0x8F2B, s0  }
0x35: {  	[sflag:s0] =	ssyncadd.remote.s32 $0x1  }
0x36: {  	_ =	sfence.sel $0xFFFF  }
0x37: {  	[dreg:$0x0] =	wrdreg $0xFFFFFFFF;
	(pc) =	sbr.abs _section_cstart, $3  }
0x38: {  	[dreg:$0x1] =	wrdreg $0xFFFFFFFF  }
0x39: {  	_ =	task.clear_ibuf [dreg:s7], $0x2FFFF;
	_ =	strace $0x9FFFFFFF  }
0x3a: {  	(tm) =	ssettm $0x7FFFFFFF  }
0x3b: {  	_ =	shalt  }
tec
execute0_lowered:
.L_overlay_start_1:
0x0: {  	(tag) =	ssettag $0x1  }
0x1: {  	s0 =	stileid.u32  }
0x2: {  	s1 =	srdreg.scid;
	s2 =	sshll.u32 s0, $0x7  }
0x3: {  	s7 =	rddreg [dreg:$0x0];
	s3 =	sshll.u32 s1, $0x4;
	s1 =	sand.u32 $0x380, s2  }
0x4: {  	s8 =	simm.s32 $0x2;
	s30 =	sand.u32 $0x10, s3;
	s31 =	ssub.s32 $0x400, s1  }
0x5: {  	s16 =	simm.s32 $0x0;
	s2 =	sor.u32 s0, s30;
	s4 =	sand.u32 $0x380, s31  }
0x6: {  	s2 =	sshrl.u32 s2, $0x3;
	p0 =	sne.s32 s4, $0x0;
	s4 =	simm.s32 $0x1  }
0x7: {  	s3 =	sshrl.u32 s31, $0xA;
	s5 =	ssub.s32 $0x50, s2;
	s4 =	simm.s32 @!p0 $0x0  }
0x8: {  	s9 =	simm.s32 $0x1800;
	s5 =	sshrl.u32 s5, $0x2;
	s3 =	sadd.s32 s4, s3  }
0x9: {  	s10 =	simm.s32 $0x0;
	s15 =	simm.s32 $0x0;
	s6 =	smul.u32 s3, s5  }
.Ltmp0:
0xa: {  	s17 =	simm.s32 $0x0;
	s4 =	rddreg [dreg:$0x1];
	(pc) =	sbr.rel .LBB1_1-.Ltmp0, $4  }
0xb: {  	s11 =	simm.s32 $0x0;
	s14 =	simm.s32 $0x0;
	s3 =	rddreg [dreg:$0x2]  }
0xc: {  	_ =	strace $0x8000004A;
	s5 =	simm.s32 $0x1;
	s6 =	smul.u32 $0x6, s6  }
0xd: {  	s7 =	sadd.s32 $0x800, s7;
	s13 =	smov.u32 s1;
	[sflag:s5] =	ssyncpa.u1 $0x0  }
0xe: {  	s12 =	smov.u32 s2;
	[sflag:s8] =	ssyncpa.u1 $0x0;
	s8 =	sor.u32 $0x1, s6  }
.LBB1_4:
0xf: {  	_ =	sdelay $0x2  }
0x10: {  	s21 =	sshrl.u32 s17, $0x3  }
0x11: {  	[tilespmem:v0+s20+$0xFFFFFFD0 ss:$0x1] =	vst.idx.msk $0xffff, v7;
	s22 =	sshll.u32 s16, $0x3;
	s21 =	smul.u32 $0x1800, s21  }
0x12: {  	v56 =	vld.idx.msk [tilespmem:v1+s19+$0x0 ss:$0x1], $0xffff;
	[tilespmem:v0+s20+$0xFFFFFFE0 ss:$0x1] =	vst.idx.msk $0xffff, v5;
	s27 =	sshll.u32 s17, $0x7;
	s22 =	sand.u32 $0xFFFFFC00, s22  }
0x13: {  	v57 =	vld.idx.msk [tilespmem:v1+s19+$0xFFFFFF90 ss:$0x1], $0xffff;
	[tilespmem:v0+s20+$0xFFFFFFF0 ss:$0x1] =	vst.idx.msk $0xffff, v4;
	s17 =	sand.u32 $0x380, s27;
	s21 =	sadd.s32 s21, s22  }
0x14: {  	v58 =	vld.idx.msk [tilespmem:v1+s19+$0xFFFFFFA0 ss:$0x1], $0xffff;
	[tilespmem:v0+s20+$0x0 ss:$0x1] =	vst.idx.msk $0xffff, v2;
	s28 =	sand.u32 $0x7F, s16;
	s17 =	sor.u32 s17, s21  }
0x15: {  	v59 =	vld.idx.msk [tilespmem:v1+s19+$0xFFFFFFB0 ss:$0x1], $0xffff;
	[tilespmem:v0+s20+$0x10 ss:$0x1] =	vst.idx.msk $0xffff, v3;
	s16 =	sor.u32 s28, s17  }
0x16: {  	v60 =	vld.idx.msk [tilespmem:v1+s19+$0xFFFFFFC0 ss:$0x1], $0xffff;
	[tilespmem:v0+s20+$0x20 ss:$0x1] =	vst.idx.msk $0xffff, v6;
	s29 =	smulhi.u32 $0xAAAAAAAB, s16  }
0x17: {  	v61 =	vld.idx.msk [tilespmem:v1+s19+$0xFFFFFFD0 ss:$0x1], $0xffff;
	[tilespmem:v0+s19+$0x30 ss:$0x1] =	vst.idx.msk $0xffff, v56;
	s17 =	smulhi.u32 $0xAAAAAAAB, s17  }
0x18: {  	v62 =	vld.idx.msk [tilespmem:v1+s19+$0xFFFFFFE0 ss:$0x1], $0xffff;
	[tilespmem:v0+s19+$0xFFFFFFC0 ss:$0x1] =	vst.idx.msk $0xffff, v57;
	s20 =	sshrl.u32 s29, $0x9  }
0x19: {  	v63 =	vld.idx.msk [tilespmem:v1+s19+$0xFFFFFFF0 ss:$0x1], $0xffff;
	[tilespmem:v0+s19+$0xFFFFFFD0 ss:$0x1] =	vst.idx.msk $0xffff, v58;
	s17 =	sshrl.u32 s17, $0x9;
	s20 =	smul.u32 $0x300, s20  }
0x1a: {  	s15 =	smul.u32 $0x18000, s15;
	[tilespmem:v0+s19+$0xFFFFFFE0 ss:$0x1] =	vst.idx.msk $0xffff, v59;
	s17 =	sand.u32 $0x3FF, s17  }
0x1b: {  	[tilespmem:v0+s19+$0xFFFFFFF0 ss:$0x1] =	vst.idx.msk $0xffff, v60;
	s17 =	smul.u32 $0x60, s17;
	s16 =	ssub.s32 s16, s20  }
0x1c: {  	s15 =	sadd.s32 s4, s15;
	[tilespmem:v0+s19+$0x0 ss:$0x1] =	vst.idx.msk $0xffff, v61;
	s20 =	sand.u32 $0x7, s16  }
0x1d: {  	[tilespmem:v0+s19+$0x10 ss:$0x1] =	vst.idx.msk $0xffff, v62;
	s15 =	sadd.s32 s17, s15;
	s16 =	sshrl.u32 s16, $0x3;
	s30 =	sshll.u32 s20, $0x12  }
0x1e: {  	[tilespmem:v0+s19+$0x20 ss:$0x1] =	vst.idx.msk $0xffff, v63;
	s15 =	sadd.s32 s16, s15;
	s31 =	sor.u32 $0x400, s30  }
0x1f: {  	[hbm4b:s15+s31] =	stream.strided.scatter [tilespmem:s18], [sflag:$0x2], $0x4000, s9, s31, $0x38;
	[tilespmem:$0x10000] =	vst v63  }
.LBB1_5:
0x20: {  	s18 =	sadd.s32 $0x80, s11  }
0x21: {  	s15 =	sadd.s32 $0x4, s12;
	s19 =	smov.u32 s12;
	p1 =	sgt.s32 s18, $0x2FF  }
0x22: {  	s19 =	smov.u32 @p1 s15  }
0x23: {  	s21 =	smov.u32 s13;
	s15 =	sadd.s32 $0x400, s13;
	p2 =	sgt.s32 s19, $0x4C  }
0x24: {  	s21 =	smov.u32 @p2 s15  }
0x25: {  	s18 =	simm.s32 @p1 $0x0;
	p1 =	sgt.s32 s21, $0x3FF  }
0x26: {  	p0 =	slt.u32 s14, $0x2;
	s21 =	smov.u32 @p1 s1;
	p1 =	sne.s32 s14, s8  }
.Ltmp1:
0x27: {  	s20 =	simm.s32 @!p0 $0x2;
	(pc) =	sbr.rel @!p1 .LBB1_6-.Ltmp1, $4  }
0x28: {  	s16 =	smov.u32 s11;
	s17 =	smov.u32 s13;
	_ =	swait.ge @!p0 [sflag:s20], $0x4000  }
0x29: {  	s10 =	sadd.s32 $0x4000, s10;
	[sflag:s20] =	ssyncset.done @!p0 $0x0;
	s11 =	smov.u32 s18  }
0x2a: {  	s19 =	smov.u32 @p2 s2;
	s15 =	smov.u32 s12;
	[sflag:s20] =	ssyncadd.s32 @!p0 $0xFFFFC000  }
0x2b: {  	s12 =	smov.u32 s19;
	s14 =	sadd.s32 $0x1, s14;
	s13 =	smov.u32 s21  }
.LBB1_1:
0x2c: {  	p0 =	sge.u32 s14, s6  }
0x2d: {  	s18 =	sshrl.u32 @!p0 s12, $0x3  }
0x2e: {  	s19 =	sshll.u32 @!p0 s11, $0x3;
	s18 =	smul.u32 @!p0 $0x1800, s18  }
0x2f: {  	s20 =	sshll.u32 @!p0 s12, $0x7;
	s19 =	sand.u32 @!p0 $0xFFFFFC00, s19  }
0x30: {  	s18 =	sadd.s32 @!p0 s18, s19;
	s19 =	sand.u32 @!p0 $0x380, s20  }
0x31: {  	s18 =	sor.u32 @!p0 s19, s18  }
0x32: {  	s19 =	sand.u32 @!p0 $0x7F, s11;
	s20 =	smulhi.u32 @!p0 $0xAAAAAAAB, s18  }
0x33: {  	s18 =	sor.u32 @!p0 s19, s18  }
0x34: {  	s19 =	smulhi.u32 @!p0 $0xAAAAAAAB, s18;
	s20 =	sshrl.u32 @!p0 s20, $0x9  }
0x35: {  	s21 =	smulhi.u32 @!p0 $0x3333334, s20;
	_ =	sdelay $0x1  }
0x36: {  	s19 =	sshrl.u32 @!p0 s19, $0x9;
	s21 =	smul.u32 @!p0 $0x50, s21  }
0x37: {  	s31 =	sadd.s32 $0xFFFFFFFF, s14;
	s19 =	smul.u32 @!p0 $0x300, s19  }
0x38: {  	s22 =	sxor.u32 @!p0 $0xFFFFFFFF, s14;
	s20 =	ssub.s32 @!p0 s20, s21;
	s21 =	smul.u32 @!p0 $0x1E00, s13  }
0x39: {  	s22 =	sshll.u32 @!p0 s22, $0xE;
	s18 =	ssub.s32 @!p0 s18, s19;
	s19 =	smul.u32 @!p0 $0x60, s20  }
0x3a: {  	s20 =	sand.u32 @!p0 $0x4000, s22;
	s22 =	sand.u32 @!p0 $0x7, s18;
	s21 =	sadd.s32 @!p0 s7, s21  }
0x3b: {  	s18 =	sshrl.u32 @!p0 s18, $0x3;
	s19 =	sadd.s32 @!p0 s19, s21;
	s21 =	sshll.u32 @!p0 s22, $0x12  }
0x3c: {  	s18 =	sadd.s32 @!p0 s18, s19;
	s19 =	sor.u32 @!p0 $0x80, s21;
	s21 =	simm.s32 @!p0 $0xF000  }
0x3d: {  	[tilespmem:s20], [sflag:$0x1] =	stream.strided.gather @!p0 [hbm4b:s18+s19], $0x4000, s21, s19, $0x38;
	[tilespmem:$0x10000] =	vst v63  }
0x3e: {  	p0 =	sge.u32 s31, s6  }
.Ltmp2:
0x3f: {  	_ = 	snop;
	(pc) =	sbr.rel @p0 .LBB1_5-.Ltmp2, $1  }
0x40: {  	_ =	sdelay $0x3  }
0x41: {  	s18 =	sand.u32 $0x4000, s10  }
0x42: {  	s19 =	sor.u32 $0x70, s18  }
0x43: {  	v1 =	vmov s19;
	_ =	sdelay $0x1  }
0x44: {  	_ =	swait.ge [sflag:s5], $0x4000  }
0x45: {  	[sflag:s5] =	ssyncset.done $0x0  }
0x46: {  	s20 =	simm.s32 $0x0;
	[sflag:s5] =	ssyncadd.s32 $0xFFFFC000  }
0x47: {  	s18 =	sor.u32 $0x8040, s18;
	v6 =	vld.idx.msk [tilespmem:v1+s20+$0x0 ss:$0x1], $0xffff  }
0x48: {  	v0 =	vmov s18;
	v8 =	vld.idx.msk [tilespmem:v1+s20+$0xFFFFFF90 ss:$0x1], $0xffff  }
0x49: {  	v7 =	vld.idx.msk [tilespmem:v1+s20+$0xFFFFFFA0 ss:$0x1], $0xffff  }
0x4a: {  	v5 =	vld.idx.msk [tilespmem:v1+s20+$0xFFFFFFB0 ss:$0x1], $0xffff  }
0x4b: {  	v4 =	vld.idx.msk [tilespmem:v1+s20+$0xFFFFFFC0 ss:$0x1], $0xffff  }
0x4c: {  	s31 =	sshll.u32 s14, $0xE;
	v2 =	vld.idx.msk [tilespmem:v1+s20+$0xFFFFFFD0 ss:$0x1], $0xffff  }
0x4d: {  	s18 =	sand.u32 $0x4000, s31;
	v3 =	vld.idx.msk [tilespmem:v1+s20+$0xFFFFFFE0 ss:$0x1], $0xffff;
	[tilespmem:v0+s20+$0x30 ss:$0x1] =	vst.idx.msk $0xffff, v6  }
0x4e: {  	s21 =	simm.s32 $0x400;
	s19 =	simm.s32 $0x80;
	s18 =	sor.u32 $0x8000, s18;
	[tilespmem:v0+s20+$0xFFFFFFC0 ss:$0x1] =	vst.idx.msk $0xffff, v8;
	v6 =	vld.idx.msk [tilespmem:v1+s20+$0xFFFFFFF0 ss:$0x1], $0xffff  }
.LBB1_3:
0x4f: {  	p0 =	sne.s32 s21, $0xFE00;
	v8 =	vld.idx.msk [tilespmem:v1+s19+$0x0 ss:$0x1], $0xffff;
	[tilespmem:v0+s20+$0xFFFFFFD0 ss:$0x1] =	vst.idx.msk $0xffff, v7  }
0x50: {  	v9 =	vld.idx.msk [tilespmem:v1+s19+$0xFFFFFF90 ss:$0x1], $0xffff;
	[tilespmem:v0+s20+$0xFFFFFFE0 ss:$0x1] =	vst.idx.msk $0xffff, v5  }
0x51: {  	v7 =	vld.idx.msk [tilespmem:v1+s19+$0xFFFFFFA0 ss:$0x1], $0xffff;
	[tilespmem:v0+s20+$0xFFFFFFF0 ss:$0x1] =	vst.idx.msk $0xffff, v4  }
.Ltmp3:
0x52: {  	v5 =	vld.idx.msk [tilespmem:v1+s19+$0xFFFFFFB0 ss:$0x1], $0xffff;
	[tilespmem:v0+s20+$0x0 ss:$0x1] =	vst.idx.msk $0xffff, v2;
	(pc) =	sbr.rel @p0 .LBB1_3-.Ltmp3, $4  }
0x53: {  	v4 =	vld.idx.msk [tilespmem:v1+s19+$0xFFFFFFC0 ss:$0x1], $0xffff;
	[tilespmem:v0+s20+$0x10 ss:$0x1] =	vst.idx.msk $0xffff, v3  }
0x54: {  	v2 =	vld.idx.msk [tilespmem:v1+s19+$0xFFFFFFD0 ss:$0x1], $0xffff;
	[tilespmem:v0+s20+$0x20 ss:$0x1] =	vst.idx.msk $0xffff, v6;
	s20 =	smov.u32 s19  }
0x55: {  	v3 =	vld.idx.msk [tilespmem:v1+s20+$0xFFFFFFE0 ss:$0x1], $0xffff;
	[tilespmem:v0+s20+$0x30 ss:$0x1] =	vst.idx.msk $0xffff, v8  }
0x56: {  	s19 =	sshra.s32 s21, $0x2;
	s21 =	sadd.s32 $0x200, s21;
	[tilespmem:v0+s20+$0xFFFFFFC0 ss:$0x1] =	vst.idx.msk $0xffff, v9;
	v6 =	vld.idx.msk [tilespmem:v1+s20+$0xFFFFFFF0 ss:$0x1], $0xffff  }
.Ltmp4:
0x57: {  	_ = 	snop;
	(pc) =	sbr.rel .LBB1_4-.Ltmp4, $1  }
0x58: {  	_ =	sdelay $0x3  }
.LBB1_6:
0x59: {  	_ =	sfence.sel $0x180000  }
0x5a: {  	s1 =	simm.s32 $0x1;
	[bflag:$0x0] =	sbarrier.arrive $0xFFFF  }
0x5b: {  	s31 =	simm.s32 $0x2;
	[sflag:s1] =	ssyncpa.u1 $0x1  }
0x5c: {  	[sflag:s31] =	ssyncpa.u1 $0x1  }
0x5d: {  	p0 =	sne.s32 s0, $0x0;
	_ =	strace $0x9000004A  }
0x5e: {  	s0 =	sadd.s32 @!p0 $0x100000, s3;
	[bflag:$0x2] =	sbarrier.arrive $0xFFFF  }
0x5f: {  	[sflag:s0] =	ssyncadd.tile.s32 @!p0 $0x1;
	_ =	shalt  }
.Lfunc_end1:
_tile_overlayer_lowered:
.L_overlay_start_2:
0x60: {  	(tag) =	ssettag $0x2  }
0x61: {  	s0 =	rddreg [dreg:$0x0];
	s2 =	stileid.u32  }
0x62: {  	s1 =	rddreg [dreg:$0x1];
	p0 =	sne.s32 s2, $0x0  }
0x63: {  	s3 =	rddreg [dreg:$0x2];
	[bflag:$0x3] =	sbarrier.arrive $0xFFFF;
	s2 =	simm.s32 @!p0 $0x1C01  }
0x64: {  	[timem:s3], [sflag:s2] =	dma.local @!p0 [hbm:s0], s1  }
0x65: {  	s0 =	simm.s32 @!p0 $0x1  }
0x66: {  	_ =	swait.ge @!p0 [sflag:s0], s1  }
0x67: {  	s1 =	ssub.s32 @!p0 $0x0, s1;
	[sflag:s0] =	ssyncset.done @!p0 $0x0  }
0x68: {  	[sflag:s0] =	ssyncadd.s32 @!p0 s1  }
0x69: {  	[bflag:$0x3] =	sbarrier.arrive $0xFFFF  }
0x6a: {  	_ =	shalt  }

</sc_bundles>
